<compile_context>
chip_gen: v7x
topology: tpu7x:2x2x1
jax: 0.10.2.dev20260603
libtpu: 0.0.44.dev20260713+nightly
codegen_flags: <defaults>
</compile_context>

<pallas_src>
import functools

import jax
import jax.numpy as jnp
from jax import lax
from jax.experimental import pallas as pl
from jax.experimental.pallas import tpu as pltpu
from jax.experimental.pallas import tpu_sc as plsc

N = 2048
D = 1024
F = 2048
E = 8
TM = 256
NT = N * 2 // TM + (E - 1)
A_PAD = NT * TM
NC, NS = 2, 16
NW = NC * NS
DISP_ROWS = A_PAD // NW
COMB_TOK = N // NW

def _sc_mesh():
    return plsc.VectorSubcoreMesh(core_axis_name="c", subcore_axis_name="s")


def _router_body(x_ref, wg_ref, ind_ref, prob_ref):
    logits = jnp.dot(x_ref[...], wg_ref[...], preferred_element_type=jnp.float32)
    col = lax.broadcasted_iota(jnp.int32, logits.shape, 1)
    v0 = jnp.max(logits, axis=1, keepdims=True)
    i0 = jnp.min(jnp.where(logits == v0, col, E), axis=1, keepdims=True)
    masked = jnp.where(col == i0, -jnp.inf, logits)
    v1 = jnp.max(masked, axis=1, keepdims=True)
    i1 = jnp.min(jnp.where(masked == v1, col, E), axis=1, keepdims=True)
    p0 = 1.0 / (1.0 + jnp.exp(v1 - v0))
    ind_ref[...] = jnp.concatenate([i0, i1], axis=1)
    prob_ref[...] = jnp.concatenate([p0, 1.0 - p0], axis=1)


def _run_router(xf, Wg):
    return pl.pallas_call(
        _router_body,
        grid=(N // TM,),
        in_specs=[
            pl.BlockSpec((TM, D), lambda t: (t, 0)),
            pl.BlockSpec((D, E), lambda t: (0, 0)),
        ],
        out_specs=[
            pl.BlockSpec((TM, 2), lambda t: (t, 0)),
            pl.BlockSpec((TM, 2), lambda t: (t, 0)),
        ],
        out_shape=[
            jax.ShapeDtypeStruct((N, 2), jnp.int32),
            jax.ShapeDtypeStruct((N, 2), jnp.float32),
        ],
    )(xf, Wg)


_DCH = tuple((24 * i, 24 if i < 7 else 16) for i in range(8))


def _dispatch_body(tok_hbm, xf_hbm, xs_hbm, idx_v, b0, b1, b2, b3,
                   g0, g1, g2, g3, s0, s1, s2, s3):
    wid = lax.axis_index("s") * NC + lax.axis_index("c")
    base = wid * DISP_ROWS
    pltpu.sync_copy(tok_hbm.at[pl.ds(base, DISP_ROWS)], idx_v)
    bufs, gsems, ssems = (b0, b1, b2, b3), (g0, g1, g2, g3), (s0, s1, s2, s3)

    def gather(c):
        off, sz = _DCH[c]
        return pltpu.async_copy(
            xf_hbm.at[idx_v.at[pl.ds(off, sz)]],
            bufs[c % 4].at[pl.ds(0, sz)], gsems[c % 4])

    def store(c):
        off, sz = _DCH[c]
        return pltpu.async_copy(
            bufs[c % 4].at[pl.ds(0, sz)],
            xs_hbm.at[pl.ds(base + off, sz)], ssems[c % 4])

    gs = [gather(c) for c in range(4)]
    ss = []
    for c in range(8):
        gs[c].wait()
        ss.append(store(c))
        if c + 4 < 8:
            ss[c].wait()
            gs.append(gather(c + 4))
    for c in range(4, 8):
        ss[c].wait()


def _run_dispatch(tok_sorted, xf):
    return pl.kernel(
        _dispatch_body,
        out_type=jax.ShapeDtypeStruct((A_PAD, D), jnp.float32),
        mesh=_sc_mesh(),
        scratch_types=[
            pltpu.VMEM((DISP_ROWS,), jnp.int32),
            pltpu.VMEM((24, D), jnp.float32),
            pltpu.VMEM((24, D), jnp.float32),
            pltpu.VMEM((24, D), jnp.float32),
            pltpu.VMEM((24, D), jnp.float32),
        ] + [pltpu.SemaphoreType.DMA] * 8,
    )(tok_sorted, xf)


def _ffn_body(eot_ref, valid_ref, xs_ref, ps_ref, w1_ref, b1_ref, w2_ref,
              b2_ref, out_ref):
    t = pl.program_id(0)

    @pl.when(valid_ref[t] == 1)
    def _():
        x = xs_ref[...].astype(jnp.bfloat16)
        h = jnp.dot(x, w1_ref[0], preferred_element_type=jnp.float32)
        h = h + b1_ref[0]
        h = 0.5 * h * (1.0 + lax.erf(h * 0.7071067811865476))
        o = jnp.dot(h.astype(jnp.bfloat16), w2_ref[0],
                    preferred_element_type=jnp.float32)
        out_ref[...] = (o + b2_ref[0]) * ps_ref[...]

    @pl.when(valid_ref[t] == 0)
    def _():
        out_ref[...] = jnp.zeros_like(out_ref)


def _run_ffn(eot, valid, xs, ps, W1b, b1, W2b, b2):
    grid_spec = pltpu.PrefetchScalarGridSpec(
        num_scalar_prefetch=2,
        grid=(NT,),
        in_specs=[
            pl.BlockSpec((TM, D), lambda t, eot, valid: (t, 0)),
            pl.BlockSpec((TM, 1), lambda t, eot, valid: (t, 0)),
            pl.BlockSpec((1, D, F), lambda t, eot, valid: (eot[t], 0, 0)),
            pl.BlockSpec((1, 1, F), lambda t, eot, valid: (eot[t], 0, 0)),
            pl.BlockSpec((1, F, D), lambda t, eot, valid: (eot[t], 0, 0)),
            pl.BlockSpec((1, 1, D), lambda t, eot, valid: (eot[t], 0, 0)),
        ],
        out_specs=pl.BlockSpec((TM, D), lambda t, eot, valid: (t, 0)),
    )
    return pl.pallas_call(
        _ffn_body,
        grid_spec=grid_spec,
        out_shape=jax.ShapeDtypeStruct((A_PAD, D), jnp.float32),
    )(eot, valid, xs, ps, W1b, b1, W2b, b2)


def _combine_body(outs_hbm, pos0_hbm, pos1_hbm, y_hbm, i0_v, i1_v,
                  a0, b0, a1, b1, y0, y1,
                  sa0, sb0, sa1, sb1, sy0, sy1):
    wid = lax.axis_index("s") * NC + lax.axis_index("c")
    base = wid * COMB_TOK
    pltpu.sync_copy(pos0_hbm.at[pl.ds(base, COMB_TOK)], i0_v)
    pltpu.sync_copy(pos1_hbm.at[pl.ds(base, COMB_TOK)], i1_v)
    av, bv, yv = (a0, a1), (b0, b1), (y0, y1)
    sas, sbs, sys_ = (sa0, sa1), (sb0, sb1), (sy0, sy1)
    nch = COMB_TOK // 16

    def gathers(c):
        p = c % 2
        return (pltpu.async_copy(outs_hbm.at[i0_v.at[pl.ds(c * 16, 16)]],
                                 av[p], sas[p]),
                pltpu.async_copy(outs_hbm.at[i1_v.at[pl.ds(c * 16, 16)]],
                                 bv[p], sbs[p]))

    g = gathers(0)
    stores = []
    for c in range(nch):
        p = c % 2
        g[0].wait()
        g[1].wait()
        if c >= 2:
            stores[c - 2].wait()
        if c + 1 < nch:
            g = gathers(c + 1)
        a_v, b_v, y_v = av[p], bv[p], yv[p]

        def _row(j, _, a_v=a_v, b_v=b_v, y_v=y_v):
            def _blk(i, _):
                b_off = i * 256
                for t in range(16):
                    sl = pl.ds(b_off + t * 16, 16)
                    y_v[j, sl] = a_v[j, sl] + b_v[j, sl]
                return 0
            return lax.fori_loop(0, D // 256, _blk, 0)

        lax.fori_loop(0, 16, _row, 0)
        stores.append(pltpu.async_copy(
            y_v, y_hbm.at[pl.ds(base + c * 16, 16)], sys_[p]))
    stores[nch - 2].wait()
    stores[nch - 1].wait()


def _run_combine(outs, pos0, pos1):
    return pl.kernel(
        _combine_body,
        out_type=jax.ShapeDtypeStruct((N, D), jnp.float32),
        mesh=_sc_mesh(),
        scratch_types=[
            pltpu.VMEM((COMB_TOK,), jnp.int32),
            pltpu.VMEM((COMB_TOK,), jnp.int32),
            pltpu.VMEM((16, D), jnp.float32),
            pltpu.VMEM((16, D), jnp.float32),
            pltpu.VMEM((16, D), jnp.float32),
            pltpu.VMEM((16, D), jnp.float32),
            pltpu.VMEM((16, D), jnp.float32),
            pltpu.VMEM((16, D), jnp.float32),
            pltpu.SemaphoreType.DMA,
            pltpu.SemaphoreType.DMA,
            pltpu.SemaphoreType.DMA,
            pltpu.SemaphoreType.DMA,
            pltpu.SemaphoreType.DMA,
            pltpu.SemaphoreType.DMA,
        ],
    )(outs, pos0, pos1)


def kernel(x, Wg, W1, b1, W2, b2):
    Bq, Tq, C = x.shape
    xf = x.reshape(N, D)

    indices, probs = _run_router(xf, Wg)

    toks = jnp.arange(N, dtype=jnp.int32)
    onehot = ((indices[:, 0:1] == jnp.arange(E)[None, :]).astype(jnp.int32)
              + (indices[:, 1:2] == jnp.arange(E)[None, :]).astype(jnp.int32))
    incl = jnp.cumsum(onehot, axis=0)
    excl = incl - onehot
    cnt = incl[-1]
    tiles_e = (cnt + TM - 1) // TM
    tile_start = jnp.cumsum(tiles_e) - tiles_e
    row_start = TM * tile_start
    total_tiles = jnp.sum(tiles_e)
    pos = row_start[indices] + jnp.take_along_axis(excl, indices, axis=1)
    tok_sorted = (jnp.zeros((A_PAD,), jnp.int32)
                  .at[pos[:, 0]].set(toks).at[pos[:, 1]].set(toks))
    ps_sorted = (jnp.zeros((A_PAD,), jnp.float32)
                 .at[pos[:, 0]].set(probs[:, 0])
                 .at[pos[:, 1]].set(probs[:, 1])).reshape(A_PAD, 1)
    trange = jnp.arange(NT, dtype=jnp.int32)
    eot = jnp.clip(jnp.sum((trange[:, None] >= tile_start[None, :]).astype(jnp.int32),
                           axis=1) - 1, 0, E - 1).astype(jnp.int32)
    valid = (trange < total_tiles).astype(jnp.int32)

    xs = _run_dispatch(tok_sorted, xf)
    outs = _run_ffn(eot, valid, xs, ps_sorted,
                    W1.astype(jnp.bfloat16), b1.reshape(E, 1, F),
                    W2.astype(jnp.bfloat16), b2.reshape(E, 1, D))
    y = _run_combine(outs, pos[:, 0].astype(jnp.int32), pos[:, 1].astype(jnp.int32))
    return (y.reshape(Bq, Tq, C), indices)

# --- scband reference (transcript-rebuilt; emitter-appended) ---
"""Pipeline reference for scband-mo-e-31593779429526 (READ-ONLY COPY).

The authoritative reference and input builder live on the scoring server;
editing this copy changes nothing except your own understanding.
"""

import jax, jax.numpy as jnp
import numpy as np

E = 8
K = 2
D = 1024
F = 2048
B = 1
T = 2048


def setup_inputs(seed: int = 0) -> dict:
    key = jax.random.key(seed)
    ks = jax.random.split(key, 5)
    x = jax.random.normal(ks[0], (B, T, D), dtype=jnp.float32)
    Wg = jax.random.normal(ks[1], (D, E), dtype=jnp.float32) * 0.02
    W1 = jax.random.normal(ks[2], (E, D, F), dtype=jnp.float32) * 0.02
    b1 = jnp.zeros((E, F), dtype=jnp.float32)
    W2 = jax.random.normal(ks[3], (E, F, D), dtype=jnp.float32) * 0.02
    b2 = jnp.zeros((E, D), dtype=jnp.float32)
    return {"x": x, "Wg": Wg, "W1": W1, "b1": b1, "W2": W2, "b2": b2}


def reference(x, Wg, W1, b1, W2, b2):
    Bq, Tq, C = x.shape
    xf = x.reshape(-1, C)
    router = xf @ Wg  # [N, E]
    probs, indices = jax.lax.top_k(router, K)  # [N, K] values (desc), [N, K] int indices
    probs = jax.nn.softmax(probs.astype(jnp.float32), axis=1).astype(x.dtype)
    # combine weight per (token, expert): sum_k probs[n,k] * 1[indices[n,k]==e]
    onehot = jax.nn.one_hot(indices, E, dtype=x.dtype)  # [N, K, E]
    combine = jnp.einsum('nk,nke->ne', probs, onehot)  # [N, E]
    y = jnp.zeros_like(xf)
    for e in range(E):
        h = jax.nn.gelu(xf @ W1[e] + b1[e], approximate=False)
        o = h @ W2[e] + b2[e]
        y = y + combine[:, e:e + 1] * o
    return (y.reshape(Bq, Tq, C), indices)

if __name__ == "__main__":
    import jax
    _d = setup_inputs()
    print(jax.jit(kernel)(*tuple(_d.values())))

</pallas_src>

<mosaic_0001>
#map = affine_map<(d0, d1) -> (0)>
#map1 = affine_map<(d0, d1) -> (0, 0)>
module attributes {stable_mosaic.version = 14 : i64} {
  func.func @_dispatch_body(%arg0: i32, %arg1: i32, %arg2: memref<5888xi32, #tpu.memory_space<hbm>>, %arg3: memref<2048x1024xf32, #tpu.memory_space<hbm>>, %arg4: memref<5888x1024xf32, #tpu.memory_space<hbm>>, %arg5: memref<184xi32, #tpu.memory_space<vmem>>, %arg6: memref<24x1024xf32, #tpu.memory_space<vmem>>, %arg7: memref<24x1024xf32, #tpu.memory_space<vmem>>, %arg8: memref<24x1024xf32, #tpu.memory_space<vmem>>, %arg9: memref<24x1024xf32, #tpu.memory_space<vmem>>, %arg10: memref<!tpu.dma_semaphore, #tpu.memory_space<semaphore_mem>>, %arg11: memref<!tpu.dma_semaphore, #tpu.memory_space<semaphore_mem>>, %arg12: memref<!tpu.dma_semaphore, #tpu.memory_space<semaphore_mem>>, %arg13: memref<!tpu.dma_semaphore, #tpu.memory_space<semaphore_mem>>, %arg14: memref<!tpu.dma_semaphore, #tpu.memory_space<semaphore_mem>>, %arg15: memref<!tpu.dma_semaphore, #tpu.memory_space<semaphore_mem>>, %arg16: memref<!tpu.dma_semaphore, #tpu.memory_space<semaphore_mem>>, %arg17: memref<!tpu.dma_semaphore, #tpu.memory_space<semaphore_mem>>) attributes {dimension_semantics = [#tpu.dimension_semantics<core_parallel>, #tpu.dimension_semantics<subcore_parallel>], iteration_bounds = array<i64: 2, 16>, scalar_prefetch = 0 : i64, scratch_operands = 13 : i64, tpu.core_type = #tpu.core_type<sc_vector_subcore>, window_params = [{transform_indices = #map}, {transform_indices = #map1}, {transform_indices = #map1}]} {
    %mul3A = arith.constant 2 : i32
    %mul3A_0 = arith.muli %arg1, %mul3A : i32
    %add3A = arith.addi %mul3A_0, %arg0 : i32
    %mul3A_1 = arith.constant 184 : i32
    %mul3A_2 = arith.muli %add3A, %mul3A_1 : i32
    "tpu.region"() ({
      %run_scoped3A = tpu.sem_alloc : memref<!tpu.dma_semaphore, #tpu.memory_space<semaphore_mem>>
      %dma_start3A_305 = tpu.memref_slice %arg2[%mul3A_2] : memref<5888xi32, #tpu.memory_space<hbm>> -> memref<184xi32, #tpu.memory_space<hbm>>
      %dma_start3A_306 = tpu.memref_slice %arg2[%mul3A_2] : memref<5888xi32, #tpu.memory_space<hbm>> -> memref<184xi32, #tpu.memory_space<hbm>>
      tpu.enqueue_dma source(%dma_start3A_306 : memref<184xi32, #tpu.memory_space<hbm>>) target(%arg5 : memref<184xi32, #tpu.memory_space<vmem>>) target_semaphore(%run_scoped3A : memref<!tpu.dma_semaphore, #tpu.memory_space<semaphore_mem>>)
      %dma_wait3A_307 = tpu.memref_slice %arg2[%mul3A_2] : memref<5888xi32, #tpu.memory_space<hbm>> -> memref<184xi32, #tpu.memory_space<hbm>>
      %dma_wait3A_308 = tpu.memref_slice %arg2[%mul3A_2] : memref<5888xi32, #tpu.memory_space<hbm>> -> memref<184xi32, #tpu.memory_space<hbm>>
      tpu.wait_dma2 semaphore(%run_scoped3A : memref<!tpu.dma_semaphore, #tpu.memory_space<semaphore_mem>>) src(%dma_wait3A_308 : memref<184xi32, #tpu.memory_space<hbm>>) dst(%arg5 : memref<184xi32, #tpu.memory_space<vmem>>)
      tpu.yield
    }) : () -> ()
    %dma_start3A = arith.constant 0 : i32
    %dma_start3A_3 = arith.constant 0 : i32
    %dma_start3A_4 = tpu.memref_slice %arg6[%dma_start3A, %dma_start3A_3] : memref<24x1024xf32, #tpu.memory_space<vmem>> -> memref<24x1024xf32, #tpu.memory_space<vmem>>
    %dma_start3A_5 = arith.constant 0 : i32
    %dma_start3A_6 = tpu.memref_slice %arg5[%dma_start3A_5] : memref<184xi32, #tpu.memory_space<vmem>> -> memref<24xi32, #tpu.memory_space<vmem>>
    %dma_start3A_7 = arith.constant 0 : i32
    %dma_start3A_8 = arith.constant 0 : i32
    %dma_start3A_9 = tpu.memref_slice %arg3[%dma_start3A_7, %dma_start3A_8] : memref<2048x1024xf32, #tpu.memory_space<hbm>> -> memref<2048x1024xf32, #tpu.memory_space<hbm>>
    tpu.enqueue_indirect_dma source(%dma_start3A_9 : memref<2048x1024xf32, #tpu.memory_space<hbm>>) target(%dma_start3A_4 : memref<24x1024xf32, #tpu.memory_space<vmem>>) offsets(%dma_start3A_6 : memref<24xi32, #tpu.memory_space<vmem>>) semaphore(%arg10 : memref<!tpu.dma_semaphore, #tpu.memory_space<semaphore_mem>>)
    %dma_start3A_10 = arith.constant 0 : i32
    %dma_start3A_11 = arith.constant 0 : i32
    %dma_start3A_12 = tpu.memref_slice %arg7[%dma_start3A_10, %dma_start3A_11] : memref<24x1024xf32, #tpu.memory_space<vmem>> -> memref<24x1024xf32, #tpu.memory_space<vmem>>
    %dma_start3A_13 = arith.constant 24 : i32
    %dma_start3A_14 = tpu.memref_slice %arg5[%dma_start3A_13] : memref<184xi32, #tpu.memory_space<vmem>> -> memref<24xi32, #tpu.memory_space<vmem>>
    %dma_start3A_15 = arith.constant 0 : i32
    %dma_start3A_16 = arith.constant 0 : i32
    %dma_start3A_17 = tpu.memref_slice %arg3[%dma_start3A_15, %dma_start3A_16] : memref<2048x1024xf32, #tpu.memory_space<hbm>> -> memref<2048x1024xf32, #tpu.memory_space<hbm>>
    tpu.enqueue_indirect_dma source(%dma_start3A_17 : memref<2048x1024xf32, #tpu.memory_space<hbm>>) target(%dma_start3A_12 : memref<24x1024xf32, #tpu.memory_space<vmem>>) offsets(%dma_start3A_14 : memref<24xi32, #tpu.memory_space<vmem>>) semaphore(%arg11 : memref<!tpu.dma_semaphore, #tpu.memory_space<semaphore_mem>>)
    %dma_start3A_18 = arith.constant 0 : i32
    %dma_start3A_19 = arith.constant 0 : i32
    %dma_start3A_20 = tpu.memref_slice %arg8[%dma_start3A_18, %dma_start3A_19] : memref<24x1024xf32, #tpu.memory_space<vmem>> -> memref<24x1024xf32, #tpu.memory_space<vmem>>
    %dma_start3A_21 = arith.constant 48 : i32
    %dma_start3A_22 = tpu.memref_slice %arg5[%dma_start3A_21] : memref<184xi32, #tpu.memory_space<vmem>> -> memref<24xi32, #tpu.memory_space<vmem>>
    %dma_start3A_23 = arith.constant 0 : i32
    %dma_start3A_24 = arith.constant 0 : i32
    %dma_start3A_25 = tpu.memref_slice %arg3[%dma_start3A_23, %dma_start3A_24] : memref<2048x1024xf32, #tpu.memory_space<hbm>> -> memref<2048x1024xf32, #tpu.memory_space<hbm>>
    tpu.enqueue_indirect_dma source(%dma_start3A_25 : memref<2048x1024xf32, #tpu.memory_space<hbm>>) target(%dma_start3A_20 : memref<24x1024xf32, #tpu.memory_space<vmem>>) offsets(%dma_start3A_22 : memref<24xi32, #tpu.memory_space<vmem>>) semaphore(%arg12 : memref<!tpu.dma_semaphore, #tpu.memory_space<semaphore_mem>>)
    %dma_start3A_26 = arith.constant 0 : i32
    %dma_start3A_27 = arith.constant 0 : i32
    %dma_start3A_28 = tpu.memref_slice %arg9[%dma_start3A_26, %dma_start3A_27] : memref<24x1024xf32, #tpu.memory_space<vmem>> -> memref<24x1024xf32, #tpu.memory_space<vmem>>
    %dma_start3A_29 = arith.constant 72 : i32
    %dma_start3A_30 = tpu.memref_slice %arg5[%dma_start3A_29] : memref<184xi32, #tpu.memory_space<vmem>> -> memref<24xi32, #tpu.memory_space<vmem>>
    %dma_start3A_31 = arith.constant 0 : i32
    %dma_start3A_32 = arith.constant 0 : i32
    %dma_start3A_33 = tpu.memref_slice %arg3[%dma_start3A_31, %dma_start3A_32] : memref<2048x1024xf32, #tpu.memory_space<hbm>> -> memref<2048x1024xf32, #tpu.memory_space<hbm>>
    tpu.enqueue_indirect_dma source(%dma_start3A_33 : memref<2048x1024xf32, #tpu.memory_space<hbm>>) target(%dma_start3A_28 : memref<24x1024xf32, #tpu.memory_space<vmem>>) offsets(%dma_start3A_30 : memref<24xi32, #tpu.memory_space<vmem>>) semaphore(%arg13 : memref<!tpu.dma_semaphore, #tpu.memory_space<semaphore_mem>>)
    %dma_wait3A = arith.constant 0 : i32
    %dma_wait3A_34 = arith.constant 0 : i32
    %dma_wait3A_35 = tpu.memref_slice %arg6[%dma_wait3A, %dma_wait3A_34] : memref<24x1024xf32, #tpu.memory_space<vmem>> -> memref<24x1024xf32, #tpu.memory_space<vmem>>
    %dma_wait3A_36 = arith.constant 0 : i32
    %dma_wait3A_37 = tpu.memref_slice %arg5[%dma_wait3A_36] : memref<184xi32, #tpu.memory_space<vmem>> -> memref<24xi32, #tpu.memory_space<vmem>>
    %dma_wait3A_38 = arith.constant 0 : i32
    %dma_wait3A_39 = arith.constant 0 : i32
    %dma_wait3A_40 = tpu.memref_slice %arg3[%dma_wait3A_38, %dma_wait3A_39] : memref<2048x1024xf32, #tpu.memory_space<hbm>> -> memref<2048x1024xf32, #tpu.memory_space<hbm>>
    tpu.wait_indirect_dma semaphore(%arg10 : memref<!tpu.dma_semaphore, #tpu.memory_space<semaphore_mem>>) src(%dma_wait3A_40 : memref<2048x1024xf32, #tpu.memory_space<hbm>>) dst(%dma_wait3A_35 : memref<24x1024xf32, #tpu.memory_space<vmem>>)
    %add3A_41 = arith.constant 0 : i32
    %add3A_42 = arith.addi %mul3A_2, %add3A_41 : i32
    %dma_start3A_43 = arith.constant 0 : i32
    %dma_start3A_44 = arith.constant 0 : i32
    %dma_start3A_45 = tpu.memref_slice %arg6[%dma_start3A_43, %dma_start3A_44] : memref<24x1024xf32, #tpu.memory_space<vmem>> -> memref<24x1024xf32, #tpu.memory_space<vmem>>
    %dma_start3A_46 = arith.constant 0 : i32
    %dma_start3A_47 = tpu.memref_slice %arg4[%add3A_42, %dma_start3A_46] : memref<5888x1024xf32, #tpu.memory_space<hbm>> -> memref<24x1024xf32, #tpu.memory_space<hbm>>
    %dma_start3A_48 = arith.constant 0 : i32
    %dma_start3A_49 = tpu.memref_slice %arg4[%add3A_42, %dma_start3A_48] : memref<5888x1024xf32, #tpu.memory_space<hbm>> -> memref<24x1024xf32, #tpu.memory_space<hbm>>
    %dma_start3A_50 = arith.constant 0 : i32
    %dma_start3A_51 = arith.constant 0 : i32
    %dma_start3A_52 = tpu.memref_slice %arg6[%dma_start3A_50, %dma_start3A_51] : memref<24x1024xf32, #tpu.memory_space<vmem>> -> memref<24x1024xf32, #tpu.memory_space<vmem>>
    tpu.enqueue_dma source(%dma_start3A_52 : memref<24x1024xf32, #tpu.memory_space<vmem>>) target(%dma_start3A_49 : memref<24x1024xf32, #tpu.memory_space<hbm>>) target_semaphore(%arg14 : memref<!tpu.dma_semaphore, #tpu.memory_space<semaphore_mem>>)
    %dma_wait3A_53 = arith.constant 0 : i32
    %dma_wait3A_54 = arith.constant 0 : i32
    %dma_wait3A_55 = tpu.memref_slice %arg6[%dma_wait3A_53, %dma_wait3A_54] : memref<24x1024xf32, #tpu.memory_space<vmem>> -> memref<24x1024xf32, #tpu.memory_space<vmem>>
    %dma_wait3A_56 = arith.constant 0 : i32
    %dma_wait3A_57 = tpu.memref_slice %arg4[%add3A_42, %dma_wait3A_56] : memref<5888x1024xf32, #tpu.memory_space<hbm>> -> memref<24x1024xf32, #tpu.memory_space<hbm>>
    %dma_wait3A_58 = arith.constant 0 : i32
    %dma_wait3A_59 = tpu.memref_slice %arg4[%add3A_42, %dma_wait3A_58] : memref<5888x1024xf32, #tpu.memory_space<hbm>> -> memref<24x1024xf32, #tpu.memory_space<hbm>>
    %dma_wait3A_60 = arith.constant 0 : i32
    %dma_wait3A_61 = arith.constant 0 : i32
    %dma_wait3A_62 = tpu.memref_slice %arg6[%dma_wait3A_60, %dma_wait3A_61] : memref<24x1024xf32, #tpu.memory_space<vmem>> -> memref<24x1024xf32, #tpu.memory_space<vmem>>
    tpu.wait_dma2 semaphore(%arg14 : memref<!tpu.dma_semaphore, #tpu.memory_space<semaphore_mem>>) src(%dma_wait3A_62 : memref<24x1024xf32, #tpu.memory_space<vmem>>) dst(%dma_wait3A_59 : memref<24x1024xf32, #tpu.memory_space<hbm>>)
    %dma_start3A_63 = arith.constant 0 : i32
    %dma_start3A_64 = arith.constant 0 : i32
    %dma_start3A_65 = tpu.memref_slice %arg6[%dma_start3A_63, %dma_start3A_64] : memref<24x1024xf32, #tpu.memory_space<vmem>> -> memref<24x1024xf32, #tpu.memory_space<vmem>>
    %dma_start3A_66 = arith.constant 96 : i32
    %dma_start3A_67 = tpu.memref_slice %arg5[%dma_start3A_66] : memref<184xi32, #tpu.memory_space<vmem>> -> memref<24xi32, #tpu.memory_space<vmem>>
    %dma_start3A_68 = arith.constant 0 : i32
    %dma_start3A_69 = arith.constant 0 : i32
    %dma_start3A_70 = tpu.memref_slice %arg3[%dma_start3A_68, %dma_start3A_69] : memref<2048x1024xf32, #tpu.memory_space<hbm>> -> memref<2048x1024xf32, #tpu.memory_space<hbm>>
    tpu.enqueue_indirect_dma source(%dma_start3A_70 : memref<2048x1024xf32, #tpu.memory_space<hbm>>) target(%dma_start3A_65 : memref<24x1024xf32, #tpu.memory_space<vmem>>) offsets(%dma_start3A_67 : memref<24xi32, #tpu.memory_space<vmem>>) semaphore(%arg10 : memref<!tpu.dma_semaphore, #tpu.memory_space<semaphore_mem>>)
    %dma_wait3A_71 = arith.constant 0 : i32
    %dma_wait3A_72 = arith.constant 0 : i32
    %dma_wait3A_73 = tpu.memref_slice %arg7[%dma_wait3A_71, %dma_wait3A_72] : memref<24x1024xf32, #tpu.memory_space<vmem>> -> memref<24x1024xf32, #tpu.memory_space<vmem>>
    %dma_wait3A_74 = arith.constant 24 : i32
    %dma_wait3A_75 = tpu.memref_slice %arg5[%dma_wait3A_74] : memref<184xi32, #tpu.memory_space<vmem>> -> memref<24xi32, #tpu.memory_space<vmem>>
    %dma_wait3A_76 = arith.constant 0 : i32
    %dma_wait3A_77 = arith.constant 0 : i32
    %dma_wait3A_78 = tpu.memref_slice %arg3[%dma_wait3A_76, %dma_wait3A_77] : memref<2048x1024xf32, #tpu.memory_space<hbm>> -> memref<2048x1024xf32, #tpu.memory_space<hbm>>
    tpu.wait_indirect_dma semaphore(%arg11 : memref<!tpu.dma_semaphore, #tpu.memory_space<semaphore_mem>>) src(%dma_wait3A_78 : memref<2048x1024xf32, #tpu.memory_space<hbm>>) dst(%dma_wait3A_73 : memref<24x1024xf32, #tpu.memory_space<vmem>>)
    %add3A_79 = arith.constant 24 : i32
    %add3A_80 = arith.addi %mul3A_2, %add3A_79 : i32
    %dma_start3A_81 = arith.constant 0 : i32
    %dma_start3A_82 = arith.constant 0 : i32
    %dma_start3A_83 = tpu.memref_slice %arg7[%dma_start3A_81, %dma_start3A_82] : memref<24x1024xf32, #tpu.memory_space<vmem>> -> memref<24x1024xf32, #tpu.memory_space<vmem>>
    %dma_start3A_84 = arith.constant 0 : i32
    %dma_start3A_85 = tpu.memref_slice %arg4[%add3A_80, %dma_start3A_84] : memref<5888x1024xf32, #tpu.memory_space<hbm>> -> memref<24x1024xf32, #tpu.memory_space<hbm>>
    %dma_start3A_86 = arith.constant 0 : i32
    %dma_start3A_87 = tpu.memref_slice %arg4[%add3A_80, %dma_start3A_86] : memref<5888x1024xf32, #tpu.memory_space<hbm>> -> memref<24x1024xf32, #tpu.memory_space<hbm>>
    %dma_start3A_88 = arith.constant 0 : i32
    %dma_start3A_89 = arith.constant 0 : i32
    %dma_start3A_90 = tpu.memref_slice %arg7[%dma_start3A_88, %dma_start3A_89] : memref<24x1024xf32, #tpu.memory_space<vmem>> -> memref<24x1024xf32, #tpu.memory_space<vmem>>
    tpu.enqueue_dma source(%dma_start3A_90 : memref<24x1024xf32, #tpu.memory_space<vmem>>) target(%dma_start3A_87 : memref<24x1024xf32, #tpu.memory_space<hbm>>) target_semaphore(%arg15 : memref<!tpu.dma_semaphore, #tpu.memory_space<semaphore_mem>>)
    %dma_wait3A_91 = arith.constant 0 : i32
    %dma_wait3A_92 = arith.constant 0 : i32
    %dma_wait3A_93 = tpu.memref_slice %arg7[%dma_wait3A_91, %dma_wait3A_92] : memref<24x1024xf32, #tpu.memory_space<vmem>> -> memref<24x1024xf32, #tpu.memory_space<vmem>>
    %dma_wait3A_94 = arith.constant 0 : i32
    %dma_wait3A_95 = tpu.memref_slice %arg4[%add3A_80, %dma_wait3A_94] : memref<5888x1024xf32, #tpu.memory_space<hbm>> -> memref<24x1024xf32, #tpu.memory_space<hbm>>
    %dma_wait3A_96 = arith.constant 0 : i32
    %dma_wait3A_97 = tpu.memref_slice %arg4[%add3A_80, %dma_wait3A_96] : memref<5888x1024xf32, #tpu.memory_space<hbm>> -> memref<24x1024xf32, #tpu.memory_space<hbm>>
    %dma_wait3A_98 = arith.constant 0 : i32
    %dma_wait3A_99 = arith.constant 0 : i32
    %dma_wait3A_100 = tpu.memref_slice %arg7[%dma_wait3A_98, %dma_wait3A_99] : memref<24x1024xf32, #tpu.memory_space<vmem>> -> memref<24x1024xf32, #tpu.memory_space<vmem>>
    tpu.wait_dma2 semaphore(%arg15 : memref<!tpu.dma_semaphore, #tpu.memory_space<semaphore_mem>>) src(%dma_wait3A_100 : memref<24x1024xf32, #tpu.memory_space<vmem>>) dst(%dma_wait3A_97 : memref<24x1024xf32, #tpu.memory_space<hbm>>)
    %dma_start3A_101 = arith.constant 0 : i32
    %dma_start3A_102 = arith.constant 0 : i32
    %dma_start3A_103 = tpu.memref_slice %arg7[%dma_start3A_101, %dma_start3A_102] : memref<24x1024xf32, #tpu.memory_space<vmem>> -> memref<24x1024xf32, #tpu.memory_space<vmem>>
    %dma_start3A_104 = arith.constant 120 : i32
    %dma_start3A_105 = tpu.memref_slice %arg5[%dma_start3A_104] : memref<184xi32, #tpu.memory_space<vmem>> -> memref<24xi32, #tpu.memory_space<vmem>>
    %dma_start3A_106 = arith.constant 0 : i32
    %dma_start3A_107 = arith.constant 0 : i32
    %dma_start3A_108 = tpu.memref_slice %arg3[%dma_start3A_106, %dma_start3A_107] : memref<2048x1024xf32, #tpu.memory_space<hbm>> -> memref<2048x1024xf32, #tpu.memory_space<hbm>>
    tpu.enqueue_indirect_dma source(%dma_start3A_108 : memref<2048x1024xf32, #tpu.memory_space<hbm>>) target(%dma_start3A_103 : memref<24x1024xf32, #tpu.memory_space<vmem>>) offsets(%dma_start3A_105 : memref<24xi32, #tpu.memory_space<vmem>>) semaphore(%arg11 : memref<!tpu.dma_semaphore, #tpu.memory_space<semaphore_mem>>)
    %dma_wait3A_109 = arith.constant 0 : i32
    %dma_wait3A_110 = arith.constant 0 : i32
    %dma_wait3A_111 = tpu.memref_slice %arg8[%dma_wait3A_109, %dma_wait3A_110] : memref<24x1024xf32, #tpu.memory_space<vmem>> -> memref<24x1024xf32, #tpu.memory_space<vmem>>
    %dma_wait3A_112 = arith.constant 48 : i32
    %dma_wait3A_113 = tpu.memref_slice %arg5[%dma_wait3A_112] : memref<184xi32, #tpu.memory_space<vmem>> -> memref<24xi32, #tpu.memory_space<vmem>>
    %dma_wait3A_114 = arith.constant 0 : i32
    %dma_wait3A_115 = arith.constant 0 : i32
    %dma_wait3A_116 = tpu.memref_slice %arg3[%dma_wait3A_114, %dma_wait3A_115] : memref<2048x1024xf32, #tpu.memory_space<hbm>> -> memref<2048x1024xf32, #tpu.memory_space<hbm>>
    tpu.wait_indirect_dma semaphore(%arg12 : memref<!tpu.dma_semaphore, #tpu.memory_space<semaphore_mem>>) src(%dma_wait3A_116 : memref<2048x1024xf32, #tpu.memory_space<hbm>>) dst(%dma_wait3A_111 : memref<24x1024xf32, #tpu.memory_space<vmem>>)
    %add3A_117 = arith.constant 48 : i32
    %add3A_118 = arith.addi %mul3A_2, %add3A_117 : i32
    %dma_start3A_119 = arith.constant 0 : i32
    %dma_start3A_120 = arith.constant 0 : i32
    %dma_start3A_121 = tpu.memref_slice %arg8[%dma_start3A_119, %dma_start3A_120] : memref<24x1024xf32, #tpu.memory_space<vmem>> -> memref<24x1024xf32, #tpu.memory_space<vmem>>
    %dma_start3A_122 = arith.constant 0 : i32
    %dma_start3A_123 = tpu.memref_slice %arg4[%add3A_118, %dma_start3A_122] : memref<5888x1024xf32, #tpu.memory_space<hbm>> -> memref<24x1024xf32, #tpu.memory_space<hbm>>
    %dma_start3A_124 = arith.constant 0 : i32
    %dma_start3A_125 = tpu.memref_slice %arg4[%add3A_118, %dma_start3A_124] : memref<5888x1024xf32, #tpu.memory_space<hbm>> -> memref<24x1024xf32, #tpu.memory_space<hbm>>
    %dma_start3A_126 = arith.constant 0 : i32
    %dma_start3A_127 = arith.constant 0 : i32
    %dma_start3A_128 = tpu.memref_slice %arg8[%dma_start3A_126, %dma_start3A_127] : memref<24x1024xf32, #tpu.memory_space<vmem>> -> memref<24x1024xf32, #tpu.memory_space<vmem>>
    tpu.enqueue_dma source(%dma_start3A_128 : memref<24x1024xf32, #tpu.memory_space<vmem>>) target(%dma_start3A_125 : memref<24x1024xf32, #tpu.memory_space<hbm>>) target_semaphore(%arg16 : memref<!tpu.dma_semaphore, #tpu.memory_space<semaphore_mem>>)
    %dma_wait3A_129 = arith.constant 0 : i32
    %dma_wait3A_130 = arith.constant 0 : i32
    %dma_wait3A_131 = tpu.memref_slice %arg8[%dma_wait3A_129, %dma_wait3A_130] : memref<24x1024xf32, #tpu.memory_space<vmem>> -> memref<24x1024xf32, #tpu.memory_space<vmem>>
    %dma_wait3A_132 = arith.constant 0 : i32
    %dma_wait3A_133 = tpu.memref_slice %arg4[%add3A_118, %dma_wait3A_132] : memref<5888x1024xf32, #tpu.memory_space<hbm>> -> memref<24x1024xf32, #tpu.memory_space<hbm>>
    %dma_wait3A_134 = arith.constant 0 : i32
    %dma_wait3A_135 = tpu.memref_slice %arg4[%add3A_118, %dma_wait3A_134] : memref<5888x1024xf32, #tpu.memory_space<hbm>> -> memref<24x1024xf32, #tpu.memory_space<hbm>>
    %dma_wait3A_136 = arith.constant 0 : i32
    %dma_wait3A_137 = arith.constant 0 : i32
    %dma_wait3A_138 = tpu.memref_slice %arg8[%dma_wait3A_136, %dma_wait3A_137] : memref<24x1024xf32, #tpu.memory_space<vmem>> -> memref<24x1024xf32, #tpu.memory_space<vmem>>
    tpu.wait_dma2 semaphore(%arg16 : memref<!tpu.dma_semaphore, #tpu.memory_space<semaphore_mem>>) src(%dma_wait3A_138 : memref<24x1024xf32, #tpu.memory_space<vmem>>) dst(%dma_wait3A_135 : memref<24x1024xf32, #tpu.memory_space<hbm>>)
    %dma_start3A_139 = arith.constant 0 : i32
    %dma_start3A_140 = arith.constant 0 : i32
    %dma_start3A_141 = tpu.memref_slice %arg8[%dma_start3A_139, %dma_start3A_140] : memref<24x1024xf32, #tpu.memory_space<vmem>> -> memref<24x1024xf32, #tpu.memory_space<vmem>>
    %dma_start3A_142 = arith.constant 144 : i32
    %dma_start3A_143 = tpu.memref_slice %arg5[%dma_start3A_142] : memref<184xi32, #tpu.memory_space<vmem>> -> memref<24xi32, #tpu.memory_space<vmem>>
    %dma_start3A_144 = arith.constant 0 : i32
    %dma_start3A_145 = arith.constant 0 : i32
    %dma_start3A_146 = tpu.memref_slice %arg3[%dma_start3A_144, %dma_start3A_145] : memref<2048x1024xf32, #tpu.memory_space<hbm>> -> memref<2048x1024xf32, #tpu.memory_space<hbm>>
    tpu.enqueue_indirect_dma source(%dma_start3A_146 : memref<2048x1024xf32, #tpu.memory_space<hbm>>) target(%dma_start3A_141 : memref<24x1024xf32, #tpu.memory_space<vmem>>) offsets(%dma_start3A_143 : memref<24xi32, #tpu.memory_space<vmem>>) semaphore(%arg12 : memref<!tpu.dma_semaphore, #tpu.memory_space<semaphore_mem>>)
    %dma_wait3A_147 = arith.constant 0 : i32
    %dma_wait3A_148 = arith.constant 0 : i32
    %dma_wait3A_149 = tpu.memref_slice %arg9[%dma_wait3A_147, %dma_wait3A_148] : memref<24x1024xf32, #tpu.memory_space<vmem>> -> memref<24x1024xf32, #tpu.memory_space<vmem>>
    %dma_wait3A_150 = arith.constant 72 : i32
    %dma_wait3A_151 = tpu.memref_slice %arg5[%dma_wait3A_150] : memref<184xi32, #tpu.memory_space<vmem>> -> memref<24xi32, #tpu.memory_space<vmem>>
    %dma_wait3A_152 = arith.constant 0 : i32
    %dma_wait3A_153 = arith.constant 0 : i32
    %dma_wait3A_154 = tpu.memref_slice %arg3[%dma_wait3A_152, %dma_wait3A_153] : memref<2048x1024xf32, #tpu.memory_space<hbm>> -> memref<2048x1024xf32, #tpu.memory_space<hbm>>
    tpu.wait_indirect_dma semaphore(%arg13 : memref<!tpu.dma_semaphore, #tpu.memory_space<semaphore_mem>>) src(%dma_wait3A_154 : memref<2048x1024xf32, #tpu.memory_space<hbm>>) dst(%dma_wait3A_149 : memref<24x1024xf32, #tpu.memory_space<vmem>>)
    %add3A_155 = arith.constant 72 : i32
    %add3A_156 = arith.addi %mul3A_2, %add3A_155 : i32
    %dma_start3A_157 = arith.constant 0 : i32
    %dma_start3A_158 = arith.constant 0 : i32
    %dma_start3A_159 = tpu.memref_slice %arg9[%dma_start3A_157, %dma_start3A_158] : memref<24x1024xf32, #tpu.memory_space<vmem>> -> memref<24x1024xf32, #tpu.memory_space<vmem>>
    %dma_start3A_160 = arith.constant 0 : i32
    %dma_start3A_161 = tpu.memref_slice %arg4[%add3A_156, %dma_start3A_160] : memref<5888x1024xf32, #tpu.memory_space<hbm>> -> memref<24x1024xf32, #tpu.memory_space<hbm>>
    %dma_start3A_162 = arith.constant 0 : i32
    %dma_start3A_163 = tpu.memref_slice %arg4[%add3A_156, %dma_start3A_162] : memref<5888x1024xf32, #tpu.memory_space<hbm>> -> memref<24x1024xf32, #tpu.memory_space<hbm>>
    %dma_start3A_164 = arith.constant 0 : i32
    %dma_start3A_165 = arith.constant 0 : i32
    %dma_start3A_166 = tpu.memref_slice %arg9[%dma_start3A_164, %dma_start3A_165] : memref<24x1024xf32, #tpu.memory_space<vmem>> -> memref<24x1024xf32, #tpu.memory_space<vmem>>
    tpu.enqueue_dma source(%dma_start3A_166 : memref<24x1024xf32, #tpu.memory_space<vmem>>) target(%dma_start3A_163 : memref<24x1024xf32, #tpu.memory_space<hbm>>) target_semaphore(%arg17 : memref<!tpu.dma_semaphore, #tpu.memory_space<semaphore_mem>>)
    %dma_wait3A_167 = arith.constant 0 : i32
    %dma_wait3A_168 = arith.constant 0 : i32
    %dma_wait3A_169 = tpu.memref_slice %arg9[%dma_wait3A_167, %dma_wait3A_168] : memref<24x1024xf32, #tpu.memory_space<vmem>> -> memref<24x1024xf32, #tpu.memory_space<vmem>>
    %dma_wait3A_170 = arith.constant 0 : i32
    %dma_wait3A_171 = tpu.memref_slice %arg4[%add3A_156, %dma_wait3A_170] : memref<5888x1024xf32, #tpu.memory_space<hbm>> -> memref<24x1024xf32, #tpu.memory_space<hbm>>
    %dma_wait3A_172 = arith.constant 0 : i32
    %dma_wait3A_173 = tpu.memref_slice %arg4[%add3A_156, %dma_wait3A_172] : memref<5888x1024xf32, #tpu.memory_space<hbm>> -> memref<24x1024xf32, #tpu.memory_space<hbm>>
    %dma_wait3A_174 = arith.constant 0 : i32
    %dma_wait3A_175 = arith.constant 0 : i32
    %dma_wait3A_176 = tpu.memref_slice %arg9[%dma_wait3A_174, %dma_wait3A_175] : memref<24x1024xf32, #tpu.memory_space<vmem>> -> memref<24x1024xf32, #tpu.memory_space<vmem>>
    tpu.wait_dma2 semaphore(%arg17 : memref<!tpu.dma_semaphore, #tpu.memory_space<semaphore_mem>>) src(%dma_wait3A_176 : memref<24x1024xf32, #tpu.memory_space<vmem>>) dst(%dma_wait3A_173 : memref<24x1024xf32, #tpu.memory_space<hbm>>)
    %dma_start3A_177 = arith.constant 0 : i32
    %dma_start3A_178 = arith.constant 0 : i32
    %dma_start3A_179 = tpu.memref_slice %arg9[%dma_start3A_177, %dma_start3A_178] : memref<24x1024xf32, #tpu.memory_space<vmem>> -> memref<16x1024xf32, #tpu.memory_space<vmem>>
    %dma_start3A_180 = arith.constant 168 : i32
    %dma_start3A_181 = tpu.memref_slice %arg5[%dma_start3A_180] : memref<184xi32, #tpu.memory_space<vmem>> -> memref<16xi32, #tpu.memory_space<vmem>>
    %dma_start3A_182 = arith.constant 0 : i32
    %dma_start3A_183 = arith.constant 0 : i32
    %dma_start3A_184 = tpu.memref_slice %arg3[%dma_start3A_182, %dma_start3A_183] : memref<2048x1024xf32, #tpu.memory_space<hbm>> -> memref<2048x1024xf32, #tpu.memory_space<hbm>>
    tpu.enqueue_indirect_dma source(%dma_start3A_184 : memref<2048x1024xf32, #tpu.memory_space<hbm>>) target(%dma_start3A_179 : memref<16x1024xf32, #tpu.memory_space<vmem>>) offsets(%dma_start3A_181 : memref<16xi32, #tpu.memory_space<vmem>>) semaphore(%arg13 : memref<!tpu.dma_semaphore, #tpu.memory_space<semaphore_mem>>)
    %dma_wait3A_185 = arith.constant 0 : i32
    %dma_wait3A_186 = arith.constant 0 : i32
    %dma_wait3A_187 = tpu.memref_slice %arg6[%dma_wait3A_185, %dma_wait3A_186] : memref<24x1024xf32, #tpu.memory_space<vmem>> -> memref<24x1024xf32, #tpu.memory_space<vmem>>
    %dma_wait3A_188 = arith.constant 96 : i32
    %dma_wait3A_189 = tpu.memref_slice %arg5[%dma_wait3A_188] : memref<184xi32, #tpu.memory_space<vmem>> -> memref<24xi32, #tpu.memory_space<vmem>>
    %dma_wait3A_190 = arith.constant 0 : i32
    %dma_wait3A_191 = arith.constant 0 : i32
    %dma_wait3A_192 = tpu.memref_slice %arg3[%dma_wait3A_190, %dma_wait3A_191] : memref<2048x1024xf32, #tpu.memory_space<hbm>> -> memref<2048x1024xf32, #tpu.memory_space<hbm>>
    tpu.wait_indirect_dma semaphore(%arg10 : memref<!tpu.dma_semaphore, #tpu.memory_space<semaphore_mem>>) src(%dma_wait3A_192 : memref<2048x1024xf32, #tpu.memory_space<hbm>>) dst(%dma_wait3A_187 : memref<24x1024xf32, #tpu.memory_space<vmem>>)
    %add3A_193 = arith.constant 96 : i32
    %add3A_194 = arith.addi %mul3A_2, %add3A_193 : i32
    %dma_start3A_195 = arith.constant 0 : i32
    %dma_start3A_196 = arith.constant 0 : i32
    %dma_start3A_197 = tpu.memref_slice %arg6[%dma_start3A_195, %dma_start3A_196] : memref<24x1024xf32, #tpu.memory_space<vmem>> -> memref<24x1024xf32, #tpu.memory_space<vmem>>
    %dma_start3A_198 = arith.constant 0 : i32
    %dma_start3A_199 = tpu.memref_slice %arg4[%add3A_194, %dma_start3A_198] : memref<5888x1024xf32, #tpu.memory_space<hbm>> -> memref<24x1024xf32, #tpu.memory_space<hbm>>
    %dma_start3A_200 = arith.constant 0 : i32
    %dma_start3A_201 = tpu.memref_slice %arg4[%add3A_194, %dma_start3A_200] : memref<5888x1024xf32, #tpu.memory_space<hbm>> -> memref<24x1024xf32, #tpu.memory_space<hbm>>
    %dma_start3A_202 = arith.constant 0 : i32
    %dma_start3A_203 = arith.constant 0 : i32
    %dma_start3A_204 = tpu.memref_slice %arg6[%dma_start3A_202, %dma_start3A_203] : memref<24x1024xf32, #tpu.memory_space<vmem>> -> memref<24x1024xf32, #tpu.memory_space<vmem>>
    tpu.enqueue_dma source(%dma_start3A_204 : memref<24x1024xf32, #tpu.memory_space<vmem>>) target(%dma_start3A_201 : memref<24x1024xf32, #tpu.memory_space<hbm>>) target_semaphore(%arg14 : memref<!tpu.dma_semaphore, #tpu.memory_space<semaphore_mem>>)
    %dma_wait3A_205 = arith.constant 0 : i32
    %dma_wait3A_206 = arith.constant 0 : i32
    %dma_wait3A_207 = tpu.memref_slice %arg7[%dma_wait3A_205, %dma_wait3A_206] : memref<24x1024xf32, #tpu.memory_space<vmem>> -> memref<24x1024xf32, #tpu.memory_space<vmem>>
    %dma_wait3A_208 = arith.constant 120 : i32
    %dma_wait3A_209 = tpu.memref_slice %arg5[%dma_wait3A_208] : memref<184xi32, #tpu.memory_space<vmem>> -> memref<24xi32, #tpu.memory_space<vmem>>
    %dma_wait3A_210 = arith.constant 0 : i32
    %dma_wait3A_211 = arith.constant 0 : i32
    %dma_wait3A_212 = tpu.memref_slice %arg3[%dma_wait3A_210, %dma_wait3A_211] : memref<2048x1024xf32, #tpu.memory_space<hbm>> -> memref<2048x1024xf32, #tpu.memory_space<hbm>>
    tpu.wait_indirect_dma semaphore(%arg11 : memref<!tpu.dma_semaphore, #tpu.memory_space<semaphore_mem>>) src(%dma_wait3A_212 : memref<2048x1024xf32, #tpu.memory_space<hbm>>) dst(%dma_wait3A_207 : memref<24x1024xf32, #tpu.memory_space<vmem>>)
    %add3A_213 = arith.constant 120 : i32
    %add3A_214 = arith.addi %mul3A_2, %add3A_213 : i32
    %dma_start3A_215 = arith.constant 0 : i32
    %dma_start3A_216 = arith.constant 0 : i32
    %dma_start3A_217 = tpu.memref_slice %arg7[%dma_start3A_215, %dma_start3A_216] : memref<24x1024xf32, #tpu.memory_space<vmem>> -> memref<24x1024xf32, #tpu.memory_space<vmem>>
    %dma_start3A_218 = arith.constant 0 : i32
    %dma_start3A_219 = tpu.memref_slice %arg4[%add3A_214, %dma_start3A_218] : memref<5888x1024xf32, #tpu.memory_space<hbm>> -> memref<24x1024xf32, #tpu.memory_space<hbm>>
    %dma_start3A_220 = arith.constant 0 : i32
    %dma_start3A_221 = tpu.memref_slice %arg4[%add3A_214, %dma_start3A_220] : memref<5888x1024xf32, #tpu.memory_space<hbm>> -> memref<24x1024xf32, #tpu.memory_space<hbm>>
    %dma_start3A_222 = arith.constant 0 : i32
    %dma_start3A_223 = arith.constant 0 : i32
    %dma_start3A_224 = tpu.memref_slice %arg7[%dma_start3A_222, %dma_start3A_223] : memref<24x1024xf32, #tpu.memory_space<vmem>> -> memref<24x1024xf32, #tpu.memory_space<vmem>>
    tpu.enqueue_dma source(%dma_start3A_224 : memref<24x1024xf32, #tpu.memory_space<vmem>>) target(%dma_start3A_221 : memref<24x1024xf32, #tpu.memory_space<hbm>>) target_semaphore(%arg15 : memref<!tpu.dma_semaphore, #tpu.memory_space<semaphore_mem>>)
    %dma_wait3A_225 = arith.constant 0 : i32
    %dma_wait3A_226 = arith.constant 0 : i32
    %dma_wait3A_227 = tpu.memref_slice %arg8[%dma_wait3A_225, %dma_wait3A_226] : memref<24x1024xf32, #tpu.memory_space<vmem>> -> memref<24x1024xf32, #tpu.memory_space<vmem>>
    %dma_wait3A_228 = arith.constant 144 : i32
    %dma_wait3A_229 = tpu.memref_slice %arg5[%dma_wait3A_228] : memref<184xi32, #tpu.memory_space<vmem>> -> memref<24xi32, #tpu.memory_space<vmem>>
    %dma_wait3A_230 = arith.constant 0 : i32
    %dma_wait3A_231 = arith.constant 0 : i32
    %dma_wait3A_232 = tpu.memref_slice %arg3[%dma_wait3A_230, %dma_wait3A_231] : memref<2048x1024xf32, #tpu.memory_space<hbm>> -> memref<2048x1024xf32, #tpu.memory_space<hbm>>
    tpu.wait_indirect_dma semaphore(%arg12 : memref<!tpu.dma_semaphore, #tpu.memory_space<semaphore_mem>>) src(%dma_wait3A_232 : memref<2048x1024xf32, #tpu.memory_space<hbm>>) dst(%dma_wait3A_227 : memref<24x1024xf32, #tpu.memory_space<vmem>>)
    %add3A_233 = arith.constant 144 : i32
    %add3A_234 = arith.addi %mul3A_2, %add3A_233 : i32
    %dma_start3A_235 = arith.constant 0 : i32
    %dma_start3A_236 = arith.constant 0 : i32
    %dma_start3A_237 = tpu.memref_slice %arg8[%dma_start3A_235, %dma_start3A_236] : memref<24x1024xf32, #tpu.memory_space<vmem>> -> memref<24x1024xf32, #tpu.memory_space<vmem>>
    %dma_start3A_238 = arith.constant 0 : i32
    %dma_start3A_239 = tpu.memref_slice %arg4[%add3A_234, %dma_start3A_238] : memref<5888x1024xf32, #tpu.memory_space<hbm>> -> memref<24x1024xf32, #tpu.memory_space<hbm>>
    %dma_start3A_240 = arith.constant 0 : i32
    %dma_start3A_241 = tpu.memref_slice %arg4[%add3A_234, %dma_start3A_240] : memref<5888x1024xf32, #tpu.memory_space<hbm>> -> memref<24x1024xf32, #tpu.memory_space<hbm>>
    %dma_start3A_242 = arith.constant 0 : i32
    %dma_start3A_243 = arith.constant 0 : i32
    %dma_start3A_244 = tpu.memref_slice %arg8[%dma_start3A_242, %dma_start3A_243] : memref<24x1024xf32, #tpu.memory_space<vmem>> -> memref<24x1024xf32, #tpu.memory_space<vmem>>
    tpu.enqueue_dma source(%dma_start3A_244 : memref<24x1024xf32, #tpu.memory_space<vmem>>) target(%dma_start3A_241 : memref<24x1024xf32, #tpu.memory_space<hbm>>) target_semaphore(%arg16 : memref<!tpu.dma_semaphore, #tpu.memory_space<semaphore_mem>>)
    %dma_wait3A_245 = arith.constant 0 : i32
    %dma_wait3A_246 = arith.constant 0 : i32
    %dma_wait3A_247 = tpu.memref_slice %arg9[%dma_wait3A_245, %dma_wait3A_246] : memref<24x1024xf32, #tpu.memory_space<vmem>> -> memref<16x1024xf32, #tpu.memory_space<vmem>>
    %dma_wait3A_248 = arith.constant 168 : i32
    %dma_wait3A_249 = tpu.memref_slice %arg5[%dma_wait3A_248] : memref<184xi32, #tpu.memory_space<vmem>> -> memref<16xi32, #tpu.memory_space<vmem>>
    %dma_wait3A_250 = arith.constant 0 : i32
    %dma_wait3A_251 = arith.constant 0 : i32
    %dma_wait3A_252 = tpu.memref_slice %arg3[%dma_wait3A_250, %dma_wait3A_251] : memref<2048x1024xf32, #tpu.memory_space<hbm>> -> memref<2048x1024xf32, #tpu.memory_space<hbm>>
    tpu.wait_indirect_dma semaphore(%arg13 : memref<!tpu.dma_semaphore, #tpu.memory_space<semaphore_mem>>) src(%dma_wait3A_252 : memref<2048x1024xf32, #tpu.memory_space<hbm>>) dst(%dma_wait3A_247 : memref<16x1024xf32, #tpu.memory_space<vmem>>)
    %add3A_253 = arith.constant 168 : i32
    %add3A_254 = arith.addi %mul3A_2, %add3A_253 : i32
    %dma_start3A_255 = arith.constant 0 : i32
    %dma_start3A_256 = arith.constant 0 : i32
    %dma_start3A_257 = tpu.memref_slice %arg9[%dma_start3A_255, %dma_start3A_256] : memref<24x1024xf32, #tpu.memory_space<vmem>> -> memref<16x1024xf32, #tpu.memory_space<vmem>>
    %dma_start3A_258 = arith.constant 0 : i32
    %dma_start3A_259 = tpu.memref_slice %arg4[%add3A_254, %dma_start3A_258] : memref<5888x1024xf32, #tpu.memory_space<hbm>> -> memref<16x1024xf32, #tpu.memory_space<hbm>>
    %dma_start3A_260 = arith.constant 0 : i32
    %dma_start3A_261 = tpu.memref_slice %arg4[%add3A_254, %dma_start3A_260] : memref<5888x1024xf32, #tpu.memory_space<hbm>> -> memref<16x1024xf32, #tpu.memory_space<hbm>>
    %dma_start3A_262 = arith.constant 0 : i32
    %dma_start3A_263 = arith.constant 0 : i32
    %dma_start3A_264 = tpu.memref_slice %arg9[%dma_start3A_262, %dma_start3A_263] : memref<24x1024xf32, #tpu.memory_space<vmem>> -> memref<16x1024xf32, #tpu.memory_space<vmem>>
    tpu.enqueue_dma source(%dma_start3A_264 : memref<16x1024xf32, #tpu.memory_space<vmem>>) target(%dma_start3A_261 : memref<16x1024xf32, #tpu.memory_space<hbm>>) target_semaphore(%arg17 : memref<!tpu.dma_semaphore, #tpu.memory_space<semaphore_mem>>)
    %dma_wait3A_265 = arith.constant 0 : i32
    %dma_wait3A_266 = arith.constant 0 : i32
    %dma_wait3A_267 = tpu.memref_slice %arg6[%dma_wait3A_265, %dma_wait3A_266] : memref<24x1024xf32, #tpu.memory_space<vmem>> -> memref<24x1024xf32, #tpu.memory_space<vmem>>
    %dma_wait3A_268 = arith.constant 0 : i32
    %dma_wait3A_269 = tpu.memref_slice %arg4[%add3A_194, %dma_wait3A_268] : memref<5888x1024xf32, #tpu.memory_space<hbm>> -> memref<24x1024xf32, #tpu.memory_space<hbm>>
    %dma_wait3A_270 = arith.constant 0 : i32
    %dma_wait3A_271 = tpu.memref_slice %arg4[%add3A_194, %dma_wait3A_270] : memref<5888x1024xf32, #tpu.memory_space<hbm>> -> memref<24x1024xf32, #tpu.memory_space<hbm>>
    %dma_wait3A_272 = arith.constant 0 : i32
    %dma_wait3A_273 = arith.constant 0 : i32
    %dma_wait3A_274 = tpu.memref_slice %arg6[%dma_wait3A_272, %dma_wait3A_273] : memref<24x1024xf32, #tpu.memory_space<vmem>> -> memref<24x1024xf32, #tpu.memory_space<vmem>>
    tpu.wait_dma2 semaphore(%arg14 : memref<!tpu.dma_semaphore, #tpu.memory_space<semaphore_mem>>) src(%dma_wait3A_274 : memref<24x1024xf32, #tpu.memory_space<vmem>>) dst(%dma_wait3A_271 : memref<24x1024xf32, #tpu.memory_space<hbm>>)
    %dma_wait3A_275 = arith.constant 0 : i32
    %dma_wait3A_276 = arith.constant 0 : i32
    %dma_wait3A_277 = tpu.memref_slice %arg7[%dma_wait3A_275, %dma_wait3A_276] : memref<24x1024xf32, #tpu.memory_space<vmem>> -> memref<24x1024xf32, #tpu.memory_space<vmem>>
    %dma_wait3A_278 = arith.constant 0 : i32
    %dma_wait3A_279 = tpu.memref_slice %arg4[%add3A_214, %dma_wait3A_278] : memref<5888x1024xf32, #tpu.memory_space<hbm>> -> memref<24x1024xf32, #tpu.memory_space<hbm>>
    %dma_wait3A_280 = arith.constant 0 : i32
    %dma_wait3A_281 = tpu.memref_slice %arg4[%add3A_214, %dma_wait3A_280] : memref<5888x1024xf32, #tpu.memory_space<hbm>> -> memref<24x1024xf32, #tpu.memory_space<hbm>>
    %dma_wait3A_282 = arith.constant 0 : i32
    %dma_wait3A_283 = arith.constant 0 : i32
    %dma_wait3A_284 = tpu.memref_slice %arg7[%dma_wait3A_282, %dma_wait3A_283] : memref<24x1024xf32, #tpu.memory_space<vmem>> -> memref<24x1024xf32, #tpu.memory_space<vmem>>
    tpu.wait_dma2 semaphore(%arg15 : memref<!tpu.dma_semaphore, #tpu.memory_space<semaphore_mem>>) src(%dma_wait3A_284 : memref<24x1024xf32, #tpu.memory_space<vmem>>) dst(%dma_wait3A_281 : memref<24x1024xf32, #tpu.memory_space<hbm>>)
    %dma_wait3A_285 = arith.constant 0 : i32
    %dma_wait3A_286 = arith.constant 0 : i32
    %dma_wait3A_287 = tpu.memref_slice %arg8[%dma_wait3A_285, %dma_wait3A_286] : memref<24x1024xf32, #tpu.memory_space<vmem>> -> memref<24x1024xf32, #tpu.memory_space<vmem>>
    %dma_wait3A_288 = arith.constant 0 : i32
    %dma_wait3A_289 = tpu.memref_slice %arg4[%add3A_234, %dma_wait3A_288] : memref<5888x1024xf32, #tpu.memory_space<hbm>> -> memref<24x1024xf32, #tpu.memory_space<hbm>>
    %dma_wait3A_290 = arith.constant 0 : i32
    %dma_wait3A_291 = tpu.memref_slice %arg4[%add3A_234, %dma_wait3A_290] : memref<5888x1024xf32, #tpu.memory_space<hbm>> -> memref<24x1024xf32, #tpu.memory_space<hbm>>
    %dma_wait3A_292 = arith.constant 0 : i32
    %dma_wait3A_293 = arith.constant 0 : i32
    %dma_wait3A_294 = tpu.memref_slice %arg8[%dma_wait3A_292, %dma_wait3A_293] : memref<24x1024xf32, #tpu.memory_space<vmem>> -> memref<24x1024xf32, #tpu.memory_space<vmem>>
    tpu.wait_dma2 semaphore(%arg16 : memref<!tpu.dma_semaphore, #tpu.memory_space<semaphore_mem>>) src(%dma_wait3A_294 : memref<24x1024xf32, #tpu.memory_space<vmem>>) dst(%dma_wait3A_291 : memref<24x1024xf32, #tpu.memory_space<hbm>>)
    %dma_wait3A_295 = arith.constant 0 : i32
    %dma_wait3A_296 = arith.constant 0 : i32
    %dma_wait3A_297 = tpu.memref_slice %arg9[%dma_wait3A_295, %dma_wait3A_296] : memref<24x1024xf32, #tpu.memory_space<vmem>> -> memref<16x1024xf32, #tpu.memory_space<vmem>>
    %dma_wait3A_298 = arith.constant 0 : i32
    %dma_wait3A_299 = tpu.memref_slice %arg4[%add3A_254, %dma_wait3A_298] : memref<5888x1024xf32, #tpu.memory_space<hbm>> -> memref<16x1024xf32, #tpu.memory_space<hbm>>
    %dma_wait3A_300 = arith.constant 0 : i32
    %dma_wait3A_301 = tpu.memref_slice %arg4[%add3A_254, %dma_wait3A_300] : memref<5888x1024xf32, #tpu.memory_space<hbm>> -> memref<16x1024xf32, #tpu.memory_space<hbm>>
    %dma_wait3A_302 = arith.constant 0 : i32
    %dma_wait3A_303 = arith.constant 0 : i32
    %dma_wait3A_304 = tpu.memref_slice %arg9[%dma_wait3A_302, %dma_wait3A_303] : memref<24x1024xf32, #tpu.memory_space<vmem>> -> memref<16x1024xf32, #tpu.memory_space<vmem>>
    tpu.wait_dma2 semaphore(%arg17 : memref<!tpu.dma_semaphore, #tpu.memory_space<semaphore_mem>>) src(%dma_wait3A_304 : memref<16x1024xf32, #tpu.memory_space<vmem>>) dst(%dma_wait3A_301 : memref<16x1024xf32, #tpu.memory_space<hbm>>)
    return
  }
}

#map = affine_map<(d0, d1) -> (0, 0)>
#map1 = affine_map<(d0, d1) -> (0)>
module attributes {stable_mosaic.version = 14 : i64} {
  func.func @_combine_body(%arg0: i32, %arg1: i32, %arg2: memref<5888x1024xf32, #tpu.memory_space<hbm>>, %arg3: memref<2048xi32, #tpu.memory_space<hbm>>, %arg4: memref<2048xi32, #tpu.memory_space<hbm>>, %arg5: memref<2048x1024xf32, #tpu.memory_space<hbm>>, %arg6: memref<64xi32, #tpu.memory_space<vmem>>, %arg7: memref<64xi32, #tpu.memory_space<vmem>>, %arg8: memref<16x1024xf32, #tpu.memory_space<vmem>>, %arg9: memref<16x1024xf32, #tpu.memory_space<vmem>>, %arg10: memref<16x1024xf32, #tpu.memory_space<vmem>>, %arg11: memref<16x1024xf32, #tpu.memory_space<vmem>>, %arg12: memref<16x1024xf32, #tpu.memory_space<vmem>>, %arg13: memref<16x1024xf32, #tpu.memory_space<vmem>>, %arg14: memref<!tpu.dma_semaphore, #tpu.memory_space<semaphore_mem>>, %arg15: memref<!tpu.dma_semaphore, #tpu.memory_space<semaphore_mem>>, %arg16: memref<!tpu.dma_semaphore, #tpu.memory_space<semaphore_mem>>, %arg17: memref<!tpu.dma_semaphore, #tpu.memory_space<semaphore_mem>>, %arg18: memref<!tpu.dma_semaphore, #tpu.memory_space<semaphore_mem>>, %arg19: memref<!tpu.dma_semaphore, #tpu.memory_space<semaphore_mem>>) attributes {dimension_semantics = [#tpu.dimension_semantics<core_parallel>, #tpu.dimension_semantics<subcore_parallel>], iteration_bounds = array<i64: 2, 16>, scalar_prefetch = 0 : i64, scratch_operands = 14 : i64, tpu.core_type = #tpu.core_type<sc_vector_subcore>, window_params = [{transform_indices = #map}, {transform_indices = #map1}, {transform_indices = #map1}, {transform_indices = #map}]} {
    %mul3A = arith.constant 2 : i32
    %mul3A_0 = arith.muli %arg1, %mul3A : i32
    %add3A = arith.addi %mul3A_0, %arg0 : i32
    %mul3A_1 = arith.constant 64 : i32
    %mul3A_2 = arith.muli %add3A, %mul3A_1 : i32
    "tpu.region"() ({
      %run_scoped3A = tpu.sem_alloc : memref<!tpu.dma_semaphore, #tpu.memory_space<semaphore_mem>>
      %dma_start3A_148 = tpu.memref_slice %arg3[%mul3A_2] : memref<2048xi32, #tpu.memory_space<hbm>> -> memref<64xi32, #tpu.memory_space<hbm>>
      %dma_start3A_149 = tpu.memref_slice %arg3[%mul3A_2] : memref<2048xi32, #tpu.memory_space<hbm>> -> memref<64xi32, #tpu.memory_space<hbm>>
      tpu.enqueue_dma source(%dma_start3A_149 : memref<64xi32, #tpu.memory_space<hbm>>) target(%arg6 : memref<64xi32, #tpu.memory_space<vmem>>) target_semaphore(%run_scoped3A : memref<!tpu.dma_semaphore, #tpu.memory_space<semaphore_mem>>)
      %dma_wait3A_150 = tpu.memref_slice %arg3[%mul3A_2] : memref<2048xi32, #tpu.memory_space<hbm>> -> memref<64xi32, #tpu.memory_space<hbm>>
      %dma_wait3A_151 = tpu.memref_slice %arg3[%mul3A_2] : memref<2048xi32, #tpu.memory_space<hbm>> -> memref<64xi32, #tpu.memory_space<hbm>>
      tpu.wait_dma2 semaphore(%run_scoped3A : memref<!tpu.dma_semaphore, #tpu.memory_space<semaphore_mem>>) src(%dma_wait3A_151 : memref<64xi32, #tpu.memory_space<hbm>>) dst(%arg6 : memref<64xi32, #tpu.memory_space<vmem>>)
      tpu.yield
    }) : () -> ()
    "tpu.region"() ({
      %run_scoped3A = tpu.sem_alloc : memref<!tpu.dma_semaphore, #tpu.memory_space<semaphore_mem>>
      %dma_start3A_148 = tpu.memref_slice %arg4[%mul3A_2] : memref<2048xi32, #tpu.memory_space<hbm>> -> memref<64xi32, #tpu.memory_space<hbm>>
      %dma_start3A_149 = tpu.memref_slice %arg4[%mul3A_2] : memref<2048xi32, #tpu.memory_space<hbm>> -> memref<64xi32, #tpu.memory_space<hbm>>
      tpu.enqueue_dma source(%dma_start3A_149 : memref<64xi32, #tpu.memory_space<hbm>>) target(%arg7 : memref<64xi32, #tpu.memory_space<vmem>>) target_semaphore(%run_scoped3A : memref<!tpu.dma_semaphore, #tpu.memory_space<semaphore_mem>>)
      %dma_wait3A_150 = tpu.memref_slice %arg4[%mul3A_2] : memref<2048xi32, #tpu.memory_space<hbm>> -> memref<64xi32, #tpu.memory_space<hbm>>
      %dma_wait3A_151 = tpu.memref_slice %arg4[%mul3A_2] : memref<2048xi32, #tpu.memory_space<hbm>> -> memref<64xi32, #tpu.memory_space<hbm>>
      tpu.wait_dma2 semaphore(%run_scoped3A : memref<!tpu.dma_semaphore, #tpu.memory_space<semaphore_mem>>) src(%dma_wait3A_151 : memref<64xi32, #tpu.memory_space<hbm>>) dst(%arg7 : memref<64xi32, #tpu.memory_space<vmem>>)
      tpu.yield
    }) : () -> ()
    %dma_start3A = arith.constant 0 : i32
    %dma_start3A_3 = tpu.memref_slice %arg6[%dma_start3A] : memref<64xi32, #tpu.memory_space<vmem>> -> memref<16xi32, #tpu.memory_space<vmem>>
    %dma_start3A_4 = arith.constant 0 : i32
    %dma_start3A_5 = arith.constant 0 : i32
    %dma_start3A_6 = tpu.memref_slice %arg2[%dma_start3A_4, %dma_start3A_5] : memref<5888x1024xf32, #tpu.memory_space<hbm>> -> memref<5888x1024xf32, #tpu.memory_space<hbm>>
    tpu.enqueue_indirect_dma source(%dma_start3A_6 : memref<5888x1024xf32, #tpu.memory_space<hbm>>) target(%arg8 : memref<16x1024xf32, #tpu.memory_space<vmem>>) offsets(%dma_start3A_3 : memref<16xi32, #tpu.memory_space<vmem>>) semaphore(%arg14 : memref<!tpu.dma_semaphore, #tpu.memory_space<semaphore_mem>>)
    %dma_start3A_7 = arith.constant 0 : i32
    %dma_start3A_8 = tpu.memref_slice %arg7[%dma_start3A_7] : memref<64xi32, #tpu.memory_space<vmem>> -> memref<16xi32, #tpu.memory_space<vmem>>
    %dma_start3A_9 = arith.constant 0 : i32
    %dma_start3A_10 = arith.constant 0 : i32
    %dma_start3A_11 = tpu.memref_slice %arg2[%dma_start3A_9, %dma_start3A_10] : memref<5888x1024xf32, #tpu.memory_space<hbm>> -> memref<5888x1024xf32, #tpu.memory_space<hbm>>
    tpu.enqueue_indirect_dma source(%dma_start3A_11 : memref<5888x1024xf32, #tpu.memory_space<hbm>>) target(%arg9 : memref<16x1024xf32, #tpu.memory_space<vmem>>) offsets(%dma_start3A_8 : memref<16xi32, #tpu.memory_space<vmem>>) semaphore(%arg15 : memref<!tpu.dma_semaphore, #tpu.memory_space<semaphore_mem>>)
    %dma_wait3A = arith.constant 0 : i32
    %dma_wait3A_12 = tpu.memref_slice %arg6[%dma_wait3A] : memref<64xi32, #tpu.memory_space<vmem>> -> memref<16xi32, #tpu.memory_space<vmem>>
    %dma_wait3A_13 = arith.constant 0 : i32
    %dma_wait3A_14 = arith.constant 0 : i32
    %dma_wait3A_15 = tpu.memref_slice %arg2[%dma_wait3A_13, %dma_wait3A_14] : memref<5888x1024xf32, #tpu.memory_space<hbm>> -> memref<5888x1024xf32, #tpu.memory_space<hbm>>
    tpu.wait_indirect_dma semaphore(%arg14 : memref<!tpu.dma_semaphore, #tpu.memory_space<semaphore_mem>>) src(%dma_wait3A_15 : memref<5888x1024xf32, #tpu.memory_space<hbm>>) dst(%arg8 : memref<16x1024xf32, #tpu.memory_space<vmem>>)
    %dma_wait3A_16 = arith.constant 0 : i32
    %dma_wait3A_17 = tpu.memref_slice %arg7[%dma_wait3A_16] : memref<64xi32, #tpu.memory_space<vmem>> -> memref<16xi32, #tpu.memory_space<vmem>>
    %dma_wait3A_18 = arith.constant 0 : i32
    %dma_wait3A_19 = arith.constant 0 : i32
    %dma_wait3A_20 = tpu.memref_slice %arg2[%dma_wait3A_18, %dma_wait3A_19] : memref<5888x1024xf32, #tpu.memory_space<hbm>> -> memref<5888x1024xf32, #tpu.memory_space<hbm>>
    tpu.wait_indirect_dma semaphore(%arg15 : memref<!tpu.dma_semaphore, #tpu.memory_space<semaphore_mem>>) src(%dma_wait3A_20 : memref<5888x1024xf32, #tpu.memory_space<hbm>>) dst(%arg9 : memref<16x1024xf32, #tpu.memory_space<vmem>>)
    %dma_start3A_21 = arith.constant 16 : i32
    %dma_start3A_22 = tpu.memref_slice %arg6[%dma_start3A_21] : memref<64xi32, #tpu.memory_space<vmem>> -> memref<16xi32, #tpu.memory_space<vmem>>
    %dma_start3A_23 = arith.constant 0 : i32
    %dma_start3A_24 = arith.constant 0 : i32
    %dma_start3A_25 = tpu.memref_slice %arg2[%dma_start3A_23, %dma_start3A_24] : memref<5888x1024xf32, #tpu.memory_space<hbm>> -> memref<5888x1024xf32, #tpu.memory_space<hbm>>
    tpu.enqueue_indirect_dma source(%dma_start3A_25 : memref<5888x1024xf32, #tpu.memory_space<hbm>>) target(%arg10 : memref<16x1024xf32, #tpu.memory_space<vmem>>) offsets(%dma_start3A_22 : memref<16xi32, #tpu.memory_space<vmem>>) semaphore(%arg16 : memref<!tpu.dma_semaphore, #tpu.memory_space<semaphore_mem>>)
    %dma_start3A_26 = arith.constant 16 : i32
    %dma_start3A_27 = tpu.memref_slice %arg7[%dma_start3A_26] : memref<64xi32, #tpu.memory_space<vmem>> -> memref<16xi32, #tpu.memory_space<vmem>>
    %dma_start3A_28 = arith.constant 0 : i32
    %dma_start3A_29 = arith.constant 0 : i32
    %dma_start3A_30 = tpu.memref_slice %arg2[%dma_start3A_28, %dma_start3A_29] : memref<5888x1024xf32, #tpu.memory_space<hbm>> -> memref<5888x1024xf32, #tpu.memory_space<hbm>>
    tpu.enqueue_indirect_dma source(%dma_start3A_30 : memref<5888x1024xf32, #tpu.memory_space<hbm>>) target(%arg11 : memref<16x1024xf32, #tpu.memory_space<vmem>>) offsets(%dma_start3A_27 : memref<16xi32, #tpu.memory_space<vmem>>) semaphore(%arg17 : memref<!tpu.dma_semaphore, #tpu.memory_space<semaphore_mem>>)
    %scan3A = arith.constant 0 : i32
    %scan3A_31 = arith.constant 0 : i32
    %scan3A_32 = arith.constant 16 : i32
    %scan3A_33 = arith.addi %scan3A_31, %scan3A_32 : i32
    %scan3A_34 = arith.constant 1 : i32
    %scan3A_35 = scf.for %scan3A_148 = %scan3A_31 to %scan3A_33 step %scan3A_34 iter_args(%scan3A_149 = %scan3A) -> (i32)  : i32 {
      %scan3A_150 = arith.constant 0 : i32
      %scan3A_151 = arith.constant 0 : i32
      %scan3A_152 = arith.constant 4 : i32
      %scan3A_153 = arith.addi %scan3A_151, %scan3A_152 : i32
      %scan3A_154 = arith.constant 1 : i32
      %scan3A_155 = scf.for %scan3A_157 = %scan3A_151 to %scan3A_153 step %scan3A_154 iter_args(%scan3A_158 = %scan3A_150) -> (i32)  : i32 {
        %mul3A_159 = arith.constant 256 : i32
        %mul3A_160 = arith.muli %scan3A_157, %mul3A_159 : i32
        %add3A_161 = arith.constant 0 : i32
        %add3A_162 = arith.addi %mul3A_160, %add3A_161 : i32
        %get3A = arith.index_cast %scan3A_148 : i32 to index
        %get3A_163 = arith.index_cast %add3A_162 : i32 to index
        %get3A_164 = tpu.vector_load %arg8[%get3A, %get3A_163] {strides = array<i32>} : memref<16x1024xf32, #tpu.memory_space<vmem>>, vector<1x16xf32>,
        %get3A_165 = vector.shape_cast %get3A_164 : vector<1x16xf32> to vector<16xf32>
        %get3A_166 = arith.index_cast %scan3A_148 : i32 to index
        %get3A_167 = arith.index_cast %add3A_162 : i32 to index
        %get3A_168 = tpu.vector_load %arg9[%get3A_166, %get3A_167] {strides = array<i32>} : memref<16x1024xf32, #tpu.memory_space<vmem>>, vector<1x16xf32>,
        %get3A_169 = vector.shape_cast %get3A_168 : vector<1x16xf32> to vector<16xf32>
        %add3A_170 = arith.addf %get3A_165, %get3A_169 : vector<16xf32>
        %swap3A = arith.index_cast %scan3A_148 : i32 to index
        %swap3A_171 = arith.index_cast %add3A_162 : i32 to index
        %swap3A_172 = tpu.vector_load %arg12[%swap3A, %swap3A_171] {strides = array<i32>} : memref<16x1024xf32, #tpu.memory_space<vmem>>, vector<1x16xf32>,
        %swap3A_173 = vector.shape_cast %swap3A_172 : vector<1x16xf32> to vector<16xf32>
        %swap3A_174 = vector.shape_cast %add3A_170 : vector<16xf32> to vector<1x16xf32>
        tpu.vector_store %arg12[%swap3A, %swap3A_171], %swap3A_174 {strides = array<i32>} : memref<16x1024xf32, #tpu.memory_space<vmem>>, vector<1x16xf32>,
        %add3A_175 = arith.constant 16 : i32
        %add3A_176 = arith.addi %mul3A_160, %add3A_175 : i32
        %get3A_177 = arith.index_cast %scan3A_148 : i32 to index
        %get3A_178 = arith.index_cast %add3A_176 : i32 to index
        %get3A_179 = tpu.vector_load %arg8[%get3A_177, %get3A_178] {strides = array<i32>} : memref<16x1024xf32, #tpu.memory_space<vmem>>, vector<1x16xf32>,
        %get3A_180 = vector.shape_cast %get3A_179 : vector<1x16xf32> to vector<16xf32>
        %get3A_181 = arith.index_cast %scan3A_148 : i32 to index
        %get3A_182 = arith.index_cast %add3A_176 : i32 to index
        %get3A_183 = tpu.vector_load %arg9[%get3A_181, %get3A_182] {strides = array<i32>} : memref<16x1024xf32, #tpu.memory_space<vmem>>, vector<1x16xf32>,
        %get3A_184 = vector.shape_cast %get3A_183 : vector<1x16xf32> to vector<16xf32>
        %add3A_185 = arith.addf %get3A_180, %get3A_184 : vector<16xf32>
        %swap3A_186 = arith.index_cast %scan3A_148 : i32 to index
        %swap3A_187 = arith.index_cast %add3A_176 : i32 to index
        %swap3A_188 = tpu.vector_load %arg12[%swap3A_186, %swap3A_187] {strides = array<i32>} : memref<16x1024xf32, #tpu.memory_space<vmem>>, vector<1x16xf32>,
        %swap3A_189 = vector.shape_cast %swap3A_188 : vector<1x16xf32> to vector<16xf32>
        %swap3A_190 = vector.shape_cast %add3A_185 : vector<16xf32> to vector<1x16xf32>
        tpu.vector_store %arg12[%swap3A_186, %swap3A_187], %swap3A_190 {strides = array<i32>} : memref<16x1024xf32, #tpu.memory_space<vmem>>, vector<1x16xf32>,
        %add3A_191 = arith.constant 32 : i32
        %add3A_192 = arith.addi %mul3A_160, %add3A_191 : i32
        %get3A_193 = arith.index_cast %scan3A_148 : i32 to index
        %get3A_194 = arith.index_cast %add3A_192 : i32 to index
        %get3A_195 = tpu.vector_load %arg8[%get3A_193, %get3A_194] {strides = array<i32>} : memref<16x1024xf32, #tpu.memory_space<vmem>>, vector<1x16xf32>,
        %get3A_196 = vector.shape_cast %get3A_195 : vector<1x16xf32> to vector<16xf32>
        %get3A_197 = arith.index_cast %scan3A_148 : i32 to index
        %get3A_198 = arith.index_cast %add3A_192 : i32 to index
        %get3A_199 = tpu.vector_load %arg9[%get3A_197, %get3A_198] {strides = array<i32>} : memref<16x1024xf32, #tpu.memory_space<vmem>>, vector<1x16xf32>,
        %get3A_200 = vector.shape_cast %get3A_199 : vector<1x16xf32> to vector<16xf32>
        %add3A_201 = arith.addf %get3A_196, %get3A_200 : vector<16xf32>
        %swap3A_202 = arith.index_cast %scan3A_148 : i32 to index
        %swap3A_203 = arith.index_cast %add3A_192 : i32 to index
        %swap3A_204 = tpu.vector_load %arg12[%swap3A_202, %swap3A_203] {strides = array<i32>} : memref<16x1024xf32, #tpu.memory_space<vmem>>, vector<1x16xf32>,
        %swap3A_205 = vector.shape_cast %swap3A_204 : vector<1x16xf32> to vector<16xf32>
        %swap3A_206 = vector.shape_cast %add3A_201 : vector<16xf32> to vector<1x16xf32>
        tpu.vector_store %arg12[%swap3A_202, %swap3A_203], %swap3A_206 {strides = array<i32>} : memref<16x1024xf32, #tpu.memory_space<vmem>>, vector<1x16xf32>,
        %add3A_207 = arith.constant 48 : i32
        %add3A_208 = arith.addi %mul3A_160, %add3A_207 : i32
        %get3A_209 = arith.index_cast %scan3A_148 : i32 to index
        %get3A_210 = arith.index_cast %add3A_208 : i32 to index
        %get3A_211 = tpu.vector_load %arg8[%get3A_209, %get3A_210] {strides = array<i32>} : memref<16x1024xf32, #tpu.memory_space<vmem>>, vector<1x16xf32>,
        %get3A_212 = vector.shape_cast %get3A_211 : vector<1x16xf32> to vector<16xf32>
        %get3A_213 = arith.index_cast %scan3A_148 : i32 to index
        %get3A_214 = arith.index_cast %add3A_208 : i32 to index
        %get3A_215 = tpu.vector_load %arg9[%get3A_213, %get3A_214] {strides = array<i32>} : memref<16x1024xf32, #tpu.memory_space<vmem>>, vector<1x16xf32>,
        %get3A_216 = vector.shape_cast %get3A_215 : vector<1x16xf32> to vector<16xf32>
        %add3A_217 = arith.addf %get3A_212, %get3A_216 : vector<16xf32>
        %swap3A_218 = arith.index_cast %scan3A_148 : i32 to index
        %swap3A_219 = arith.index_cast %add3A_208 : i32 to index
        %swap3A_220 = tpu.vector_load %arg12[%swap3A_218, %swap3A_219] {strides = array<i32>} : memref<16x1024xf32, #tpu.memory_space<vmem>>, vector<1x16xf32>,
        %swap3A_221 = vector.shape_cast %swap3A_220 : vector<1x16xf32> to vector<16xf32>
        %swap3A_222 = vector.shape_cast %add3A_217 : vector<16xf32> to vector<1x16xf32>
        tpu.vector_store %arg12[%swap3A_218, %swap3A_219], %swap3A_222 {strides = array<i32>} : memref<16x1024xf32, #tpu.memory_space<vmem>>, vector<1x16xf32>,
        %add3A_223 = arith.constant 64 : i32
        %add3A_224 = arith.addi %mul3A_160, %add3A_223 : i32
        %get3A_225 = arith.index_cast %scan3A_148 : i32 to index
        %get3A_226 = arith.index_cast %add3A_224 : i32 to index
        %get3A_227 = tpu.vector_load %arg8[%get3A_225, %get3A_226] {strides = array<i32>} : memref<16x1024xf32, #tpu.memory_space<vmem>>, vector<1x16xf32>,
        %get3A_228 = vector.shape_cast %get3A_227 : vector<1x16xf32> to vector<16xf32>
        %get3A_229 = arith.index_cast %scan3A_148 : i32 to index
        %get3A_230 = arith.index_cast %add3A_224 : i32 to index
        %get3A_231 = tpu.vector_load %arg9[%get3A_229, %get3A_230] {strides = array<i32>} : memref<16x1024xf32, #tpu.memory_space<vmem>>, vector<1x16xf32>,
        %get3A_232 = vector.shape_cast %get3A_231 : vector<1x16xf32> to vector<16xf32>
        %add3A_233 = arith.addf %get3A_228, %get3A_232 : vector<16xf32>
        %swap3A_234 = arith.index_cast %scan3A_148 : i32 to index
        %swap3A_235 = arith.index_cast %add3A_224 : i32 to index
        %swap3A_236 = tpu.vector_load %arg12[%swap3A_234, %swap3A_235] {strides = array<i32>} : memref<16x1024xf32, #tpu.memory_space<vmem>>, vector<1x16xf32>,
        %swap3A_237 = vector.shape_cast %swap3A_236 : vector<1x16xf32> to vector<16xf32>
        %swap3A_238 = vector.shape_cast %add3A_233 : vector<16xf32> to vector<1x16xf32>
        tpu.vector_store %arg12[%swap3A_234, %swap3A_235], %swap3A_238 {strides = array<i32>} : memref<16x1024xf32, #tpu.memory_space<vmem>>, vector<1x16xf32>,
        %add3A_239 = arith.constant 80 : i32
        %add3A_240 = arith.addi %mul3A_160, %add3A_239 : i32
        %get3A_241 = arith.index_cast %scan3A_148 : i32 to index
        %get3A_242 = arith.index_cast %add3A_240 : i32 to index
        %get3A_243 = tpu.vector_load %arg8[%get3A_241, %get3A_242] {strides = array<i32>} : memref<16x1024xf32, #tpu.memory_space<vmem>>, vector<1x16xf32>,
        %get3A_244 = vector.shape_cast %get3A_243 : vector<1x16xf32> to vector<16xf32>
        %get3A_245 = arith.index_cast %scan3A_148 : i32 to index
        %get3A_246 = arith.index_cast %add3A_240 : i32 to index
        %get3A_247 = tpu.vector_load %arg9[%get3A_245, %get3A_246] {strides = array<i32>} : memref<16x1024xf32, #tpu.memory_space<vmem>>, vector<1x16xf32>,
        %get3A_248 = vector.shape_cast %get3A_247 : vector<1x16xf32> to vector<16xf32>
        %add3A_249 = arith.addf %get3A_244, %get3A_248 : vector<16xf32>
        %swap3A_250 = arith.index_cast %scan3A_148 : i32 to index
        %swap3A_251 = arith.index_cast %add3A_240 : i32 to index
        %swap3A_252 = tpu.vector_load %arg12[%swap3A_250, %swap3A_251] {strides = array<i32>} : memref<16x1024xf32, #tpu.memory_space<vmem>>, vector<1x16xf32>,
        %swap3A_253 = vector.shape_cast %swap3A_252 : vector<1x16xf32> to vector<16xf32>
        %swap3A_254 = vector.shape_cast %add3A_249 : vector<16xf32> to vector<1x16xf32>
        tpu.vector_store %arg12[%swap3A_250, %swap3A_251], %swap3A_254 {strides = array<i32>} : memref<16x1024xf32, #tpu.memory_space<vmem>>, vector<1x16xf32>,
        %add3A_255 = arith.constant 96 : i32
        %add3A_256 = arith.addi %mul3A_160, %add3A_255 : i32
        %get3A_257 = arith.index_cast %scan3A_148 : i32 to index
        %get3A_258 = arith.index_cast %add3A_256 : i32 to index
        %get3A_259 = tpu.vector_load %arg8[%get3A_257, %get3A_258] {strides = array<i32>} : memref<16x1024xf32, #tpu.memory_space<vmem>>, vector<1x16xf32>,
        %get3A_260 = vector.shape_cast %get3A_259 : vector<1x16xf32> to vector<16xf32>
        %get3A_261 = arith.index_cast %scan3A_148 : i32 to index
        %get3A_262 = arith.index_cast %add3A_256 : i32 to index
        %get3A_263 = tpu.vector_load %arg9[%get3A_261, %get3A_262] {strides = array<i32>} : memref<16x1024xf32, #tpu.memory_space<vmem>>, vector<1x16xf32>,
        %get3A_264 = vector.shape_cast %get3A_263 : vector<1x16xf32> to vector<16xf32>
        %add3A_265 = arith.addf %get3A_260, %get3A_264 : vector<16xf32>
        %swap3A_266 = arith.index_cast %scan3A_148 : i32 to index
        %swap3A_267 = arith.index_cast %add3A_256 : i32 to index
        %swap3A_268 = tpu.vector_load %arg12[%swap3A_266, %swap3A_267] {strides = array<i32>} : memref<16x1024xf32, #tpu.memory_space<vmem>>, vector<1x16xf32>,
        %swap3A_269 = vector.shape_cast %swap3A_268 : vector<1x16xf32> to vector<16xf32>
        %swap3A_270 = vector.shape_cast %add3A_265 : vector<16xf32> to vector<1x16xf32>
        tpu.vector_store %arg12[%swap3A_266, %swap3A_267], %swap3A_270 {strides = array<i32>} : memref<16x1024xf32, #tpu.memory_space<vmem>>, vector<1x16xf32>,
        %add3A_271 = arith.constant 112 : i32
        %add3A_272 = arith.addi %mul3A_160, %add3A_271 : i32
        %get3A_273 = arith.index_cast %scan3A_148 : i32 to index
        %get3A_274 = arith.index_cast %add3A_272 : i32 to index
        %get3A_275 = tpu.vector_load %arg8[%get3A_273, %get3A_274] {strides = array<i32>} : memref<16x1024xf32, #tpu.memory_space<vmem>>, vector<1x16xf32>,
        %get3A_276 = vector.shape_cast %get3A_275 : vector<1x16xf32> to vector<16xf32>
        %get3A_277 = arith.index_cast %scan3A_148 : i32 to index
        %get3A_278 = arith.index_cast %add3A_272 : i32 to index
        %get3A_279 = tpu.vector_load %arg9[%get3A_277, %get3A_278] {strides = array<i32>} : memref<16x1024xf32, #tpu.memory_space<vmem>>, vector<1x16xf32>,
        %get3A_280 = vector.shape_cast %get3A_279 : vector<1x16xf32> to vector<16xf32>
        %add3A_281 = arith.addf %get3A_276, %get3A_280 : vector<16xf32>
        %swap3A_282 = arith.index_cast %scan3A_148 : i32 to index
        %swap3A_283 = arith.index_cast %add3A_272 : i32 to index
        %swap3A_284 = tpu.vector_load %arg12[%swap3A_282, %swap3A_283] {strides = array<i32>} : memref<16x1024xf32, #tpu.memory_space<vmem>>, vector<1x16xf32>,
        %swap3A_285 = vector.shape_cast %swap3A_284 : vector<1x16xf32> to vector<16xf32>
        %swap3A_286 = vector.shape_cast %add3A_281 : vector<16xf32> to vector<1x16xf32>
        tpu.vector_store %arg12[%swap3A_282, %swap3A_283], %swap3A_286 {strides = array<i32>} : memref<16x1024xf32, #tpu.memory_space<vmem>>, vector<1x16xf32>,
        %add3A_287 = arith.constant 128 : i32
        %add3A_288 = arith.addi %mul3A_160, %add3A_287 : i32
        %get3A_289 = arith.index_cast %scan3A_148 : i32 to index
        %get3A_290 = arith.index_cast %add3A_288 : i32 to index
        %get3A_291 = tpu.vector_load %arg8[%get3A_289, %get3A_290] {strides = array<i32>} : memref<16x1024xf32, #tpu.memory_space<vmem>>, vector<1x16xf32>,
        %get3A_292 = vector.shape_cast %get3A_291 : vector<1x16xf32> to vector<16xf32>
        %get3A_293 = arith.index_cast %scan3A_148 : i32 to index
        %get3A_294 = arith.index_cast %add3A_288 : i32 to index
        %get3A_295 = tpu.vector_load %arg9[%get3A_293, %get3A_294] {strides = array<i32>} : memref<16x1024xf32, #tpu.memory_space<vmem>>, vector<1x16xf32>,
        %get3A_296 = vector.shape_cast %get3A_295 : vector<1x16xf32> to vector<16xf32>
        %add3A_297 = arith.addf %get3A_292, %get3A_296 : vector<16xf32>
        %swap3A_298 = arith.index_cast %scan3A_148 : i32 to index
        %swap3A_299 = arith.index_cast %add3A_288 : i32 to index
        %swap3A_300 = tpu.vector_load %arg12[%swap3A_298, %swap3A_299] {strides = array<i32>} : memref<16x1024xf32, #tpu.memory_space<vmem>>, vector<1x16xf32>,
        %swap3A_301 = vector.shape_cast %swap3A_300 : vector<1x16xf32> to vector<16xf32>
        %swap3A_302 = vector.shape_cast %add3A_297 : vector<16xf32> to vector<1x16xf32>
        tpu.vector_store %arg12[%swap3A_298, %swap3A_299], %swap3A_302 {strides = array<i32>} : memref<16x1024xf32, #tpu.memory_space<vmem>>, vector<1x16xf32>,
        %add3A_303 = arith.constant 144 : i32
        %add3A_304 = arith.addi %mul3A_160, %add3A_303 : i32
        %get3A_305 = arith.index_cast %scan3A_148 : i32 to index
        %get3A_306 = arith.index_cast %add3A_304 : i32 to index
        %get3A_307 = tpu.vector_load %arg8[%get3A_305, %get3A_306] {strides = array<i32>} : memref<16x1024xf32, #tpu.memory_space<vmem>>, vector<1x16xf32>,
        %get3A_308 = vector.shape_cast %get3A_307 : vector<1x16xf32> to vector<16xf32>
        %get3A_309 = arith.index_cast %scan3A_148 : i32 to index
        %get3A_310 = arith.index_cast %add3A_304 : i32 to index
        %get3A_311 = tpu.vector_load %arg9[%get3A_309, %get3A_310] {strides = array<i32>} : memref<16x1024xf32, #tpu.memory_space<vmem>>, vector<1x16xf32>,
        %get3A_312 = vector.shape_cast %get3A_311 : vector<1x16xf32> to vector<16xf32>
        %add3A_313 = arith.addf %get3A_308, %get3A_312 : vector<16xf32>
        %swap3A_314 = arith.index_cast %scan3A_148 : i32 to index
        %swap3A_315 = arith.index_cast %add3A_304 : i32 to index
        %swap3A_316 = tpu.vector_load %arg12[%swap3A_314, %swap3A_315] {strides = array<i32>} : memref<16x1024xf32, #tpu.memory_space<vmem>>, vector<1x16xf32>,
        %swap3A_317 = vector.shape_cast %swap3A_316 : vector<1x16xf32> to vector<16xf32>
        %swap3A_318 = vector.shape_cast %add3A_313 : vector<16xf32> to vector<1x16xf32>
        tpu.vector_store %arg12[%swap3A_314, %swap3A_315], %swap3A_318 {strides = array<i32>} : memref<16x1024xf32, #tpu.memory_space<vmem>>, vector<1x16xf32>,
        %add3A_319 = arith.constant 160 : i32
        %add3A_320 = arith.addi %mul3A_160, %add3A_319 : i32
        %get3A_321 = arith.index_cast %scan3A_148 : i32 to index
        %get3A_322 = arith.index_cast %add3A_320 : i32 to index
        %get3A_323 = tpu.vector_load %arg8[%get3A_321, %get3A_322] {strides = array<i32>} : memref<16x1024xf32, #tpu.memory_space<vmem>>, vector<1x16xf32>,
        %get3A_324 = vector.shape_cast %get3A_323 : vector<1x16xf32> to vector<16xf32>
        %get3A_325 = arith.index_cast %scan3A_148 : i32 to index
        %get3A_326 = arith.index_cast %add3A_320 : i32 to index
        %get3A_327 = tpu.vector_load %arg9[%get3A_325, %get3A_326] {strides = array<i32>} : memref<16x1024xf32, #tpu.memory_space<vmem>>, vector<1x16xf32>,
        %get3A_328 = vector.shape_cast %get3A_327 : vector<1x16xf32> to vector<16xf32>
        %add3A_329 = arith.addf %get3A_324, %get3A_328 : vector<16xf32>
        %swap3A_330 = arith.index_cast %scan3A_148 : i32 to index
        %swap3A_331 = arith.index_cast %add3A_320 : i32 to index
        %swap3A_332 = tpu.vector_load %arg12[%swap3A_330, %swap3A_331] {strides = array<i32>} : memref<16x1024xf32, #tpu.memory_space<vmem>>, vector<1x16xf32>,
        %swap3A_333 = vector.shape_cast %swap3A_332 : vector<1x16xf32> to vector<16xf32>
        %swap3A_334 = vector.shape_cast %add3A_329 : vector<16xf32> to vector<1x16xf32>
        tpu.vector_store %arg12[%swap3A_330, %swap3A_331], %swap3A_334 {strides = array<i32>} : memref<16x1024xf32, #tpu.memory_space<vmem>>, vector<1x16xf32>,
        %add3A_335 = arith.constant 176 : i32
        %add3A_336 = arith.addi %mul3A_160, %add3A_335 : i32
        %get3A_337 = arith.index_cast %scan3A_148 : i32 to index
        %get3A_338 = arith.index_cast %add3A_336 : i32 to index
        %get3A_339 = tpu.vector_load %arg8[%get3A_337, %get3A_338] {strides = array<i32>} : memref<16x1024xf32, #tpu.memory_space<vmem>>, vector<1x16xf32>,
        %get3A_340 = vector.shape_cast %get3A_339 : vector<1x16xf32> to vector<16xf32>
        %get3A_341 = arith.index_cast %scan3A_148 : i32 to index
        %get3A_342 = arith.index_cast %add3A_336 : i32 to index
        %get3A_343 = tpu.vector_load %arg9[%get3A_341, %get3A_342] {strides = array<i32>} : memref<16x1024xf32, #tpu.memory_space<vmem>>, vector<1x16xf32>,
        %get3A_344 = vector.shape_cast %get3A_343 : vector<1x16xf32> to vector<16xf32>
        %add3A_345 = arith.addf %get3A_340, %get3A_344 : vector<16xf32>
        %swap3A_346 = arith.index_cast %scan3A_148 : i32 to index
        %swap3A_347 = arith.index_cast %add3A_336 : i32 to index
        %swap3A_348 = tpu.vector_load %arg12[%swap3A_346, %swap3A_347] {strides = array<i32>} : memref<16x1024xf32, #tpu.memory_space<vmem>>, vector<1x16xf32>,
        %swap3A_349 = vector.shape_cast %swap3A_348 : vector<1x16xf32> to vector<16xf32>
        %swap3A_350 = vector.shape_cast %add3A_345 : vector<16xf32> to vector<1x16xf32>
        tpu.vector_store %arg12[%swap3A_346, %swap3A_347], %swap3A_350 {strides = array<i32>} : memref<16x1024xf32, #tpu.memory_space<vmem>>, vector<1x16xf32>,
        %add3A_351 = arith.constant 192 : i32
        %add3A_352 = arith.addi %mul3A_160, %add3A_351 : i32
        %get3A_353 = arith.index_cast %scan3A_148 : i32 to index
        %get3A_354 = arith.index_cast %add3A_352 : i32 to index
        %get3A_355 = tpu.vector_load %arg8[%get3A_353, %get3A_354] {strides = array<i32>} : memref<16x1024xf32, #tpu.memory_space<vmem>>, vector<1x16xf32>,
        %get3A_356 = vector.shape_cast %get3A_355 : vector<1x16xf32> to vector<16xf32>
        %get3A_357 = arith.index_cast %scan3A_148 : i32 to index
        %get3A_358 = arith.index_cast %add3A_352 : i32 to index
        %get3A_359 = tpu.vector_load %arg9[%get3A_357, %get3A_358] {strides = array<i32>} : memref<16x1024xf32, #tpu.memory_space<vmem>>, vector<1x16xf32>,
        %get3A_360 = vector.shape_cast %get3A_359 : vector<1x16xf32> to vector<16xf32>
        %add3A_361 = arith.addf %get3A_356, %get3A_360 : vector<16xf32>
        %swap3A_362 = arith.index_cast %scan3A_148 : i32 to index
        %swap3A_363 = arith.index_cast %add3A_352 : i32 to index
        %swap3A_364 = tpu.vector_load %arg12[%swap3A_362, %swap3A_363] {strides = array<i32>} : memref<16x1024xf32, #tpu.memory_space<vmem>>, vector<1x16xf32>,
        %swap3A_365 = vector.shape_cast %swap3A_364 : vector<1x16xf32> to vector<16xf32>
        %swap3A_366 = vector.shape_cast %add3A_361 : vector<16xf32> to vector<1x16xf32>
        tpu.vector_store %arg12[%swap3A_362, %swap3A_363], %swap3A_366 {strides = array<i32>} : memref<16x1024xf32, #tpu.memory_space<vmem>>, vector<1x16xf32>,
        %add3A_367 = arith.constant 208 : i32
        %add3A_368 = arith.addi %mul3A_160, %add3A_367 : i32
        %get3A_369 = arith.index_cast %scan3A_148 : i32 to index
        %get3A_370 = arith.index_cast %add3A_368 : i32 to index
        %get3A_371 = tpu.vector_load %arg8[%get3A_369, %get3A_370] {strides = array<i32>} : memref<16x1024xf32, #tpu.memory_space<vmem>>, vector<1x16xf32>,
        %get3A_372 = vector.shape_cast %get3A_371 : vector<1x16xf32> to vector<16xf32>
        %get3A_373 = arith.index_cast %scan3A_148 : i32 to index
        %get3A_374 = arith.index_cast %add3A_368 : i32 to index
        %get3A_375 = tpu.vector_load %arg9[%get3A_373, %get3A_374] {strides = array<i32>} : memref<16x1024xf32, #tpu.memory_space<vmem>>, vector<1x16xf32>,
        %get3A_376 = vector.shape_cast %get3A_375 : vector<1x16xf32> to vector<16xf32>
        %add3A_377 = arith.addf %get3A_372, %get3A_376 : vector<16xf32>
        %swap3A_378 = arith.index_cast %scan3A_148 : i32 to index
        %swap3A_379 = arith.index_cast %add3A_368 : i32 to index
        %swap3A_380 = tpu.vector_load %arg12[%swap3A_378, %swap3A_379] {strides = array<i32>} : memref<16x1024xf32, #tpu.memory_space<vmem>>, vector<1x16xf32>,
        %swap3A_381 = vector.shape_cast %swap3A_380 : vector<1x16xf32> to vector<16xf32>
        %swap3A_382 = vector.shape_cast %add3A_377 : vector<16xf32> to vector<1x16xf32>
        tpu.vector_store %arg12[%swap3A_378, %swap3A_379], %swap3A_382 {strides = array<i32>} : memref<16x1024xf32, #tpu.memory_space<vmem>>, vector<1x16xf32>,
        %add3A_383 = arith.constant 224 : i32
        %add3A_384 = arith.addi %mul3A_160, %add3A_383 : i32
        %get3A_385 = arith.index_cast %scan3A_148 : i32 to index
        %get3A_386 = arith.index_cast %add3A_384 : i32 to index
        %get3A_387 = tpu.vector_load %arg8[%get3A_385, %get3A_386] {strides = array<i32>} : memref<16x1024xf32, #tpu.memory_space<vmem>>, vector<1x16xf32>,
        %get3A_388 = vector.shape_cast %get3A_387 : vector<1x16xf32> to vector<16xf32>
        %get3A_389 = arith.index_cast %scan3A_148 : i32 to index
        %get3A_390 = arith.index_cast %add3A_384 : i32 to index
        %get3A_391 = tpu.vector_load %arg9[%get3A_389, %get3A_390] {strides = array<i32>} : memref<16x1024xf32, #tpu.memory_space<vmem>>, vector<1x16xf32>,
        %get3A_392 = vector.shape_cast %get3A_391 : vector<1x16xf32> to vector<16xf32>
        %add3A_393 = arith.addf %get3A_388, %get3A_392 : vector<16xf32>
        %swap3A_394 = arith.index_cast %scan3A_148 : i32 to index
        %swap3A_395 = arith.index_cast %add3A_384 : i32 to index
        %swap3A_396 = tpu.vector_load %arg12[%swap3A_394, %swap3A_395] {strides = array<i32>} : memref<16x1024xf32, #tpu.memory_space<vmem>>, vector<1x16xf32>,
        %swap3A_397 = vector.shape_cast %swap3A_396 : vector<1x16xf32> to vector<16xf32>
        %swap3A_398 = vector.shape_cast %add3A_393 : vector<16xf32> to vector<1x16xf32>
        tpu.vector_store %arg12[%swap3A_394, %swap3A_395], %swap3A_398 {strides = array<i32>} : memref<16x1024xf32, #tpu.memory_space<vmem>>, vector<1x16xf32>,
        %add3A_399 = arith.constant 240 : i32
        %add3A_400 = arith.addi %mul3A_160, %add3A_399 : i32
        %get3A_401 = arith.index_cast %scan3A_148 : i32 to index
        %get3A_402 = arith.index_cast %add3A_400 : i32 to index
        %get3A_403 = tpu.vector_load %arg8[%get3A_401, %get3A_402] {strides = array<i32>} : memref<16x1024xf32, #tpu.memory_space<vmem>>, vector<1x16xf32>,
        %get3A_404 = vector.shape_cast %get3A_403 : vector<1x16xf32> to vector<16xf32>
        %get3A_405 = arith.index_cast %scan3A_148 : i32 to index
        %get3A_406 = arith.index_cast %add3A_400 : i32 to index
        %get3A_407 = tpu.vector_load %arg9[%get3A_405, %get3A_406] {strides = array<i32>} : memref<16x1024xf32, #tpu.memory_space<vmem>>, vector<1x16xf32>,
        %get3A_408 = vector.shape_cast %get3A_407 : vector<1x16xf32> to vector<16xf32>
        %add3A_409 = arith.addf %get3A_404, %get3A_408 : vector<16xf32>
        %swap3A_410 = arith.index_cast %scan3A_148 : i32 to index
        %swap3A_411 = arith.index_cast %add3A_400 : i32 to index
        %swap3A_412 = tpu.vector_load %arg12[%swap3A_410, %swap3A_411] {strides = array<i32>} : memref<16x1024xf32, #tpu.memory_space<vmem>>, vector<1x16xf32>,
        %swap3A_413 = vector.shape_cast %swap3A_412 : vector<1x16xf32> to vector<16xf32>
        %swap3A_414 = vector.shape_cast %add3A_409 : vector<16xf32> to vector<1x16xf32>
        tpu.vector_store %arg12[%swap3A_410, %swap3A_411], %swap3A_414 {strides = array<i32>} : memref<16x1024xf32, #tpu.memory_space<vmem>>, vector<1x16xf32>,
        %scan3A_415 = arith.constant 0 : i32
        scf.yield %scan3A_415 : i32
      }
      %scan3A_156 = arith.constant 4 : i32
      scf.yield %scan3A_155 : i32
    }
    %scan3A_36 = arith.constant 16 : i32
    %add3A_37 = arith.constant 0 : i32
    %add3A_38 = arith.addi %mul3A_2, %add3A_37 : i32
    %dma_start3A_39 = arith.constant 0 : i32
    %dma_start3A_40 = tpu.memref_slice %arg5[%add3A_38, %dma_start3A_39] : memref<2048x1024xf32, #tpu.memory_space<hbm>> -> memref<16x1024xf32, #tpu.memory_space<hbm>>
    %dma_start3A_41 = arith.constant 0 : i32
    %dma_start3A_42 = tpu.memref_slice %arg5[%add3A_38, %dma_start3A_41] : memref<2048x1024xf32, #tpu.memory_space<hbm>> -> memref<16x1024xf32, #tpu.memory_space<hbm>>
    tpu.enqueue_dma source(%arg12 : memref<16x1024xf32, #tpu.memory_space<vmem>>) target(%dma_start3A_42 : memref<16x1024xf32, #tpu.memory_space<hbm>>) target_semaphore(%arg18 : memref<!tpu.dma_semaphore, #tpu.memory_space<semaphore_mem>>)
    %dma_wait3A_43 = arith.constant 16 : i32
    %dma_wait3A_44 = tpu.memref_slice %arg6[%dma_wait3A_43] : memref<64xi32, #tpu.memory_space<vmem>> -> memref<16xi32, #tpu.memory_space<vmem>>
    %dma_wait3A_45 = arith.constant 0 : i32
    %dma_wait3A_46 = arith.constant 0 : i32
    %dma_wait3A_47 = tpu.memref_slice %arg2[%dma_wait3A_45, %dma_wait3A_46] : memref<5888x1024xf32, #tpu.memory_space<hbm>> -> memref<5888x1024xf32, #tpu.memory_space<hbm>>
    tpu.wait_indirect_dma semaphore(%arg16 : memref<!tpu.dma_semaphore, #tpu.memory_space<semaphore_mem>>) src(%dma_wait3A_47 : memref<5888x1024xf32, #tpu.memory_space<hbm>>) dst(%arg10 : memref<16x1024xf32, #tpu.memory_space<vmem>>)
    %dma_wait3A_48 = arith.constant 16 : i32
    %dma_wait3A_49 = tpu.memref_slice %arg7[%dma_wait3A_48] : memref<64xi32, #tpu.memory_space<vmem>> -> memref<16xi32, #tpu.memory_space<vmem>>
    %dma_wait3A_50 = arith.constant 0 : i32
    %dma_wait3A_51 = arith.constant 0 : i32
    %dma_wait3A_52 = tpu.memref_slice %arg2[%dma_wait3A_50, %dma_wait3A_51] : memref<5888x1024xf32, #tpu.memory_space<hbm>> -> memref<5888x1024xf32, #tpu.memory_space<hbm>>
    tpu.wait_indirect_dma semaphore(%arg17 : memref<!tpu.dma_semaphore, #tpu.memory_space<semaphore_mem>>) src(%dma_wait3A_52 : memref<5888x1024xf32, #tpu.memory_space<hbm>>) dst(%arg11 : memref<16x1024xf32, #tpu.memory_space<vmem>>)
    %dma_start3A_53 = arith.constant 32 : i32
    %dma_start3A_54 = tpu.memref_slice %arg6[%dma_start3A_53] : memref<64xi32, #tpu.memory_space<vmem>> -> memref<16xi32, #tpu.memory_space<vmem>>
    %dma_start3A_55 = arith.constant 0 : i32
    %dma_start3A_56 = arith.constant 0 : i32
    %dma_start3A_57 = tpu.memref_slice %arg2[%dma_start3A_55, %dma_start3A_56] : memref<5888x1024xf32, #tpu.memory_space<hbm>> -> memref<5888x1024xf32, #tpu.memory_space<hbm>>
    tpu.enqueue_indirect_dma source(%dma_start3A_57 : memref<5888x1024xf32, #tpu.memory_space<hbm>>) target(%arg8 : memref<16x1024xf32, #tpu.memory_space<vmem>>) offsets(%dma_start3A_54 : memref<16xi32, #tpu.memory_space<vmem>>) semaphore(%arg14 : memref<!tpu.dma_semaphore, #tpu.memory_space<semaphore_mem>>)
    %dma_start3A_58 = arith.constant 32 : i32
    %dma_start3A_59 = tpu.memref_slice %arg7[%dma_start3A_58] : memref<64xi32, #tpu.memory_space<vmem>> -> memref<16xi32, #tpu.memory_space<vmem>>
    %dma_start3A_60 = arith.constant 0 : i32
    %dma_start3A_61 = arith.constant 0 : i32
    %dma_start3A_62 = tpu.memref_slice %arg2[%dma_start3A_60, %dma_start3A_61] : memref<5888x1024xf32, #tpu.memory_space<hbm>> -> memref<5888x1024xf32, #tpu.memory_space<hbm>>
    tpu.enqueue_indirect_dma source(%dma_start3A_62 : memref<5888x1024xf32, #tpu.memory_space<hbm>>) target(%arg9 : memref<16x1024xf32, #tpu.memory_space<vmem>>) offsets(%dma_start3A_59 : memref<16xi32, #tpu.memory_space<vmem>>) semaphore(%arg15 : memref<!tpu.dma_semaphore, #tpu.memory_space<semaphore_mem>>)
    %scan3A_63 = arith.constant 0 : i32
    %scan3A_64 = arith.constant 0 : i32
    %scan3A_65 = arith.constant 16 : i32
    %scan3A_66 = arith.addi %scan3A_64, %scan3A_65 : i32
    %scan3A_67 = arith.constant 1 : i32
    %scan3A_68 = scf.for %scan3A_148 = %scan3A_64 to %scan3A_66 step %scan3A_67 iter_args(%scan3A_149 = %scan3A_63) -> (i32)  : i32 {
      %scan3A_150 = arith.constant 0 : i32
      %scan3A_151 = arith.constant 0 : i32
      %scan3A_152 = arith.constant 4 : i32
      %scan3A_153 = arith.addi %scan3A_151, %scan3A_152 : i32
      %scan3A_154 = arith.constant 1 : i32
      %scan3A_155 = scf.for %scan3A_157 = %scan3A_151 to %scan3A_153 step %scan3A_154 iter_args(%scan3A_158 = %scan3A_150) -> (i32)  : i32 {
        %mul3A_159 = arith.constant 256 : i32
        %mul3A_160 = arith.muli %scan3A_157, %mul3A_159 : i32
        %add3A_161 = arith.constant 0 : i32
        %add3A_162 = arith.addi %mul3A_160, %add3A_161 : i32
        %get3A = arith.index_cast %scan3A_148 : i32 to index
        %get3A_163 = arith.index_cast %add3A_162 : i32 to index
        %get3A_164 = tpu.vector_load %arg10[%get3A, %get3A_163] {strides = array<i32>} : memref<16x1024xf32, #tpu.memory_space<vmem>>, vector<1x16xf32>,
        %get3A_165 = vector.shape_cast %get3A_164 : vector<1x16xf32> to vector<16xf32>
        %get3A_166 = arith.index_cast %scan3A_148 : i32 to index
        %get3A_167 = arith.index_cast %add3A_162 : i32 to index
        %get3A_168 = tpu.vector_load %arg11[%get3A_166, %get3A_167] {strides = array<i32>} : memref<16x1024xf32, #tpu.memory_space<vmem>>, vector<1x16xf32>,
        %get3A_169 = vector.shape_cast %get3A_168 : vector<1x16xf32> to vector<16xf32>
        %add3A_170 = arith.addf %get3A_165, %get3A_169 : vector<16xf32>
        %swap3A = arith.index_cast %scan3A_148 : i32 to index
        %swap3A_171 = arith.index_cast %add3A_162 : i32 to index
        %swap3A_172 = tpu.vector_load %arg13[%swap3A, %swap3A_171] {strides = array<i32>} : memref<16x1024xf32, #tpu.memory_space<vmem>>, vector<1x16xf32>,
        %swap3A_173 = vector.shape_cast %swap3A_172 : vector<1x16xf32> to vector<16xf32>
        %swap3A_174 = vector.shape_cast %add3A_170 : vector<16xf32> to vector<1x16xf32>
        tpu.vector_store %arg13[%swap3A, %swap3A_171], %swap3A_174 {strides = array<i32>} : memref<16x1024xf32, #tpu.memory_space<vmem>>, vector<1x16xf32>,
        %add3A_175 = arith.constant 16 : i32
        %add3A_176 = arith.addi %mul3A_160, %add3A_175 : i32
        %get3A_177 = arith.index_cast %scan3A_148 : i32 to index
        %get3A_178 = arith.index_cast %add3A_176 : i32 to index
        %get3A_179 = tpu.vector_load %arg10[%get3A_177, %get3A_178] {strides = array<i32>} : memref<16x1024xf32, #tpu.memory_space<vmem>>, vector<1x16xf32>,
        %get3A_180 = vector.shape_cast %get3A_179 : vector<1x16xf32> to vector<16xf32>
        %get3A_181 = arith.index_cast %scan3A_148 : i32 to index
        %get3A_182 = arith.index_cast %add3A_176 : i32 to index
        %get3A_183 = tpu.vector_load %arg11[%get3A_181, %get3A_182] {strides = array<i32>} : memref<16x1024xf32, #tpu.memory_space<vmem>>, vector<1x16xf32>,
        %get3A_184 = vector.shape_cast %get3A_183 : vector<1x16xf32> to vector<16xf32>
        %add3A_185 = arith.addf %get3A_180, %get3A_184 : vector<16xf32>
        %swap3A_186 = arith.index_cast %scan3A_148 : i32 to index
        %swap3A_187 = arith.index_cast %add3A_176 : i32 to index
        %swap3A_188 = tpu.vector_load %arg13[%swap3A_186, %swap3A_187] {strides = array<i32>} : memref<16x1024xf32, #tpu.memory_space<vmem>>, vector<1x16xf32>,
        %swap3A_189 = vector.shape_cast %swap3A_188 : vector<1x16xf32> to vector<16xf32>
        %swap3A_190 = vector.shape_cast %add3A_185 : vector<16xf32> to vector<1x16xf32>
        tpu.vector_store %arg13[%swap3A_186, %swap3A_187], %swap3A_190 {strides = array<i32>} : memref<16x1024xf32, #tpu.memory_space<vmem>>, vector<1x16xf32>,
        %add3A_191 = arith.constant 32 : i32
        %add3A_192 = arith.addi %mul3A_160, %add3A_191 : i32
        %get3A_193 = arith.index_cast %scan3A_148 : i32 to index
        %get3A_194 = arith.index_cast %add3A_192 : i32 to index
        %get3A_195 = tpu.vector_load %arg10[%get3A_193, %get3A_194] {strides = array<i32>} : memref<16x1024xf32, #tpu.memory_space<vmem>>, vector<1x16xf32>,
        %get3A_196 = vector.shape_cast %get3A_195 : vector<1x16xf32> to vector<16xf32>
        %get3A_197 = arith.index_cast %scan3A_148 : i32 to index
        %get3A_198 = arith.index_cast %add3A_192 : i32 to index
        %get3A_199 = tpu.vector_load %arg11[%get3A_197, %get3A_198] {strides = array<i32>} : memref<16x1024xf32, #tpu.memory_space<vmem>>, vector<1x16xf32>,
        %get3A_200 = vector.shape_cast %get3A_199 : vector<1x16xf32> to vector<16xf32>
        %add3A_201 = arith.addf %get3A_196, %get3A_200 : vector<16xf32>
        %swap3A_202 = arith.index_cast %scan3A_148 : i32 to index
        %swap3A_203 = arith.index_cast %add3A_192 : i32 to index
        %swap3A_204 = tpu.vector_load %arg13[%swap3A_202, %swap3A_203] {strides = array<i32>} : memref<16x1024xf32, #tpu.memory_space<vmem>>, vector<1x16xf32>,
        %swap3A_205 = vector.shape_cast %swap3A_204 : vector<1x16xf32> to vector<16xf32>
        %swap3A_206 = vector.shape_cast %add3A_201 : vector<16xf32> to vector<1x16xf32>
        tpu.vector_store %arg13[%swap3A_202, %swap3A_203], %swap3A_206 {strides = array<i32>} : memref<16x1024xf32, #tpu.memory_space<vmem>>, vector<1x16xf32>,
        %add3A_207 = arith.constant 48 : i32
        %add3A_208 = arith.addi %mul3A_160, %add3A_207 : i32
        %get3A_209 = arith.index_cast %scan3A_148 : i32 to index
        %get3A_210 = arith.index_cast %add3A_208 : i32 to index
        %get3A_211 = tpu.vector_load %arg10[%get3A_209, %get3A_210] {strides = array<i32>} : memref<16x1024xf32, #tpu.memory_space<vmem>>, vector<1x16xf32>,
        %get3A_212 = vector.shape_cast %get3A_211 : vector<1x16xf32> to vector<16xf32>
        %get3A_213 = arith.index_cast %scan3A_148 : i32 to index
        %get3A_214 = arith.index_cast %add3A_208 : i32 to index
        %get3A_215 = tpu.vector_load %arg11[%get3A_213, %get3A_214] {strides = array<i32>} : memref<16x1024xf32, #tpu.memory_space<vmem>>, vector<1x16xf32>,
        %get3A_216 = vector.shape_cast %get3A_215 : vector<1x16xf32> to vector<16xf32>
        %add3A_217 = arith.addf %get3A_212, %get3A_216 : vector<16xf32>
        %swap3A_218 = arith.index_cast %scan3A_148 : i32 to index
        %swap3A_219 = arith.index_cast %add3A_208 : i32 to index
        %swap3A_220 = tpu.vector_load %arg13[%swap3A_218, %swap3A_219] {strides = array<i32>} : memref<16x1024xf32, #tpu.memory_space<vmem>>, vector<1x16xf32>,
        %swap3A_221 = vector.shape_cast %swap3A_220 : vector<1x16xf32> to vector<16xf32>
        %swap3A_222 = vector.shape_cast %add3A_217 : vector<16xf32> to vector<1x16xf32>
        tpu.vector_store %arg13[%swap3A_218, %swap3A_219], %swap3A_222 {strides = array<i32>} : memref<16x1024xf32, #tpu.memory_space<vmem>>, vector<1x16xf32>,
        %add3A_223 = arith.constant 64 : i32
        %add3A_224 = arith.addi %mul3A_160, %add3A_223 : i32
        %get3A_225 = arith.index_cast %scan3A_148 : i32 to index
        %get3A_226 = arith.index_cast %add3A_224 : i32 to index
        %get3A_227 = tpu.vector_load %arg10[%get3A_225, %get3A_226] {strides = array<i32>} : memref<16x1024xf32, #tpu.memory_space<vmem>>, vector<1x16xf32>,
        %get3A_228 = vector.shape_cast %get3A_227 : vector<1x16xf32> to vector<16xf32>
        %get3A_229 = arith.index_cast %scan3A_148 : i32 to index
        %get3A_230 = arith.index_cast %add3A_224 : i32 to index
        %get3A_231 = tpu.vector_load %arg11[%get3A_229, %get3A_230] {strides = array<i32>} : memref<16x1024xf32, #tpu.memory_space<vmem>>, vector<1x16xf32>,
        %get3A_232 = vector.shape_cast %get3A_231 : vector<1x16xf32> to vector<16xf32>
        %add3A_233 = arith.addf %get3A_228, %get3A_232 : vector<16xf32>
        %swap3A_234 = arith.index_cast %scan3A_148 : i32 to index
        %swap3A_235 = arith.index_cast %add3A_224 : i32 to index
        %swap3A_236 = tpu.vector_load %arg13[%swap3A_234, %swap3A_235] {strides = array<i32>} : memref<16x1024xf32, #tpu.memory_space<vmem>>, vector<1x16xf32>,
        %swap3A_237 = vector.shape_cast %swap3A_236 : vector<1x16xf32> to vector<16xf32>
        %swap3A_238 = vector.shape_cast %add3A_233 : vector<16xf32> to vector<1x16xf32>
        tpu.vector_store %arg13[%swap3A_234, %swap3A_235], %swap3A_238 {strides = array<i32>} : memref<16x1024xf32, #tpu.memory_space<vmem>>, vector<1x16xf32>,
        %add3A_239 = arith.constant 80 : i32
        %add3A_240 = arith.addi %mul3A_160, %add3A_239 : i32
        %get3A_241 = arith.index_cast %scan3A_148 : i32 to index
        %get3A_242 = arith.index_cast %add3A_240 : i32 to index
        %get3A_243 = tpu.vector_load %arg10[%get3A_241, %get3A_242] {strides = array<i32>} : memref<16x1024xf32, #tpu.memory_space<vmem>>, vector<1x16xf32>,
        %get3A_244 = vector.shape_cast %get3A_243 : vector<1x16xf32> to vector<16xf32>
        %get3A_245 = arith.index_cast %scan3A_148 : i32 to index
        %get3A_246 = arith.index_cast %add3A_240 : i32 to index
        %get3A_247 = tpu.vector_load %arg11[%get3A_245, %get3A_246] {strides = array<i32>} : memref<16x1024xf32, #tpu.memory_space<vmem>>, vector<1x16xf32>,
        %get3A_248 = vector.shape_cast %get3A_247 : vector<1x16xf32> to vector<16xf32>
        %add3A_249 = arith.addf %get3A_244, %get3A_248 : vector<16xf32>
        %swap3A_250 = arith.index_cast %scan3A_148 : i32 to index
        %swap3A_251 = arith.index_cast %add3A_240 : i32 to index
        %swap3A_252 = tpu.vector_load %arg13[%swap3A_250, %swap3A_251] {strides = array<i32>} : memref<16x1024xf32, #tpu.memory_space<vmem>>, vector<1x16xf32>,
        %swap3A_253 = vector.shape_cast %swap3A_252 : vector<1x16xf32> to vector<16xf32>
        %swap3A_254 = vector.shape_cast %add3A_249 : vector<16xf32> to vector<1x16xf32>
        tpu.vector_store %arg13[%swap3A_250, %swap3A_251], %swap3A_254 {strides = array<i32>} : memref<16x1024xf32, #tpu.memory_space<vmem>>, vector<1x16xf32>,
        %add3A_255 = arith.constant 96 : i32
        %add3A_256 = arith.addi %mul3A_160, %add3A_255 : i32
        %get3A_257 = arith.index_cast %scan3A_148 : i32 to index
        %get3A_258 = arith.index_cast %add3A_256 : i32 to index
        %get3A_259 = tpu.vector_load %arg10[%get3A_257, %get3A_258] {strides = array<i32>} : memref<16x1024xf32, #tpu.memory_space<vmem>>, vector<1x16xf32>,
        %get3A_260 = vector.shape_cast %get3A_259 : vector<1x16xf32> to vector<16xf32>
        %get3A_261 = arith.index_cast %scan3A_148 : i32 to index
        %get3A_262 = arith.index_cast %add3A_256 : i32 to index
        %get3A_263 = tpu.vector_load %arg11[%get3A_261, %get3A_262] {strides = array<i32>} : memref<16x1024xf32, #tpu.memory_space<vmem>>, vector<1x16xf32>,
        %get3A_264 = vector.shape_cast %get3A_263 : vector<1x16xf32> to vector<16xf32>
        %add3A_265 = arith.addf %get3A_260, %get3A_264 : vector<16xf32>
        %swap3A_266 = arith.index_cast %scan3A_148 : i32 to index
        %swap3A_267 = arith.index_cast %add3A_256 : i32 to index
        %swap3A_268 = tpu.vector_load %arg13[%swap3A_266, %swap3A_267] {strides = array<i32>} : memref<16x1024xf32, #tpu.memory_space<vmem>>, vector<1x16xf32>,
        %swap3A_269 = vector.shape_cast %swap3A_268 : vector<1x16xf32> to vector<16xf32>
        %swap3A_270 = vector.shape_cast %add3A_265 : vector<16xf32> to vector<1x16xf32>
        tpu.vector_store %arg13[%swap3A_266, %swap3A_267], %swap3A_270 {strides = array<i32>} : memref<16x1024xf32, #tpu.memory_space<vmem>>, vector<1x16xf32>,
        %add3A_271 = arith.constant 112 : i32
        %add3A_272 = arith.addi %mul3A_160, %add3A_271 : i32
        %get3A_273 = arith.index_cast %scan3A_148 : i32 to index
        %get3A_274 = arith.index_cast %add3A_272 : i32 to index
        %get3A_275 = tpu.vector_load %arg10[%get3A_273, %get3A_274] {strides = array<i32>} : memref<16x1024xf32, #tpu.memory_space<vmem>>, vector<1x16xf32>,
        %get3A_276 = vector.shape_cast %get3A_275 : vector<1x16xf32> to vector<16xf32>
        %get3A_277 = arith.index_cast %scan3A_148 : i32 to index
        %get3A_278 = arith.index_cast %add3A_272 : i32 to index
        %get3A_279 = tpu.vector_load %arg11[%get3A_277, %get3A_278] {strides = array<i32>} : memref<16x1024xf32, #tpu.memory_space<vmem>>, vector<1x16xf32>,
        %get3A_280 = vector.shape_cast %get3A_279 : vector<1x16xf32> to vector<16xf32>
        %add3A_281 = arith.addf %get3A_276, %get3A_280 : vector<16xf32>
        %swap3A_282 = arith.index_cast %scan3A_148 : i32 to index
        %swap3A_283 = arith.index_cast %add3A_272 : i32 to index
        %swap3A_284 = tpu.vector_load %arg13[%swap3A_282, %swap3A_283] {strides = array<i32>} : memref<16x1024xf32, #tpu.memory_space<vmem>>, vector<1x16xf32>,
        %swap3A_285 = vector.shape_cast %swap3A_284 : vector<1x16xf32> to vector<16xf32>
        %swap3A_286 = vector.shape_cast %add3A_281 : vector<16xf32> to vector<1x16xf32>
        tpu.vector_store %arg13[%swap3A_282, %swap3A_283], %swap3A_286 {strides = array<i32>} : memref<16x1024xf32, #tpu.memory_space<vmem>>, vector<1x16xf32>,
        %add3A_287 = arith.constant 128 : i32
        %add3A_288 = arith.addi %mul3A_160, %add3A_287 : i32
        %get3A_289 = arith.index_cast %scan3A_148 : i32 to index
        %get3A_290 = arith.index_cast %add3A_288 : i32 to index
        %get3A_291 = tpu.vector_load %arg10[%get3A_289, %get3A_290] {strides = array<i32>} : memref<16x1024xf32, #tpu.memory_space<vmem>>, vector<1x16xf32>,
        %get3A_292 = vector.shape_cast %get3A_291 : vector<1x16xf32> to vector<16xf32>
        %get3A_293 = arith.index_cast %scan3A_148 : i32 to index
        %get3A_294 = arith.index_cast %add3A_288 : i32 to index
        %get3A_295 = tpu.vector_load %arg11[%get3A_293, %get3A_294] {strides = array<i32>} : memref<16x1024xf32, #tpu.memory_space<vmem>>, vector<1x16xf32>,
        %get3A_296 = vector.shape_cast %get3A_295 : vector<1x16xf32> to vector<16xf32>
        %add3A_297 = arith.addf %get3A_292, %get3A_296 : vector<16xf32>
        %swap3A_298 = arith.index_cast %scan3A_148 : i32 to index
        %swap3A_299 = arith.index_cast %add3A_288 : i32 to index
        %swap3A_300 = tpu.vector_load %arg13[%swap3A_298, %swap3A_299] {strides = array<i32>} : memref<16x1024xf32, #tpu.memory_space<vmem>>, vector<1x16xf32>,
        %swap3A_301 = vector.shape_cast %swap3A_300 : vector<1x16xf32> to vector<16xf32>
        %swap3A_302 = vector.shape_cast %add3A_297 : vector<16xf32> to vector<1x16xf32>
        tpu.vector_store %arg13[%swap3A_298, %swap3A_299], %swap3A_302 {strides = array<i32>} : memref<16x1024xf32, #tpu.memory_space<vmem>>, vector<1x16xf32>,
        %add3A_303 = arith.constant 144 : i32
        %add3A_304 = arith.addi %mul3A_160, %add3A_303 : i32
        %get3A_305 = arith.index_cast %scan3A_148 : i32 to index
        %get3A_306 = arith.index_cast %add3A_304 : i32 to index
        %get3A_307 = tpu.vector_load %arg10[%get3A_305, %get3A_306] {strides = array<i32>} : memref<16x1024xf32, #tpu.memory_space<vmem>>, vector<1x16xf32>,
        %get3A_308 = vector.shape_cast %get3A_307 : vector<1x16xf32> to vector<16xf32>
        %get3A_309 = arith.index_cast %scan3A_148 : i32 to index
        %get3A_310 = arith.index_cast %add3A_304 : i32 to index
        %get3A_311 = tpu.vector_load %arg11[%get3A_309, %get3A_310] {strides = array<i32>} : memref<16x1024xf32, #tpu.memory_space<vmem>>, vector<1x16xf32>,
        %get3A_312 = vector.shape_cast %get3A_311 : vector<1x16xf32> to vector<16xf32>
        %add3A_313 = arith.addf %get3A_308, %get3A_312 : vector<16xf32>
        %swap3A_314 = arith.index_cast %scan3A_148 : i32 to index
        %swap3A_315 = arith.index_cast %add3A_304 : i32 to index
        %swap3A_316 = tpu.vector_load %arg13[%swap3A_314, %swap3A_315] {strides = array<i32>} : memref<16x1024xf32, #tpu.memory_space<vmem>>, vector<1x16xf32>,
        %swap3A_317 = vector.shape_cast %swap3A_316 : vector<1x16xf32> to vector<16xf32>
        %swap3A_318 = vector.shape_cast %add3A_313 : vector<16xf32> to vector<1x16xf32>
        tpu.vector_store %arg13[%swap3A_314, %swap3A_315], %swap3A_318 {strides = array<i32>} : memref<16x1024xf32, #tpu.memory_space<vmem>>, vector<1x16xf32>,
        %add3A_319 = arith.constant 160 : i32
        %add3A_320 = arith.addi %mul3A_160, %add3A_319 : i32
        %get3A_321 = arith.index_cast %scan3A_148 : i32 to index
        %get3A_322 = arith.index_cast %add3A_320 : i32 to index
        %get3A_323 = tpu.vector_load %arg10[%get3A_321, %get3A_322] {strides = array<i32>} : memref<16x1024xf32, #tpu.memory_space<vmem>>, vector<1x16xf32>,
        %get3A_324 = vector.shape_cast %get3A_323 : vector<1x16xf32> to vector<16xf32>
        %get3A_325 = arith.index_cast %scan3A_148 : i32 to index
        %get3A_326 = arith.index_cast %add3A_320 : i32 to index
        %get3A_327 = tpu.vector_load %arg11[%get3A_325, %get3A_326] {strides = array<i32>} : memref<16x1024xf32, #tpu.memory_space<vmem>>, vector<1x16xf32>,
        %get3A_328 = vector.shape_cast %get3A_327 : vector<1x16xf32> to vector<16xf32>
        %add3A_329 = arith.addf %get3A_324, %get3A_328 : vector<16xf32>
        %swap3A_330 = arith.index_cast %scan3A_148 : i32 to index
        %swap3A_331 = arith.index_cast %add3A_320 : i32 to index
        %swap3A_332 = tpu.vector_load %arg13[%swap3A_330, %swap3A_331] {strides = array<i32>} : memref<16x1024xf32, #tpu.memory_space<vmem>>, vector<1x16xf32>,
        %swap3A_333 = vector.shape_cast %swap3A_332 : vector<1x16xf32> to vector<16xf32>
        %swap3A_334 = vector.shape_cast %add3A_329 : vector<16xf32> to vector<1x16xf32>
        tpu.vector_store %arg13[%swap3A_330, %swap3A_331], %swap3A_334 {strides = array<i32>} : memref<16x1024xf32, #tpu.memory_space<vmem>>, vector<1x16xf32>,
        %add3A_335 = arith.constant 176 : i32
        %add3A_336 = arith.addi %mul3A_160, %add3A_335 : i32
        %get3A_337 = arith.index_cast %scan3A_148 : i32 to index
        %get3A_338 = arith.index_cast %add3A_336 : i32 to index
        %get3A_339 = tpu.vector_load %arg10[%get3A_337, %get3A_338] {strides = array<i32>} : memref<16x1024xf32, #tpu.memory_space<vmem>>, vector<1x16xf32>,
        %get3A_340 = vector.shape_cast %get3A_339 : vector<1x16xf32> to vector<16xf32>
        %get3A_341 = arith.index_cast %scan3A_148 : i32 to index
        %get3A_342 = arith.index_cast %add3A_336 : i32 to index
        %get3A_343 = tpu.vector_load %arg11[%get3A_341, %get3A_342] {strides = array<i32>} : memref<16x1024xf32, #tpu.memory_space<vmem>>, vector<1x16xf32>,
        %get3A_344 = vector.shape_cast %get3A_343 : vector<1x16xf32> to vector<16xf32>
        %add3A_345 = arith.addf %get3A_340, %get3A_344 : vector<16xf32>
        %swap3A_346 = arith.index_cast %scan3A_148 : i32 to index
        %swap3A_347 = arith.index_cast %add3A_336 : i32 to index
        %swap3A_348 = tpu.vector_load %arg13[%swap3A_346, %swap3A_347] {strides = array<i32>} : memref<16x1024xf32, #tpu.memory_space<vmem>>, vector<1x16xf32>,
        %swap3A_349 = vector.shape_cast %swap3A_348 : vector<1x16xf32> to vector<16xf32>
        %swap3A_350 = vector.shape_cast %add3A_345 : vector<16xf32> to vector<1x16xf32>
        tpu.vector_store %arg13[%swap3A_346, %swap3A_347], %swap3A_350 {strides = array<i32>} : memref<16x1024xf32, #tpu.memory_space<vmem>>, vector<1x16xf32>,
        %add3A_351 = arith.constant 192 : i32
        %add3A_352 = arith.addi %mul3A_160, %add3A_351 : i32
        %get3A_353 = arith.index_cast %scan3A_148 : i32 to index
        %get3A_354 = arith.index_cast %add3A_352 : i32 to index
        %get3A_355 = tpu.vector_load %arg10[%get3A_353, %get3A_354] {strides = array<i32>} : memref<16x1024xf32, #tpu.memory_space<vmem>>, vector<1x16xf32>,
        %get3A_356 = vector.shape_cast %get3A_355 : vector<1x16xf32> to vector<16xf32>
        %get3A_357 = arith.index_cast %scan3A_148 : i32 to index
        %get3A_358 = arith.index_cast %add3A_352 : i32 to index
        %get3A_359 = tpu.vector_load %arg11[%get3A_357, %get3A_358] {strides = array<i32>} : memref<16x1024xf32, #tpu.memory_space<vmem>>, vector<1x16xf32>,
        %get3A_360 = vector.shape_cast %get3A_359 : vector<1x16xf32> to vector<16xf32>
        %add3A_361 = arith.addf %get3A_356, %get3A_360 : vector<16xf32>
        %swap3A_362 = arith.index_cast %scan3A_148 : i32 to index
        %swap3A_363 = arith.index_cast %add3A_352 : i32 to index
        %swap3A_364 = tpu.vector_load %arg13[%swap3A_362, %swap3A_363] {strides = array<i32>} : memref<16x1024xf32, #tpu.memory_space<vmem>>, vector<1x16xf32>,
        %swap3A_365 = vector.shape_cast %swap3A_364 : vector<1x16xf32> to vector<16xf32>
        %swap3A_366 = vector.shape_cast %add3A_361 : vector<16xf32> to vector<1x16xf32>
        tpu.vector_store %arg13[%swap3A_362, %swap3A_363], %swap3A_366 {strides = array<i32>} : memref<16x1024xf32, #tpu.memory_space<vmem>>, vector<1x16xf32>,
        %add3A_367 = arith.constant 208 : i32
        %add3A_368 = arith.addi %mul3A_160, %add3A_367 : i32
        %get3A_369 = arith.index_cast %scan3A_148 : i32 to index
        %get3A_370 = arith.index_cast %add3A_368 : i32 to index
        %get3A_371 = tpu.vector_load %arg10[%get3A_369, %get3A_370] {strides = array<i32>} : memref<16x1024xf32, #tpu.memory_space<vmem>>, vector<1x16xf32>,
        %get3A_372 = vector.shape_cast %get3A_371 : vector<1x16xf32> to vector<16xf32>
        %get3A_373 = arith.index_cast %scan3A_148 : i32 to index
        %get3A_374 = arith.index_cast %add3A_368 : i32 to index
        %get3A_375 = tpu.vector_load %arg11[%get3A_373, %get3A_374] {strides = array<i32>} : memref<16x1024xf32, #tpu.memory_space<vmem>>, vector<1x16xf32>,
        %get3A_376 = vector.shape_cast %get3A_375 : vector<1x16xf32> to vector<16xf32>
        %add3A_377 = arith.addf %get3A_372, %get3A_376 : vector<16xf32>
        %swap3A_378 = arith.index_cast %scan3A_148 : i32 to index
        %swap3A_379 = arith.index_cast %add3A_368 : i32 to index
        %swap3A_380 = tpu.vector_load %arg13[%swap3A_378, %swap3A_379] {strides = array<i32>} : memref<16x1024xf32, #tpu.memory_space<vmem>>, vector<1x16xf32>,
        %swap3A_381 = vector.shape_cast %swap3A_380 : vector<1x16xf32> to vector<16xf32>
        %swap3A_382 = vector.shape_cast %add3A_377 : vector<16xf32> to vector<1x16xf32>
        tpu.vector_store %arg13[%swap3A_378, %swap3A_379], %swap3A_382 {strides = array<i32>} : memref<16x1024xf32, #tpu.memory_space<vmem>>, vector<1x16xf32>,
        %add3A_383 = arith.constant 224 : i32
        %add3A_384 = arith.addi %mul3A_160, %add3A_383 : i32
        %get3A_385 = arith.index_cast %scan3A_148 : i32 to index
        %get3A_386 = arith.index_cast %add3A_384 : i32 to index
        %get3A_387 = tpu.vector_load %arg10[%get3A_385, %get3A_386] {strides = array<i32>} : memref<16x1024xf32, #tpu.memory_space<vmem>>, vector<1x16xf32>,
        %get3A_388 = vector.shape_cast %get3A_387 : vector<1x16xf32> to vector<16xf32>
        %get3A_389 = arith.index_cast %scan3A_148 : i32 to index
        %get3A_390 = arith.index_cast %add3A_384 : i32 to index
        %get3A_391 = tpu.vector_load %arg11[%get3A_389, %get3A_390] {strides = array<i32>} : memref<16x1024xf32, #tpu.memory_space<vmem>>, vector<1x16xf32>,
        %get3A_392 = vector.shape_cast %get3A_391 : vector<1x16xf32> to vector<16xf32>
        %add3A_393 = arith.addf %get3A_388, %get3A_392 : vector<16xf32>
        %swap3A_394 = arith.index_cast %scan3A_148 : i32 to index
        %swap3A_395 = arith.index_cast %add3A_384 : i32 to index
        %swap3A_396 = tpu.vector_load %arg13[%swap3A_394, %swap3A_395] {strides = array<i32>} : memref<16x1024xf32, #tpu.memory_space<vmem>>, vector<1x16xf32>,
        %swap3A_397 = vector.shape_cast %swap3A_396 : vector<1x16xf32> to vector<16xf32>
        %swap3A_398 = vector.shape_cast %add3A_393 : vector<16xf32> to vector<1x16xf32>
        tpu.vector_store %arg13[%swap3A_394, %swap3A_395], %swap3A_398 {strides = array<i32>} : memref<16x1024xf32, #tpu.memory_space<vmem>>, vector<1x16xf32>,
        %add3A_399 = arith.constant 240 : i32
        %add3A_400 = arith.addi %mul3A_160, %add3A_399 : i32
        %get3A_401 = arith.index_cast %scan3A_148 : i32 to index
        %get3A_402 = arith.index_cast %add3A_400 : i32 to index
        %get3A_403 = tpu.vector_load %arg10[%get3A_401, %get3A_402] {strides = array<i32>} : memref<16x1024xf32, #tpu.memory_space<vmem>>, vector<1x16xf32>,
        %get3A_404 = vector.shape_cast %get3A_403 : vector<1x16xf32> to vector<16xf32>
        %get3A_405 = arith.index_cast %scan3A_148 : i32 to index
        %get3A_406 = arith.index_cast %add3A_400 : i32 to index
        %get3A_407 = tpu.vector_load %arg11[%get3A_405, %get3A_406] {strides = array<i32>} : memref<16x1024xf32, #tpu.memory_space<vmem>>, vector<1x16xf32>,
        %get3A_408 = vector.shape_cast %get3A_407 : vector<1x16xf32> to vector<16xf32>
        %add3A_409 = arith.addf %get3A_404, %get3A_408 : vector<16xf32>
        %swap3A_410 = arith.index_cast %scan3A_148 : i32 to index
        %swap3A_411 = arith.index_cast %add3A_400 : i32 to index
        %swap3A_412 = tpu.vector_load %arg13[%swap3A_410, %swap3A_411] {strides = array<i32>} : memref<16x1024xf32, #tpu.memory_space<vmem>>, vector<1x16xf32>,
        %swap3A_413 = vector.shape_cast %swap3A_412 : vector<1x16xf32> to vector<16xf32>
        %swap3A_414 = vector.shape_cast %add3A_409 : vector<16xf32> to vector<1x16xf32>
        tpu.vector_store %arg13[%swap3A_410, %swap3A_411], %swap3A_414 {strides = array<i32>} : memref<16x1024xf32, #tpu.memory_space<vmem>>, vector<1x16xf32>,
        %scan3A_415 = arith.constant 0 : i32
        scf.yield %scan3A_415 : i32
      }
      %scan3A_156 = arith.constant 4 : i32
      scf.yield %scan3A_155 : i32
    }
    %scan3A_69 = arith.constant 16 : i32
    %add3A_70 = arith.constant 16 : i32
    %add3A_71 = arith.addi %mul3A_2, %add3A_70 : i32
    %dma_start3A_72 = arith.constant 0 : i32
    %dma_start3A_73 = tpu.memref_slice %arg5[%add3A_71, %dma_start3A_72] : memref<2048x1024xf32, #tpu.memory_space<hbm>> -> memref<16x1024xf32, #tpu.memory_space<hbm>>
    %dma_start3A_74 = arith.constant 0 : i32
    %dma_start3A_75 = tpu.memref_slice %arg5[%add3A_71, %dma_start3A_74] : memref<2048x1024xf32, #tpu.memory_space<hbm>> -> memref<16x1024xf32, #tpu.memory_space<hbm>>
    tpu.enqueue_dma source(%arg13 : memref<16x1024xf32, #tpu.memory_space<vmem>>) target(%dma_start3A_75 : memref<16x1024xf32, #tpu.memory_space<hbm>>) target_semaphore(%arg19 : memref<!tpu.dma_semaphore, #tpu.memory_space<semaphore_mem>>)
    %dma_wait3A_76 = arith.constant 32 : i32
    %dma_wait3A_77 = tpu.memref_slice %arg6[%dma_wait3A_76] : memref<64xi32, #tpu.memory_space<vmem>> -> memref<16xi32, #tpu.memory_space<vmem>>
    %dma_wait3A_78 = arith.constant 0 : i32
    %dma_wait3A_79 = arith.constant 0 : i32
    %dma_wait3A_80 = tpu.memref_slice %arg2[%dma_wait3A_78, %dma_wait3A_79] : memref<5888x1024xf32, #tpu.memory_space<hbm>> -> memref<5888x1024xf32, #tpu.memory_space<hbm>>
    tpu.wait_indirect_dma semaphore(%arg14 : memref<!tpu.dma_semaphore, #tpu.memory_space<semaphore_mem>>) src(%dma_wait3A_80 : memref<5888x1024xf32, #tpu.memory_space<hbm>>) dst(%arg8 : memref<16x1024xf32, #tpu.memory_space<vmem>>)
    %dma_wait3A_81 = arith.constant 32 : i32
    %dma_wait3A_82 = tpu.memref_slice %arg7[%dma_wait3A_81] : memref<64xi32, #tpu.memory_space<vmem>> -> memref<16xi32, #tpu.memory_space<vmem>>
    %dma_wait3A_83 = arith.constant 0 : i32
    %dma_wait3A_84 = arith.constant 0 : i32
    %dma_wait3A_85 = tpu.memref_slice %arg2[%dma_wait3A_83, %dma_wait3A_84] : memref<5888x1024xf32, #tpu.memory_space<hbm>> -> memref<5888x1024xf32, #tpu.memory_space<hbm>>
    tpu.wait_indirect_dma semaphore(%arg15 : memref<!tpu.dma_semaphore, #tpu.memory_space<semaphore_mem>>) src(%dma_wait3A_85 : memref<5888x1024xf32, #tpu.memory_space<hbm>>) dst(%arg9 : memref<16x1024xf32, #tpu.memory_space<vmem>>)
    %dma_wait3A_86 = arith.constant 0 : i32
    %dma_wait3A_87 = tpu.memref_slice %arg5[%add3A_38, %dma_wait3A_86] : memref<2048x1024xf32, #tpu.memory_space<hbm>> -> memref<16x1024xf32, #tpu.memory_space<hbm>>
    %dma_wait3A_88 = arith.constant 0 : i32
    %dma_wait3A_89 = tpu.memref_slice %arg5[%add3A_38, %dma_wait3A_88] : memref<2048x1024xf32, #tpu.memory_space<hbm>> -> memref<16x1024xf32, #tpu.memory_space<hbm>>
    tpu.wait_dma2 semaphore(%arg18 : memref<!tpu.dma_semaphore, #tpu.memory_space<semaphore_mem>>) src(%arg12 : memref<16x1024xf32, #tpu.memory_space<vmem>>) dst(%dma_wait3A_89 : memref<16x1024xf32, #tpu.memory_space<hbm>>)
    %dma_start3A_90 = arith.constant 48 : i32
    %dma_start3A_91 = tpu.memref_slice %arg6[%dma_start3A_90] : memref<64xi32, #tpu.memory_space<vmem>> -> memref<16xi32, #tpu.memory_space<vmem>>
    %dma_start3A_92 = arith.constant 0 : i32
    %dma_start3A_93 = arith.constant 0 : i32
    %dma_start3A_94 = tpu.memref_slice %arg2[%dma_start3A_92, %dma_start3A_93] : memref<5888x1024xf32, #tpu.memory_space<hbm>> -> memref<5888x1024xf32, #tpu.memory_space<hbm>>
    tpu.enqueue_indirect_dma source(%dma_start3A_94 : memref<5888x1024xf32, #tpu.memory_space<hbm>>) target(%arg10 : memref<16x1024xf32, #tpu.memory_space<vmem>>) offsets(%dma_start3A_91 : memref<16xi32, #tpu.memory_space<vmem>>) semaphore(%arg16 : memref<!tpu.dma_semaphore, #tpu.memory_space<semaphore_mem>>)
    %dma_start3A_95 = arith.constant 48 : i32
    %dma_start3A_96 = tpu.memref_slice %arg7[%dma_start3A_95] : memref<64xi32, #tpu.memory_space<vmem>> -> memref<16xi32, #tpu.memory_space<vmem>>
    %dma_start3A_97 = arith.constant 0 : i32
    %dma_start3A_98 = arith.constant 0 : i32
    %dma_start3A_99 = tpu.memref_slice %arg2[%dma_start3A_97, %dma_start3A_98] : memref<5888x1024xf32, #tpu.memory_space<hbm>> -> memref<5888x1024xf32, #tpu.memory_space<hbm>>
    tpu.enqueue_indirect_dma source(%dma_start3A_99 : memref<5888x1024xf32, #tpu.memory_space<hbm>>) target(%arg11 : memref<16x1024xf32, #tpu.memory_space<vmem>>) offsets(%dma_start3A_96 : memref<16xi32, #tpu.memory_space<vmem>>) semaphore(%arg17 : memref<!tpu.dma_semaphore, #tpu.memory_space<semaphore_mem>>)
    %scan3A_100 = arith.constant 0 : i32
    %scan3A_101 = arith.constant 0 : i32
    %scan3A_102 = arith.constant 16 : i32
    %scan3A_103 = arith.addi %scan3A_101, %scan3A_102 : i32
    %scan3A_104 = arith.constant 1 : i32
    %scan3A_105 = scf.for %scan3A_148 = %scan3A_101 to %scan3A_103 step %scan3A_104 iter_args(%scan3A_149 = %scan3A_100) -> (i32)  : i32 {
      %scan3A_150 = arith.constant 0 : i32
      %scan3A_151 = arith.constant 0 : i32
      %scan3A_152 = arith.constant 4 : i32
      %scan3A_153 = arith.addi %scan3A_151, %scan3A_152 : i32
      %scan3A_154 = arith.constant 1 : i32
      %scan3A_155 = scf.for %scan3A_157 = %scan3A_151 to %scan3A_153 step %scan3A_154 iter_args(%scan3A_158 = %scan3A_150) -> (i32)  : i32 {
        %mul3A_159 = arith.constant 256 : i32
        %mul3A_160 = arith.muli %scan3A_157, %mul3A_159 : i32
        %add3A_161 = arith.constant 0 : i32
        %add3A_162 = arith.addi %mul3A_160, %add3A_161 : i32
        %get3A = arith.index_cast %scan3A_148 : i32 to index
        %get3A_163 = arith.index_cast %add3A_162 : i32 to index
        %get3A_164 = tpu.vector_load %arg8[%get3A, %get3A_163] {strides = array<i32>} : memref<16x1024xf32, #tpu.memory_space<vmem>>, vector<1x16xf32>,
        %get3A_165 = vector.shape_cast %get3A_164 : vector<1x16xf32> to vector<16xf32>
        %get3A_166 = arith.index_cast %scan3A_148 : i32 to index
        %get3A_167 = arith.index_cast %add3A_162 : i32 to index
        %get3A_168 = tpu.vector_load %arg9[%get3A_166, %get3A_167] {strides = array<i32>} : memref<16x1024xf32, #tpu.memory_space<vmem>>, vector<1x16xf32>,
        %get3A_169 = vector.shape_cast %get3A_168 : vector<1x16xf32> to vector<16xf32>
        %add3A_170 = arith.addf %get3A_165, %get3A_169 : vector<16xf32>
        %swap3A = arith.index_cast %scan3A_148 : i32 to index
        %swap3A_171 = arith.index_cast %add3A_162 : i32 to index
        %swap3A_172 = tpu.vector_load %arg12[%swap3A, %swap3A_171] {strides = array<i32>} : memref<16x1024xf32, #tpu.memory_space<vmem>>, vector<1x16xf32>,
        %swap3A_173 = vector.shape_cast %swap3A_172 : vector<1x16xf32> to vector<16xf32>
        %swap3A_174 = vector.shape_cast %add3A_170 : vector<16xf32> to vector<1x16xf32>
        tpu.vector_store %arg12[%swap3A, %swap3A_171], %swap3A_174 {strides = array<i32>} : memref<16x1024xf32, #tpu.memory_space<vmem>>, vector<1x16xf32>,
        %add3A_175 = arith.constant 16 : i32
        %add3A_176 = arith.addi %mul3A_160, %add3A_175 : i32
        %get3A_177 = arith.index_cast %scan3A_148 : i32 to index
        %get3A_178 = arith.index_cast %add3A_176 : i32 to index
        %get3A_179 = tpu.vector_load %arg8[%get3A_177, %get3A_178] {strides = array<i32>} : memref<16x1024xf32, #tpu.memory_space<vmem>>, vector<1x16xf32>,
        %get3A_180 = vector.shape_cast %get3A_179 : vector<1x16xf32> to vector<16xf32>
        %get3A_181 = arith.index_cast %scan3A_148 : i32 to index
        %get3A_182 = arith.index_cast %add3A_176 : i32 to index
        %get3A_183 = tpu.vector_load %arg9[%get3A_181, %get3A_182] {strides = array<i32>} : memref<16x1024xf32, #tpu.memory_space<vmem>>, vector<1x16xf32>,
        %get3A_184 = vector.shape_cast %get3A_183 : vector<1x16xf32> to vector<16xf32>
        %add3A_185 = arith.addf %get3A_180, %get3A_184 : vector<16xf32>
        %swap3A_186 = arith.index_cast %scan3A_148 : i32 to index
        %swap3A_187 = arith.index_cast %add3A_176 : i32 to index
        %swap3A_188 = tpu.vector_load %arg12[%swap3A_186, %swap3A_187] {strides = array<i32>} : memref<16x1024xf32, #tpu.memory_space<vmem>>, vector<1x16xf32>,
        %swap3A_189 = vector.shape_cast %swap3A_188 : vector<1x16xf32> to vector<16xf32>
        %swap3A_190 = vector.shape_cast %add3A_185 : vector<16xf32> to vector<1x16xf32>
        tpu.vector_store %arg12[%swap3A_186, %swap3A_187], %swap3A_190 {strides = array<i32>} : memref<16x1024xf32, #tpu.memory_space<vmem>>, vector<1x16xf32>,
        %add3A_191 = arith.constant 32 : i32
        %add3A_192 = arith.addi %mul3A_160, %add3A_191 : i32
        %get3A_193 = arith.index_cast %scan3A_148 : i32 to index
        %get3A_194 = arith.index_cast %add3A_192 : i32 to index
        %get3A_195 = tpu.vector_load %arg8[%get3A_193, %get3A_194] {strides = array<i32>} : memref<16x1024xf32, #tpu.memory_space<vmem>>, vector<1x16xf32>,
        %get3A_196 = vector.shape_cast %get3A_195 : vector<1x16xf32> to vector<16xf32>
        %get3A_197 = arith.index_cast %scan3A_148 : i32 to index
        %get3A_198 = arith.index_cast %add3A_192 : i32 to index
        %get3A_199 = tpu.vector_load %arg9[%get3A_197, %get3A_198] {strides = array<i32>} : memref<16x1024xf32, #tpu.memory_space<vmem>>, vector<1x16xf32>,
        %get3A_200 = vector.shape_cast %get3A_199 : vector<1x16xf32> to vector<16xf32>
        %add3A_201 = arith.addf %get3A_196, %get3A_200 : vector<16xf32>
        %swap3A_202 = arith.index_cast %scan3A_148 : i32 to index
        %swap3A_203 = arith.index_cast %add3A_192 : i32 to index
        %swap3A_204 = tpu.vector_load %arg12[%swap3A_202, %swap3A_203] {strides = array<i32>} : memref<16x1024xf32, #tpu.memory_space<vmem>>, vector<1x16xf32>,
        %swap3A_205 = vector.shape_cast %swap3A_204 : vector<1x16xf32> to vector<16xf32>
        %swap3A_206 = vector.shape_cast %add3A_201 : vector<16xf32> to vector<1x16xf32>
        tpu.vector_store %arg12[%swap3A_202, %swap3A_203], %swap3A_206 {strides = array<i32>} : memref<16x1024xf32, #tpu.memory_space<vmem>>, vector<1x16xf32>,
        %add3A_207 = arith.constant 48 : i32
        %add3A_208 = arith.addi %mul3A_160, %add3A_207 : i32
        %get3A_209 = arith.index_cast %scan3A_148 : i32 to index
        %get3A_210 = arith.index_cast %add3A_208 : i32 to index
        %get3A_211 = tpu.vector_load %arg8[%get3A_209, %get3A_210] {strides = array<i32>} : memref<16x1024xf32, #tpu.memory_space<vmem>>, vector<1x16xf32>,
        %get3A_212 = vector.shape_cast %get3A_211 : vector<1x16xf32> to vector<16xf32>
        %get3A_213 = arith.index_cast %scan3A_148 : i32 to index
        %get3A_214 = arith.index_cast %add3A_208 : i32 to index
        %get3A_215 = tpu.vector_load %arg9[%get3A_213, %get3A_214] {strides = array<i32>} : memref<16x1024xf32, #tpu.memory_space<vmem>>, vector<1x16xf32>,
        %get3A_216 = vector.shape_cast %get3A_215 : vector<1x16xf32> to vector<16xf32>
        %add3A_217 = arith.addf %get3A_212, %get3A_216 : vector<16xf32>
        %swap3A_218 = arith.index_cast %scan3A_148 : i32 to index
        %swap3A_219 = arith.index_cast %add3A_208 : i32 to index
        %swap3A_220 = tpu.vector_load %arg12[%swap3A_218, %swap3A_219] {strides = array<i32>} : memref<16x1024xf32, #tpu.memory_space<vmem>>, vector<1x16xf32>,
        %swap3A_221 = vector.shape_cast %swap3A_220 : vector<1x16xf32> to vector<16xf32>
        %swap3A_222 = vector.shape_cast %add3A_217 : vector<16xf32> to vector<1x16xf32>
        tpu.vector_store %arg12[%swap3A_218, %swap3A_219], %swap3A_222 {strides = array<i32>} : memref<16x1024xf32, #tpu.memory_space<vmem>>, vector<1x16xf32>,
        %add3A_223 = arith.constant 64 : i32
        %add3A_224 = arith.addi %mul3A_160, %add3A_223 : i32
        %get3A_225 = arith.index_cast %scan3A_148 : i32 to index
        %get3A_226 = arith.index_cast %add3A_224 : i32 to index
        %get3A_227 = tpu.vector_load %arg8[%get3A_225, %get3A_226] {strides = array<i32>} : memref<16x1024xf32, #tpu.memory_space<vmem>>, vector<1x16xf32>,
        %get3A_228 = vector.shape_cast %get3A_227 : vector<1x16xf32> to vector<16xf32>
        %get3A_229 = arith.index_cast %scan3A_148 : i32 to index
        %get3A_230 = arith.index_cast %add3A_224 : i32 to index
        %get3A_231 = tpu.vector_load %arg9[%get3A_229, %get3A_230] {strides = array<i32>} : memref<16x1024xf32, #tpu.memory_space<vmem>>, vector<1x16xf32>,
        %get3A_232 = vector.shape_cast %get3A_231 : vector<1x16xf32> to vector<16xf32>
        %add3A_233 = arith.addf %get3A_228, %get3A_232 : vector<16xf32>
        %swap3A_234 = arith.index_cast %scan3A_148 : i32 to index
        %swap3A_235 = arith.index_cast %add3A_224 : i32 to index
        %swap3A_236 = tpu.vector_load %arg12[%swap3A_234, %swap3A_235] {strides = array<i32>} : memref<16x1024xf32, #tpu.memory_space<vmem>>, vector<1x16xf32>,
        %swap3A_237 = vector.shape_cast %swap3A_236 : vector<1x16xf32> to vector<16xf32>
        %swap3A_238 = vector.shape_cast %add3A_233 : vector<16xf32> to vector<1x16xf32>
        tpu.vector_store %arg12[%swap3A_234, %swap3A_235], %swap3A_238 {strides = array<i32>} : memref<16x1024xf32, #tpu.memory_space<vmem>>, vector<1x16xf32>,
        %add3A_239 = arith.constant 80 : i32
        %add3A_240 = arith.addi %mul3A_160, %add3A_239 : i32
        %get3A_241 = arith.index_cast %scan3A_148 : i32 to index
        %get3A_242 = arith.index_cast %add3A_240 : i32 to index
        %get3A_243 = tpu.vector_load %arg8[%get3A_241, %get3A_242] {strides = array<i32>} : memref<16x1024xf32, #tpu.memory_space<vmem>>, vector<1x16xf32>,
        %get3A_244 = vector.shape_cast %get3A_243 : vector<1x16xf32> to vector<16xf32>
        %get3A_245 = arith.index_cast %scan3A_148 : i32 to index
        %get3A_246 = arith.index_cast %add3A_240 : i32 to index
        %get3A_247 = tpu.vector_load %arg9[%get3A_245, %get3A_246] {strides = array<i32>} : memref<16x1024xf32, #tpu.memory_space<vmem>>, vector<1x16xf32>,
        %get3A_248 = vector.shape_cast %get3A_247 : vector<1x16xf32> to vector<16xf32>
        %add3A_249 = arith.addf %get3A_244, %get3A_248 : vector<16xf32>
        %swap3A_250 = arith.index_cast %scan3A_148 : i32 to index
        %swap3A_251 = arith.index_cast %add3A_240 : i32 to index
        %swap3A_252 = tpu.vector_load %arg12[%swap3A_250, %swap3A_251] {strides = array<i32>} : memref<16x1024xf32, #tpu.memory_space<vmem>>, vector<1x16xf32>,
        %swap3A_253 = vector.shape_cast %swap3A_252 : vector<1x16xf32> to vector<16xf32>
        %swap3A_254 = vector.shape_cast %add3A_249 : vector<16xf32> to vector<1x16xf32>
        tpu.vector_store %arg12[%swap3A_250, %swap3A_251], %swap3A_254 {strides = array<i32>} : memref<16x1024xf32, #tpu.memory_space<vmem>>, vector<1x16xf32>,
        %add3A_255 = arith.constant 96 : i32
        %add3A_256 = arith.addi %mul3A_160, %add3A_255 : i32
        %get3A_257 = arith.index_cast %scan3A_148 : i32 to index
        %get3A_258 = arith.index_cast %add3A_256 : i32 to index
        %get3A_259 = tpu.vector_load %arg8[%get3A_257, %get3A_258] {strides = array<i32>} : memref<16x1024xf32, #tpu.memory_space<vmem>>, vector<1x16xf32>,
        %get3A_260 = vector.shape_cast %get3A_259 : vector<1x16xf32> to vector<16xf32>
        %get3A_261 = arith.index_cast %scan3A_148 : i32 to index
        %get3A_262 = arith.index_cast %add3A_256 : i32 to index
        %get3A_263 = tpu.vector_load %arg9[%get3A_261, %get3A_262] {strides = array<i32>} : memref<16x1024xf32, #tpu.memory_space<vmem>>, vector<1x16xf32>,
        %get3A_264 = vector.shape_cast %get3A_263 : vector<1x16xf32> to vector<16xf32>
        %add3A_265 = arith.addf %get3A_260, %get3A_264 : vector<16xf32>
        %swap3A_266 = arith.index_cast %scan3A_148 : i32 to index
        %swap3A_267 = arith.index_cast %add3A_256 : i32 to index
        %swap3A_268 = tpu.vector_load %arg12[%swap3A_266, %swap3A_267] {strides = array<i32>} : memref<16x1024xf32, #tpu.memory_space<vmem>>, vector<1x16xf32>,
        %swap3A_269 = vector.shape_cast %swap3A_268 : vector<1x16xf32> to vector<16xf32>
        %swap3A_270 = vector.shape_cast %add3A_265 : vector<16xf32> to vector<1x16xf32>
        tpu.vector_store %arg12[%swap3A_266, %swap3A_267], %swap3A_270 {strides = array<i32>} : memref<16x1024xf32, #tpu.memory_space<vmem>>, vector<1x16xf32>,
        %add3A_271 = arith.constant 112 : i32
        %add3A_272 = arith.addi %mul3A_160, %add3A_271 : i32
        %get3A_273 = arith.index_cast %scan3A_148 : i32 to index
        %get3A_274 = arith.index_cast %add3A_272 : i32 to index
        %get3A_275 = tpu.vector_load %arg8[%get3A_273, %get3A_274] {strides = array<i32>} : memref<16x1024xf32, #tpu.memory_space<vmem>>, vector<1x16xf32>,
        %get3A_276 = vector.shape_cast %get3A_275 : vector<1x16xf32> to vector<16xf32>
        %get3A_277 = arith.index_cast %scan3A_148 : i32 to index
        %get3A_278 = arith.index_cast %add3A_272 : i32 to index
        %get3A_279 = tpu.vector_load %arg9[%get3A_277, %get3A_278] {strides = array<i32>} : memref<16x1024xf32, #tpu.memory_space<vmem>>, vector<1x16xf32>,
        %get3A_280 = vector.shape_cast %get3A_279 : vector<1x16xf32> to vector<16xf32>
        %add3A_281 = arith.addf %get3A_276, %get3A_280 : vector<16xf32>
        %swap3A_282 = arith.index_cast %scan3A_148 : i32 to index
        %swap3A_283 = arith.index_cast %add3A_272 : i32 to index
        %swap3A_284 = tpu.vector_load %arg12[%swap3A_282, %swap3A_283] {strides = array<i32>} : memref<16x1024xf32, #tpu.memory_space<vmem>>, vector<1x16xf32>,
        %swap3A_285 = vector.shape_cast %swap3A_284 : vector<1x16xf32> to vector<16xf32>
        %swap3A_286 = vector.shape_cast %add3A_281 : vector<16xf32> to vector<1x16xf32>
        tpu.vector_store %arg12[%swap3A_282, %swap3A_283], %swap3A_286 {strides = array<i32>} : memref<16x1024xf32, #tpu.memory_space<vmem>>, vector<1x16xf32>,
        %add3A_287 = arith.constant 128 : i32
        %add3A_288 = arith.addi %mul3A_160, %add3A_287 : i32
        %get3A_289 = arith.index_cast %scan3A_148 : i32 to index
        %get3A_290 = arith.index_cast %add3A_288 : i32 to index
        %get3A_291 = tpu.vector_load %arg8[%get3A_289, %get3A_290] {strides = array<i32>} : memref<16x1024xf32, #tpu.memory_space<vmem>>, vector<1x16xf32>,
        %get3A_292 = vector.shape_cast %get3A_291 : vector<1x16xf32> to vector<16xf32>
        %get3A_293 = arith.index_cast %scan3A_148 : i32 to index
        %get3A_294 = arith.index_cast %add3A_288 : i32 to index
        %get3A_295 = tpu.vector_load %arg9[%get3A_293, %get3A_294] {strides = array<i32>} : memref<16x1024xf32, #tpu.memory_space<vmem>>, vector<1x16xf32>,
        %get3A_296 = vector.shape_cast %get3A_295 : vector<1x16xf32> to vector<16xf32>
        %add3A_297 = arith.addf %get3A_292, %get3A_296 : vector<16xf32>
        %swap3A_298 = arith.index_cast %scan3A_148 : i32 to index
        %swap3A_299 = arith.index_cast %add3A_288 : i32 to index
        %swap3A_300 = tpu.vector_load %arg12[%swap3A_298, %swap3A_299] {strides = array<i32>} : memref<16x1024xf32, #tpu.memory_space<vmem>>, vector<1x16xf32>,
        %swap3A_301 = vector.shape_cast %swap3A_300 : vector<1x16xf32> to vector<16xf32>
        %swap3A_302 = vector.shape_cast %add3A_297 : vector<16xf32> to vector<1x16xf32>
        tpu.vector_store %arg12[%swap3A_298, %swap3A_299], %swap3A_302 {strides = array<i32>} : memref<16x1024xf32, #tpu.memory_space<vmem>>, vector<1x16xf32>,
        %add3A_303 = arith.constant 144 : i32
        %add3A_304 = arith.addi %mul3A_160, %add3A_303 : i32
        %get3A_305 = arith.index_cast %scan3A_148 : i32 to index
        %get3A_306 = arith.index_cast %add3A_304 : i32 to index
        %get3A_307 = tpu.vector_load %arg8[%get3A_305, %get3A_306] {strides = array<i32>} : memref<16x1024xf32, #tpu.memory_space<vmem>>, vector<1x16xf32>,
        %get3A_308 = vector.shape_cast %get3A_307 : vector<1x16xf32> to vector<16xf32>
        %get3A_309 = arith.index_cast %scan3A_148 : i32 to index
        %get3A_310 = arith.index_cast %add3A_304 : i32 to index
        %get3A_311 = tpu.vector_load %arg9[%get3A_309, %get3A_310] {strides = array<i32>} : memref<16x1024xf32, #tpu.memory_space<vmem>>, vector<1x16xf32>,
        %get3A_312 = vector.shape_cast %get3A_311 : vector<1x16xf32> to vector<16xf32>
        %add3A_313 = arith.addf %get3A_308, %get3A_312 : vector<16xf32>
        %swap3A_314 = arith.index_cast %scan3A_148 : i32 to index
        %swap3A_315 = arith.index_cast %add3A_304 : i32 to index
        %swap3A_316 = tpu.vector_load %arg12[%swap3A_314, %swap3A_315] {strides = array<i32>} : memref<16x1024xf32, #tpu.memory_space<vmem>>, vector<1x16xf32>,
        %swap3A_317 = vector.shape_cast %swap3A_316 : vector<1x16xf32> to vector<16xf32>
        %swap3A_318 = vector.shape_cast %add3A_313 : vector<16xf32> to vector<1x16xf32>
        tpu.vector_store %arg12[%swap3A_314, %swap3A_315], %swap3A_318 {strides = array<i32>} : memref<16x1024xf32, #tpu.memory_space<vmem>>, vector<1x16xf32>,
        %add3A_319 = arith.constant 160 : i32
        %add3A_320 = arith.addi %mul3A_160, %add3A_319 : i32
        %get3A_321 = arith.index_cast %scan3A_148 : i32 to index
        %get3A_322 = arith.index_cast %add3A_320 : i32 to index
        %get3A_323 = tpu.vector_load %arg8[%get3A_321, %get3A_322] {strides = array<i32>} : memref<16x1024xf32, #tpu.memory_space<vmem>>, vector<1x16xf32>,
        %get3A_324 = vector.shape_cast %get3A_323 : vector<1x16xf32> to vector<16xf32>
        %get3A_325 = arith.index_cast %scan3A_148 : i32 to index
        %get3A_326 = arith.index_cast %add3A_320 : i32 to index
        %get3A_327 = tpu.vector_load %arg9[%get3A_325, %get3A_326] {strides = array<i32>} : memref<16x1024xf32, #tpu.memory_space<vmem>>, vector<1x16xf32>,
        %get3A_328 = vector.shape_cast %get3A_327 : vector<1x16xf32> to vector<16xf32>
        %add3A_329 = arith.addf %get3A_324, %get3A_328 : vector<16xf32>
        %swap3A_330 = arith.index_cast %scan3A_148 : i32 to index
        %swap3A_331 = arith.index_cast %add3A_320 : i32 to index
        %swap3A_332 = tpu.vector_load %arg12[%swap3A_330, %swap3A_331] {strides = array<i32>} : memref<16x1024xf32, #tpu.memory_space<vmem>>, vector<1x16xf32>,
        %swap3A_333 = vector.shape_cast %swap3A_332 : vector<1x16xf32> to vector<16xf32>
        %swap3A_334 = vector.shape_cast %add3A_329 : vector<16xf32> to vector<1x16xf32>
        tpu.vector_store %arg12[%swap3A_330, %swap3A_331], %swap3A_334 {strides = array<i32>} : memref<16x1024xf32, #tpu.memory_space<vmem>>, vector<1x16xf32>,
        %add3A_335 = arith.constant 176 : i32
        %add3A_336 = arith.addi %mul3A_160, %add3A_335 : i32
        %get3A_337 = arith.index_cast %scan3A_148 : i32 to index
        %get3A_338 = arith.index_cast %add3A_336 : i32 to index
        %get3A_339 = tpu.vector_load %arg8[%get3A_337, %get3A_338] {strides = array<i32>} : memref<16x1024xf32, #tpu.memory_space<vmem>>, vector<1x16xf32>,
        %get3A_340 = vector.shape_cast %get3A_339 : vector<1x16xf32> to vector<16xf32>
        %get3A_341 = arith.index_cast %scan3A_148 : i32 to index
        %get3A_342 = arith.index_cast %add3A_336 : i32 to index
        %get3A_343 = tpu.vector_load %arg9[%get3A_341, %get3A_342] {strides = array<i32>} : memref<16x1024xf32, #tpu.memory_space<vmem>>, vector<1x16xf32>,
        %get3A_344 = vector.shape_cast %get3A_343 : vector<1x16xf32> to vector<16xf32>
        %add3A_345 = arith.addf %get3A_340, %get3A_344 : vector<16xf32>
        %swap3A_346 = arith.index_cast %scan3A_148 : i32 to index
        %swap3A_347 = arith.index_cast %add3A_336 : i32 to index
        %swap3A_348 = tpu.vector_load %arg12[%swap3A_346, %swap3A_347] {strides = array<i32>} : memref<16x1024xf32, #tpu.memory_space<vmem>>, vector<1x16xf32>,
        %swap3A_349 = vector.shape_cast %swap3A_348 : vector<1x16xf32> to vector<16xf32>
        %swap3A_350 = vector.shape_cast %add3A_345 : vector<16xf32> to vector<1x16xf32>
        tpu.vector_store %arg12[%swap3A_346, %swap3A_347], %swap3A_350 {strides = array<i32>} : memref<16x1024xf32, #tpu.memory_space<vmem>>, vector<1x16xf32>,
        %add3A_351 = arith.constant 192 : i32
        %add3A_352 = arith.addi %mul3A_160, %add3A_351 : i32
        %get3A_353 = arith.index_cast %scan3A_148 : i32 to index
        %get3A_354 = arith.index_cast %add3A_352 : i32 to index
        %get3A_355 = tpu.vector_load %arg8[%get3A_353, %get3A_354] {strides = array<i32>} : memref<16x1024xf32, #tpu.memory_space<vmem>>, vector<1x16xf32>,
        %get3A_356 = vector.shape_cast %get3A_355 : vector<1x16xf32> to vector<16xf32>
        %get3A_357 = arith.index_cast %scan3A_148 : i32 to index
        %get3A_358 = arith.index_cast %add3A_352 : i32 to index
        %get3A_359 = tpu.vector_load %arg9[%get3A_357, %get3A_358] {strides = array<i32>} : memref<16x1024xf32, #tpu.memory_space<vmem>>, vector<1x16xf32>,
        %get3A_360 = vector.shape_cast %get3A_359 : vector<1x16xf32> to vector<16xf32>
        %add3A_361 = arith.addf %get3A_356, %get3A_360 : vector<16xf32>
        %swap3A_362 = arith.index_cast %scan3A_148 : i32 to index
        %swap3A_363 = arith.index_cast %add3A_352 : i32 to index
        %swap3A_364 = tpu.vector_load %arg12[%swap3A_362, %swap3A_363] {strides = array<i32>} : memref<16x1024xf32, #tpu.memory_space<vmem>>, vector<1x16xf32>,
        %swap3A_365 = vector.shape_cast %swap3A_364 : vector<1x16xf32> to vector<16xf32>
        %swap3A_366 = vector.shape_cast %add3A_361 : vector<16xf32> to vector<1x16xf32>
        tpu.vector_store %arg12[%swap3A_362, %swap3A_363], %swap3A_366 {strides = array<i32>} : memref<16x1024xf32, #tpu.memory_space<vmem>>, vector<1x16xf32>,
        %add3A_367 = arith.constant 208 : i32
        %add3A_368 = arith.addi %mul3A_160, %add3A_367 : i32
        %get3A_369 = arith.index_cast %scan3A_148 : i32 to index
        %get3A_370 = arith.index_cast %add3A_368 : i32 to index
        %get3A_371 = tpu.vector_load %arg8[%get3A_369, %get3A_370] {strides = array<i32>} : memref<16x1024xf32, #tpu.memory_space<vmem>>, vector<1x16xf32>,
        %get3A_372 = vector.shape_cast %get3A_371 : vector<1x16xf32> to vector<16xf32>
        %get3A_373 = arith.index_cast %scan3A_148 : i32 to index
        %get3A_374 = arith.index_cast %add3A_368 : i32 to index
        %get3A_375 = tpu.vector_load %arg9[%get3A_373, %get3A_374] {strides = array<i32>} : memref<16x1024xf32, #tpu.memory_space<vmem>>, vector<1x16xf32>,
        %get3A_376 = vector.shape_cast %get3A_375 : vector<1x16xf32> to vector<16xf32>
        %add3A_377 = arith.addf %get3A_372, %get3A_376 : vector<16xf32>
        %swap3A_378 = arith.index_cast %scan3A_148 : i32 to index
        %swap3A_379 = arith.index_cast %add3A_368 : i32 to index
        %swap3A_380 = tpu.vector_load %arg12[%swap3A_378, %swap3A_379] {strides = array<i32>} : memref<16x1024xf32, #tpu.memory_space<vmem>>, vector<1x16xf32>,
        %swap3A_381 = vector.shape_cast %swap3A_380 : vector<1x16xf32> to vector<16xf32>
        %swap3A_382 = vector.shape_cast %add3A_377 : vector<16xf32> to vector<1x16xf32>
        tpu.vector_store %arg12[%swap3A_378, %swap3A_379], %swap3A_382 {strides = array<i32>} : memref<16x1024xf32, #tpu.memory_space<vmem>>, vector<1x16xf32>,
        %add3A_383 = arith.constant 224 : i32
        %add3A_384 = arith.addi %mul3A_160, %add3A_383 : i32
        %get3A_385 = arith.index_cast %scan3A_148 : i32 to index
        %get3A_386 = arith.index_cast %add3A_384 : i32 to index
        %get3A_387 = tpu.vector_load %arg8[%get3A_385, %get3A_386] {strides = array<i32>} : memref<16x1024xf32, #tpu.memory_space<vmem>>, vector<1x16xf32>,
        %get3A_388 = vector.shape_cast %get3A_387 : vector<1x16xf32> to vector<16xf32>
        %get3A_389 = arith.index_cast %scan3A_148 : i32 to index
        %get3A_390 = arith.index_cast %add3A_384 : i32 to index
        %get3A_391 = tpu.vector_load %arg9[%get3A_389, %get3A_390] {strides = array<i32>} : memref<16x1024xf32, #tpu.memory_space<vmem>>, vector<1x16xf32>,
        %get3A_392 = vector.shape_cast %get3A_391 : vector<1x16xf32> to vector<16xf32>
        %add3A_393 = arith.addf %get3A_388, %get3A_392 : vector<16xf32>
        %swap3A_394 = arith.index_cast %scan3A_148 : i32 to index
        %swap3A_395 = arith.index_cast %add3A_384 : i32 to index
        %swap3A_396 = tpu.vector_load %arg12[%swap3A_394, %swap3A_395] {strides = array<i32>} : memref<16x1024xf32, #tpu.memory_space<vmem>>, vector<1x16xf32>,
        %swap3A_397 = vector.shape_cast %swap3A_396 : vector<1x16xf32> to vector<16xf32>
        %swap3A_398 = vector.shape_cast %add3A_393 : vector<16xf32> to vector<1x16xf32>
        tpu.vector_store %arg12[%swap3A_394, %swap3A_395], %swap3A_398 {strides = array<i32>} : memref<16x1024xf32, #tpu.memory_space<vmem>>, vector<1x16xf32>,
        %add3A_399 = arith.constant 240 : i32
        %add3A_400 = arith.addi %mul3A_160, %add3A_399 : i32
        %get3A_401 = arith.index_cast %scan3A_148 : i32 to index
        %get3A_402 = arith.index_cast %add3A_400 : i32 to index
        %get3A_403 = tpu.vector_load %arg8[%get3A_401, %get3A_402] {strides = array<i32>} : memref<16x1024xf32, #tpu.memory_space<vmem>>, vector<1x16xf32>,
        %get3A_404 = vector.shape_cast %get3A_403 : vector<1x16xf32> to vector<16xf32>
        %get3A_405 = arith.index_cast %scan3A_148 : i32 to index
        %get3A_406 = arith.index_cast %add3A_400 : i32 to index
        %get3A_407 = tpu.vector_load %arg9[%get3A_405, %get3A_406] {strides = array<i32>} : memref<16x1024xf32, #tpu.memory_space<vmem>>, vector<1x16xf32>,
        %get3A_408 = vector.shape_cast %get3A_407 : vector<1x16xf32> to vector<16xf32>
        %add3A_409 = arith.addf %get3A_404, %get3A_408 : vector<16xf32>
        %swap3A_410 = arith.index_cast %scan3A_148 : i32 to index
        %swap3A_411 = arith.index_cast %add3A_400 : i32 to index
        %swap3A_412 = tpu.vector_load %arg12[%swap3A_410, %swap3A_411] {strides = array<i32>} : memref<16x1024xf32, #tpu.memory_space<vmem>>, vector<1x16xf32>,
        %swap3A_413 = vector.shape_cast %swap3A_412 : vector<1x16xf32> to vector<16xf32>
        %swap3A_414 = vector.shape_cast %add3A_409 : vector<16xf32> to vector<1x16xf32>
        tpu.vector_store %arg12[%swap3A_410, %swap3A_411], %swap3A_414 {strides = array<i32>} : memref<16x1024xf32, #tpu.memory_space<vmem>>, vector<1x16xf32>,
        %scan3A_415 = arith.constant 0 : i32
        scf.yield %scan3A_415 : i32
      }
      %scan3A_156 = arith.constant 4 : i32
      scf.yield %scan3A_155 : i32
    }
    %scan3A_106 = arith.constant 16 : i32
    %add3A_107 = arith.constant 32 : i32
    %add3A_108 = arith.addi %mul3A_2, %add3A_107 : i32
    %dma_start3A_109 = arith.constant 0 : i32
    %dma_start3A_110 = tpu.memref_slice %arg5[%add3A_108, %dma_start3A_109] : memref<2048x1024xf32, #tpu.memory_space<hbm>> -> memref<16x1024xf32, #tpu.memory_space<hbm>>
    %dma_start3A_111 = arith.constant 0 : i32
    %dma_start3A_112 = tpu.memref_slice %arg5[%add3A_108, %dma_start3A_111] : memref<2048x1024xf32, #tpu.memory_space<hbm>> -> memref<16x1024xf32, #tpu.memory_space<hbm>>
    tpu.enqueue_dma source(%arg12 : memref<16x1024xf32, #tpu.memory_space<vmem>>) target(%dma_start3A_112 : memref<16x1024xf32, #tpu.memory_space<hbm>>) target_semaphore(%arg18 : memref<!tpu.dma_semaphore, #tpu.memory_space<semaphore_mem>>)
    %dma_wait3A_113 = arith.constant 48 : i32
    %dma_wait3A_114 = tpu.memref_slice %arg6[%dma_wait3A_113] : memref<64xi32, #tpu.memory_space<vmem>> -> memref<16xi32, #tpu.memory_space<vmem>>
    %dma_wait3A_115 = arith.constant 0 : i32
    %dma_wait3A_116 = arith.constant 0 : i32
    %dma_wait3A_117 = tpu.memref_slice %arg2[%dma_wait3A_115, %dma_wait3A_116] : memref<5888x1024xf32, #tpu.memory_space<hbm>> -> memref<5888x1024xf32, #tpu.memory_space<hbm>>
    tpu.wait_indirect_dma semaphore(%arg16 : memref<!tpu.dma_semaphore, #tpu.memory_space<semaphore_mem>>) src(%dma_wait3A_117 : memref<5888x1024xf32, #tpu.memory_space<hbm>>) dst(%arg10 : memref<16x1024xf32, #tpu.memory_space<vmem>>)
    %dma_wait3A_118 = arith.constant 48 : i32
    %dma_wait3A_119 = tpu.memref_slice %arg7[%dma_wait3A_118] : memref<64xi32, #tpu.memory_space<vmem>> -> memref<16xi32, #tpu.memory_space<vmem>>
    %dma_wait3A_120 = arith.constant 0 : i32
    %dma_wait3A_121 = arith.constant 0 : i32
    %dma_wait3A_122 = tpu.memref_slice %arg2[%dma_wait3A_120, %dma_wait3A_121] : memref<5888x1024xf32, #tpu.memory_space<hbm>> -> memref<5888x1024xf32, #tpu.memory_space<hbm>>
    tpu.wait_indirect_dma semaphore(%arg17 : memref<!tpu.dma_semaphore, #tpu.memory_space<semaphore_mem>>) src(%dma_wait3A_122 : memref<5888x1024xf32, #tpu.memory_space<hbm>>) dst(%arg11 : memref<16x1024xf32, #tpu.memory_space<vmem>>)
    %dma_wait3A_123 = arith.constant 0 : i32
    %dma_wait3A_124 = tpu.memref_slice %arg5[%add3A_71, %dma_wait3A_123] : memref<2048x1024xf32, #tpu.memory_space<hbm>> -> memref<16x1024xf32, #tpu.memory_space<hbm>>
    %dma_wait3A_125 = arith.constant 0 : i32
    %dma_wait3A_126 = tpu.memref_slice %arg5[%add3A_71, %dma_wait3A_125] : memref<2048x1024xf32, #tpu.memory_space<hbm>> -> memref<16x1024xf32, #tpu.memory_space<hbm>>
    tpu.wait_dma2 semaphore(%arg19 : memref<!tpu.dma_semaphore, #tpu.memory_space<semaphore_mem>>) src(%arg13 : memref<16x1024xf32, #tpu.memory_space<vmem>>) dst(%dma_wait3A_126 : memref<16x1024xf32, #tpu.memory_space<hbm>>)
    %scan3A_127 = arith.constant 0 : i32
    %scan3A_128 = arith.constant 0 : i32
    %scan3A_129 = arith.constant 16 : i32
    %scan3A_130 = arith.addi %scan3A_128, %scan3A_129 : i32
    %scan3A_131 = arith.constant 1 : i32
    %scan3A_132 = scf.for %scan3A_148 = %scan3A_128 to %scan3A_130 step %scan3A_131 iter_args(%scan3A_149 = %scan3A_127) -> (i32)  : i32 {
      %scan3A_150 = arith.constant 0 : i32
      %scan3A_151 = arith.constant 0 : i32
      %scan3A_152 = arith.constant 4 : i32
      %scan3A_153 = arith.addi %scan3A_151, %scan3A_152 : i32
      %scan3A_154 = arith.constant 1 : i32
      %scan3A_155 = scf.for %scan3A_157 = %scan3A_151 to %scan3A_153 step %scan3A_154 iter_args(%scan3A_158 = %scan3A_150) -> (i32)  : i32 {
        %mul3A_159 = arith.constant 256 : i32
        %mul3A_160 = arith.muli %scan3A_157, %mul3A_159 : i32
        %add3A_161 = arith.constant 0 : i32
        %add3A_162 = arith.addi %mul3A_160, %add3A_161 : i32
        %get3A = arith.index_cast %scan3A_148 : i32 to index
        %get3A_163 = arith.index_cast %add3A_162 : i32 to index
        %get3A_164 = tpu.vector_load %arg10[%get3A, %get3A_163] {strides = array<i32>} : memref<16x1024xf32, #tpu.memory_space<vmem>>, vector<1x16xf32>,
        %get3A_165 = vector.shape_cast %get3A_164 : vector<1x16xf32> to vector<16xf32>
        %get3A_166 = arith.index_cast %scan3A_148 : i32 to index
        %get3A_167 = arith.index_cast %add3A_162 : i32 to index
        %get3A_168 = tpu.vector_load %arg11[%get3A_166, %get3A_167] {strides = array<i32>} : memref<16x1024xf32, #tpu.memory_space<vmem>>, vector<1x16xf32>,
        %get3A_169 = vector.shape_cast %get3A_168 : vector<1x16xf32> to vector<16xf32>
        %add3A_170 = arith.addf %get3A_165, %get3A_169 : vector<16xf32>
        %swap3A = arith.index_cast %scan3A_148 : i32 to index
        %swap3A_171 = arith.index_cast %add3A_162 : i32 to index
        %swap3A_172 = tpu.vector_load %arg13[%swap3A, %swap3A_171] {strides = array<i32>} : memref<16x1024xf32, #tpu.memory_space<vmem>>, vector<1x16xf32>,
        %swap3A_173 = vector.shape_cast %swap3A_172 : vector<1x16xf32> to vector<16xf32>
        %swap3A_174 = vector.shape_cast %add3A_170 : vector<16xf32> to vector<1x16xf32>
        tpu.vector_store %arg13[%swap3A, %swap3A_171], %swap3A_174 {strides = array<i32>} : memref<16x1024xf32, #tpu.memory_space<vmem>>, vector<1x16xf32>,
        %add3A_175 = arith.constant 16 : i32
        %add3A_176 = arith.addi %mul3A_160, %add3A_175 : i32
        %get3A_177 = arith.index_cast %scan3A_148 : i32 to index
        %get3A_178 = arith.index_cast %add3A_176 : i32 to index
        %get3A_179 = tpu.vector_load %arg10[%get3A_177, %get3A_178] {strides = array<i32>} : memref<16x1024xf32, #tpu.memory_space<vmem>>, vector<1x16xf32>,
        %get3A_180 = vector.shape_cast %get3A_179 : vector<1x16xf32> to vector<16xf32>
        %get3A_181 = arith.index_cast %scan3A_148 : i32 to index
        %get3A_182 = arith.index_cast %add3A_176 : i32 to index
        %get3A_183 = tpu.vector_load %arg11[%get3A_181, %get3A_182] {strides = array<i32>} : memref<16x1024xf32, #tpu.memory_space<vmem>>, vector<1x16xf32>,
        %get3A_184 = vector.shape_cast %get3A_183 : vector<1x16xf32> to vector<16xf32>
        %add3A_185 = arith.addf %get3A_180, %get3A_184 : vector<16xf32>
        %swap3A_186 = arith.index_cast %scan3A_148 : i32 to index
        %swap3A_187 = arith.index_cast %add3A_176 : i32 to index
        %swap3A_188 = tpu.vector_load %arg13[%swap3A_186, %swap3A_187] {strides = array<i32>} : memref<16x1024xf32, #tpu.memory_space<vmem>>, vector<1x16xf32>,
        %swap3A_189 = vector.shape_cast %swap3A_188 : vector<1x16xf32> to vector<16xf32>
        %swap3A_190 = vector.shape_cast %add3A_185 : vector<16xf32> to vector<1x16xf32>
        tpu.vector_store %arg13[%swap3A_186, %swap3A_187], %swap3A_190 {strides = array<i32>} : memref<16x1024xf32, #tpu.memory_space<vmem>>, vector<1x16xf32>,
        %add3A_191 = arith.constant 32 : i32
        %add3A_192 = arith.addi %mul3A_160, %add3A_191 : i32
        %get3A_193 = arith.index_cast %scan3A_148 : i32 to index
        %get3A_194 = arith.index_cast %add3A_192 : i32 to index
        %get3A_195 = tpu.vector_load %arg10[%get3A_193, %get3A_194] {strides = array<i32>} : memref<16x1024xf32, #tpu.memory_space<vmem>>, vector<1x16xf32>,
        %get3A_196 = vector.shape_cast %get3A_195 : vector<1x16xf32> to vector<16xf32>
        %get3A_197 = arith.index_cast %scan3A_148 : i32 to index
        %get3A_198 = arith.index_cast %add3A_192 : i32 to index
        %get3A_199 = tpu.vector_load %arg11[%get3A_197, %get3A_198] {strides = array<i32>} : memref<16x1024xf32, #tpu.memory_space<vmem>>, vector<1x16xf32>,
        %get3A_200 = vector.shape_cast %get3A_199 : vector<1x16xf32> to vector<16xf32>
        %add3A_201 = arith.addf %get3A_196, %get3A_200 : vector<16xf32>
        %swap3A_202 = arith.index_cast %scan3A_148 : i32 to index
        %swap3A_203 = arith.index_cast %add3A_192 : i32 to index
        %swap3A_204 = tpu.vector_load %arg13[%swap3A_202, %swap3A_203] {strides = array<i32>} : memref<16x1024xf32, #tpu.memory_space<vmem>>, vector<1x16xf32>,
        %swap3A_205 = vector.shape_cast %swap3A_204 : vector<1x16xf32> to vector<16xf32>
        %swap3A_206 = vector.shape_cast %add3A_201 : vector<16xf32> to vector<1x16xf32>
        tpu.vector_store %arg13[%swap3A_202, %swap3A_203], %swap3A_206 {strides = array<i32>} : memref<16x1024xf32, #tpu.memory_space<vmem>>, vector<1x16xf32>,
        %add3A_207 = arith.constant 48 : i32
        %add3A_208 = arith.addi %mul3A_160, %add3A_207 : i32
        %get3A_209 = arith.index_cast %scan3A_148 : i32 to index
        %get3A_210 = arith.index_cast %add3A_208 : i32 to index
        %get3A_211 = tpu.vector_load %arg10[%get3A_209, %get3A_210] {strides = array<i32>} : memref<16x1024xf32, #tpu.memory_space<vmem>>, vector<1x16xf32>,
        %get3A_212 = vector.shape_cast %get3A_211 : vector<1x16xf32> to vector<16xf32>
        %get3A_213 = arith.index_cast %scan3A_148 : i32 to index
        %get3A_214 = arith.index_cast %add3A_208 : i32 to index
        %get3A_215 = tpu.vector_load %arg11[%get3A_213, %get3A_214] {strides = array<i32>} : memref<16x1024xf32, #tpu.memory_space<vmem>>, vector<1x16xf32>,
        %get3A_216 = vector.shape_cast %get3A_215 : vector<1x16xf32> to vector<16xf32>
        %add3A_217 = arith.addf %get3A_212, %get3A_216 : vector<16xf32>
        %swap3A_218 = arith.index_cast %scan3A_148 : i32 to index
        %swap3A_219 = arith.index_cast %add3A_208 : i32 to index
        %swap3A_220 = tpu.vector_load %arg13[%swap3A_218, %swap3A_219] {strides = array<i32>} : memref<16x1024xf32, #tpu.memory_space<vmem>>, vector<1x16xf32>,
        %swap3A_221 = vector.shape_cast %swap3A_220 : vector<1x16xf32> to vector<16xf32>
        %swap3A_222 = vector.shape_cast %add3A_217 : vector<16xf32> to vector<1x16xf32>
        tpu.vector_store %arg13[%swap3A_218, %swap3A_219], %swap3A_222 {strides = array<i32>} : memref<16x1024xf32, #tpu.memory_space<vmem>>, vector<1x16xf32>,
        %add3A_223 = arith.constant 64 : i32
        %add3A_224 = arith.addi %mul3A_160, %add3A_223 : i32
        %get3A_225 = arith.index_cast %scan3A_148 : i32 to index
        %get3A_226 = arith.index_cast %add3A_224 : i32 to index
        %get3A_227 = tpu.vector_load %arg10[%get3A_225, %get3A_226] {strides = array<i32>} : memref<16x1024xf32, #tpu.memory_space<vmem>>, vector<1x16xf32>,
        %get3A_228 = vector.shape_cast %get3A_227 : vector<1x16xf32> to vector<16xf32>
        %get3A_229 = arith.index_cast %scan3A_148 : i32 to index
        %get3A_230 = arith.index_cast %add3A_224 : i32 to index
        %get3A_231 = tpu.vector_load %arg11[%get3A_229, %get3A_230] {strides = array<i32>} : memref<16x1024xf32, #tpu.memory_space<vmem>>, vector<1x16xf32>,
        %get3A_232 = vector.shape_cast %get3A_231 : vector<1x16xf32> to vector<16xf32>
        %add3A_233 = arith.addf %get3A_228, %get3A_232 : vector<16xf32>
        %swap3A_234 = arith.index_cast %scan3A_148 : i32 to index
        %swap3A_235 = arith.index_cast %add3A_224 : i32 to index
        %swap3A_236 = tpu.vector_load %arg13[%swap3A_234, %swap3A_235] {strides = array<i32>} : memref<16x1024xf32, #tpu.memory_space<vmem>>, vector<1x16xf32>,
        %swap3A_237 = vector.shape_cast %swap3A_236 : vector<1x16xf32> to vector<16xf32>
        %swap3A_238 = vector.shape_cast %add3A_233 : vector<16xf32> to vector<1x16xf32>
        tpu.vector_store %arg13[%swap3A_234, %swap3A_235], %swap3A_238 {strides = array<i32>} : memref<16x1024xf32, #tpu.memory_space<vmem>>, vector<1x16xf32>,
        %add3A_239 = arith.constant 80 : i32
        %add3A_240 = arith.addi %mul3A_160, %add3A_239 : i32
        %get3A_241 = arith.index_cast %scan3A_148 : i32 to index
        %get3A_242 = arith.index_cast %add3A_240 : i32 to index
        %get3A_243 = tpu.vector_load %arg10[%get3A_241, %get3A_242] {strides = array<i32>} : memref<16x1024xf32, #tpu.memory_space<vmem>>, vector<1x16xf32>,
        %get3A_244 = vector.shape_cast %get3A_243 : vector<1x16xf32> to vector<16xf32>
        %get3A_245 = arith.index_cast %scan3A_148 : i32 to index
        %get3A_246 = arith.index_cast %add3A_240 : i32 to index
        %get3A_247 = tpu.vector_load %arg11[%get3A_245, %get3A_246] {strides = array<i32>} : memref<16x1024xf32, #tpu.memory_space<vmem>>, vector<1x16xf32>,
        %get3A_248 = vector.shape_cast %get3A_247 : vector<1x16xf32> to vector<16xf32>
        %add3A_249 = arith.addf %get3A_244, %get3A_248 : vector<16xf32>
        %swap3A_250 = arith.index_cast %scan3A_148 : i32 to index
        %swap3A_251 = arith.index_cast %add3A_240 : i32 to index
        %swap3A_252 = tpu.vector_load %arg13[%swap3A_250, %swap3A_251] {strides = array<i32>} : memref<16x1024xf32, #tpu.memory_space<vmem>>, vector<1x16xf32>,
        %swap3A_253 = vector.shape_cast %swap3A_252 : vector<1x16xf32> to vector<16xf32>
        %swap3A_254 = vector.shape_cast %add3A_249 : vector<16xf32> to vector<1x16xf32>
        tpu.vector_store %arg13[%swap3A_250, %swap3A_251], %swap3A_254 {strides = array<i32>} : memref<16x1024xf32, #tpu.memory_space<vmem>>, vector<1x16xf32>,
        %add3A_255 = arith.constant 96 : i32
        %add3A_256 = arith.addi %mul3A_160, %add3A_255 : i32
        %get3A_257 = arith.index_cast %scan3A_148 : i32 to index
        %get3A_258 = arith.index_cast %add3A_256 : i32 to index
        %get3A_259 = tpu.vector_load %arg10[%get3A_257, %get3A_258] {strides = array<i32>} : memref<16x1024xf32, #tpu.memory_space<vmem>>, vector<1x16xf32>,
        %get3A_260 = vector.shape_cast %get3A_259 : vector<1x16xf32> to vector<16xf32>
        %get3A_261 = arith.index_cast %scan3A_148 : i32 to index
        %get3A_262 = arith.index_cast %add3A_256 : i32 to index
        %get3A_263 = tpu.vector_load %arg11[%get3A_261, %get3A_262] {strides = array<i32>} : memref<16x1024xf32, #tpu.memory_space<vmem>>, vector<1x16xf32>,
        %get3A_264 = vector.shape_cast %get3A_263 : vector<1x16xf32> to vector<16xf32>
        %add3A_265 = arith.addf %get3A_260, %get3A_264 : vector<16xf32>
        %swap3A_266 = arith.index_cast %scan3A_148 : i32 to index
        %swap3A_267 = arith.index_cast %add3A_256 : i32 to index
        %swap3A_268 = tpu.vector_load %arg13[%swap3A_266, %swap3A_267] {strides = array<i32>} : memref<16x1024xf32, #tpu.memory_space<vmem>>, vector<1x16xf32>,
        %swap3A_269 = vector.shape_cast %swap3A_268 : vector<1x16xf32> to vector<16xf32>
        %swap3A_270 = vector.shape_cast %add3A_265 : vector<16xf32> to vector<1x16xf32>
        tpu.vector_store %arg13[%swap3A_266, %swap3A_267], %swap3A_270 {strides = array<i32>} : memref<16x1024xf32, #tpu.memory_space<vmem>>, vector<1x16xf32>,
        %add3A_271 = arith.constant 112 : i32
        %add3A_272 = arith.addi %mul3A_160, %add3A_271 : i32
        %get3A_273 = arith.index_cast %scan3A_148 : i32 to index
        %get3A_274 = arith.index_cast %add3A_272 : i32 to index
        %get3A_275 = tpu.vector_load %arg10[%get3A_273, %get3A_274] {strides = array<i32>} : memref<16x1024xf32, #tpu.memory_space<vmem>>, vector<1x16xf32>,
        %get3A_276 = vector.shape_cast %get3A_275 : vector<1x16xf32> to vector<16xf32>
        %get3A_277 = arith.index_cast %scan3A_148 : i32 to index
        %get3A_278 = arith.index_cast %add3A_272 : i32 to index
        %get3A_279 = tpu.vector_load %arg11[%get3A_277, %get3A_278] {strides = array<i32>} : memref<16x1024xf32, #tpu.memory_space<vmem>>, vector<1x16xf32>,
        %get3A_280 = vector.shape_cast %get3A_279 : vector<1x16xf32> to vector<16xf32>
        %add3A_281 = arith.addf %get3A_276, %get3A_280 : vector<16xf32>
        %swap3A_282 = arith.index_cast %scan3A_148 : i32 to index
        %swap3A_283 = arith.index_cast %add3A_272 : i32 to index
        %swap3A_284 = tpu.vector_load %arg13[%swap3A_282, %swap3A_283] {strides = array<i32>} : memref<16x1024xf32, #tpu.memory_space<vmem>>, vector<1x16xf32>,
        %swap3A_285 = vector.shape_cast %swap3A_284 : vector<1x16xf32> to vector<16xf32>
        %swap3A_286 = vector.shape_cast %add3A_281 : vector<16xf32> to vector<1x16xf32>
        tpu.vector_store %arg13[%swap3A_282, %swap3A_283], %swap3A_286 {strides = array<i32>} : memref<16x1024xf32, #tpu.memory_space<vmem>>, vector<1x16xf32>,
        %add3A_287 = arith.constant 128 : i32
        %add3A_288 = arith.addi %mul3A_160, %add3A_287 : i32
        %get3A_289 = arith.index_cast %scan3A_148 : i32 to index
        %get3A_290 = arith.index_cast %add3A_288 : i32 to index
        %get3A_291 = tpu.vector_load %arg10[%get3A_289, %get3A_290] {strides = array<i32>} : memref<16x1024xf32, #tpu.memory_space<vmem>>, vector<1x16xf32>,
        %get3A_292 = vector.shape_cast %get3A_291 : vector<1x16xf32> to vector<16xf32>
        %get3A_293 = arith.index_cast %scan3A_148 : i32 to index
        %get3A_294 = arith.index_cast %add3A_288 : i32 to index
        %get3A_295 = tpu.vector_load %arg11[%get3A_293, %get3A_294] {strides = array<i32>} : memref<16x1024xf32, #tpu.memory_space<vmem>>, vector<1x16xf32>,
        %get3A_296 = vector.shape_cast %get3A_295 : vector<1x16xf32> to vector<16xf32>
        %add3A_297 = arith.addf %get3A_292, %get3A_296 : vector<16xf32>
        %swap3A_298 = arith.index_cast %scan3A_148 : i32 to index
        %swap3A_299 = arith.index_cast %add3A_288 : i32 to index
        %swap3A_300 = tpu.vector_load %arg13[%swap3A_298, %swap3A_299] {strides = array<i32>} : memref<16x1024xf32, #tpu.memory_space<vmem>>, vector<1x16xf32>,
        %swap3A_301 = vector.shape_cast %swap3A_300 : vector<1x16xf32> to vector<16xf32>
        %swap3A_302 = vector.shape_cast %add3A_297 : vector<16xf32> to vector<1x16xf32>
        tpu.vector_store %arg13[%swap3A_298, %swap3A_299], %swap3A_302 {strides = array<i32>} : memref<16x1024xf32, #tpu.memory_space<vmem>>, vector<1x16xf32>,
        %add3A_303 = arith.constant 144 : i32
        %add3A_304 = arith.addi %mul3A_160, %add3A_303 : i32
        %get3A_305 = arith.index_cast %scan3A_148 : i32 to index
        %get3A_306 = arith.index_cast %add3A_304 : i32 to index
        %get3A_307 = tpu.vector_load %arg10[%get3A_305, %get3A_306] {strides = array<i32>} : memref<16x1024xf32, #tpu.memory_space<vmem>>, vector<1x16xf32>,
        %get3A_308 = vector.shape_cast %get3A_307 : vector<1x16xf32> to vector<16xf32>
        %get3A_309 = arith.index_cast %scan3A_148 : i32 to index
        %get3A_310 = arith.index_cast %add3A_304 : i32 to index
        %get3A_311 = tpu.vector_load %arg11[%get3A_309, %get3A_310] {strides = array<i32>} : memref<16x1024xf32, #tpu.memory_space<vmem>>, vector<1x16xf32>,
        %get3A_312 = vector.shape_cast %get3A_311 : vector<1x16xf32> to vector<16xf32>
        %add3A_313 = arith.addf %get3A_308, %get3A_312 : vector<16xf32>
        %swap3A_314 = arith.index_cast %scan3A_148 : i32 to index
        %swap3A_315 = arith.index_cast %add3A_304 : i32 to index
        %swap3A_316 = tpu.vector_load %arg13[%swap3A_314, %swap3A_315] {strides = array<i32>} : memref<16x1024xf32, #tpu.memory_space<vmem>>, vector<1x16xf32>,
        %swap3A_317 = vector.shape_cast %swap3A_316 : vector<1x16xf32> to vector<16xf32>
        %swap3A_318 = vector.shape_cast %add3A_313 : vector<16xf32> to vector<1x16xf32>
        tpu.vector_store %arg13[%swap3A_314, %swap3A_315], %swap3A_318 {strides = array<i32>} : memref<16x1024xf32, #tpu.memory_space<vmem>>, vector<1x16xf32>,
        %add3A_319 = arith.constant 160 : i32
        %add3A_320 = arith.addi %mul3A_160, %add3A_319 : i32
        %get3A_321 = arith.index_cast %scan3A_148 : i32 to index
        %get3A_322 = arith.index_cast %add3A_320 : i32 to index
        %get3A_323 = tpu.vector_load %arg10[%get3A_321, %get3A_322] {strides = array<i32>} : memref<16x1024xf32, #tpu.memory_space<vmem>>, vector<1x16xf32>,
        %get3A_324 = vector.shape_cast %get3A_323 : vector<1x16xf32> to vector<16xf32>
        %get3A_325 = arith.index_cast %scan3A_148 : i32 to index
        %get3A_326 = arith.index_cast %add3A_320 : i32 to index
        %get3A_327 = tpu.vector_load %arg11[%get3A_325, %get3A_326] {strides = array<i32>} : memref<16x1024xf32, #tpu.memory_space<vmem>>, vector<1x16xf32>,
        %get3A_328 = vector.shape_cast %get3A_327 : vector<1x16xf32> to vector<16xf32>
        %add3A_329 = arith.addf %get3A_324, %get3A_328 : vector<16xf32>
        %swap3A_330 = arith.index_cast %scan3A_148 : i32 to index
        %swap3A_331 = arith.index_cast %add3A_320 : i32 to index
        %swap3A_332 = tpu.vector_load %arg13[%swap3A_330, %swap3A_331] {strides = array<i32>} : memref<16x1024xf32, #tpu.memory_space<vmem>>, vector<1x16xf32>,
        %swap3A_333 = vector.shape_cast %swap3A_332 : vector<1x16xf32> to vector<16xf32>
        %swap3A_334 = vector.shape_cast %add3A_329 : vector<16xf32> to vector<1x16xf32>
        tpu.vector_store %arg13[%swap3A_330, %swap3A_331], %swap3A_334 {strides = array<i32>} : memref<16x1024xf32, #tpu.memory_space<vmem>>, vector<1x16xf32>,
        %add3A_335 = arith.constant 176 : i32
        %add3A_336 = arith.addi %mul3A_160, %add3A_335 : i32
        %get3A_337 = arith.index_cast %scan3A_148 : i32 to index
        %get3A_338 = arith.index_cast %add3A_336 : i32 to index
        %get3A_339 = tpu.vector_load %arg10[%get3A_337, %get3A_338] {strides = array<i32>} : memref<16x1024xf32, #tpu.memory_space<vmem>>, vector<1x16xf32>,
        %get3A_340 = vector.shape_cast %get3A_339 : vector<1x16xf32> to vector<16xf32>
        %get3A_341 = arith.index_cast %scan3A_148 : i32 to index
        %get3A_342 = arith.index_cast %add3A_336 : i32 to index
        %get3A_343 = tpu.vector_load %arg11[%get3A_341, %get3A_342] {strides = array<i32>} : memref<16x1024xf32, #tpu.memory_space<vmem>>, vector<1x16xf32>,
        %get3A_344 = vector.shape_cast %get3A_343 : vector<1x16xf32> to vector<16xf32>
        %add3A_345 = arith.addf %get3A_340, %get3A_344 : vector<16xf32>
        %swap3A_346 = arith.index_cast %scan3A_148 : i32 to index
        %swap3A_347 = arith.index_cast %add3A_336 : i32 to index
        %swap3A_348 = tpu.vector_load %arg13[%swap3A_346, %swap3A_347] {strides = array<i32>} : memref<16x1024xf32, #tpu.memory_space<vmem>>, vector<1x16xf32>,
        %swap3A_349 = vector.shape_cast %swap3A_348 : vector<1x16xf32> to vector<16xf32>
        %swap3A_350 = vector.shape_cast %add3A_345 : vector<16xf32> to vector<1x16xf32>
        tpu.vector_store %arg13[%swap3A_346, %swap3A_347], %swap3A_350 {strides = array<i32>} : memref<16x1024xf32, #tpu.memory_space<vmem>>, vector<1x16xf32>,
        %add3A_351 = arith.constant 192 : i32
        %add3A_352 = arith.addi %mul3A_160, %add3A_351 : i32
        %get3A_353 = arith.index_cast %scan3A_148 : i32 to index
        %get3A_354 = arith.index_cast %add3A_352 : i32 to index
        %get3A_355 = tpu.vector_load %arg10[%get3A_353, %get3A_354] {strides = array<i32>} : memref<16x1024xf32, #tpu.memory_space<vmem>>, vector<1x16xf32>,
        %get3A_356 = vector.shape_cast %get3A_355 : vector<1x16xf32> to vector<16xf32>
        %get3A_357 = arith.index_cast %scan3A_148 : i32 to index
        %get3A_358 = arith.index_cast %add3A_352 : i32 to index
        %get3A_359 = tpu.vector_load %arg11[%get3A_357, %get3A_358] {strides = array<i32>} : memref<16x1024xf32, #tpu.memory_space<vmem>>, vector<1x16xf32>,
        %get3A_360 = vector.shape_cast %get3A_359 : vector<1x16xf32> to vector<16xf32>
        %add3A_361 = arith.addf %get3A_356, %get3A_360 : vector<16xf32>
        %swap3A_362 = arith.index_cast %scan3A_148 : i32 to index
        %swap3A_363 = arith.index_cast %add3A_352 : i32 to index
        %swap3A_364 = tpu.vector_load %arg13[%swap3A_362, %swap3A_363] {strides = array<i32>} : memref<16x1024xf32, #tpu.memory_space<vmem>>, vector<1x16xf32>,
        %swap3A_365 = vector.shape_cast %swap3A_364 : vector<1x16xf32> to vector<16xf32>
        %swap3A_366 = vector.shape_cast %add3A_361 : vector<16xf32> to vector<1x16xf32>
        tpu.vector_store %arg13[%swap3A_362, %swap3A_363], %swap3A_366 {strides = array<i32>} : memref<16x1024xf32, #tpu.memory_space<vmem>>, vector<1x16xf32>,
        %add3A_367 = arith.constant 208 : i32
        %add3A_368 = arith.addi %mul3A_160, %add3A_367 : i32
        %get3A_369 = arith.index_cast %scan3A_148 : i32 to index
        %get3A_370 = arith.index_cast %add3A_368 : i32 to index
        %get3A_371 = tpu.vector_load %arg10[%get3A_369, %get3A_370] {strides = array<i32>} : memref<16x1024xf32, #tpu.memory_space<vmem>>, vector<1x16xf32>,
        %get3A_372 = vector.shape_cast %get3A_371 : vector<1x16xf32> to vector<16xf32>
        %get3A_373 = arith.index_cast %scan3A_148 : i32 to index
        %get3A_374 = arith.index_cast %add3A_368 : i32 to index
        %get3A_375 = tpu.vector_load %arg11[%get3A_373, %get3A_374] {strides = array<i32>} : memref<16x1024xf32, #tpu.memory_space<vmem>>, vector<1x16xf32>,
        %get3A_376 = vector.shape_cast %get3A_375 : vector<1x16xf32> to vector<16xf32>
        %add3A_377 = arith.addf %get3A_372, %get3A_376 : vector<16xf32>
        %swap3A_378 = arith.index_cast %scan3A_148 : i32 to index
        %swap3A_379 = arith.index_cast %add3A_368 : i32 to index
        %swap3A_380 = tpu.vector_load %arg13[%swap3A_378, %swap3A_379] {strides = array<i32>} : memref<16x1024xf32, #tpu.memory_space<vmem>>, vector<1x16xf32>,
        %swap3A_381 = vector.shape_cast %swap3A_380 : vector<1x16xf32> to vector<16xf32>
        %swap3A_382 = vector.shape_cast %add3A_377 : vector<16xf32> to vector<1x16xf32>
        tpu.vector_store %arg13[%swap3A_378, %swap3A_379], %swap3A_382 {strides = array<i32>} : memref<16x1024xf32, #tpu.memory_space<vmem>>, vector<1x16xf32>,
        %add3A_383 = arith.constant 224 : i32
        %add3A_384 = arith.addi %mul3A_160, %add3A_383 : i32
        %get3A_385 = arith.index_cast %scan3A_148 : i32 to index
        %get3A_386 = arith.index_cast %add3A_384 : i32 to index
        %get3A_387 = tpu.vector_load %arg10[%get3A_385, %get3A_386] {strides = array<i32>} : memref<16x1024xf32, #tpu.memory_space<vmem>>, vector<1x16xf32>,
        %get3A_388 = vector.shape_cast %get3A_387 : vector<1x16xf32> to vector<16xf32>
        %get3A_389 = arith.index_cast %scan3A_148 : i32 to index
        %get3A_390 = arith.index_cast %add3A_384 : i32 to index
        %get3A_391 = tpu.vector_load %arg11[%get3A_389, %get3A_390] {strides = array<i32>} : memref<16x1024xf32, #tpu.memory_space<vmem>>, vector<1x16xf32>,
        %get3A_392 = vector.shape_cast %get3A_391 : vector<1x16xf32> to vector<16xf32>
        %add3A_393 = arith.addf %get3A_388, %get3A_392 : vector<16xf32>
        %swap3A_394 = arith.index_cast %scan3A_148 : i32 to index
        %swap3A_395 = arith.index_cast %add3A_384 : i32 to index
        %swap3A_396 = tpu.vector_load %arg13[%swap3A_394, %swap3A_395] {strides = array<i32>} : memref<16x1024xf32, #tpu.memory_space<vmem>>, vector<1x16xf32>,
        %swap3A_397 = vector.shape_cast %swap3A_396 : vector<1x16xf32> to vector<16xf32>
        %swap3A_398 = vector.shape_cast %add3A_393 : vector<16xf32> to vector<1x16xf32>
        tpu.vector_store %arg13[%swap3A_394, %swap3A_395], %swap3A_398 {strides = array<i32>} : memref<16x1024xf32, #tpu.memory_space<vmem>>, vector<1x16xf32>,
        %add3A_399 = arith.constant 240 : i32
        %add3A_400 = arith.addi %mul3A_160, %add3A_399 : i32
        %get3A_401 = arith.index_cast %scan3A_148 : i32 to index
        %get3A_402 = arith.index_cast %add3A_400 : i32 to index
        %get3A_403 = tpu.vector_load %arg10[%get3A_401, %get3A_402] {strides = array<i32>} : memref<16x1024xf32, #tpu.memory_space<vmem>>, vector<1x16xf32>,
        %get3A_404 = vector.shape_cast %get3A_403 : vector<1x16xf32> to vector<16xf32>
        %get3A_405 = arith.index_cast %scan3A_148 : i32 to index
        %get3A_406 = arith.index_cast %add3A_400 : i32 to index
        %get3A_407 = tpu.vector_load %arg11[%get3A_405, %get3A_406] {strides = array<i32>} : memref<16x1024xf32, #tpu.memory_space<vmem>>, vector<1x16xf32>,
        %get3A_408 = vector.shape_cast %get3A_407 : vector<1x16xf32> to vector<16xf32>
        %add3A_409 = arith.addf %get3A_404, %get3A_408 : vector<16xf32>
        %swap3A_410 = arith.index_cast %scan3A_148 : i32 to index
        %swap3A_411 = arith.index_cast %add3A_400 : i32 to index
        %swap3A_412 = tpu.vector_load %arg13[%swap3A_410, %swap3A_411] {strides = array<i32>} : memref<16x1024xf32, #tpu.memory_space<vmem>>, vector<1x16xf32>,
        %swap3A_413 = vector.shape_cast %swap3A_412 : vector<1x16xf32> to vector<16xf32>
        %swap3A_414 = vector.shape_cast %add3A_409 : vector<16xf32> to vector<1x16xf32>
        tpu.vector_store %arg13[%swap3A_410, %swap3A_411], %swap3A_414 {strides = array<i32>} : memref<16x1024xf32, #tpu.memory_space<vmem>>, vector<1x16xf32>,
        %scan3A_415 = arith.constant 0 : i32
        scf.yield %scan3A_415 : i32
      }
      %scan3A_156 = arith.constant 4 : i32
      scf.yield %scan3A_155 : i32
    }
    %scan3A_133 = arith.constant 16 : i32
    %add3A_134 = arith.constant 48 : i32
    %add3A_135 = arith.addi %mul3A_2, %add3A_134 : i32
    %dma_start3A_136 = arith.constant 0 : i32
    %dma_start3A_137 = tpu.memref_slice %arg5[%add3A_135, %dma_start3A_136] : memref<2048x1024xf32, #tpu.memory_space<hbm>> -> memref<16x1024xf32, #tpu.memory_space<hbm>>
    %dma_start3A_138 = arith.constant 0 : i32
    %dma_start3A_139 = tpu.memref_slice %arg5[%add3A_135, %dma_start3A_138] : memref<2048x1024xf32, #tpu.memory_space<hbm>> -> memref<16x1024xf32, #tpu.memory_space<hbm>>
    tpu.enqueue_dma source(%arg13 : memref<16x1024xf32, #tpu.memory_space<vmem>>) target(%dma_start3A_139 : memref<16x1024xf32, #tpu.memory_space<hbm>>) target_semaphore(%arg19 : memref<!tpu.dma_semaphore, #tpu.memory_space<semaphore_mem>>)
    %dma_wait3A_140 = arith.constant 0 : i32
    %dma_wait3A_141 = tpu.memref_slice %arg5[%add3A_108, %dma_wait3A_140] : memref<2048x1024xf32, #tpu.memory_space<hbm>> -> memref<16x1024xf32, #tpu.memory_space<hbm>>
    %dma_wait3A_142 = arith.constant 0 : i32
    %dma_wait3A_143 = tpu.memref_slice %arg5[%add3A_108, %dma_wait3A_142] : memref<2048x1024xf32, #tpu.memory_space<hbm>> -> memref<16x1024xf32, #tpu.memory_space<hbm>>
    tpu.wait_dma2 semaphore(%arg18 : memref<!tpu.dma_semaphore, #tpu.memory_space<semaphore_mem>>) src(%arg12 : memref<16x1024xf32, #tpu.memory_space<vmem>>) dst(%dma_wait3A_143 : memref<16x1024xf32, #tpu.memory_space<hbm>>)
    %dma_wait3A_144 = arith.constant 0 : i32
    %dma_wait3A_145 = tpu.memref_slice %arg5[%add3A_135, %dma_wait3A_144] : memref<2048x1024xf32, #tpu.memory_space<hbm>> -> memref<16x1024xf32, #tpu.memory_space<hbm>>
    %dma_wait3A_146 = arith.constant 0 : i32
    %dma_wait3A_147 = tpu.memref_slice %arg5[%add3A_135, %dma_wait3A_146] : memref<2048x1024xf32, #tpu.memory_space<hbm>> -> memref<16x1024xf32, #tpu.memory_space<hbm>>
    tpu.wait_dma2 semaphore(%arg19 : memref<!tpu.dma_semaphore, #tpu.memory_space<semaphore_mem>>) src(%arg13 : memref<16x1024xf32, #tpu.memory_space<vmem>>) dst(%dma_wait3A_147 : memref<16x1024xf32, #tpu.memory_space<hbm>>)
    return
  }
}

module attributes {stable_mosaic.version = 14 : i64} {
  func.func @_router_body(%arg0: i32, %arg1: memref<256x1024xf32, #tpu.memory_space<vmem>>, %arg2: memref<1024x8xf32, #tpu.memory_space<vmem>>, %arg3: memref<256x2xi32, #tpu.memory_space<vmem>>, %arg4: memref<256x2xf32, #tpu.memory_space<vmem>>) attributes {dimension_semantics = [#tpu.dimension_semantics<arbitrary>], iteration_bounds = array<i64: 8>, scalar_prefetch = 0 : i64, scratch_operands = 0 : i64, tpu.core_type = #tpu.core_type<tc>, window_params = [{transform_indices = @transform_0, window_bounds = array<i64: 256, 1024>}, {pipeline_mode = #tpu.pipeline_mode<synchronous>, transform_indices = @transform_1, window_bounds = array<i64: 1024, 8>}, {transform_indices = @transform_2, window_bounds = array<i64: 256, 2>}, {transform_indices = @transform_3, window_bounds = array<i64: 256, 2>}]} {
    %get3A = arith.constant 0 : index
    %get3A_0 = arith.constant 0 : index
    %get3A_1 = vector.load %arg1[%get3A, %get3A_0] : memref<256x1024xf32, #tpu.memory_space<vmem>>, vector<256x1024xf32>
    %get3A_2 = arith.constant 0 : index
    %get3A_3 = arith.constant 0 : index
    %get3A_4 = vector.load %arg2[%get3A_2, %get3A_3] : memref<1024x8xf32, #tpu.memory_space<vmem>>, vector<1024x8xf32>
    %dot_general3A = arith.constant dense<0.000000e+00> : vector<256x8xf32>
    %dot_general3A_5 = tpu.matmul %get3A_1, %get3A_4, %dot_general3A {dimension_numbers = #tpu.dot_dimension_numbers<[1], [0], [0], [1], [0, 0, 1, 1], [], []>, transpose_lhs_hint = false} : vector<256x1024xf32>, vector<1024x8xf32>, vector<256x8xf32> -> vector<256x8xf32>
    %iota3A = tpu.iota {dimensions = array<i32: 1>} : vector<256x8xi32>
    %reduce_max3A = arith.constant dense<0xFF800000> : vector<256xf32>
    %reduce_max3A_6 = vector.multi_reduction <maximumf>, %dot_general3A_5, %reduce_max3A [1] : vector<256x8xf32> to vector<256xf32>
    %broadcast_in_dim3A = vector.shape_cast %reduce_max3A_6 : vector<256xf32> to vector<256x1xf32>
    %eq3A = vector.broadcast %broadcast_in_dim3A : vector<256x1xf32> to vector<256x8xf32>
    %eq3A_7 = arith.cmpf oeq, %dot_general3A_5, %eq3A : vector<256x8xf32>
    %jit3A = arith.constant 8 : i32
    %broadcast_in_dim3A_8 = vector.broadcast %jit3A : i32 to vector<256x8xi32>
    %select_n3A = arith.select %eq3A_7, %iota3A, %broadcast_in_dim3A_8 : vector<256x8xi1>, vector<256x8xi32>
    %reduce_min3A = arith.constant dense<2147483647> : vector<256xi32>
    %reduce_min3A_9 = vector.multi_reduction <minsi>, %select_n3A, %reduce_min3A [1] : vector<256x8xi32> to vector<256xi32>
    %broadcast_in_dim3A_10 = vector.shape_cast %reduce_min3A_9 : vector<256xi32> to vector<256x1xi32>
    %eq3A_11 = vector.broadcast %broadcast_in_dim3A_10 : vector<256x1xi32> to vector<256x8xi32>
    %eq3A_12 = arith.cmpi eq, %iota3A, %eq3A_11 : vector<256x8xi32>
    %jit3A_13 = arith.constant 0xFF800000 : f32
    %broadcast_in_dim3A_14 = vector.broadcast %jit3A_13 : f32 to vector<256x8xf32>
    %select_n3A_15 = arith.select %eq3A_12, %broadcast_in_dim3A_14, %dot_general3A_5 : vector<256x8xi1>, vector<256x8xf32>
    %reduce_max3A_16 = arith.constant dense<0xFF800000> : vector<256xf32>
    %reduce_max3A_17 = vector.multi_reduction <maximumf>, %select_n3A_15, %reduce_max3A_16 [1] : vector<256x8xf32> to vector<256xf32>
    %broadcast_in_dim3A_18 = vector.shape_cast %reduce_max3A_17 : vector<256xf32> to vector<256x1xf32>
    %eq3A_19 = vector.broadcast %broadcast_in_dim3A_18 : vector<256x1xf32> to vector<256x8xf32>
    %eq3A_20 = arith.cmpf oeq, %select_n3A_15, %eq3A_19 : vector<256x8xf32>
    %jit3A_21 = arith.constant 8 : i32
    %broadcast_in_dim3A_22 = vector.broadcast %jit3A_21 : i32 to vector<256x8xi32>
    %select_n3A_23 = arith.select %eq3A_20, %iota3A, %broadcast_in_dim3A_22 : vector<256x8xi1>, vector<256x8xi32>
    %reduce_min3A_24 = arith.constant dense<2147483647> : vector<256xi32>
    %reduce_min3A_25 = vector.multi_reduction <minsi>, %select_n3A_23, %reduce_min3A_24 [1] : vector<256x8xi32> to vector<256xi32>
    %broadcast_in_dim3A_26 = vector.shape_cast %reduce_min3A_25 : vector<256xi32> to vector<256x1xi32>
    %sub3A = arith.subf %broadcast_in_dim3A_18, %broadcast_in_dim3A : vector<256x1xf32>
    %exp3A = math.exp %sub3A : vector<256x1xf32>
    %add3A = arith.constant 1.000000e+00 : f32
    %add3A_27 = vector.broadcast %add3A : f32 to vector<256x1xf32>
    %add3A_28 = arith.addf %add3A_27, %exp3A : vector<256x1xf32>
    %div3A = arith.constant 1.000000e+00 : f32
    %div3A_29 = vector.broadcast %div3A : f32 to vector<256x1xf32>
    %div3A_30 = arith.divf %div3A_29, %add3A_28 : vector<256x1xf32>
    %concatenate3A = tpu.concatenate %broadcast_in_dim3A_10, %broadcast_in_dim3A_26 in 1 : vector<256x1xi32>, vector<256x1xi32> -> vector<256x2xi32>
    %swap3A = arith.constant 0 : index
    %swap3A_31 = arith.constant 0 : index
    %swap3A_32 = vector.load %arg3[%swap3A, %swap3A_31] : memref<256x2xi32, #tpu.memory_space<vmem>>, vector<256x2xi32>
    tpu.vector_store %arg3[%swap3A, %swap3A_31], %concatenate3A {strides = array<i32>} : memref<256x2xi32, #tpu.memory_space<vmem>>, vector<256x2xi32>,
    %sub3A_33 = arith.constant 1.000000e+00 : f32
    %sub3A_34 = vector.broadcast %sub3A_33 : f32 to vector<256x1xf32>
    %sub3A_35 = arith.subf %sub3A_34, %div3A_30 : vector<256x1xf32>
    %concatenate3A_36 = tpu.concatenate %div3A_30, %sub3A_35 in 1 : vector<256x1xf32>, vector<256x1xf32> -> vector<256x2xf32>
    %swap3A_37 = arith.constant 0 : index
    %swap3A_38 = arith.constant 0 : index
    %swap3A_39 = vector.load %arg4[%swap3A_37, %swap3A_38] : memref<256x2xf32, #tpu.memory_space<vmem>>, vector<256x2xf32>
    tpu.vector_store %arg4[%swap3A_37, %swap3A_38], %concatenate3A_36 {strides = array<i32>} : memref<256x2xf32, #tpu.memory_space<vmem>>, vector<256x2xf32>,
    return
  }
  func.func @transform_0(%arg0: i32) -> (i32, i32) {
    %c0_i32 = arith.constant 0 : i32
    %c0_i32_0 = arith.constant 0 : i32
    return %arg0, %c0_i32 : i32, i32
  }
  func.func @transform_1(%arg0: i32) -> (i32, i32) {
    %c0_i32 = arith.constant 0 : i32
    %c0_i32_0 = arith.constant 0 : i32
    %c0_i32_1 = arith.constant 0 : i32
    return %c0_i32, %c0_i32_0 : i32, i32
  }
  func.func @transform_2(%arg0: i32) -> (i32, i32) {
    %c0_i32 = arith.constant 0 : i32
    %c0_i32_0 = arith.constant 0 : i32
    return %arg0, %c0_i32 : i32, i32
  }
  func.func @transform_3(%arg0: i32) -> (i32, i32) {
    %c0_i32 = arith.constant 0 : i32
    %c0_i32_0 = arith.constant 0 : i32
    return %arg0, %c0_i32 : i32, i32
  }
}

module attributes {stable_mosaic.version = 14 : i64} {
  func.func @_ffn_body(%arg0: i32, %arg1: memref<23xi32, #tpu.memory_space<smem>>, %arg2: memref<23xi32, #tpu.memory_space<smem>>, %arg3: memref<256x1024xf32, #tpu.memory_space<vmem>>, %arg4: memref<256x1xf32, #tpu.memory_space<vmem>>, %arg5: memref<1x1024x2048xbf16, #tpu.memory_space<vmem>>, %arg6: memref<1x1x2048xf32, #tpu.memory_space<vmem>>, %arg7: memref<1x2048x1024xbf16, #tpu.memory_space<vmem>>, %arg8: memref<1x1x1024xf32, #tpu.memory_space<vmem>>, %arg9: memref<256x1024xf32, #tpu.memory_space<vmem>>) attributes {dimension_semantics = [#tpu.dimension_semantics<arbitrary>], iteration_bounds = array<i64: 23>, scalar_prefetch = 2 : i64, scratch_operands = 0 : i64, tpu.core_type = #tpu.core_type<tc>, window_params = [{transform_indices = @transform_0, window_bounds = array<i64: 256, 1024>}, {transform_indices = @transform_1, window_bounds = array<i64: 256, 1>}, {transform_indices = @transform_2, window_bounds = array<i64: 1, 1024, 2048>}, {transform_indices = @transform_3, window_bounds = array<i64: 1, 1, 2048>}, {transform_indices = @transform_4, window_bounds = array<i64: 1, 2048, 1024>}, {transform_indices = @transform_5, window_bounds = array<i64: 1, 1, 1024>}, {transform_indices = @transform_6, window_bounds = array<i64: 256, 1024>}]} {
    %get3A = arith.index_cast %arg0 : i32 to index
    %get3A_0 = memref.load %arg2[%get3A] : memref<23xi32, #tpu.memory_space<smem>>
    %eq3A = arith.constant 1 : i32
    %eq3A_1 = arith.cmpi eq, %get3A_0, %eq3A : i32
    %convert_element_type3A = arith.extui %eq3A_1 : i1 to i32
    %cond3A = arith.constant 0 : i32
    %cond3A_2 = arith.cmpi ne, %convert_element_type3A, %cond3A : i32
    scf.if %cond3A_2 {
      %get3A_10 = arith.constant 0 : index
      %get3A_11 = arith.constant 0 : index
      %get3A_12 = vector.load %arg3[%get3A_10, %get3A_11] : memref<256x1024xf32, #tpu.memory_space<vmem>>, vector<256x1024xf32>
      %convert_element_type3A_13 = arith.truncf %get3A_12 : vector<256x1024xf32> to vector<256x1024xbf16>
      %get3A_14 = arith.constant 0 : index
      %get3A_15 = arith.constant 0 : index
      %get3A_16 = arith.constant 0 : index
      %get3A_17 = vector.load %arg5[%get3A_14, %get3A_15, %get3A_16] : memref<1x1024x2048xbf16, #tpu.memory_space<vmem>>, vector<1x1024x2048xbf16>
      %get3A_18 = vector.shape_cast %get3A_17 : vector<1x1024x2048xbf16> to vector<1024x2048xbf16>
      %dot_general3A = arith.constant dense<0.000000e+00> : vector<256x2048xf32>
      %dot_general3A_19 = tpu.matmul %convert_element_type3A_13, %get3A_18, %dot_general3A {dimension_numbers = #tpu.dot_dimension_numbers<[1], [0], [0], [1], [0, 0, 1, 1], [], []>, transpose_lhs_hint = false} : vector<256x1024xbf16>, vector<1024x2048xbf16>, vector<256x2048xf32> -> vector<256x2048xf32>
      %get3A_20 = arith.constant 0 : index
      %get3A_21 = arith.constant 0 : index
      %get3A_22 = arith.constant 0 : index
      %get3A_23 = vector.load %arg6[%get3A_20, %get3A_21, %get3A_22] : memref<1x1x2048xf32, #tpu.memory_space<vmem>>, vector<1x1x2048xf32>
      %get3A_24 = vector.shape_cast %get3A_23 : vector<1x1x2048xf32> to vector<1x2048xf32>
      %add3A = vector.broadcast %get3A_24 : vector<1x2048xf32> to vector<256x2048xf32>
      %add3A_25 = arith.addf %dot_general3A_19, %add3A : vector<256x2048xf32>
      %mul3A = arith.constant 5.000000e-01 : f32
      %mul3A_26 = vector.broadcast %mul3A : f32 to vector<256x2048xf32>
      %mul3A_27 = arith.mulf %mul3A_26, %add3A_25 : vector<256x2048xf32>
      %mul3A_28 = arith.constant 0.707106769 : f32
      %mul3A_29 = vector.broadcast %mul3A_28 : f32 to vector<256x2048xf32>
      %mul3A_30 = arith.mulf %add3A_25, %mul3A_29 : vector<256x2048xf32>
      %erf3A = math.erf %mul3A_30 : vector<256x2048xf32>
      %add3A_31 = arith.constant 1.000000e+00 : f32
      %add3A_32 = vector.broadcast %add3A_31 : f32 to vector<256x2048xf32>
      %add3A_33 = arith.addf %add3A_32, %erf3A : vector<256x2048xf32>
      %mul3A_34 = arith.mulf %mul3A_27, %add3A_33 : vector<256x2048xf32>
      %convert_element_type3A_35 = arith.truncf %mul3A_34 : vector<256x2048xf32> to vector<256x2048xbf16>
      %get3A_36 = arith.constant 0 : index
      %get3A_37 = arith.constant 0 : index
      %get3A_38 = arith.constant 0 : index
      %get3A_39 = vector.load %arg7[%get3A_36, %get3A_37, %get3A_38] : memref<1x2048x1024xbf16, #tpu.memory_space<vmem>>, vector<1x2048x1024xbf16>
      %get3A_40 = vector.shape_cast %get3A_39 : vector<1x2048x1024xbf16> to vector<2048x1024xbf16>
      %dot_general3A_41 = arith.constant dense<0.000000e+00> : vector<256x1024xf32>
      %dot_general3A_42 = tpu.matmul %convert_element_type3A_35, %get3A_40, %dot_general3A_41 {dimension_numbers = #tpu.dot_dimension_numbers<[1], [0], [0], [1], [0, 0, 1, 1], [], []>, transpose_lhs_hint = false} : vector<256x2048xbf16>, vector<2048x1024xbf16>, vector<256x1024xf32> -> vector<256x1024xf32>
      %get3A_43 = arith.constant 0 : index
      %get3A_44 = arith.constant 0 : index
      %get3A_45 = arith.constant 0 : index
      %get3A_46 = vector.load %arg8[%get3A_43, %get3A_44, %get3A_45] : memref<1x1x1024xf32, #tpu.memory_space<vmem>>, vector<1x1x1024xf32>
      %get3A_47 = vector.shape_cast %get3A_46 : vector<1x1x1024xf32> to vector<1x1024xf32>
      %add3A_48 = vector.broadcast %get3A_47 : vector<1x1024xf32> to vector<256x1024xf32>
      %add3A_49 = arith.addf %dot_general3A_42, %add3A_48 : vector<256x1024xf32>
      %get3A_50 = arith.constant 0 : index
      %get3A_51 = arith.constant 0 : index
      %get3A_52 = vector.load %arg4[%get3A_50, %get3A_51] : memref<256x1xf32, #tpu.memory_space<vmem>>, vector<256x1xf32>
      %mul3A_53 = vector.broadcast %get3A_52 : vector<256x1xf32> to vector<256x1024xf32>
      %mul3A_54 = arith.mulf %add3A_49, %mul3A_53 : vector<256x1024xf32>
      %swap3A = arith.constant 0 : index
      %swap3A_55 = arith.constant 0 : index
      %swap3A_56 = vector.load %arg9[%swap3A, %swap3A_55] : memref<256x1024xf32, #tpu.memory_space<vmem>>, vector<256x1024xf32>
      tpu.vector_store %arg9[%swap3A, %swap3A_55], %mul3A_54 {strides = array<i32>} : memref<256x1024xf32, #tpu.memory_space<vmem>>, vector<256x1024xf32>,
    } else {
    }
    %get3A_3 = arith.index_cast %arg0 : i32 to index
    %get3A_4 = memref.load %arg2[%get3A_3] : memref<23xi32, #tpu.memory_space<smem>>
    %eq3A_5 = arith.constant 0 : i32
    %eq3A_6 = arith.cmpi eq, %get3A_4, %eq3A_5 : i32
    %convert_element_type3A_7 = arith.extui %eq3A_6 : i1 to i32
    %cond3A_8 = arith.constant 0 : i32
    %cond3A_9 = arith.cmpi ne, %convert_element_type3A_7, %cond3A_8 : i32
    scf.if %cond3A_9 {
      %broadcast_in_dim3A = arith.constant 0.000000e+00 : f32
      %broadcast_in_dim3A_10 = vector.broadcast %broadcast_in_dim3A : f32 to vector<256x1024xf32>
      %swap3A = arith.constant 0 : index
      %swap3A_11 = arith.constant 0 : index
      %swap3A_12 = vector.load %arg9[%swap3A, %swap3A_11] : memref<256x1024xf32, #tpu.memory_space<vmem>>, vector<256x1024xf32>
      tpu.vector_store %arg9[%swap3A, %swap3A_11], %broadcast_in_dim3A_10 {strides = array<i32>} : memref<256x1024xf32, #tpu.memory_space<vmem>>, vector<256x1024xf32>,
    } else {
    }
    return
  }
  func.func @transform_0(%arg0: i32, %arg1: memref<23xi32, #tpu.memory_space<smem>>, %arg2: memref<23xi32, #tpu.memory_space<smem>>) -> (i32, i32) {
    %c0_i32 = arith.constant 0 : i32
    %c0_i32_0 = arith.constant 0 : i32
    return %arg0, %c0_i32 : i32, i32
  }
  func.func @transform_1(%arg0: i32, %arg1: memref<23xi32, #tpu.memory_space<smem>>, %arg2: memref<23xi32, #tpu.memory_space<smem>>) -> (i32, i32) {
    %c0_i32 = arith.constant 0 : i32
    %c0_i32_0 = arith.constant 0 : i32
    return %arg0, %c0_i32 : i32, i32
  }
  func.func @transform_2(%arg0: i32, %arg1: memref<23xi32, #tpu.memory_space<smem>>, %arg2: memref<23xi32, #tpu.memory_space<smem>>) -> (i32, i32, i32) {
    %get3A = arith.index_cast %arg0 : i32 to index
    %get3A_0 = memref.load %arg1[%get3A] : memref<23xi32, #tpu.memory_space<smem>>
    %c0_i32 = arith.constant 0 : i32
    %c0_i32_1 = arith.constant 0 : i32
    %c0_i32_2 = arith.constant 0 : i32
    return %get3A_0, %c0_i32, %c0_i32_1 : i32, i32, i32
  }
  func.func @transform_3(%arg0: i32, %arg1: memref<23xi32, #tpu.memory_space<smem>>, %arg2: memref<23xi32, #tpu.memory_space<smem>>) -> (i32, i32, i32) {
    %get3A = arith.index_cast %arg0 : i32 to index
    %get3A_0 = memref.load %arg1[%get3A] : memref<23xi32, #tpu.memory_space<smem>>
    %c0_i32 = arith.constant 0 : i32
    %c0_i32_1 = arith.constant 0 : i32
    %c0_i32_2 = arith.constant 0 : i32
    return %get3A_0, %c0_i32, %c0_i32_1 : i32, i32, i32
  }
  func.func @transform_4(%arg0: i32, %arg1: memref<23xi32, #tpu.memory_space<smem>>, %arg2: memref<23xi32, #tpu.memory_space<smem>>) -> (i32, i32, i32) {
    %get3A = arith.index_cast %arg0 : i32 to index
    %get3A_0 = memref.load %arg1[%get3A] : memref<23xi32, #tpu.memory_space<smem>>
    %c0_i32 = arith.constant 0 : i32
    %c0_i32_1 = arith.constant 0 : i32
    %c0_i32_2 = arith.constant 0 : i32
    return %get3A_0, %c0_i32, %c0_i32_1 : i32, i32, i32
  }
  func.func @transform_5(%arg0: i32, %arg1: memref<23xi32, #tpu.memory_space<smem>>, %arg2: memref<23xi32, #tpu.memory_space<smem>>) -> (i32, i32, i32) {
    %get3A = arith.index_cast %arg0 : i32 to index
    %get3A_0 = memref.load %arg1[%get3A] : memref<23xi32, #tpu.memory_space<smem>>
    %c0_i32 = arith.constant 0 : i32
    %c0_i32_1 = arith.constant 0 : i32
    %c0_i32_2 = arith.constant 0 : i32
    return %get3A_0, %c0_i32, %c0_i32_1 : i32, i32, i32
  }
  func.func @transform_6(%arg0: i32, %arg1: memref<23xi32, #tpu.memory_space<smem>>, %arg2: memref<23xi32, #tpu.memory_space<smem>>) -> (i32, i32) {
    %c0_i32 = arith.constant 0 : i32
    %c0_i32_0 = arith.constant 0 : i32
    return %arg0, %c0_i32 : i32, i32
  }
}

</mosaic_0001>

<sc_bundles>
// kernel: gather_offload_async_start
scs
__scs_entry_jumppad:
0x0: {  	(pc) =	sbr.rel $0x88, $3  }
0x1: {  	(tag) =	ssettag $0x0;
	lr =	simm.s32 $0x1  }
0x2: {  	[smem:$0x3F9B] =	sst lr;
	_ =	strace $0xD0000000  }
0x3: {  	_ = 	snop  }
0x4: {  	_ = 	snop  }
0x5: {  	_ = 	snop  }
0x6: {  	_ = 	snop  }
0x7: {  	_ = 	snop  }
__scs_overlays_trampoline_lowered:
0x8: {  	[smem:$0x3FAA] =	sst s0  }
0x9: {  	[smem:$0x3FAB] =	sst s1  }
0xa: {  	[smem:$0x3FAC] =	sst s2  }
0xb: {  	[smem:$0x3FAD] =	sst s3  }
0xc: {  	[smem:$0x3FAE] =	sst s4  }
0xd: {  	[smem:$0x3FAF] =	sst s5  }
0xe: {  	[smem:$0x3FB0] =	sst s6  }
0xf: {  	[smem:$0x3FB1] =	sst s7  }
0x10: {  	[smem:$0x3FB2] =	sst s8  }
0x11: {  	[smem:$0x3FB3] =	sst s9;
	s0 =	simm.s32 @!p0 $0x0  }
0x12: {  	s1 =	sld [smem:$0x3F99];
	s0 =	simm.s32 @p0 $0x1  }
0x13: {  	[smem:$0x3FB4] =	sst s0;
	s0 =	simm.s32 @!p1 $0x0  }
0x14: {  	s2 =	sld [smem:$0x3F98];
	s0 =	simm.s32 @p1 $0x1  }
0x15: {  	[smem:$0x3FB5] =	sst s0;
	s0 =	simm.s32 @!p2 $0x0  }
0x16: {  	s3 =	sld [smem:$0x3FDB];
	s0 =	simm.s32 @p2 $0x1  }
0x17: {  	s4 =	simm.s32 $0x1BF5;
	[smem:$0x3FB7] =	sst s0  }
0x18: {  	s0 =	sld [smem:$0x3F9A];
	_ =	swait.ge [sflag:s4], $0x0  }
0x19: {  	s7 =	sld [smem:$0x3F9B]  }
0x1a: {  	s8 =	sadd.s32 $0xFFFFE003, lr  }
0x1b: {  	s9 =	sadd.s32 $0xFFFFFEF7, lr;
	s5 =	simm.s32 $0xFFFFFFFF;
	p2 =	slt.u32 s8, $0xFFFFF086  }
0x1c: {  	p1 =	slt.u32 s9, $0xF7A;
	s5 =	simm.s32 @!p2 $0x0  }
0x1d: {  	s5 =	simm.s32 @p1 $0x1;
	p0 =	seq.s32 s7, s2  }
0x1e: {  	s7 =	smul.u32 @!p0 $0xF7A, s2;
	p2 =	seq.s32 @!p0 s5, $0x0  }
0x1f: {  	s9 =	smul.u32 $0xF7A, s1;
	s8 =	simm.s32 @!p0 $0x1BF5;
	p2 =	por !p2, p0  }
0x20: {  	[sflag:s8] =	ssyncset.s32 @!p0 $0xFFFFF086;
	s6 =	sadd.s32 @!p0 s3, s7;
	s7 =	simm.s32 @!p0 $0x108  }
0x21: {  	s3 =	sadd.s32 s3, s9;
	s6 =	sadd.s32 @!p0 $0x88, s6;
	s7 =	simm.s32 @p2 $0x1082  }
0x22: {  	[simem:s7], [sflag:s8] =	dma.local @!p0 [hbm:s6], $0xF7A  }
0x23: {  	s9 =	sor.u32 $0xD0000000, s2;
	s6 =	simm.s32 $0x108;
	_ =	swait.ge @!p0 [sflag:s8], $0x0  }
0x24: {  	s3 =	sadd.s32 $0x88, s3;
	s6 =	simm.s32 @!p1 $0x1082;
	[sflag:s4] =	ssyncset.s32 $0xFFFFF086  }
0x25: {  	[simem:s6], [sflag:s4] =	dma.local [hbm:s3], $0xF7A  }
0x26: {  	[smem:$0x3F9B] =	sst s1;
	(tag) =	ssettag s2;
	_ =	strace s9  }
0x27: {  	s1 =	sld [smem:$0x3FAB]  }
0x28: {  	s2 =	sld [smem:$0x3FAC]  }
0x29: {  	s4 =	sld [smem:$0x3FAE]  }
0x2a: {  	p0 =	seq.s32 s5, $0x0;
	s5 =	sld [smem:$0x3FAF]  }
0x2b: {  	s6 =	sld [smem:$0x3FB0]  }
0x2c: {  	s7 =	sld [smem:$0x3FB1]  }
0x2d: {  	s3 =	simm.s32 $0x108;
	s8 =	sld [smem:$0x3FB2]  }
0x2e: {  	s3 =	simm.s32 @!p0 $0x1082;
	s9 =	sld [smem:$0x3FB3]  }
0x2f: {  	lr =	sadd.s32 s0, s3;
	s0 =	sld [smem:$0x3FAA]  }
0x30: {  	s3 =	sld [smem:$0x3FAD]  }
0x31: {  	[smem:$0x3FB6] =	sst s10  }
0x32: {  	s10 =	sld [smem:$0x3FB4];
	_ =	sdelay $0x3  }
0x33: {  	p0 =	seq.s32 s10, $0x1;
	s10 =	sld [smem:$0x3FB6];
	_ =	sdelay $0x3  }
0x34: {  	[smem:$0x3FB6] =	sst s10  }
0x35: {  	s10 =	sld [smem:$0x3FB5];
	_ =	sdelay $0x3  }
0x36: {  	p1 =	seq.s32 s10, $0x1;
	s10 =	sld [smem:$0x3FB6];
	_ =	sdelay $0x3  }
0x37: {  	[smem:$0x3FB6] =	sst s10  }
0x38: {  	s10 =	sld [smem:$0x3FB7]  }
0x39: {  	_ = 	snop;
	(pc) =	sbr.ind lr, $3  }
0x3a: {  	_ = 	snop  }
0x3b: {  	_ = 	snop  }
0x3c: {  	p2 =	seq.s32 s10, $0x1;
	s10 =	sld [smem:$0x3FB6]  }
0x3d: {  	_ =	shalt  }
0x3e: {  	_ =	shalt  }
0x3f: {  	_ =	shalt  }
0x40: {  	_ =	shalt  }
0x41: {  	_ =	shalt  }
0x42: {  	_ =	shalt  }
0x43: {  	_ =	shalt  }
0x44: {  	_ =	shalt  }
0x45: {  	_ =	shalt  }
0x46: {  	_ =	shalt  }
0x47: {  	_ =	shalt  }
0x48: {  	_ =	shalt  }
0x49: {  	_ =	shalt  }
0x4a: {  	_ =	shalt  }
0x4b: {  	_ =	shalt  }
0x4c: {  	_ =	shalt  }
0x4d: {  	_ =	shalt  }
0x4e: {  	_ =	shalt  }
0x4f: {  	_ =	shalt  }
0x50: {  	_ =	shalt  }
0x51: {  	_ =	shalt  }
0x52: {  	_ =	shalt  }
0x53: {  	_ =	shalt  }
0x54: {  	_ =	shalt  }
0x55: {  	_ =	shalt  }
0x56: {  	_ =	shalt  }
0x57: {  	_ =	shalt  }
0x58: {  	_ =	shalt  }
0x59: {  	_ =	shalt  }
0x5a: {  	_ =	shalt  }
0x5b: {  	_ =	shalt  }
0x5c: {  	_ =	shalt  }
0x5d: {  	_ =	shalt  }
0x5e: {  	_ =	shalt  }
0x5f: {  	_ =	shalt  }
0x60: {  	_ =	shalt  }
0x61: {  	_ =	shalt  }
0x62: {  	_ =	shalt  }
0x63: {  	_ =	shalt  }
0x64: {  	_ =	shalt  }
0x65: {  	_ =	shalt  }
0x66: {  	_ =	shalt  }
0x67: {  	_ =	shalt  }
0x68: {  	_ =	shalt  }
0x69: {  	_ =	shalt  }
0x6a: {  	_ =	shalt  }
0x6b: {  	_ =	shalt  }
0x6c: {  	_ =	shalt  }
0x6d: {  	_ =	shalt  }
0x6e: {  	_ =	shalt  }
0x6f: {  	_ =	shalt  }
0x70: {  	_ =	shalt  }
0x71: {  	_ =	shalt  }
0x72: {  	_ =	shalt  }
0x73: {  	_ =	shalt  }
0x74: {  	_ =	shalt  }
0x75: {  	_ =	shalt  }
0x76: {  	_ =	shalt  }
0x77: {  	_ =	shalt  }
0x78: {  	_ =	shalt  }
0x79: {  	_ =	shalt  }
0x7a: {  	_ =	shalt  }
0x7b: {  	_ =	shalt  }
0x7c: {  	_ =	shalt  }
0x7d: {  	_ =	shalt  }
0x7e: {  	_ =	shalt  }
0x7f: {  	_ =	shalt  }
0x80: {  	_ =	shalt  }
0x81: {  	_ =	shalt  }
0x82: {  	_ =	shalt  }
0x83: {  	_ =	shalt  }
0x84: {  	_ =	shalt  }
0x85: {  	_ =	shalt  }
0x86: {  	_ =	shalt  }
0x87: {  	_ =	shalt  }
.Lfunc_end0:
.L_simem_size_0:
called_computation_lowered:
.L_overlay_start_0:
0x88: {  	s2 =	sld [smem:$0x3FD9]  }
0x89: {  	s3 =	sld [smem:$0x3FFE];
	_ =	sdelay $0x1  }
0x8a: {  	s1 =	srdreg.scid  }
0x8b: {  	s0 =	sand.u32 $0x1, s1  }
0x8c: {  	s14 =	sshll.u32 s0, $0xA;
	s2 =	sadd.s32 s3, s2  }
0x8d: {  	s2 =	sadd.s32 s2, s14  }
0x8e: {  	[smem:$0x3FC2] =	sst s2  }
0x8f: {  	_ = 	snop  }
0x90: {  	s2 =	sld [smem:$0x3FD0];
	_ =	sdelay $0x2  }
0x91: {  	s15 =	simm.s32 $0xA;
	s4 =	simm.s32 $0x10  }
0x92: {  	[smem:s4], [sflag:s15] =	dma.local [hbm:s2], $0x1  }
0x93: {  	_ =	swait.eq [sflag:s15], $0x1  }
0x94: {  	[sflag:s15] =	ssyncset.done $0x0  }
0x95: {  	[sflag:s15] =	ssyncadd.s32 $0xFFFFFFFF  }
0x96: {  	s16 =	sld [smem:$0x11];
	(tm) =	ssettm $0x1  }
0x97: {  	s17 =	sld [smem:$0x3FFB];
	_ =	sdelay $0x3  }
0x98: {  	_ =	strace s17  }
0x99: {  	s3 =	sld [smem:$0x3FFC];
	_ =	sdelay $0x3  }
0x9a: {  	_ =	strace s3  }
0x9b: {  	s3 =	sld [smem:$0x3FFD];
	_ =	sdelay $0x3  }
0x9c: {  	_ =	strace s3  }
0x9d: {  	_ =	strace $0x8FFFFFFF  }
0x9e: {  	s18 =	sld [smem:$0x3FDB];
	_ =	sdelay $0x1  }
0x9f: {  	s19 =	simm.s32 $_scs_section_size  }
0xa0: {  	s5 =	simm.s32 $_size__tile_overlayer_lowered;
	s6 =	simm.s32 $_tile_overlayer_lowered  }
0xa1: {  	s22 =	simm.s32 $0x1BFF;
	s21 =	sshll.u32 s6, $0x1;
	s3 =	sadd.s32 s19, s18  }
0xa2: {  	s7 =	simm.s32 $0x0;
	s20 =	sshll.u32 s5, $0x1;
	s5 =	sadd.s32 s21, s3  }
0xa3: {  	[timem:s7], [sflag:s22] =	dma.local [hbm:s5], s20  }
0xa4: {  	_ =	swait.ge [sflag:s22], s20  }
0xa5: {  	s4 =	ssub.s32 $0x0, s20;
	[sflag:s22] =	ssyncset.done $0x0  }
0xa6: {  	[sflag:s22] =	ssyncadd.s32 s4;
	_ =	sdelay $0x1  }
0xa7: {  	s23 =	simm.s32 $0x1B8B  }
0xa8: {  	_ =	swait.ge [sflag:s23], $0x1  }
0xa9: {  	[sflag:s23] =	ssyncset.done $0x0  }
0xaa: {  	s25 =	simm.s32 $0x1B8E;
	s24 =	sld [smem:$0x3FFE];
	[sflag:s23] =	ssyncadd.s32 $0xFFFFFFFF  }
0xab: {  	s26 =	simm.s32 $execute0_lowered;
	[smem:$0x3FD2] =	sst s25  }
0xac: {  	s5 =	sshll.u32 s26, $0x1;
	_ =	strace $0x80000046;
	[dreg:$0x1] =	wrdreg $0xFFFFFFFF  }
0xad: {  	s28 =	simm.s32 $_size_execute0_lowered;
	s3 =	sadd.s32 s3, s5;
	[dreg:$0x0] =	wrdreg $0x0  }
0xae: {  	s5 =	sshll.u32 s28, $0x1;
	[dreg:$0x2] =	wrdreg s3  }
0xaf: {  	[dreg:$0x3] =	wrdreg s5  }
0xb0: {  	[dreg:$0x4] =	wrdreg $0xC0  }
0xb1: {  	_ =	task [dreg:s7], $0x5FFFF  }
0xb2: {  	[dreg:$0x1] =	wrdreg $0xFFFFFFFF  }
0xb3: {  	[dreg:$0x0] =	wrdreg $0x60  }
0xb4: {  	[dreg:$0x2] =	wrdreg s24  }
0xb5: {  	[dreg:$0x3] =	wrdreg s16  }
0xb6: {  	[dreg:$0x4] =	wrdreg $0x9  }
0xb7: {  	_ =	task.clear_ibuf [dreg:s7], $0x5FFFF;
	_ =	strace $0x90000046  }
0xb8: {  	s29 =	simm.s32 $0x9;
	_ =	strace $0x80000048  }
0xb9: {  	_ =	swait.ge [sflag:s29], $0x1  }
0xba: {  	[sflag:s29] =	ssyncadd.s32 $0xFFFFFFFF  }
0xbb: {  	_ =	strace $0x90000048  }
0xbc: {  	_ =	sfence  }
0xbd: {  	s30 =	sld [smem:$0x0];
	_ =	sdelay $0x2  }
0xbe: {  	s31 =	sshll.u32 s1, $0xD;
	s1 =	sshrl.u32 s1, $0x2  }
0xbf: {  	s3 =	sand.u32 $0x4000, s31;
	s1 =	sadd.s32 s1, s30  }
0xc0: {  	s0 =	sor.u32 s3, s0;
	s1 =	sshll.u32 s1, $0x11  }
0xc1: {  	s0 =	sor.u32 s1, s0  }
0xc2: {  	s0 =	sadd.s32 $0x8F2B, s0  }
0xc3: {  	[sflag:s0] =	ssyncadd.remote.s32 $0x1  }
0xc4: {  	_ =	sfence.sel $0xFFFF  }
0xc5: {  	[dreg:$0x0] =	wrdreg $0xFFFFFFFF;
	(pc) =	sbr.abs _section_cstart, $3  }
0xc6: {  	[dreg:$0x1] =	wrdreg $0xFFFFFFFF  }
0xc7: {  	_ =	task.clear_ibuf [dreg:s7], $0x2FFFF;
	_ =	strace $0x9FFFFFFF  }
0xc8: {  	(tm) =	ssettm $0x7FFFFFFF  }
0xc9: {  	_ =	shalt  }
tec
execute0_lowered:
.L_overlay_start_1:
0x0: {  	(tag) =	ssettag $0x1  }
0x1: {  	s1 =	srdreg.scid;
	s5 =	rddreg [dreg:$0x0]  }
0x2: {  	s0 =	stileid.u32;
	s2 =	rddreg [dreg:$0x1];
	s6 =	simm.s32 $0x1  }
0x3: {  	s9 =	simm.s32 $0x1;
	s10 =	simm.s32 $0x3;
	s1 =	sshll.u32 s1, $0x6  }
0x4: {  	s13 =	simm.s32 $0x0;
	s3 =	sshll.u32 s0, $0x7;
	s4 =	sand.u32 $0x40, s1  }
0x5: {  	s12 =	simm.s32 $0x0;
	s1 =	rddreg [dreg:$0x2];
	s3 =	sor.u32 s3, s4  }
0x6: {  	_ =	strace $0x80000047;
	s4 =	sadd.s32 $0x8000, s5;
	s8 =	ssub.s32 $0x1000, s3  }
.Ltmp0:
0x7: {  	s5 =	sadd.s32 $0x9600, s5;
	s7 =	sand.u32 $0x7C0, s8;
	(pc) =	sbr.rel .LBB2_1-.Ltmp0, $4  }
0x8: {  	[sflag:s6] =	ssyncpa.u1 $0x0;
	s11 =	smov.u32 s3;
	p0 =	sne.s32 s7, $0x0  }
0x9: {  	s8 =	sshrl.u32 s8, $0xB;
	s7 =	simm.s32 $0x2;
	s9 =	simm.s32 @!p0 $0x0  }
0xa: {  	[sflag:s7] =	ssyncpa.u1 $0x0;
	p0 =	por $0x0, $0x0;
	s8 =	sadd.s32 s9, s8  }
0xb: {  	vm0 =	vmmov $0xffff;
	[sflag:s10] =	ssyncpa.u1 $0x0;
	s10 =	simm.s32 $0x0;
	s9 =	sadd.s32 $0x1, s8  }
.LBB2_4:
0xc: {  	v1 =	vsel vm1, $0xFFFFFFFF, v1;
	v2 =	vand.u32 $0x7, v2  }
0xd: {  	v2 =	vsel vm1, $0xFFFFFFFF, v2;
	v3 =	vshll.u32 v1, $0x3  }
0xe: {  	v4 =	vand.u32 $0xFFFFC000, v2;
	v3 =	vand.u32 $0xFFFFFC00, v3;
	v2 =	vshll.u32 v2, $0x7  }
0xf: {  	v3 =	vadd.s32 v3, v4;
	v2 =	vand.u32 $0x380, v2  }
0x10: {  	v1 =	vand.u32 $0x7F, v1;
	v2 =	vor.u32 v2, v3  }
0x11: {  	v1 =	vor.u32 v1, v2;
	_ =	sdelay $0x1  }
0x12: {  	(ifvalue) =	ssetifvalue $0x7FFFFFFF;
	s15 =	sadd.s32 $0x10, s15  }
0x13: {  	[tilespmem:s15], [sflag:$0x1] =	stream.indirect_vreg.gather [hbm4b:s4+s10], $0x1, v0, vm0, $0x4038;
	[tilespmem:$0x100] =	vst v63  }
0x14: {  	(ifvalue) =	ssetifvalue $0x7FFFFFFF;
	s15 =	sadd.s32 $0x10, s15  }
0x15: {  	[tilespmem:s15], [sflag:$0x1] =	stream.indirect_vreg.gather [hbm4b:s4+s10], $0x1, v1, vm0, $0x4038;
	[tilespmem:$0x100] =	vst v63  }
0x16: {  	_ =	swait.ge [sflag:s6], $0x40  }
0x17: {  	s30 =	sshrl.u32 s13, $0x3;
	[sflag:s6] =	ssyncset.done $0x0  }
0x18: {  	s31 =	sand.u32 $0x7, s13;
	s15 =	sadd.s32 s5, s30;
	[sflag:s6] =	ssyncadd.s32 $0xFFFFFFC0  }
0x19: {  	[hbm4b:s15+s31] =	stream.linear.scatter [tilespmem:s14], [sflag:$0x3], $0x40, $0x38;
	[tilespmem:$0x100] =	vst v63  }
.LBB2_5:
0x1a: {  	s15 =	sadd.s32 $0x800, s11  }
0x1b: {  	p2 =	sgt.s32 s15, $0xFFF  }
0x1c: {  	s15 =	smov.u32 @p2 s3;
	p2 =	sne.s32 s12, s9  }
.Ltmp1:
0x1d: {  	p1 =	slt.u32 s12, $0x2;
	(pc) =	sbr.rel @!p2 .LBB2_6-.Ltmp1, $4  }
0x1e: {  	s14 =	simm.s32 @!p1 $0x3  }
0x1f: {  	s16 =	sadd.s32 $0x1, s12;
	_ =	swait.ge @!p1 [sflag:s14], $0x40  }
0x20: {  	s13 =	smov.u32 s11;
	p0 =	por !p0, !p0;
	[sflag:s14] =	ssyncset.done @!p1 $0x0  }
0x21: {  	s12 =	smov.u32 s16;
	s11 =	smov.u32 s15;
	[sflag:s14] =	ssyncadd.s32 @!p1 $0xFFFFFFC0  }
.LBB2_1:
0x22: {  	p1 =	sge.u32 s12, s8  }
0x23: {  	s14 =	sxor.u32 @!p1 $0xFFFFFFFF, s12  }
0x24: {  	s31 =	sadd.s32 $0xFFFFFFFF, s12;
	s15 =	sshrl.u32 @!p1 s11, $0x3;
	s14 =	sshll.u32 @!p1 s14, $0x6  }
0x25: {  	s16 =	sand.u32 @!p1 $0x7, s11;
	s15 =	sadd.s32 @!p1 s2, s15;
	s14 =	sand.u32 @!p1 $0x40, s14  }
0x26: {  	[tilespmem:s14], [sflag:$0x2] =	stream.linear.gather @!p1 [hbm4b:s15+s16], $0x40, $0x38;
	[tilespmem:$0x100] =	vst v63  }
0x27: {  	p1 =	sge.u32 s31, s8  }
.Ltmp2:
0x28: {  	_ = 	snop;
	(pc) =	sbr.rel @p1 .LBB2_5-.Ltmp2, $1  }
0x29: {  	_ =	sdelay $0x3  }
0x2a: {  	s14 =	simm.s32 $0x1  }
0x2b: {  	_ =	swait.ge [sflag:s7], $0x40;
	s14 =	simm.s32 @!p0 $0x0  }
0x2c: {  	[sflag:s7] =	ssyncset.done $0x0;
	s14 =	sshll.u32 s14, $0x6  }
0x2d: {  	[sflag:s7] =	ssyncadd.s32 $0xFFFFFFC0;
	(ifvalue) =	ssetifvalue $0x7FFFFFFF;
	v0 =	vld.msk [tilespmem:s14+$0x0 ss:$0x1], $0xffff;
	_ =	sdelay $0x3  }
0x2e: {  	s15 =	sadd.s32 $0x10, s14  }
0x2f: {  	v2 =	vld.msk [tilespmem:s15+$0x0 ss:$0x1], $0xffff;
	vm1 =	veq.s32 v0, $0x80000000;
	v1 =	vand.u32 $0x7FF, v0;
	v0 =	vshrl.u32 v0, $0xB  }
0x30: {  	v1 =	vsel vm1, $0xFFFFFFFF, v1;
	v0 =	vand.u32 $0x7, v0  }
0x31: {  	v0 =	vsel vm1, $0xFFFFFFFF, v0;
	v3 =	vshll.u32 v1, $0x3  }
0x32: {  	v4 =	vand.u32 $0xFFFFC000, v0;
	v3 =	vand.u32 $0xFFFFFC00, v3;
	v0 =	vshll.u32 v0, $0x7  }
0x33: {  	v3 =	vadd.s32 v3, v4;
	v0 =	vand.u32 $0x380, v0  }
0x34: {  	v1 =	vand.u32 $0x7F, v1;
	vm1 =	veq.s32 v2, $0x80000000;
	v0 =	vor.u32 v0, v3  }
0x35: {  	v0 =	vor.u32 v1, v0;
	v1 =	vand.u32 $0x7FF, v2;
	v2 =	vshrl.u32 v2, $0xB  }
0x36: {  	s17 =	sadd.s32 $0x10, s15;
	v1 =	vsel vm1, $0xFFFFFFFF, v1;
	v2 =	vand.u32 $0x7, v2  }
0x37: {  	v3 =	vld.msk [tilespmem:s17+$0x0 ss:$0x1], $0xffff;
	v2 =	vsel vm1, $0xFFFFFFFF, v2;
	v63 =	vshll.u32 v1, $0x3  }
0x38: {  	v5 =	vand.u32 $0xFFFFC000, v2;
	v4 =	vand.u32 $0xFFFFFC00, v63;
	v2 =	vshll.u32 v2, $0x7  }
0x39: {  	s31 =	sshll.u32 s12, $0x6;
	s15 =	sor.u32 $0x80, s14;
	(ifvalue) =	ssetifvalue $0x7FFFFFFF;
	v4 =	vadd.s32 v4, v5;
	v2 =	vand.u32 $0x380, v2  }
0x3a: {  	[tilespmem:s15], [sflag:$0x1] =	stream.indirect_vreg.gather [hbm4b:s4+s10], $0x1, v0, vm0, $0x4038;
	v0 =	vand.u32 $0x7F, v1;
	v1 =	vor.u32 v2, v4;
	[tilespmem:$0x100] =	vst v63  }
0x3b: {  	s14 =	sand.u32 $0x40, s31;
	v0 =	vor.u32 v0, v1  }
0x3c: {  	s16 =	simm.s32 $0x20;
	s14 =	sor.u32 $0x80, s14;
	s17 =	sadd.s32 $0x10, s17;
	vm1 =	veq.s32 v3, $0x80000000;
	v2 =	vshrl.u32 v3, $0xB;
	v1 =	vand.u32 $0x7FF, v3  }
.LBB2_3:
0x3d: {  	v3 =	vld.msk [tilespmem:s17+$0x0 ss:$0x1], $0xffff;
	s16 =	sadd.s32 $0x10, s16;
	v1 =	vsel vm1, $0xFFFFFFFF, v1;
	v2 =	vand.u32 $0x7, v2  }
0x3e: {  	p1 =	slt.u32 s16, $0x30;
	v2 =	vsel vm1, $0xFFFFFFFF, v2;
	v4 =	vshll.u32 v1, $0x3  }
.Ltmp3:
0x3f: {  	s15 =	sadd.s32 $0x10, s15;
	v5 =	vand.u32 $0xFFFFC000, v2;
	v4 =	vand.u32 $0xFFFFFC00, v4;
	v2 =	vshll.u32 v2, $0x7;
	(ifvalue) =	ssetifvalue $0x7FFFFFFF;
	(pc) =	sbr.rel @p1 .LBB2_3-.Ltmp3, $4  }
0x40: {  	v4 =	vadd.s32 v4, v5;
	v2 =	vand.u32 $0x380, v2;
	[tilespmem:s15], [sflag:$0x1] =	stream.indirect_vreg.gather [hbm4b:s4+s10], $0x1, v0, vm0, $0x4038;
	[tilespmem:$0x100] =	vst v63  }
0x41: {  	v0 =	vand.u32 $0x7F, v1;
	v1 =	vor.u32 v2, v4  }
0x42: {  	v0 =	vor.u32 v0, v1  }
0x43: {  	s17 =	sadd.s32 $0x10, s17;
	vm1 =	veq.s32 v3, $0x80000000;
	v1 =	vand.u32 $0x7FF, v3;
	v2 =	vshrl.u32 v3, $0xB  }
.Ltmp4:
0x44: {  	_ = 	snop;
	(pc) =	sbr.rel .LBB2_4-.Ltmp4, $1  }
0x45: {  	_ =	sdelay $0x3  }
.LBB2_6:
0x46: {  	_ =	sfence.sel $0x180000  }
0x47: {  	s2 =	simm.s32 $0x2;
	[bflag:$0x0] =	sbarrier.arrive $0xFFFF  }
0x48: {  	s30 =	simm.s32 $0x3;
	[sflag:s2] =	ssyncpa.u1 $0x1  }
0x49: {  	s31 =	simm.s32 $0x1;
	[sflag:s30] =	ssyncpa.u1 $0x1  }
0x4a: {  	[sflag:s31] =	ssyncpa.u1 $0x1  }
0x4b: {  	p0 =	sne.s32 s0, $0x0;
	_ =	strace $0x90000047  }
0x4c: {  	s0 =	sadd.s32 @!p0 $0x100000, s1;
	[bflag:$0x2] =	sbarrier.arrive $0xFFFF  }
0x4d: {  	[sflag:s0] =	ssyncadd.tile.s32 @!p0 $0x1;
	_ =	shalt  }
.Lfunc_end2:
_tile_overlayer_lowered:
.L_overlay_start_2:
0x4e: {  	(tag) =	ssettag $0x2  }
0x4f: {  	s0 =	rddreg [dreg:$0x0];
	s2 =	stileid.u32  }
0x50: {  	s1 =	rddreg [dreg:$0x1];
	p0 =	sne.s32 s2, $0x0  }
0x51: {  	s3 =	rddreg [dreg:$0x2];
	[bflag:$0x3] =	sbarrier.arrive $0xFFFF;
	s2 =	simm.s32 @!p0 $0x1C01  }
0x52: {  	[timem:s3], [sflag:s2] =	dma.local @!p0 [hbm:s0], s1  }
0x53: {  	s0 =	simm.s32 @!p0 $0x1  }
0x54: {  	_ =	swait.ge @!p0 [sflag:s0], s1  }
0x55: {  	s1 =	ssub.s32 @!p0 $0x0, s1;
	[sflag:s0] =	ssyncset.done @!p0 $0x0  }
0x56: {  	[sflag:s0] =	ssyncadd.s32 @!p0 s1  }
0x57: {  	[bflag:$0x3] =	sbarrier.arrive $0xFFFF  }
0x58: {  	_ =	shalt  }

// kernel: kernel.6.cloned.1.call-start
scs
__scs_entry_jumppad:
0x0: {  	(pc) =	sbr.rel $0x88, $3  }
0x1: {  	(tag) =	ssettag $0x0;
	lr =	simm.s32 $0x1  }
0x2: {  	[smem:$0x3F9B] =	sst lr;
	_ =	strace $0xD0000000  }
0x3: {  	_ = 	snop  }
0x4: {  	_ = 	snop  }
0x5: {  	_ = 	snop  }
0x6: {  	_ = 	snop  }
0x7: {  	_ = 	snop  }
__scs_overlays_trampoline_lowered:
0x8: {  	[smem:$0x3FAA] =	sst s0  }
0x9: {  	[smem:$0x3FAB] =	sst s1  }
0xa: {  	[smem:$0x3FAC] =	sst s2  }
0xb: {  	[smem:$0x3FAD] =	sst s3  }
0xc: {  	[smem:$0x3FAE] =	sst s4  }
0xd: {  	[smem:$0x3FAF] =	sst s5  }
0xe: {  	[smem:$0x3FB0] =	sst s6  }
0xf: {  	[smem:$0x3FB1] =	sst s7  }
0x10: {  	[smem:$0x3FB2] =	sst s8  }
0x11: {  	[smem:$0x3FB3] =	sst s9;
	s0 =	simm.s32 @!p0 $0x0  }
0x12: {  	s1 =	sld [smem:$0x3F99];
	s0 =	simm.s32 @p0 $0x1  }
0x13: {  	[smem:$0x3FB4] =	sst s0;
	s0 =	simm.s32 @!p1 $0x0  }
0x14: {  	s2 =	sld [smem:$0x3F98];
	s0 =	simm.s32 @p1 $0x1  }
0x15: {  	[smem:$0x3FB5] =	sst s0;
	s0 =	simm.s32 @!p2 $0x0  }
0x16: {  	s3 =	sld [smem:$0x3FDB];
	s0 =	simm.s32 @p2 $0x1  }
0x17: {  	s4 =	simm.s32 $0x1BF5;
	[smem:$0x3FB7] =	sst s0  }
0x18: {  	s0 =	sld [smem:$0x3F9A];
	_ =	swait.ge [sflag:s4], $0x0  }
0x19: {  	s7 =	sld [smem:$0x3F9B]  }
0x1a: {  	s8 =	sadd.s32 $0xFFFFE003, lr  }
0x1b: {  	s9 =	sadd.s32 $0xFFFFFEF7, lr;
	s5 =	simm.s32 $0xFFFFFFFF;
	p2 =	slt.u32 s8, $0xFFFFF086  }
0x1c: {  	p1 =	slt.u32 s9, $0xF7A;
	s5 =	simm.s32 @!p2 $0x0  }
0x1d: {  	s5 =	simm.s32 @p1 $0x1;
	p0 =	seq.s32 s7, s2  }
0x1e: {  	s7 =	smul.u32 @!p0 $0xF7A, s2;
	p2 =	seq.s32 @!p0 s5, $0x0  }
0x1f: {  	s9 =	smul.u32 $0xF7A, s1;
	s8 =	simm.s32 @!p0 $0x1BF5;
	p2 =	por !p2, p0  }
0x20: {  	[sflag:s8] =	ssyncset.s32 @!p0 $0xFFFFF086;
	s6 =	sadd.s32 @!p0 s3, s7;
	s7 =	simm.s32 @!p0 $0x108  }
0x21: {  	s3 =	sadd.s32 s3, s9;
	s6 =	sadd.s32 @!p0 $0x88, s6;
	s7 =	simm.s32 @p2 $0x1082  }
0x22: {  	[simem:s7], [sflag:s8] =	dma.local @!p0 [hbm:s6], $0xF7A  }
0x23: {  	s9 =	sor.u32 $0xD0000000, s2;
	s6 =	simm.s32 $0x108;
	_ =	swait.ge @!p0 [sflag:s8], $0x0  }
0x24: {  	s3 =	sadd.s32 $0x88, s3;
	s6 =	simm.s32 @!p1 $0x1082;
	[sflag:s4] =	ssyncset.s32 $0xFFFFF086  }
0x25: {  	[simem:s6], [sflag:s4] =	dma.local [hbm:s3], $0xF7A  }
0x26: {  	[smem:$0x3F9B] =	sst s1;
	(tag) =	ssettag s2;
	_ =	strace s9  }
0x27: {  	s1 =	sld [smem:$0x3FAB]  }
0x28: {  	s2 =	sld [smem:$0x3FAC]  }
0x29: {  	s4 =	sld [smem:$0x3FAE]  }
0x2a: {  	p0 =	seq.s32 s5, $0x0;
	s5 =	sld [smem:$0x3FAF]  }
0x2b: {  	s6 =	sld [smem:$0x3FB0]  }
0x2c: {  	s7 =	sld [smem:$0x3FB1]  }
0x2d: {  	s3 =	simm.s32 $0x108;
	s8 =	sld [smem:$0x3FB2]  }
0x2e: {  	s3 =	simm.s32 @!p0 $0x1082;
	s9 =	sld [smem:$0x3FB3]  }
0x2f: {  	lr =	sadd.s32 s0, s3;
	s0 =	sld [smem:$0x3FAA]  }
0x30: {  	s3 =	sld [smem:$0x3FAD]  }
0x31: {  	[smem:$0x3FB6] =	sst s10  }
0x32: {  	s10 =	sld [smem:$0x3FB4];
	_ =	sdelay $0x3  }
0x33: {  	p0 =	seq.s32 s10, $0x1;
	s10 =	sld [smem:$0x3FB6];
	_ =	sdelay $0x3  }
0x34: {  	[smem:$0x3FB6] =	sst s10  }
0x35: {  	s10 =	sld [smem:$0x3FB5];
	_ =	sdelay $0x3  }
0x36: {  	p1 =	seq.s32 s10, $0x1;
	s10 =	sld [smem:$0x3FB6];
	_ =	sdelay $0x3  }
0x37: {  	[smem:$0x3FB6] =	sst s10  }
0x38: {  	s10 =	sld [smem:$0x3FB7]  }
0x39: {  	_ = 	snop;
	(pc) =	sbr.ind lr, $3  }
0x3a: {  	_ = 	snop  }
0x3b: {  	_ = 	snop  }
0x3c: {  	p2 =	seq.s32 s10, $0x1;
	s10 =	sld [smem:$0x3FB6]  }
0x3d: {  	_ =	shalt  }
0x3e: {  	_ =	shalt  }
0x3f: {  	_ =	shalt  }
0x40: {  	_ =	shalt  }
0x41: {  	_ =	shalt  }
0x42: {  	_ =	shalt  }
0x43: {  	_ =	shalt  }
0x44: {  	_ =	shalt  }
0x45: {  	_ =	shalt  }
0x46: {  	_ =	shalt  }
0x47: {  	_ =	shalt  }
0x48: {  	_ =	shalt  }
0x49: {  	_ =	shalt  }
0x4a: {  	_ =	shalt  }
0x4b: {  	_ =	shalt  }
0x4c: {  	_ =	shalt  }
0x4d: {  	_ =	shalt  }
0x4e: {  	_ =	shalt  }
0x4f: {  	_ =	shalt  }
0x50: {  	_ =	shalt  }
0x51: {  	_ =	shalt  }
0x52: {  	_ =	shalt  }
0x53: {  	_ =	shalt  }
0x54: {  	_ =	shalt  }
0x55: {  	_ =	shalt  }
0x56: {  	_ =	shalt  }
0x57: {  	_ =	shalt  }
0x58: {  	_ =	shalt  }
0x59: {  	_ =	shalt  }
0x5a: {  	_ =	shalt  }
0x5b: {  	_ =	shalt  }
0x5c: {  	_ =	shalt  }
0x5d: {  	_ =	shalt  }
0x5e: {  	_ =	shalt  }
0x5f: {  	_ =	shalt  }
0x60: {  	_ =	shalt  }
0x61: {  	_ =	shalt  }
0x62: {  	_ =	shalt  }
0x63: {  	_ =	shalt  }
0x64: {  	_ =	shalt  }
0x65: {  	_ =	shalt  }
0x66: {  	_ =	shalt  }
0x67: {  	_ =	shalt  }
0x68: {  	_ =	shalt  }
0x69: {  	_ =	shalt  }
0x6a: {  	_ =	shalt  }
0x6b: {  	_ =	shalt  }
0x6c: {  	_ =	shalt  }
0x6d: {  	_ =	shalt  }
0x6e: {  	_ =	shalt  }
0x6f: {  	_ =	shalt  }
0x70: {  	_ =	shalt  }
0x71: {  	_ =	shalt  }
0x72: {  	_ =	shalt  }
0x73: {  	_ =	shalt  }
0x74: {  	_ =	shalt  }
0x75: {  	_ =	shalt  }
0x76: {  	_ =	shalt  }
0x77: {  	_ =	shalt  }
0x78: {  	_ =	shalt  }
0x79: {  	_ =	shalt  }
0x7a: {  	_ =	shalt  }
0x7b: {  	_ =	shalt  }
0x7c: {  	_ =	shalt  }
0x7d: {  	_ =	shalt  }
0x7e: {  	_ =	shalt  }
0x7f: {  	_ =	shalt  }
0x80: {  	_ =	shalt  }
0x81: {  	_ =	shalt  }
0x82: {  	_ =	shalt  }
0x83: {  	_ =	shalt  }
0x84: {  	_ =	shalt  }
0x85: {  	_ =	shalt  }
0x86: {  	_ =	shalt  }
0x87: {  	_ =	shalt  }
.Lfunc_end0:
.L_simem_size_0:
called_computation.1_lowered:
.L_overlay_start_0:
0x88: {  	s2 =	sld [smem:$0x3FD9]  }
0x89: {  	s3 =	sld [smem:$0x3FFE];
	_ =	sdelay $0x1  }
0x8a: {  	s1 =	srdreg.scid  }
0x8b: {  	s0 =	sand.u32 $0x1, s1  }
0x8c: {  	s17 =	sshll.u32 s0, $0xA;
	s2 =	sadd.s32 s3, s2  }
0x8d: {  	s2 =	sadd.s32 s2, s17  }
0x8e: {  	[smem:$0x3FC2] =	sst s2  }
0x8f: {  	_ = 	snop  }
0x90: {  	s2 =	sld [smem:$0x3FC9];
	(tm) =	ssettm $0x1  }
0x91: {  	s18 =	sld [smem:$0x3FFB];
	_ =	sdelay $0x3  }
0x92: {  	_ =	strace s18  }
0x93: {  	s3 =	sld [smem:$0x3FFC];
	_ =	sdelay $0x3  }
0x94: {  	_ =	strace s3  }
0x95: {  	s3 =	sld [smem:$0x3FFD];
	_ =	sdelay $0x3  }
0x96: {  	_ =	strace s3  }
0x97: {  	_ =	strace $0x8FFFFFFF  }
0x98: {  	s19 =	sld [smem:$0x3FDB];
	_ =	sdelay $0x1  }
0x99: {  	s4 =	simm.s32 $_scs_section_size  }
0x9a: {  	s5 =	simm.s32 $_size__tile_overlayer_lowered;
	s6 =	simm.s32 $_tile_overlayer_lowered  }
0x9b: {  	s22 =	simm.s32 $0x1BFF;
	s21 =	sshll.u32 s6, $0x1;
	s3 =	sadd.s32 s4, s19  }
0x9c: {  	s7 =	simm.s32 $0x0;
	s20 =	sshll.u32 s5, $0x1;
	s5 =	sadd.s32 s21, s3  }
0x9d: {  	[timem:s7], [sflag:s22] =	dma.local [hbm:s5], s20  }
0x9e: {  	_ =	swait.ge [sflag:s22], s20  }
0x9f: {  	s4 =	ssub.s32 $0x0, s20;
	[sflag:s22] =	ssyncset.done $0x0  }
0xa0: {  	[sflag:s22] =	ssyncadd.s32 s4;
	_ =	sdelay $0x1  }
0xa1: {  	s23 =	simm.s32 $0x1B8B  }
0xa2: {  	_ =	swait.ge [sflag:s23], $0x1  }
0xa3: {  	[sflag:s23] =	ssyncset.done $0x0  }
0xa4: {  	s25 =	simm.s32 $0x1B8E;
	s24 =	sld [smem:$0x3FFE];
	[sflag:s23] =	ssyncadd.s32 $0xFFFFFFFF  }
0xa5: {  	s26 =	simm.s32 $execute0_lowered;
	[smem:$0x3FD2] =	sst s25  }
0xa6: {  	s5 =	sshll.u32 s26, $0x1;
	_ =	strace $0x80000049;
	[dreg:$0x1] =	wrdreg $0xFFFFFFFF  }
0xa7: {  	s28 =	simm.s32 $_size_execute0_lowered;
	s3 =	sadd.s32 s3, s5;
	[dreg:$0x0] =	wrdreg $0x0  }
0xa8: {  	s5 =	sshll.u32 s28, $0x1;
	[dreg:$0x2] =	wrdreg s3  }
0xa9: {  	[dreg:$0x3] =	wrdreg s5  }
0xaa: {  	[dreg:$0x4] =	wrdreg $0xC0  }
0xab: {  	_ =	task [dreg:s7], $0x5FFFF  }
0xac: {  	[dreg:$0x1] =	wrdreg $0xFFFFFFFF  }
0xad: {  	[dreg:$0x0] =	wrdreg $0x60  }
0xae: {  	[dreg:$0x2] =	wrdreg s24  }
0xaf: {  	[dreg:$0x3] =	wrdreg s2  }
0xb0: {  	[dreg:$0x4] =	wrdreg $0x9  }
0xb1: {  	_ =	task.clear_ibuf [dreg:s7], $0x5FFFF;
	_ =	strace $0x90000049  }
0xb2: {  	s29 =	simm.s32 $0x9;
	_ =	strace $0x8000004B  }
0xb3: {  	_ =	swait.ge [sflag:s29], $0x1  }
0xb4: {  	[sflag:s29] =	ssyncadd.s32 $0xFFFFFFFF  }
0xb5: {  	_ =	strace $0x9000004B  }
0xb6: {  	_ =	sfence  }
0xb7: {  	s30 =	sld [smem:$0x0];
	_ =	sdelay $0x2  }
0xb8: {  	s31 =	sshll.u32 s1, $0xD;
	s1 =	sshrl.u32 s1, $0x2  }
0xb9: {  	s3 =	sand.u32 $0x4000, s31;
	s1 =	sadd.s32 s1, s30  }
0xba: {  	s0 =	sor.u32 s3, s0;
	s1 =	sshll.u32 s1, $0x11  }
0xbb: {  	s0 =	sor.u32 s1, s0  }
0xbc: {  	s0 =	sadd.s32 $0x8F2B, s0  }
0xbd: {  	[sflag:s0] =	ssyncadd.remote.s32 $0x1  }
0xbe: {  	_ =	sfence.sel $0xFFFF  }
0xbf: {  	[dreg:$0x0] =	wrdreg $0xFFFFFFFF;
	(pc) =	sbr.abs _section_cstart, $3  }
0xc0: {  	[dreg:$0x1] =	wrdreg $0xFFFFFFFF  }
0xc1: {  	_ =	task.clear_ibuf [dreg:s7], $0x2FFFF;
	_ =	strace $0x9FFFFFFF  }
0xc2: {  	(tm) =	ssettm $0x7FFFFFFF  }
0xc3: {  	_ =	shalt  }
tec
execute0_lowered:
.L_overlay_start_1:
0x0: {  	(tag) =	ssettag $0x1  }
0x1: {  	s0 =	srdreg.scid  }
0x2: {  	s2 =	stileid.u32;
	s1 =	rddreg [dreg:$0x0];
	s23 =	simm.s32 $0x16100  }
0x3: {  	s24 =	simm.s32 $0x16900;
	s25 =	simm.s32 $0x17100;
	s26 =	simm.s32 $0x17900  }
0x4: {  	s28 =	simm.s32 $0x3900;
	s29 =	simm.s32 $0x4100;
	s30 =	simm.s32 $0x4900  }
0x5: {  	s31 =	simm.s32 $0x5100;
	s0 =	sand.u32 $0x1, s0;
	s3 =	sshll.u32 s2, $0x1  }
0x6: {  	s2 =	rddreg [dreg:$0x1];
	s4 =	sor.u32 s0, s3;
	s3 =	simm.s32 $0x0  }
0x7: {  	s10 =	simm.s32 $0x6100;
	s16 =	simm.s32 $0xB900;
	[smem:$0x7FF] =	sst s3  }
0x8: {  	s5 =	smul.u32 $0x17, s4;
	_ =	strace $0x8000004A;
	[dreg:$0xc] =	wrdreg s23  }
0x9: {  	s0 =	ssub.s32 $0x2, s0;
	s6 =	smul.u32 $0x2E000, s4;
	[dreg:$0xd] =	wrdreg s24  }
0xa: {  	s4 =	smul.u32 $0x5C00, s4;
	s20 =	sshrl.u32 s0, $0x1;
	[dreg:$0xe] =	wrdreg s25  }
0xb: {  	s0 =	ssub.s32 s0, s20;
	[dreg:$0xf] =	wrdreg s26;
	s5 =	sadd.s32 s5, s1  }
0xc: {  	s1 =	sadd.s32 $0x9600, s1;
	s6 =	sshrl.u32 s6, $0x3;
	s5 =	sadd.s32 $0x8400, s5  }
0xd: {  	s4 =	sadd.s32 s1, s4;
	s1 =	sadd.s32 s1, s6;
	[dreg:$0x3] =	wrdreg s5  }
0xe: {  	s20 =	simm.s32 $0x1100;
	[dreg:$0x4] =	wrdreg s4;
	s18 =	sadd.s32 $0xC00, s1  }
0xf: {  	s24 =	simm.s32 $0x2100;
	s19 =	sadd.s32 $0x1800, s1;
	[dreg:$0x5] =	wrdreg s18  }
0x10: {  	s25 =	simm.s32 $0x2900;
	s21 =	sadd.s32 $0x2400, s1;
	[dreg:$0x6] =	wrdreg s19  }
0x11: {  	s26 =	simm.s32 $0x3100;
	s22 =	sadd.s32 $0x3000, s1;
	[dreg:$0x7] =	wrdreg s21  }
0x12: {  	s23 =	simm.s32 $0x7100;
	s6 =	sadd.s32 $0x3C00, s1;
	[dreg:$0x8] =	wrdreg s22  }
0x13: {  	s15 =	smax.u32 s0, $0x1;
	s7 =	sadd.s32 $0x4800, s1;
	[dreg:$0x9] =	wrdreg s6  }
0x14: {  	v2 =	vlaneseq.u32;
	s4 =	sadd.s32 $0x100, s2;
	s1 =	sadd.s32 $0x5400, s1;
	[dreg:$0xa] =	wrdreg s7  }
0x15: {  	vm0 =	vmmov $0xffff;
	v1 =	vshrl.u32 v2, $0x3;
	s5 =	sadd.s32 $0x200, s2;
	s6 =	sadd.s32 $0x300, s2;
	[dreg:$0xb] =	wrdreg s1  }
0x16: {  	v0 =	vand.u32 $0x7, v2;
	v2 =	vor.u32 $0x8, v2;
	v1 =	vmul.u32 $0x8, v1;
	s22 =	simm.s32 $0x1900;
	s21 =	simm.s32 $0x9100;
	s1 =	simm.s32 $0x12100  }
.LBB2_1:
0x17: {  	s17 =	rddreg [dreg:$0x3];
	s8 =	simm.s32 $0x9  }
0x18: {  	[tilespmem:s3], [sflag:$0x9] =	stream.linear.gather [hbm4b:s17+s3], $0xB8, $0x38;
	[tilespmem:$0x18100] =	vst v63  }
0x19: {  	_ =	swait.ge [sflag:s8], $0xB8  }
0x1a: {  	[sflag:s8] =	ssyncset.done $0x0  }
0x1b: {  	[sflag:s8] =	ssyncadd.s32 $0xFFFFFF48  }
0x1c: {  	v3 =	vld [tilespmem:$0x0];
	_ =	sdelay $0x4  }
0x1d: {  	v4 =	vshll.u32 v3, $0x3  }
0x1e: {  	v3 =	vand.u32 $0x7, v3;
	v4 =	vand.u32 $0xFFFFFFC0, v4  }
0x1f: {  	v3 =	vor.u32 v3, v4  }
0x20: {  	v4 =	vperm.xlane v3, v0;
	_ =	sdelay $0x1  }
0x21: {  	v4 =	vadd.s32 v1, v4;
	_ =	sdelay $0x3  }
0x22: {  	s0 =	simm.s32 $0x100  }
0x23: {  	[tilespmem:s0], [sflag:$0x1] =	stream.indirect_vreg.gather [hbm4b:s2+s3], $0x80, v4, vm0, $0xb8;
	[tilespmem:$0x18100] =	vst v63  }
0x24: {  	s19 =	simm.s32 $0x900;
	v3 =	vperm.xlane v3, v2  }
0x25: {  	[tilespmem:s19], [sflag:$0x1] =	stream.indirect_vreg.gather [hbm4b:s4+s3], $0x80, v4, vm0, $0xb8;
	[tilespmem:$0x18100] =	vst v63  }
0x26: {  	v3 =	vadd.s32 v1, v3  }
0x27: {  	[tilespmem:s20], [sflag:$0x1] =	stream.indirect_vreg.gather [hbm4b:s5+s3], $0x80, v4, vm0, $0xb8;
	[tilespmem:$0x18100] =	vst v63  }
0x28: {  	_ = 	snop  }
0x29: {  	[tilespmem:s22], [sflag:$0x1] =	stream.indirect_vreg.gather [hbm4b:s6+s3], $0x80, v4, vm0, $0xb8;
	[tilespmem:$0x18100] =	vst v63  }
0x2a: {  	_ = 	snop  }
0x2b: {  	[tilespmem:s24], [sflag:$0x1] =	stream.indirect_vreg.gather [hbm4b:s2+s3], $0x80, v3, vm0, $0xb8;
	[tilespmem:$0x18100] =	vst v63  }
0x2c: {  	_ = 	snop  }
0x2d: {  	[tilespmem:s25], [sflag:$0x1] =	stream.indirect_vreg.gather [hbm4b:s4+s3], $0x80, v3, vm0, $0xb8;
	[tilespmem:$0x18100] =	vst v63  }
0x2e: {  	_ = 	snop  }
0x2f: {  	[tilespmem:s26], [sflag:$0x1] =	stream.indirect_vreg.gather [hbm4b:s5+s3], $0x80, v3, vm0, $0xb8;
	[tilespmem:$0x18100] =	vst v63  }
0x30: {  	_ = 	snop  }
0x31: {  	[tilespmem:s28], [sflag:$0x1] =	stream.indirect_vreg.gather [hbm4b:s6+s3], $0x80, v3, vm0, $0xb8;
	[tilespmem:$0x18100] =	vst v63  }
0x32: {  	v3 =	vld.msk [tilespmem:$0x10], $0xff;
	_ =	sdelay $0x4  }
0x33: {  	v50 =	vshll.u32 v3, $0x3  }
0x34: {  	v3 =	vand.u32 $0x7, v3;
	v4 =	vand.u32 $0xFFFFFFC0, v50  }
0x35: {  	v3 =	vor.u32 v3, v4  }
0x36: {  	v3 =	vperm.xlane v3, v0;
	_ =	sdelay $0x1  }
0x37: {  	v3 =	vadd.s32 v1, v3;
	_ =	sdelay $0x4  }
0x38: {  	[tilespmem:s29], [sflag:$0x1] =	stream.indirect_vreg.gather [hbm4b:s2+s3], $0x80, v3, vm0, $0xb8;
	[tilespmem:$0x18100] =	vst v63  }
0x39: {  	_ = 	snop  }
0x3a: {  	[tilespmem:s30], [sflag:$0x1] =	stream.indirect_vreg.gather [hbm4b:s4+s3], $0x80, v3, vm0, $0xb8;
	[tilespmem:$0x18100] =	vst v63  }
0x3b: {  	_ = 	snop  }
0x3c: {  	[tilespmem:s31], [sflag:$0x1] =	stream.indirect_vreg.gather [hbm4b:s5+s3], $0x80, v3, vm0, $0xb8;
	[tilespmem:$0x18100] =	vst v63  }
0x3d: {  	s9 =	simm.s32 $0x5900  }
0x3e: {  	[tilespmem:s9], [sflag:$0x1] =	stream.indirect_vreg.gather [hbm4b:s6+s3], $0x80, v3, vm0, $0xb8;
	[tilespmem:$0x18100] =	vst v63  }
0x3f: {  	v3 =	vld [tilespmem:$0x18];
	_ =	sdelay $0x4  }
0x40: {  	v51 =	vshll.u32 v3, $0x3  }
0x41: {  	v3 =	vand.u32 $0x7, v3;
	v4 =	vand.u32 $0xFFFFFFC0, v51  }
0x42: {  	v3 =	vor.u32 v3, v4  }
0x43: {  	v4 =	vperm.xlane v3, v0;
	_ =	sdelay $0x1  }
0x44: {  	v4 =	vadd.s32 v1, v4;
	_ =	sdelay $0x4  }
0x45: {  	[tilespmem:s10], [sflag:$0x2] =	stream.indirect_vreg.gather [hbm4b:s2+s3], $0x80, v4, vm0, $0xb8;
	[tilespmem:$0x18100] =	vst v63  }
0x46: {  	s13 =	simm.s32 $0x6900;
	v3 =	vperm.xlane v3, v2  }
0x47: {  	[tilespmem:s13], [sflag:$0x2] =	stream.indirect_vreg.gather [hbm4b:s4+s3], $0x80, v4, vm0, $0xb8;
	[tilespmem:$0x18100] =	vst v63  }
0x48: {  	v3 =	vadd.s32 v1, v3  }
0x49: {  	[tilespmem:s23], [sflag:$0x2] =	stream.indirect_vreg.gather [hbm4b:s5+s3], $0x80, v4, vm0, $0xb8;
	[tilespmem:$0x18100] =	vst v63  }
0x4a: {  	s14 =	simm.s32 $0x7900  }
0x4b: {  	[tilespmem:s14], [sflag:$0x2] =	stream.indirect_vreg.gather [hbm4b:s6+s3], $0x80, v4, vm0, $0xb8;
	[tilespmem:$0x18100] =	vst v63  }
0x4c: {  	s17 =	simm.s32 $0x8100  }
0x4d: {  	[tilespmem:s17], [sflag:$0x2] =	stream.indirect_vreg.gather [hbm4b:s2+s3], $0x80, v3, vm0, $0xb8;
	[tilespmem:$0x18100] =	vst v63  }
0x4e: {  	s11 =	simm.s32 $0x8900  }
0x4f: {  	[tilespmem:s11], [sflag:$0x2] =	stream.indirect_vreg.gather [hbm4b:s4+s3], $0x80, v3, vm0, $0xb8;
	[tilespmem:$0x18100] =	vst v63  }
0x50: {  	_ = 	snop  }
0x51: {  	[tilespmem:s21], [sflag:$0x2] =	stream.indirect_vreg.gather [hbm4b:s5+s3], $0x80, v3, vm0, $0xb8;
	[tilespmem:$0x18100] =	vst v63  }
0x52: {  	s12 =	simm.s32 $0x9900  }
0x53: {  	[tilespmem:s12], [sflag:$0x2] =	stream.indirect_vreg.gather [hbm4b:s6+s3], $0x80, v3, vm0, $0xb8;
	[tilespmem:$0x18100] =	vst v63  }
0x54: {  	v3 =	vld.msk [tilespmem:$0x28], $0xff;
	_ =	sdelay $0x4  }
0x55: {  	v52 =	vshll.u32 v3, $0x3  }
0x56: {  	v3 =	vand.u32 $0x7, v3;
	v4 =	vand.u32 $0xFFFFFFC0, v52  }
0x57: {  	v3 =	vor.u32 v3, v4  }
0x58: {  	v3 =	vperm.xlane v3, v0;
	_ =	sdelay $0x1  }
0x59: {  	v3 =	vadd.s32 v1, v3;
	_ =	sdelay $0x3  }
0x5a: {  	s13 =	simm.s32 $0xA100  }
0x5b: {  	[tilespmem:s13], [sflag:$0x2] =	stream.indirect_vreg.gather [hbm4b:s2+s3], $0x80, v3, vm0, $0xb8;
	[tilespmem:$0x18100] =	vst v63  }
0x5c: {  	s14 =	simm.s32 $0xA900  }
0x5d: {  	[tilespmem:s14], [sflag:$0x2] =	stream.indirect_vreg.gather [hbm4b:s4+s3], $0x80, v3, vm0, $0xb8;
	[tilespmem:$0x18100] =	vst v63  }
0x5e: {  	s18 =	simm.s32 $0xB100  }
0x5f: {  	[tilespmem:s18], [sflag:$0x2] =	stream.indirect_vreg.gather [hbm4b:s5+s3], $0x80, v3, vm0, $0xb8;
	[tilespmem:$0x18100] =	vst v63  }
0x60: {  	_ = 	snop  }
0x61: {  	[tilespmem:s16], [sflag:$0x2] =	stream.indirect_vreg.gather [hbm4b:s6+s3], $0x80, v3, vm0, $0xb8;
	[tilespmem:$0x18100] =	vst v63  }
0x62: {  	v3 =	vld [tilespmem:$0x30];
	_ =	sdelay $0x4  }
0x63: {  	v53 =	vshll.u32 v3, $0x3  }
0x64: {  	v3 =	vand.u32 $0x7, v3;
	v4 =	vand.u32 $0xFFFFFFC0, v53  }
0x65: {  	v3 =	vor.u32 v3, v4  }
0x66: {  	v4 =	vperm.xlane v3, v0;
	_ =	sdelay $0x1  }
0x67: {  	v4 =	vadd.s32 v1, v4;
	_ =	sdelay $0x3  }
0x68: {  	s8 =	simm.s32 $0xC100  }
0x69: {  	[tilespmem:s8], [sflag:$0x3] =	stream.indirect_vreg.gather [hbm4b:s2+s3], $0x80, v4, vm0, $0xb8;
	[tilespmem:$0x18100] =	vst v63  }
0x6a: {  	s7 =	simm.s32 $0xC900;
	v3 =	vperm.xlane v3, v2  }
0x6b: {  	[tilespmem:s7], [sflag:$0x3] =	stream.indirect_vreg.gather [hbm4b:s4+s3], $0x80, v4, vm0, $0xb8;
	[tilespmem:$0x18100] =	vst v63  }
0x6c: {  	s17 =	simm.s32 $0xD100;
	v3 =	vadd.s32 v1, v3  }
0x6d: {  	[tilespmem:s17], [sflag:$0x3] =	stream.indirect_vreg.gather [hbm4b:s5+s3], $0x80, v4, vm0, $0xb8;
	[tilespmem:$0x18100] =	vst v63  }
0x6e: {  	s18 =	simm.s32 $0xD900  }
0x6f: {  	[tilespmem:s18], [sflag:$0x3] =	stream.indirect_vreg.gather [hbm4b:s6+s3], $0x80, v4, vm0, $0xb8;
	[tilespmem:$0x18100] =	vst v63  }
0x70: {  	s7 =	simm.s32 $0xE100  }
0x71: {  	[tilespmem:s7], [sflag:$0x3] =	stream.indirect_vreg.gather [hbm4b:s2+s3], $0x80, v3, vm0, $0xb8;
	[tilespmem:$0x18100] =	vst v63  }
0x72: {  	s17 =	simm.s32 $0xE900  }
0x73: {  	[tilespmem:s17], [sflag:$0x3] =	stream.indirect_vreg.gather [hbm4b:s4+s3], $0x80, v3, vm0, $0xb8;
	[tilespmem:$0x18100] =	vst v63  }
0x74: {  	s18 =	simm.s32 $0xF100  }
0x75: {  	[tilespmem:s18], [sflag:$0x3] =	stream.indirect_vreg.gather [hbm4b:s5+s3], $0x80, v3, vm0, $0xb8;
	[tilespmem:$0x18100] =	vst v63  }
0x76: {  	s7 =	simm.s32 $0xF900  }
0x77: {  	[tilespmem:s7], [sflag:$0x3] =	stream.indirect_vreg.gather [hbm4b:s6+s3], $0x80, v3, vm0, $0xb8;
	[tilespmem:$0x18100] =	vst v63  }
0x78: {  	v3 =	vld.msk [tilespmem:$0x40], $0xff;
	_ =	sdelay $0x4  }
0x79: {  	v54 =	vshll.u32 v3, $0x3  }
0x7a: {  	v3 =	vand.u32 $0x7, v3;
	v4 =	vand.u32 $0xFFFFFFC0, v54  }
0x7b: {  	v3 =	vor.u32 v3, v4  }
0x7c: {  	v3 =	vperm.xlane v3, v0;
	_ =	sdelay $0x1  }
0x7d: {  	v3 =	vadd.s32 v1, v3;
	_ =	sdelay $0x3  }
0x7e: {  	s17 =	simm.s32 $0x10100  }
0x7f: {  	[tilespmem:s17], [sflag:$0x3] =	stream.indirect_vreg.gather [hbm4b:s2+s3], $0x80, v3, vm0, $0xb8;
	[tilespmem:$0x18100] =	vst v63  }
0x80: {  	s18 =	simm.s32 $0x10900  }
0x81: {  	[tilespmem:s18], [sflag:$0x3] =	stream.indirect_vreg.gather [hbm4b:s4+s3], $0x80, v3, vm0, $0xb8;
	[tilespmem:$0x18100] =	vst v63  }
0x82: {  	s7 =	simm.s32 $0x11100  }
0x83: {  	[tilespmem:s7], [sflag:$0x3] =	stream.indirect_vreg.gather [hbm4b:s5+s3], $0x80, v3, vm0, $0xb8;
	[tilespmem:$0x18100] =	vst v63  }
0x84: {  	s17 =	simm.s32 $0x11900  }
0x85: {  	[tilespmem:s17], [sflag:$0x3] =	stream.indirect_vreg.gather [hbm4b:s6+s3], $0x80, v3, vm0, $0xb8;
	[tilespmem:$0x18100] =	vst v63  }
0x86: {  	v3 =	vld [tilespmem:$0x48];
	_ =	sdelay $0x4  }
0x87: {  	v55 =	vshll.u32 v3, $0x3  }
0x88: {  	v3 =	vand.u32 $0x7, v3;
	v4 =	vand.u32 $0xFFFFFFC0, v55  }
0x89: {  	v3 =	vor.u32 v3, v4  }
0x8a: {  	v4 =	vperm.xlane v3, v0;
	_ =	sdelay $0x1  }
0x8b: {  	v4 =	vadd.s32 v1, v4;
	_ =	sdelay $0x4  }
0x8c: {  	[tilespmem:s1], [sflag:$0x4] =	stream.indirect_vreg.gather [hbm4b:s2+s3], $0x80, v4, vm0, $0xb8;
	[tilespmem:$0x18100] =	vst v63  }
0x8d: {  	s18 =	simm.s32 $0x12900;
	v3 =	vperm.xlane v3, v2  }
0x8e: {  	[tilespmem:s18], [sflag:$0x4] =	stream.indirect_vreg.gather [hbm4b:s4+s3], $0x80, v4, vm0, $0xb8;
	[tilespmem:$0x18100] =	vst v63  }
0x8f: {  	s7 =	simm.s32 $0x13100;
	v3 =	vadd.s32 v1, v3  }
0x90: {  	[tilespmem:s7], [sflag:$0x4] =	stream.indirect_vreg.gather [hbm4b:s5+s3], $0x80, v4, vm0, $0xb8;
	[tilespmem:$0x18100] =	vst v63  }
0x91: {  	s17 =	simm.s32 $0x13900  }
0x92: {  	[tilespmem:s17], [sflag:$0x4] =	stream.indirect_vreg.gather [hbm4b:s6+s3], $0x80, v4, vm0, $0xb8;
	[tilespmem:$0x18100] =	vst v63  }
0x93: {  	s18 =	simm.s32 $0x14100  }
0x94: {  	[tilespmem:s18], [sflag:$0x4] =	stream.indirect_vreg.gather [hbm4b:s2+s3], $0x80, v3, vm0, $0xb8;
	[tilespmem:$0x18100] =	vst v63  }
0x95: {  	s7 =	simm.s32 $0x14900  }
0x96: {  	[tilespmem:s7], [sflag:$0x4] =	stream.indirect_vreg.gather [hbm4b:s4+s3], $0x80, v3, vm0, $0xb8;
	[tilespmem:$0x18100] =	vst v63  }
0x97: {  	s17 =	simm.s32 $0x15100  }
0x98: {  	[tilespmem:s17], [sflag:$0x4] =	stream.indirect_vreg.gather [hbm4b:s5+s3], $0x80, v3, vm0, $0xb8;
	[tilespmem:$0x18100] =	vst v63  }
0x99: {  	s18 =	simm.s32 $0x15900  }
0x9a: {  	[tilespmem:s18], [sflag:$0x4] =	stream.indirect_vreg.gather [hbm4b:s6+s3], $0x80, v3, vm0, $0xb8;
	[tilespmem:$0x18100] =	vst v63  }
0x9b: {  	v3 =	vld.msk [tilespmem:$0x58], $0xff;
	_ =	sdelay $0x4  }
0x9c: {  	v56 =	vshll.u32 v3, $0x3  }
0x9d: {  	v3 =	vand.u32 $0x7, v3;
	v4 =	vand.u32 $0xFFFFFFC0, v56  }
0x9e: {  	v3 =	vor.u32 v3, v4  }
0x9f: {  	v3 =	vperm.xlane v3, v0;
	_ =	sdelay $0x1  }
0xa0: {  	v3 =	vadd.s32 v1, v3;
	_ =	sdelay $0x3  }
0xa1: {  	s7 =	rddreg [dreg:$0xc]  }
0xa2: {  	[tilespmem:s7], [sflag:$0x4] =	stream.indirect_vreg.gather [hbm4b:s2+s3], $0x80, v3, vm0, $0xb8;
	[tilespmem:$0x18100] =	vst v63  }
0xa3: {  	s18 =	rddreg [dreg:$0xd]  }
0xa4: {  	[tilespmem:s18], [sflag:$0x4] =	stream.indirect_vreg.gather [hbm4b:s4+s3], $0x80, v3, vm0, $0xb8;
	[tilespmem:$0x18100] =	vst v63  }
0xa5: {  	s0 =	rddreg [dreg:$0xe]  }
0xa6: {  	[tilespmem:s0], [sflag:$0x4] =	stream.indirect_vreg.gather [hbm4b:s5+s3], $0x80, v3, vm0, $0xb8;
	[tilespmem:$0x18100] =	vst v63  }
0xa7: {  	s7 =	rddreg [dreg:$0xf];
	s18 =	simm.s32 $0x1  }
0xa8: {  	[tilespmem:s7], [sflag:$0x4] =	stream.indirect_vreg.gather [hbm4b:s6+s3], $0x80, v3, vm0, $0xb8;
	[tilespmem:$0x18100] =	vst v63  }
0xa9: {  	_ =	swait.ge [sflag:s18], $0x6000  }
0xaa: {  	[sflag:s18] =	ssyncset.done $0x0  }
0xab: {  	s7 =	simm.s32 $0x100;
	s0 =	rddreg [dreg:$0x4];
	[sflag:s18] =	ssyncadd.s32 $0xFFFFA000  }
0xac: {  	[hbm4b:s0+s3] =	stream.linear.scatter [tilespmem:s7], [sflag:$0x5], $0x6000, $0x38;
	[tilespmem:$0x18100] =	vst v63  }
0xad: {  	s0 =	simm.s32 $0x5  }
0xae: {  	_ =	swait.ge [sflag:s0], $0x6000  }
0xaf: {  	[sflag:s0] =	ssyncset.done $0x0  }
0xb0: {  	[sflag:s0] =	ssyncadd.s32 $0xFFFFA000  }
0xb1: {  	v3 =	vld [tilespmem:$0x60];
	_ =	sdelay $0x4  }
0xb2: {  	v57 =	vshll.u32 v3, $0x3  }
0xb3: {  	v3 =	vand.u32 $0x7, v3;
	v4 =	vand.u32 $0xFFFFFFC0, v57  }
0xb4: {  	v3 =	vor.u32 v3, v4  }
0xb5: {  	v4 =	vperm.xlane v3, v0;
	_ =	sdelay $0x1  }
0xb6: {  	v4 =	vadd.s32 v1, v4;
	_ =	sdelay $0x4  }
0xb7: {  	[tilespmem:s7], [sflag:$0x1] =	stream.indirect_vreg.gather [hbm4b:s2+s3], $0x80, v4, vm0, $0xb8;
	[tilespmem:$0x18100] =	vst v63  }
0xb8: {  	v3 =	vperm.xlane v3, v2  }
0xb9: {  	[tilespmem:s19], [sflag:$0x1] =	stream.indirect_vreg.gather [hbm4b:s4+s3], $0x80, v4, vm0, $0xb8;
	[tilespmem:$0x18100] =	vst v63  }
0xba: {  	v3 =	vadd.s32 v1, v3  }
0xbb: {  	[tilespmem:s20], [sflag:$0x1] =	stream.indirect_vreg.gather [hbm4b:s5+s3], $0x80, v4, vm0, $0xb8;
	[tilespmem:$0x18100] =	vst v63  }
0xbc: {  	_ = 	snop  }
0xbd: {  	[tilespmem:s22], [sflag:$0x1] =	stream.indirect_vreg.gather [hbm4b:s6+s3], $0x80, v4, vm0, $0xb8;
	[tilespmem:$0x18100] =	vst v63  }
0xbe: {  	_ = 	snop  }
0xbf: {  	[tilespmem:s24], [sflag:$0x1] =	stream.indirect_vreg.gather [hbm4b:s2+s3], $0x80, v3, vm0, $0xb8;
	[tilespmem:$0x18100] =	vst v63  }
0xc0: {  	_ = 	snop  }
0xc1: {  	[tilespmem:s25], [sflag:$0x1] =	stream.indirect_vreg.gather [hbm4b:s4+s3], $0x80, v3, vm0, $0xb8;
	[tilespmem:$0x18100] =	vst v63  }
0xc2: {  	_ = 	snop  }
0xc3: {  	[tilespmem:s26], [sflag:$0x1] =	stream.indirect_vreg.gather [hbm4b:s5+s3], $0x80, v3, vm0, $0xb8;
	[tilespmem:$0x18100] =	vst v63  }
0xc4: {  	_ = 	snop  }
0xc5: {  	[tilespmem:s28], [sflag:$0x1] =	stream.indirect_vreg.gather [hbm4b:s6+s3], $0x80, v3, vm0, $0xb8;
	[tilespmem:$0x18100] =	vst v63  }
0xc6: {  	v3 =	vld.msk [tilespmem:$0x70], $0xff;
	_ =	sdelay $0x4  }
0xc7: {  	v58 =	vshll.u32 v3, $0x3  }
0xc8: {  	v3 =	vand.u32 $0x7, v3;
	v4 =	vand.u32 $0xFFFFFFC0, v58  }
0xc9: {  	v3 =	vor.u32 v3, v4  }
0xca: {  	v3 =	vperm.xlane v3, v0;
	_ =	sdelay $0x1  }
0xcb: {  	v3 =	vadd.s32 v1, v3;
	_ =	sdelay $0x4  }
0xcc: {  	[tilespmem:s29], [sflag:$0x1] =	stream.indirect_vreg.gather [hbm4b:s2+s3], $0x80, v3, vm0, $0xb8;
	[tilespmem:$0x18100] =	vst v63  }
0xcd: {  	_ = 	snop  }
0xce: {  	[tilespmem:s30], [sflag:$0x1] =	stream.indirect_vreg.gather [hbm4b:s4+s3], $0x80, v3, vm0, $0xb8;
	[tilespmem:$0x18100] =	vst v63  }
0xcf: {  	_ = 	snop  }
0xd0: {  	[tilespmem:s31], [sflag:$0x1] =	stream.indirect_vreg.gather [hbm4b:s5+s3], $0x80, v3, vm0, $0xb8;
	[tilespmem:$0x18100] =	vst v63  }
0xd1: {  	_ = 	snop  }
0xd2: {  	[tilespmem:s9], [sflag:$0x1] =	stream.indirect_vreg.gather [hbm4b:s6+s3], $0x80, v3, vm0, $0xb8;
	[tilespmem:$0x18100] =	vst v63  }
0xd3: {  	s9 =	simm.s32 $0x2  }
0xd4: {  	_ =	swait.ge [sflag:s9], $0x6000  }
0xd5: {  	[sflag:s9] =	ssyncset.done $0x0  }
0xd6: {  	s19 =	simm.s32 $0x6;
	s7 =	rddreg [dreg:$0x5];
	[sflag:s9] =	ssyncadd.s32 $0xFFFFA000  }
0xd7: {  	[hbm4b:s7+s3] =	stream.linear.scatter [tilespmem:s10], [sflag:$0x6], $0x6000, $0x38;
	[tilespmem:$0x18100] =	vst v63  }
0xd8: {  	_ =	swait.ge [sflag:s19], $0x6000  }
0xd9: {  	[sflag:s19] =	ssyncset.done $0x0  }
0xda: {  	[sflag:s19] =	ssyncadd.s32 $0xFFFFA000  }
0xdb: {  	v3 =	vld [tilespmem:$0x78];
	_ =	sdelay $0x4  }
0xdc: {  	v59 =	vshll.u32 v3, $0x3  }
0xdd: {  	v3 =	vand.u32 $0x7, v3;
	v4 =	vand.u32 $0xFFFFFFC0, v59  }
0xde: {  	v3 =	vor.u32 v3, v4  }
0xdf: {  	v4 =	vperm.xlane v3, v0;
	_ =	sdelay $0x1  }
0xe0: {  	v4 =	vadd.s32 v1, v4;
	_ =	sdelay $0x4  }
0xe1: {  	[tilespmem:s10], [sflag:$0x2] =	stream.indirect_vreg.gather [hbm4b:s2+s3], $0x80, v4, vm0, $0xb8;
	[tilespmem:$0x18100] =	vst v63  }
0xe2: {  	s17 =	simm.s32 $0x6900;
	v3 =	vperm.xlane v3, v2  }
0xe3: {  	[tilespmem:s17], [sflag:$0x2] =	stream.indirect_vreg.gather [hbm4b:s4+s3], $0x80, v4, vm0, $0xb8;
	[tilespmem:$0x18100] =	vst v63  }
0xe4: {  	v3 =	vadd.s32 v1, v3  }
0xe5: {  	[tilespmem:s23], [sflag:$0x2] =	stream.indirect_vreg.gather [hbm4b:s5+s3], $0x80, v4, vm0, $0xb8;
	[tilespmem:$0x18100] =	vst v63  }
0xe6: {  	s17 =	simm.s32 $0x7900  }
0xe7: {  	[tilespmem:s17], [sflag:$0x2] =	stream.indirect_vreg.gather [hbm4b:s6+s3], $0x80, v4, vm0, $0xb8;
	[tilespmem:$0x18100] =	vst v63  }
0xe8: {  	s17 =	simm.s32 $0x8100  }
0xe9: {  	[tilespmem:s17], [sflag:$0x2] =	stream.indirect_vreg.gather [hbm4b:s2+s3], $0x80, v3, vm0, $0xb8;
	[tilespmem:$0x18100] =	vst v63  }
0xea: {  	_ = 	snop  }
0xeb: {  	[tilespmem:s11], [sflag:$0x2] =	stream.indirect_vreg.gather [hbm4b:s4+s3], $0x80, v3, vm0, $0xb8;
	[tilespmem:$0x18100] =	vst v63  }
0xec: {  	_ = 	snop  }
0xed: {  	[tilespmem:s21], [sflag:$0x2] =	stream.indirect_vreg.gather [hbm4b:s5+s3], $0x80, v3, vm0, $0xb8;
	[tilespmem:$0x18100] =	vst v63  }
0xee: {  	_ = 	snop  }
0xef: {  	[tilespmem:s12], [sflag:$0x2] =	stream.indirect_vreg.gather [hbm4b:s6+s3], $0x80, v3, vm0, $0xb8;
	[tilespmem:$0x18100] =	vst v63  }
0xf0: {  	v3 =	vld.msk [tilespmem:$0x88], $0xff;
	_ =	sdelay $0x4  }
0xf1: {  	v60 =	vshll.u32 v3, $0x3  }
0xf2: {  	v3 =	vand.u32 $0x7, v3;
	v4 =	vand.u32 $0xFFFFFFC0, v60  }
0xf3: {  	v3 =	vor.u32 v3, v4  }
0xf4: {  	v3 =	vperm.xlane v3, v0;
	_ =	sdelay $0x1  }
0xf5: {  	v3 =	vadd.s32 v1, v3;
	_ =	sdelay $0x4  }
0xf6: {  	[tilespmem:s13], [sflag:$0x2] =	stream.indirect_vreg.gather [hbm4b:s2+s3], $0x80, v3, vm0, $0xb8;
	[tilespmem:$0x18100] =	vst v63  }
0xf7: {  	_ = 	snop  }
0xf8: {  	[tilespmem:s14], [sflag:$0x2] =	stream.indirect_vreg.gather [hbm4b:s4+s3], $0x80, v3, vm0, $0xb8;
	[tilespmem:$0x18100] =	vst v63  }
0xf9: {  	s13 =	simm.s32 $0xB100  }
0xfa: {  	[tilespmem:s13], [sflag:$0x2] =	stream.indirect_vreg.gather [hbm4b:s5+s3], $0x80, v3, vm0, $0xb8;
	[tilespmem:$0x18100] =	vst v63  }
0xfb: {  	s11 =	simm.s32 $0x3  }
0xfc: {  	[tilespmem:s16], [sflag:$0x2] =	stream.indirect_vreg.gather [hbm4b:s6+s3], $0x80, v3, vm0, $0xb8;
	[tilespmem:$0x18100] =	vst v63  }
0xfd: {  	_ =	swait.ge [sflag:s11], $0x6000  }
0xfe: {  	[sflag:s11] =	ssyncset.done $0x0  }
0xff: {  	s12 =	simm.s32 $0x7;
	s14 =	rddreg [dreg:$0x6];
	[sflag:s11] =	ssyncadd.s32 $0xFFFFA000  }
0x100: {  	[hbm4b:s14+s3] =	stream.linear.scatter [tilespmem:s8], [sflag:$0x7], $0x6000, $0x38;
	[tilespmem:$0x18100] =	vst v63  }
0x101: {  	_ =	swait.ge [sflag:s12], $0x6000  }
0x102: {  	[sflag:s12] =	ssyncset.done $0x0  }
0x103: {  	[sflag:s12] =	ssyncadd.s32 $0xFFFFA000  }
0x104: {  	v3 =	vld [tilespmem:$0x90];
	_ =	sdelay $0x4  }
0x105: {  	v61 =	vshll.u32 v3, $0x3  }
0x106: {  	v3 =	vand.u32 $0x7, v3;
	v4 =	vand.u32 $0xFFFFFFC0, v61  }
0x107: {  	v3 =	vor.u32 v3, v4  }
0x108: {  	v4 =	vperm.xlane v3, v0;
	_ =	sdelay $0x1  }
0x109: {  	v4 =	vadd.s32 v1, v4;
	_ =	sdelay $0x4  }
0x10a: {  	[tilespmem:s8], [sflag:$0x3] =	stream.indirect_vreg.gather [hbm4b:s2+s3], $0x80, v4, vm0, $0xb8;
	[tilespmem:$0x18100] =	vst v63  }
0x10b: {  	s17 =	simm.s32 $0xC900;
	v3 =	vperm.xlane v3, v2  }
0x10c: {  	[tilespmem:s17], [sflag:$0x3] =	stream.indirect_vreg.gather [hbm4b:s4+s3], $0x80, v4, vm0, $0xb8;
	[tilespmem:$0x18100] =	vst v63  }
0x10d: {  	s13 =	simm.s32 $0xD100;
	v3 =	vadd.s32 v1, v3  }
0x10e: {  	[tilespmem:s13], [sflag:$0x3] =	stream.indirect_vreg.gather [hbm4b:s5+s3], $0x80, v4, vm0, $0xb8;
	[tilespmem:$0x18100] =	vst v63  }
0x10f: {  	s14 =	simm.s32 $0xD900  }
0x110: {  	[tilespmem:s14], [sflag:$0x3] =	stream.indirect_vreg.gather [hbm4b:s6+s3], $0x80, v4, vm0, $0xb8;
	[tilespmem:$0x18100] =	vst v63  }
0x111: {  	s17 =	simm.s32 $0xE100  }
0x112: {  	[tilespmem:s17], [sflag:$0x3] =	stream.indirect_vreg.gather [hbm4b:s2+s3], $0x80, v3, vm0, $0xb8;
	[tilespmem:$0x18100] =	vst v63  }
0x113: {  	s13 =	simm.s32 $0xE900  }
0x114: {  	[tilespmem:s13], [sflag:$0x3] =	stream.indirect_vreg.gather [hbm4b:s4+s3], $0x80, v3, vm0, $0xb8;
	[tilespmem:$0x18100] =	vst v63  }
0x115: {  	s14 =	simm.s32 $0xF100  }
0x116: {  	[tilespmem:s14], [sflag:$0x3] =	stream.indirect_vreg.gather [hbm4b:s5+s3], $0x80, v3, vm0, $0xb8;
	[tilespmem:$0x18100] =	vst v63  }
0x117: {  	s17 =	simm.s32 $0xF900  }
0x118: {  	[tilespmem:s17], [sflag:$0x3] =	stream.indirect_vreg.gather [hbm4b:s6+s3], $0x80, v3, vm0, $0xb8;
	[tilespmem:$0x18100] =	vst v63  }
0x119: {  	v3 =	vld.msk [tilespmem:$0xA0], $0xff;
	_ =	sdelay $0x4  }
0x11a: {  	v62 =	vshll.u32 v3, $0x3  }
0x11b: {  	v3 =	vand.u32 $0x7, v3;
	v4 =	vand.u32 $0xFFFFFFC0, v62  }
0x11c: {  	v3 =	vor.u32 v3, v4  }
0x11d: {  	v3 =	vperm.xlane v3, v0;
	_ =	sdelay $0x1  }
0x11e: {  	v3 =	vadd.s32 v1, v3;
	_ =	sdelay $0x3  }
0x11f: {  	s13 =	simm.s32 $0x10100  }
0x120: {  	[tilespmem:s13], [sflag:$0x3] =	stream.indirect_vreg.gather [hbm4b:s2+s3], $0x80, v3, vm0, $0xb8;
	[tilespmem:$0x18100] =	vst v63  }
0x121: {  	s14 =	simm.s32 $0x10900  }
0x122: {  	[tilespmem:s14], [sflag:$0x3] =	stream.indirect_vreg.gather [hbm4b:s4+s3], $0x80, v3, vm0, $0xb8;
	[tilespmem:$0x18100] =	vst v63  }
0x123: {  	s17 =	simm.s32 $0x11100  }
0x124: {  	[tilespmem:s17], [sflag:$0x3] =	stream.indirect_vreg.gather [hbm4b:s5+s3], $0x80, v3, vm0, $0xb8;
	[tilespmem:$0x18100] =	vst v63  }
0x125: {  	s13 =	simm.s32 $0x11900  }
0x126: {  	[tilespmem:s13], [sflag:$0x3] =	stream.indirect_vreg.gather [hbm4b:s6+s3], $0x80, v3, vm0, $0xb8;
	[tilespmem:$0x18100] =	vst v63  }
0x127: {  	s13 =	simm.s32 $0x4  }
0x128: {  	_ =	swait.ge [sflag:s13], $0x6000  }
0x129: {  	[sflag:s13] =	ssyncset.done $0x0  }
0x12a: {  	s14 =	rddreg [dreg:$0x7];
	[sflag:s13] =	ssyncadd.s32 $0xFFFFA000  }
0x12b: {  	[hbm4b:s14+s3] =	stream.linear.scatter [tilespmem:s1], [sflag:$0x8], $0x6000, $0x38;
	[tilespmem:$0x18100] =	vst v63  }
0x12c: {  	s14 =	simm.s32 $0x8  }
0x12d: {  	_ =	swait.ge [sflag:s14], $0x6000  }
0x12e: {  	[sflag:s14] =	ssyncset.done $0x0  }
0x12f: {  	[sflag:s14] =	ssyncadd.s32 $0xFFFFA000  }
0x130: {  	v3 =	vld [tilespmem:$0xA8];
	_ =	sdelay $0x4  }
0x131: {  	v63 =	vshll.u32 v3, $0x3  }
0x132: {  	v3 =	vand.u32 $0x7, v3;
	v4 =	vand.u32 $0xFFFFFFC0, v63  }
0x133: {  	v3 =	vor.u32 v3, v4  }
0x134: {  	v4 =	vperm.xlane v3, v0;
	_ =	sdelay $0x1  }
0x135: {  	v4 =	vadd.s32 v1, v4;
	_ =	sdelay $0x4  }
0x136: {  	[tilespmem:s1], [sflag:$0x4] =	stream.indirect_vreg.gather [hbm4b:s2+s3], $0x80, v4, vm0, $0xb8;
	[tilespmem:$0x18100] =	vst v63  }
0x137: {  	s17 =	simm.s32 $0x12900;
	v3 =	vperm.xlane v3, v2  }
0x138: {  	[tilespmem:s17], [sflag:$0x4] =	stream.indirect_vreg.gather [hbm4b:s4+s3], $0x80, v4, vm0, $0xb8;
	[tilespmem:$0x18100] =	vst v63  }
0x139: {  	v3 =	vadd.s32 v1, v3;
	s17 =	simm.s32 $0x13100  }
0x13a: {  	[tilespmem:s17], [sflag:$0x4] =	stream.indirect_vreg.gather [hbm4b:s5+s3], $0x80, v4, vm0, $0xb8;
	[tilespmem:$0x18100] =	vst v63  }
0x13b: {  	s17 =	simm.s32 $0x13900  }
0x13c: {  	[tilespmem:s17], [sflag:$0x4] =	stream.indirect_vreg.gather [hbm4b:s6+s3], $0x80, v4, vm0, $0xb8;
	[tilespmem:$0x18100] =	vst v63  }
0x13d: {  	s17 =	simm.s32 $0x14100  }
0x13e: {  	[tilespmem:s17], [sflag:$0x4] =	stream.indirect_vreg.gather [hbm4b:s2+s3], $0x80, v3, vm0, $0xb8;
	[tilespmem:$0x18100] =	vst v63  }
0x13f: {  	s17 =	simm.s32 $0x14900  }
0x140: {  	[tilespmem:s17], [sflag:$0x4] =	stream.indirect_vreg.gather [hbm4b:s4+s3], $0x80, v3, vm0, $0xb8;
	[tilespmem:$0x18100] =	vst v63  }
0x141: {  	s17 =	simm.s32 $0x15100  }
0x142: {  	[tilespmem:s17], [sflag:$0x4] =	stream.indirect_vreg.gather [hbm4b:s5+s3], $0x80, v3, vm0, $0xb8;
	[tilespmem:$0x18100] =	vst v63  }
0x143: {  	s17 =	simm.s32 $0x15900  }
0x144: {  	[tilespmem:s17], [sflag:$0x4] =	stream.indirect_vreg.gather [hbm4b:s6+s3], $0x80, v3, vm0, $0xb8;
	[tilespmem:$0x18100] =	vst v63  }
0x145: {  	_ =	swait.ge [sflag:s18], $0x6000  }
0x146: {  	[sflag:s18] =	ssyncset.done $0x0  }
0x147: {  	s7 =	rddreg [dreg:$0x8];
	[sflag:s18] =	ssyncadd.s32 $0xFFFFA000;
	s18 =	simm.s32 $0x100  }
0x148: {  	[hbm4b:s7+s3] =	stream.linear.scatter [tilespmem:s18], [sflag:$0x5], $0x6000, $0x38;
	[tilespmem:$0x18100] =	vst v63  }
0x149: {  	_ =	swait.ge [sflag:s9], $0x6000  }
0x14a: {  	[sflag:s9] =	ssyncset.done $0x0  }
0x14b: {  	s7 =	rddreg [dreg:$0x9];
	[sflag:s9] =	ssyncadd.s32 $0xFFFFA000  }
0x14c: {  	[hbm4b:s7+s3] =	stream.linear.scatter [tilespmem:s10], [sflag:$0x6], $0x6000, $0x38;
	[tilespmem:$0x18100] =	vst v63  }
0x14d: {  	_ =	swait.ge [sflag:s11], $0x6000  }
0x14e: {  	[sflag:s11] =	ssyncset.done $0x0  }
0x14f: {  	s9 =	rddreg [dreg:$0xa];
	[sflag:s11] =	ssyncadd.s32 $0xFFFFA000  }
0x150: {  	[hbm4b:s9+s3] =	stream.linear.scatter [tilespmem:s8], [sflag:$0x7], $0x6000, $0x38;
	[tilespmem:$0x18100] =	vst v63  }
0x151: {  	_ =	swait.ge [sflag:s13], $0x4000  }
0x152: {  	[sflag:s13] =	ssyncset.done $0x0  }
0x153: {  	s18 =	rddreg [dreg:$0xb];
	[sflag:s13] =	ssyncadd.s32 $0xFFFFC000  }
0x154: {  	[hbm4b:s18+s3] =	stream.linear.scatter [tilespmem:s1], [sflag:$0x8], $0x4000, $0x38;
	[tilespmem:$0x18100] =	vst v63  }
0x155: {  	_ =	swait.ge [sflag:s0], $0x6000  }
0x156: {  	[sflag:s0] =	ssyncset.done $0x0  }
0x157: {  	[sflag:s0] =	ssyncadd.s32 $0xFFFFA000  }
0x158: {  	_ =	swait.ge [sflag:s19], $0x6000  }
0x159: {  	[sflag:s19] =	ssyncset.done $0x0  }
0x15a: {  	[sflag:s19] =	ssyncadd.s32 $0xFFFFA000  }
0x15b: {  	p0 =	sne.s32 s15, $0x1;
	_ =	swait.ge [sflag:s12], $0x6000  }
.Ltmp0:
0x15c: {  	[sflag:s12] =	ssyncset.done $0x0;
	(pc) =	sbr.rel @p0 .LBB2_1-.Ltmp0, $4  }
0x15d: {  	[sflag:s12] =	ssyncadd.s32 $0xFFFFA000  }
0x15e: {  	_ =	swait.ge [sflag:s14], $0x4000  }
0x15f: {  	[sflag:s14] =	ssyncset.done $0x0  }
0x160: {  	s15 =	sadd.s32 $0xFFFFFFFF, s15;
	[sflag:s14] =	ssyncadd.s32 $0xFFFFC000  }
0x161: {  	_ =	sfence.sel $0x180000  }
0x162: {  	[bflag:$0x0] =	sbarrier.arrive $0xFFFF  }
0x163: {  	_ =	strace $0x9000004A  }
0x164: {  	s0 =	stileid.u32;
	[bflag:$0x2] =	sbarrier.arrive $0xFFFF  }
0x165: {  	p0 =	sne.s32 s0, $0x0;
	s0 =	rddreg [dreg:$0x2]  }
0x166: {  	s0 =	sadd.s32 @!p0 $0x100000, s0  }
0x167: {  	[sflag:s0] =	ssyncadd.tile.s32 @!p0 $0x1;
	_ =	shalt  }
.Lfunc_end2:
_tile_overlayer_lowered:
.L_overlay_start_2:
0x168: {  	(tag) =	ssettag $0x2  }
0x169: {  	s0 =	rddreg [dreg:$0x0];
	s2 =	stileid.u32  }
0x16a: {  	s1 =	rddreg [dreg:$0x1];
	p0 =	sne.s32 s2, $0x0  }
0x16b: {  	s3 =	rddreg [dreg:$0x2];
	[bflag:$0x3] =	sbarrier.arrive $0xFFFF;
	s2 =	simm.s32 @!p0 $0x1C09  }
0x16c: {  	[timem:s3], [sflag:s2] =	dma.local @!p0 [hbm:s0], s1  }
0x16d: {  	s0 =	simm.s32 @!p0 $0x9  }
0x16e: {  	_ =	swait.ge @!p0 [sflag:s0], s1  }
0x16f: {  	s1 =	ssub.s32 @!p0 $0x0, s1;
	[sflag:s0] =	ssyncset.done @!p0 $0x0  }
0x170: {  	[sflag:s0] =	ssyncadd.s32 @!p0 s1  }
0x171: {  	[bflag:$0x3] =	sbarrier.arrive $0xFFFF  }
0x172: {  	_ =	shalt  }

// kernel: kernel.9.cloned.1.call-start
scs
__scs_entry_jumppad:
0x0: {  	(pc) =	sbr.rel $0x88, $3  }
0x1: {  	(tag) =	ssettag $0x0;
	lr =	simm.s32 $0x1  }
0x2: {  	[smem:$0x3F9B] =	sst lr;
	_ =	strace $0xD0000000  }
0x3: {  	_ = 	snop  }
0x4: {  	_ = 	snop  }
0x5: {  	_ = 	snop  }
0x6: {  	_ = 	snop  }
0x7: {  	_ = 	snop  }
__scs_overlays_trampoline_lowered:
0x8: {  	[smem:$0x3FAA] =	sst s0  }
0x9: {  	[smem:$0x3FAB] =	sst s1  }
0xa: {  	[smem:$0x3FAC] =	sst s2  }
0xb: {  	[smem:$0x3FAD] =	sst s3  }
0xc: {  	[smem:$0x3FAE] =	sst s4  }
0xd: {  	[smem:$0x3FAF] =	sst s5  }
0xe: {  	[smem:$0x3FB0] =	sst s6  }
0xf: {  	[smem:$0x3FB1] =	sst s7  }
0x10: {  	[smem:$0x3FB2] =	sst s8  }
0x11: {  	[smem:$0x3FB3] =	sst s9;
	s0 =	simm.s32 @!p0 $0x0  }
0x12: {  	s1 =	sld [smem:$0x3F99];
	s0 =	simm.s32 @p0 $0x1  }
0x13: {  	[smem:$0x3FB4] =	sst s0;
	s0 =	simm.s32 @!p1 $0x0  }
0x14: {  	s2 =	sld [smem:$0x3F98];
	s0 =	simm.s32 @p1 $0x1  }
0x15: {  	[smem:$0x3FB5] =	sst s0;
	s0 =	simm.s32 @!p2 $0x0  }
0x16: {  	s3 =	sld [smem:$0x3FDB];
	s0 =	simm.s32 @p2 $0x1  }
0x17: {  	s4 =	simm.s32 $0x1BF5;
	[smem:$0x3FB7] =	sst s0  }
0x18: {  	s0 =	sld [smem:$0x3F9A];
	_ =	swait.ge [sflag:s4], $0x0  }
0x19: {  	s7 =	sld [smem:$0x3F9B]  }
0x1a: {  	s8 =	sadd.s32 $0xFFFFE003, lr  }
0x1b: {  	s9 =	sadd.s32 $0xFFFFFEF7, lr;
	s5 =	simm.s32 $0xFFFFFFFF;
	p2 =	slt.u32 s8, $0xFFFFF086  }
0x1c: {  	p1 =	slt.u32 s9, $0xF7A;
	s5 =	simm.s32 @!p2 $0x0  }
0x1d: {  	s5 =	simm.s32 @p1 $0x1;
	p0 =	seq.s32 s7, s2  }
0x1e: {  	s7 =	smul.u32 @!p0 $0xF7A, s2;
	p2 =	seq.s32 @!p0 s5, $0x0  }
0x1f: {  	s9 =	smul.u32 $0xF7A, s1;
	s8 =	simm.s32 @!p0 $0x1BF5;
	p2 =	por !p2, p0  }
0x20: {  	[sflag:s8] =	ssyncset.s32 @!p0 $0xFFFFF086;
	s6 =	sadd.s32 @!p0 s3, s7;
	s7 =	simm.s32 @!p0 $0x108  }
0x21: {  	s3 =	sadd.s32 s3, s9;
	s6 =	sadd.s32 @!p0 $0x88, s6;
	s7 =	simm.s32 @p2 $0x1082  }
0x22: {  	[simem:s7], [sflag:s8] =	dma.local @!p0 [hbm:s6], $0xF7A  }
0x23: {  	s9 =	sor.u32 $0xD0000000, s2;
	s6 =	simm.s32 $0x108;
	_ =	swait.ge @!p0 [sflag:s8], $0x0  }
0x24: {  	s3 =	sadd.s32 $0x88, s3;
	s6 =	simm.s32 @!p1 $0x1082;
	[sflag:s4] =	ssyncset.s32 $0xFFFFF086  }
0x25: {  	[simem:s6], [sflag:s4] =	dma.local [hbm:s3], $0xF7A  }
0x26: {  	[smem:$0x3F9B] =	sst s1;
	(tag) =	ssettag s2;
	_ =	strace s9  }
0x27: {  	s1 =	sld [smem:$0x3FAB]  }
0x28: {  	s2 =	sld [smem:$0x3FAC]  }
0x29: {  	s4 =	sld [smem:$0x3FAE]  }
0x2a: {  	p0 =	seq.s32 s5, $0x0;
	s5 =	sld [smem:$0x3FAF]  }
0x2b: {  	s6 =	sld [smem:$0x3FB0]  }
0x2c: {  	s7 =	sld [smem:$0x3FB1]  }
0x2d: {  	s3 =	simm.s32 $0x108;
	s8 =	sld [smem:$0x3FB2]  }
0x2e: {  	s3 =	simm.s32 @!p0 $0x1082;
	s9 =	sld [smem:$0x3FB3]  }
0x2f: {  	lr =	sadd.s32 s0, s3;
	s0 =	sld [smem:$0x3FAA]  }
0x30: {  	s3 =	sld [smem:$0x3FAD]  }
0x31: {  	[smem:$0x3FB6] =	sst s10  }
0x32: {  	s10 =	sld [smem:$0x3FB4];
	_ =	sdelay $0x3  }
0x33: {  	p0 =	seq.s32 s10, $0x1;
	s10 =	sld [smem:$0x3FB6];
	_ =	sdelay $0x3  }
0x34: {  	[smem:$0x3FB6] =	sst s10  }
0x35: {  	s10 =	sld [smem:$0x3FB5];
	_ =	sdelay $0x3  }
0x36: {  	p1 =	seq.s32 s10, $0x1;
	s10 =	sld [smem:$0x3FB6];
	_ =	sdelay $0x3  }
0x37: {  	[smem:$0x3FB6] =	sst s10  }
0x38: {  	s10 =	sld [smem:$0x3FB7]  }
0x39: {  	_ = 	snop;
	(pc) =	sbr.ind lr, $3  }
0x3a: {  	_ = 	snop  }
0x3b: {  	_ = 	snop  }
0x3c: {  	p2 =	seq.s32 s10, $0x1;
	s10 =	sld [smem:$0x3FB6]  }
0x3d: {  	_ =	shalt  }
0x3e: {  	_ =	shalt  }
0x3f: {  	_ =	shalt  }
0x40: {  	_ =	shalt  }
0x41: {  	_ =	shalt  }
0x42: {  	_ =	shalt  }
0x43: {  	_ =	shalt  }
0x44: {  	_ =	shalt  }
0x45: {  	_ =	shalt  }
0x46: {  	_ =	shalt  }
0x47: {  	_ =	shalt  }
0x48: {  	_ =	shalt  }
0x49: {  	_ =	shalt  }
0x4a: {  	_ =	shalt  }
0x4b: {  	_ =	shalt  }
0x4c: {  	_ =	shalt  }
0x4d: {  	_ =	shalt  }
0x4e: {  	_ =	shalt  }
0x4f: {  	_ =	shalt  }
0x50: {  	_ =	shalt  }
0x51: {  	_ =	shalt  }
0x52: {  	_ =	shalt  }
0x53: {  	_ =	shalt  }
0x54: {  	_ =	shalt  }
0x55: {  	_ =	shalt  }
0x56: {  	_ =	shalt  }
0x57: {  	_ =	shalt  }
0x58: {  	_ =	shalt  }
0x59: {  	_ =	shalt  }
0x5a: {  	_ =	shalt  }
0x5b: {  	_ =	shalt  }
0x5c: {  	_ =	shalt  }
0x5d: {  	_ =	shalt  }
0x5e: {  	_ =	shalt  }
0x5f: {  	_ =	shalt  }
0x60: {  	_ =	shalt  }
0x61: {  	_ =	shalt  }
0x62: {  	_ =	shalt  }
0x63: {  	_ =	shalt  }
0x64: {  	_ =	shalt  }
0x65: {  	_ =	shalt  }
0x66: {  	_ =	shalt  }
0x67: {  	_ =	shalt  }
0x68: {  	_ =	shalt  }
0x69: {  	_ =	shalt  }
0x6a: {  	_ =	shalt  }
0x6b: {  	_ =	shalt  }
0x6c: {  	_ =	shalt  }
0x6d: {  	_ =	shalt  }
0x6e: {  	_ =	shalt  }
0x6f: {  	_ =	shalt  }
0x70: {  	_ =	shalt  }
0x71: {  	_ =	shalt  }
0x72: {  	_ =	shalt  }
0x73: {  	_ =	shalt  }
0x74: {  	_ =	shalt  }
0x75: {  	_ =	shalt  }
0x76: {  	_ =	shalt  }
0x77: {  	_ =	shalt  }
0x78: {  	_ =	shalt  }
0x79: {  	_ =	shalt  }
0x7a: {  	_ =	shalt  }
0x7b: {  	_ =	shalt  }
0x7c: {  	_ =	shalt  }
0x7d: {  	_ =	shalt  }
0x7e: {  	_ =	shalt  }
0x7f: {  	_ =	shalt  }
0x80: {  	_ =	shalt  }
0x81: {  	_ =	shalt  }
0x82: {  	_ =	shalt  }
0x83: {  	_ =	shalt  }
0x84: {  	_ =	shalt  }
0x85: {  	_ =	shalt  }
0x86: {  	_ =	shalt  }
0x87: {  	_ =	shalt  }
.Lfunc_end0:
.L_simem_size_0:
called_computation.2_lowered:
.L_overlay_start_0:
0x88: {  	s2 =	sld [smem:$0x3FD9]  }
0x89: {  	s3 =	sld [smem:$0x3FFE];
	_ =	sdelay $0x1  }
0x8a: {  	s1 =	srdreg.scid  }
0x8b: {  	s0 =	sand.u32 $0x1, s1  }
0x8c: {  	s14 =	sshll.u32 s0, $0xA;
	s2 =	sadd.s32 s3, s2  }
0x8d: {  	s2 =	sadd.s32 s2, s14  }
0x8e: {  	[smem:$0x3FC2] =	sst s2  }
0x8f: {  	_ = 	snop  }
0x90: {  	s2 =	sld [smem:$0x3FD0];
	_ =	sdelay $0x2  }
0x91: {  	s15 =	simm.s32 $0xA;
	s4 =	simm.s32 $0x10  }
0x92: {  	[smem:s4], [sflag:s15] =	dma.local [hbm:s2], $0x1  }
0x93: {  	_ =	swait.eq [sflag:s15], $0x1  }
0x94: {  	[sflag:s15] =	ssyncset.done $0x0  }
0x95: {  	[sflag:s15] =	ssyncadd.s32 $0xFFFFFFFF  }
0x96: {  	s16 =	sld [smem:$0x10];
	(tm) =	ssettm $0x1  }
0x97: {  	s17 =	sld [smem:$0x3FFB];
	_ =	sdelay $0x3  }
0x98: {  	_ =	strace s17  }
0x99: {  	s3 =	sld [smem:$0x3FFC];
	_ =	sdelay $0x3  }
0x9a: {  	_ =	strace s3  }
0x9b: {  	s3 =	sld [smem:$0x3FFD];
	_ =	sdelay $0x3  }
0x9c: {  	_ =	strace s3  }
0x9d: {  	_ =	strace $0x8FFFFFFF  }
0x9e: {  	s18 =	sld [smem:$0x3FDB];
	_ =	sdelay $0x1  }
0x9f: {  	s19 =	simm.s32 $_scs_section_size  }
0xa0: {  	s5 =	simm.s32 $_size__tile_overlayer_lowered;
	s6 =	simm.s32 $_tile_overlayer_lowered  }
0xa1: {  	s22 =	simm.s32 $0x1BFF;
	s21 =	sshll.u32 s6, $0x1;
	s3 =	sadd.s32 s19, s18  }
0xa2: {  	s7 =	simm.s32 $0x0;
	s20 =	sshll.u32 s5, $0x1;
	s5 =	sadd.s32 s21, s3  }
0xa3: {  	[timem:s7], [sflag:s22] =	dma.local [hbm:s5], s20  }
0xa4: {  	_ =	swait.ge [sflag:s22], s20  }
0xa5: {  	s4 =	ssub.s32 $0x0, s20;
	[sflag:s22] =	ssyncset.done $0x0  }
0xa6: {  	[sflag:s22] =	ssyncadd.s32 s4;
	_ =	sdelay $0x1  }
0xa7: {  	s23 =	simm.s32 $0x1B8B  }
0xa8: {  	_ =	swait.ge [sflag:s23], $0x1  }
0xa9: {  	[sflag:s23] =	ssyncset.done $0x0  }
0xaa: {  	s25 =	simm.s32 $0x1B8E;
	s24 =	sld [smem:$0x3FFE];
	[sflag:s23] =	ssyncadd.s32 $0xFFFFFFFF  }
0xab: {  	s26 =	simm.s32 $execute0_lowered;
	[smem:$0x3FD2] =	sst s25  }
0xac: {  	s5 =	sshll.u32 s26, $0x1;
	_ =	strace $0x8000004C;
	[dreg:$0x1] =	wrdreg $0xFFFFFFFF  }
0xad: {  	s28 =	simm.s32 $_size_execute0_lowered;
	s3 =	sadd.s32 s3, s5;
	[dreg:$0x0] =	wrdreg $0x0  }
0xae: {  	s5 =	sshll.u32 s28, $0x1;
	[dreg:$0x2] =	wrdreg s3  }
0xaf: {  	[dreg:$0x3] =	wrdreg s5  }
0xb0: {  	[dreg:$0x4] =	wrdreg $0xC0  }
0xb1: {  	_ =	task [dreg:s7], $0x5FFFF  }
0xb2: {  	[dreg:$0x1] =	wrdreg $0xFFFFFFFF  }
0xb3: {  	[dreg:$0x0] =	wrdreg $0x60  }
0xb4: {  	[dreg:$0x2] =	wrdreg s24  }
0xb5: {  	[dreg:$0x3] =	wrdreg s16  }
0xb6: {  	[dreg:$0x4] =	wrdreg $0x9  }
0xb7: {  	_ =	task.clear_ibuf [dreg:s7], $0x5FFFF;
	_ =	strace $0x9000004C  }
0xb8: {  	s29 =	simm.s32 $0x9;
	_ =	strace $0x8000004E  }
0xb9: {  	_ =	swait.ge [sflag:s29], $0x1  }
0xba: {  	[sflag:s29] =	ssyncadd.s32 $0xFFFFFFFF  }
0xbb: {  	_ =	strace $0x9000004E  }
0xbc: {  	_ =	sfence  }
0xbd: {  	s30 =	sld [smem:$0x0];
	_ =	sdelay $0x2  }
0xbe: {  	s31 =	sshll.u32 s1, $0xD;
	s1 =	sshrl.u32 s1, $0x2  }
0xbf: {  	s3 =	sand.u32 $0x4000, s31;
	s1 =	sadd.s32 s1, s30  }
0xc0: {  	s0 =	sor.u32 s3, s0;
	s1 =	sshll.u32 s1, $0x11  }
0xc1: {  	s0 =	sor.u32 s1, s0  }
0xc2: {  	s0 =	sadd.s32 $0x8F2B, s0  }
0xc3: {  	[sflag:s0] =	ssyncadd.remote.s32 $0x1  }
0xc4: {  	_ =	sfence.sel $0xFFFF  }
0xc5: {  	[dreg:$0x0] =	wrdreg $0xFFFFFFFF;
	(pc) =	sbr.abs _section_cstart, $3  }
0xc6: {  	[dreg:$0x1] =	wrdreg $0xFFFFFFFF  }
0xc7: {  	_ =	task.clear_ibuf [dreg:s7], $0x2FFFF;
	_ =	strace $0x9FFFFFFF  }
0xc8: {  	(tm) =	ssettm $0x7FFFFFFF  }
0xc9: {  	_ =	shalt  }
tec
execute0_lowered:
.L_overlay_start_1:
0x0: {  	(tag) =	ssettag $0x1  }
0x1: {  	s0 =	rddreg [dreg:$0x0]  }
0x2: {  	s1 =	rddreg [dreg:$0x1]  }
0x3: {  	s2 =	srdreg.scid;
	s4 =	stileid.u32;
	s14 =	simm.s32 $0x7  }
0x4: {  	s15 =	simm.s32 $0x2;
	s28 =	simm.s32 $0xE100;
	s29 =	simm.s32 $0xF100  }
0x5: {  	s30 =	simm.s32 $0xF900;
	s31 =	simm.s32 $0x10100;
	s10 =	simm.s32 $0x4  }
0x6: {  	s16 =	simm.s32 $0x14100;
	s11 =	simm.s32 $0x5;
	s17 =	simm.s32 $0x6  }
0x7: {  	s12 =	simm.s32 $0x0;
	s3 =	sand.u32 $0x1, s2;
	s2 =	simm.s32 $0x0  }
0x8: {  	s4 =	sshll.u32 s4, $0x7;
	s9 =	sadd.s32 $0x2C1900, s0;
	s5 =	sshll.u32 s3, $0x6  }
0x9: {  	[smem:$0x7FF] =	sst s2;
	s21 =	ssub.s32 $0x2, s3;
	s3 =	sadd.s32 $0x2C1600, s0  }
0xa: {  	s4 =	sor.u32 s5, s4;
	_ =	strace $0x8000004D;
	s7 =	sshrl.u32 s21, $0x1  }
0xb: {  	s6 =	sshrl.u32 s4, $0x3;
	s5 =	ssub.s32 s21, s7;
	s4 =	sshll.u32 s4, $0x7  }
0xc: {  	s7 =	sadd.s32 $0x2C1800, s0;
	s6 =	sadd.s32 s6, s0;
	s26 =	smax.u32 s5, $0x1  }
0xd: {  	s8 =	sadd.s32 s1, s4;
	s22 =	sadd.s32 $0x8200, s6;
	[dreg:$0x8] =	wrdreg s26  }
0xe: {  	s1 =	simm.s32 $0x1;
	s6 =	sadd.s32 $0x8000, s6;
	[dreg:$0x3] =	wrdreg s22  }
0xf: {  	s4 =	simm.s32 $0xD900;
	s23 =	sadd.s32 $0x800, s8;
	[dreg:$0x4] =	wrdreg s6  }
0x10: {  	s5 =	simm.s32 $0xE900;
	s24 =	sadd.s32 $0x1000, s8;
	[dreg:$0x5] =	wrdreg s23  }
0x11: {  	v2 =	vlaneseq.u32;
	s25 =	sadd.s32 $0x1800, s8;
	s26 =	simm.s32 $0xD100;
	[dreg:$0x6] =	wrdreg s24  }
0x12: {  	vm0 =	vmmov $0xffff;
	v1 =	vshrl.u32 v2, $0x3;
	s6 =	sadd.s32 $0x2C1700, s0;
	[dreg:$0x7] =	wrdreg s25;
	s23 =	simm.s32 $0xB900  }
0x13: {  	v0 =	vand.u32 $0x7, v2;
	v2 =	vor.u32 $0x8, v2;
	v1 =	vmul.u32 $0x8, v1;
	s24 =	simm.s32 $0xC100;
	s25 =	simm.s32 $0xC900;
	s0 =	simm.s32 $0x3  }
.LBB2_1:
0x14: {  	s13 =	rddreg [dreg:$0x3]  }
0x15: {  	[tilespmem:s2], [sflag:$0x7] =	stream.linear.gather [hbm4b:s13+s2], $0x40, $0x38;
	[tilespmem:$0x18100] =	vst v63  }
0x16: {  	_ =	swait.ge [sflag:s14], $0x40  }
0x17: {  	[sflag:s14] =	ssyncset.done $0x0  }
0x18: {  	s18 =	simm.s32 $0x80;
	s19 =	rddreg [dreg:$0x4];
	[sflag:s14] =	ssyncadd.s32 $0xFFFFFFC0  }
0x19: {  	[tilespmem:s18], [sflag:$0x7] =	stream.linear.gather [hbm4b:s19+s2], $0x40, $0x38;
	[tilespmem:$0x18100] =	vst v63  }
0x1a: {  	_ =	swait.ge [sflag:s14], $0x40  }
0x1b: {  	[sflag:s14] =	ssyncset.done $0x0  }
0x1c: {  	[sflag:s14] =	ssyncadd.s32 $0xFFFFFFC0  }
0x1d: {  	v3 =	vld [tilespmem:$0x0];
	_ =	sdelay $0x4  }
0x1e: {  	v4 =	vshll.u32 v3, $0x3  }
0x1f: {  	v3 =	vand.u32 $0x7, v3;
	v4 =	vand.u32 $0xFFFFFFC0, v4  }
0x20: {  	v3 =	vor.u32 v3, v4  }
0x21: {  	v4 =	vperm.xlane v3, v0;
	_ =	sdelay $0x1  }
0x22: {  	v4 =	vadd.s32 v1, v4;
	_ =	sdelay $0x3  }
0x23: {  	s20 =	simm.s32 $0x100  }
0x24: {  	[tilespmem:s20], [sflag:$0x1] =	stream.indirect_vreg.gather [hbm4b:s3+s2], $0x80, v4, vm0, $0xb8;
	[tilespmem:$0x18100] =	vst v63  }
0x25: {  	s21 =	simm.s32 $0x900;
	v3 =	vperm.xlane v3, v2  }
0x26: {  	[tilespmem:s21], [sflag:$0x1] =	stream.indirect_vreg.gather [hbm4b:s6+s2], $0x80, v4, vm0, $0xb8;
	[tilespmem:$0x18100] =	vst v63  }
0x27: {  	s22 =	simm.s32 $0x1100;
	v3 =	vadd.s32 v1, v3  }
0x28: {  	[tilespmem:s22], [sflag:$0x1] =	stream.indirect_vreg.gather [hbm4b:s7+s2], $0x80, v4, vm0, $0xb8;
	[tilespmem:$0x18100] =	vst v63  }
0x29: {  	s18 =	simm.s32 $0x1900  }
0x2a: {  	[tilespmem:s18], [sflag:$0x1] =	stream.indirect_vreg.gather [hbm4b:s9+s2], $0x80, v4, vm0, $0xb8;
	[tilespmem:$0x18100] =	vst v63  }
0x2b: {  	s19 =	simm.s32 $0x2100  }
0x2c: {  	[tilespmem:s19], [sflag:$0x1] =	stream.indirect_vreg.gather [hbm4b:s3+s2], $0x80, v3, vm0, $0xb8;
	[tilespmem:$0x18100] =	vst v63  }
0x2d: {  	s20 =	simm.s32 $0x2900  }
0x2e: {  	[tilespmem:s20], [sflag:$0x1] =	stream.indirect_vreg.gather [hbm4b:s6+s2], $0x80, v3, vm0, $0xb8;
	[tilespmem:$0x18100] =	vst v63  }
0x2f: {  	s21 =	simm.s32 $0x3100  }
0x30: {  	[tilespmem:s21], [sflag:$0x1] =	stream.indirect_vreg.gather [hbm4b:s7+s2], $0x80, v3, vm0, $0xb8;
	[tilespmem:$0x18100] =	vst v63  }
0x31: {  	s22 =	simm.s32 $0x3900  }
0x32: {  	[tilespmem:s22], [sflag:$0x1] =	stream.indirect_vreg.gather [hbm4b:s9+s2], $0x80, v3, vm0, $0xb8;
	[tilespmem:$0x18100] =	vst v63  }
0x33: {  	v3 =	vld [tilespmem:$0x80];
	_ =	sdelay $0x4  }
0x34: {  	v61 =	vshll.u32 v3, $0x3  }
0x35: {  	v3 =	vand.u32 $0x7, v3;
	v4 =	vand.u32 $0xFFFFFFC0, v61  }
0x36: {  	v3 =	vor.u32 v3, v4  }
0x37: {  	v4 =	vperm.xlane v3, v0;
	_ =	sdelay $0x1  }
0x38: {  	v4 =	vadd.s32 v1, v4;
	_ =	sdelay $0x3  }
0x39: {  	s18 =	simm.s32 $0x4100  }
0x3a: {  	[tilespmem:s18], [sflag:$0x2] =	stream.indirect_vreg.gather [hbm4b:s3+s2], $0x80, v4, vm0, $0xb8;
	[tilespmem:$0x18100] =	vst v63  }
0x3b: {  	s19 =	simm.s32 $0x4900;
	v3 =	vperm.xlane v3, v2  }
0x3c: {  	[tilespmem:s19], [sflag:$0x2] =	stream.indirect_vreg.gather [hbm4b:s6+s2], $0x80, v4, vm0, $0xb8;
	[tilespmem:$0x18100] =	vst v63  }
0x3d: {  	s20 =	simm.s32 $0x5100;
	v3 =	vadd.s32 v1, v3  }
0x3e: {  	[tilespmem:s20], [sflag:$0x2] =	stream.indirect_vreg.gather [hbm4b:s7+s2], $0x80, v4, vm0, $0xb8;
	[tilespmem:$0x18100] =	vst v63  }
0x3f: {  	s21 =	simm.s32 $0x5900  }
0x40: {  	[tilespmem:s21], [sflag:$0x2] =	stream.indirect_vreg.gather [hbm4b:s9+s2], $0x80, v4, vm0, $0xb8;
	[tilespmem:$0x18100] =	vst v63  }
0x41: {  	s22 =	simm.s32 $0x6100  }
0x42: {  	[tilespmem:s22], [sflag:$0x2] =	stream.indirect_vreg.gather [hbm4b:s3+s2], $0x80, v3, vm0, $0xb8;
	[tilespmem:$0x18100] =	vst v63  }
0x43: {  	s18 =	simm.s32 $0x6900  }
0x44: {  	[tilespmem:s18], [sflag:$0x2] =	stream.indirect_vreg.gather [hbm4b:s6+s2], $0x80, v3, vm0, $0xb8;
	[tilespmem:$0x18100] =	vst v63  }
0x45: {  	s19 =	simm.s32 $0x7100  }
0x46: {  	[tilespmem:s19], [sflag:$0x2] =	stream.indirect_vreg.gather [hbm4b:s7+s2], $0x80, v3, vm0, $0xb8;
	[tilespmem:$0x18100] =	vst v63  }
0x47: {  	s20 =	simm.s32 $0x7900  }
0x48: {  	[tilespmem:s20], [sflag:$0x2] =	stream.indirect_vreg.gather [hbm4b:s9+s2], $0x80, v3, vm0, $0xb8;
	[tilespmem:$0x18100] =	vst v63  }
0x49: {  	_ =	swait.ge [sflag:s1], $0x4000  }
0x4a: {  	[sflag:s1] =	ssyncset.done $0x0  }
0x4b: {  	[sflag:s1] =	ssyncadd.s32 $0xFFFFC000  }
0x4c: {  	_ =	swait.ge [sflag:s15], $0x4000  }
0x4d: {  	[sflag:s15] =	ssyncset.done $0x0  }
0x4e: {  	[sflag:s15] =	ssyncadd.s32 $0xFFFFC000  }
0x4f: {  	v3 =	vld [tilespmem:$0x10];
	_ =	sdelay $0x4  }
0x50: {  	v62 =	vshll.u32 v3, $0x3  }
0x51: {  	v3 =	vand.u32 $0x7, v3;
	v4 =	vand.u32 $0xFFFFFFC0, v62  }
0x52: {  	v3 =	vor.u32 v3, v4  }
0x53: {  	v4 =	vperm.xlane v3, v0;
	_ =	sdelay $0x1  }
0x54: {  	v4 =	vadd.s32 v1, v4;
	_ =	sdelay $0x3  }
0x55: {  	s21 =	simm.s32 $0x8100  }
0x56: {  	[tilespmem:s21], [sflag:$0x3] =	stream.indirect_vreg.gather [hbm4b:s3+s2], $0x80, v4, vm0, $0xb8;
	[tilespmem:$0x18100] =	vst v63  }
0x57: {  	s22 =	simm.s32 $0x8900;
	v3 =	vperm.xlane v3, v2  }
0x58: {  	[tilespmem:s22], [sflag:$0x3] =	stream.indirect_vreg.gather [hbm4b:s6+s2], $0x80, v4, vm0, $0xb8;
	[tilespmem:$0x18100] =	vst v63  }
0x59: {  	s18 =	simm.s32 $0x9100;
	v3 =	vadd.s32 v1, v3  }
0x5a: {  	[tilespmem:s18], [sflag:$0x3] =	stream.indirect_vreg.gather [hbm4b:s7+s2], $0x80, v4, vm0, $0xb8;
	[tilespmem:$0x18100] =	vst v63  }
0x5b: {  	s19 =	simm.s32 $0x9900  }
0x5c: {  	[tilespmem:s19], [sflag:$0x3] =	stream.indirect_vreg.gather [hbm4b:s9+s2], $0x80, v4, vm0, $0xb8;
	[tilespmem:$0x18100] =	vst v63  }
0x5d: {  	s20 =	simm.s32 $0xA100  }
0x5e: {  	[tilespmem:s20], [sflag:$0x3] =	stream.indirect_vreg.gather [hbm4b:s3+s2], $0x80, v3, vm0, $0xb8;
	[tilespmem:$0x18100] =	vst v63  }
0x5f: {  	s21 =	simm.s32 $0xA900  }
0x60: {  	[tilespmem:s21], [sflag:$0x3] =	stream.indirect_vreg.gather [hbm4b:s6+s2], $0x80, v3, vm0, $0xb8;
	[tilespmem:$0x18100] =	vst v63  }
0x61: {  	s22 =	simm.s32 $0xB100  }
0x62: {  	[tilespmem:s22], [sflag:$0x3] =	stream.indirect_vreg.gather [hbm4b:s7+s2], $0x80, v3, vm0, $0xb8;
	[tilespmem:$0x18100] =	vst v63  }
0x63: {  	_ = 	snop  }
0x64: {  	[tilespmem:s23], [sflag:$0x3] =	stream.indirect_vreg.gather [hbm4b:s9+s2], $0x80, v3, vm0, $0xb8;
	[tilespmem:$0x18100] =	vst v63  }
0x65: {  	v3 =	vld [tilespmem:$0x90];
	_ =	sdelay $0x4  }
0x66: {  	v63 =	vshll.u32 v3, $0x3  }
0x67: {  	v3 =	vand.u32 $0x7, v3;
	v4 =	vand.u32 $0xFFFFFFC0, v63  }
0x68: {  	v3 =	vor.u32 v3, v4  }
0x69: {  	v4 =	vperm.xlane v3, v0;
	_ =	sdelay $0x1  }
0x6a: {  	v4 =	vadd.s32 v1, v4;
	_ =	sdelay $0x4  }
0x6b: {  	[tilespmem:s24], [sflag:$0x4] =	stream.indirect_vreg.gather [hbm4b:s3+s2], $0x80, v4, vm0, $0xb8;
	[tilespmem:$0x18100] =	vst v63  }
0x6c: {  	v3 =	vperm.xlane v3, v2  }
0x6d: {  	[tilespmem:s25], [sflag:$0x4] =	stream.indirect_vreg.gather [hbm4b:s6+s2], $0x80, v4, vm0, $0xb8;
	[tilespmem:$0x18100] =	vst v63  }
0x6e: {  	v3 =	vadd.s32 v1, v3  }
0x6f: {  	[tilespmem:s26], [sflag:$0x4] =	stream.indirect_vreg.gather [hbm4b:s7+s2], $0x80, v4, vm0, $0xb8;
	[tilespmem:$0x18100] =	vst v63  }
0x70: {  	_ = 	snop  }
0x71: {  	[tilespmem:s4], [sflag:$0x4] =	stream.indirect_vreg.gather [hbm4b:s9+s2], $0x80, v4, vm0, $0xb8;
	[tilespmem:$0x18100] =	vst v63  }
0x72: {  	_ = 	snop  }
0x73: {  	[tilespmem:s28], [sflag:$0x4] =	stream.indirect_vreg.gather [hbm4b:s3+s2], $0x80, v3, vm0, $0xb8;
	[tilespmem:$0x18100] =	vst v63  }
0x74: {  	_ = 	snop  }
0x75: {  	[tilespmem:s5], [sflag:$0x4] =	stream.indirect_vreg.gather [hbm4b:s6+s2], $0x80, v3, vm0, $0xb8;
	[tilespmem:$0x18100] =	vst v63  }
0x76: {  	_ = 	snop  }
0x77: {  	[tilespmem:s29], [sflag:$0x4] =	stream.indirect_vreg.gather [hbm4b:s7+s2], $0x80, v3, vm0, $0xb8;
	[tilespmem:$0x18100] =	vst v63  }
0x78: {  	s13 =	simm.s32 $0x0;
	s18 =	simm.s32 $0x0;
	s19 =	simm.s32 $0x0  }
0x79: {  	[tilespmem:s30], [sflag:$0x4] =	stream.indirect_vreg.gather [hbm4b:s9+s2], $0x80, v3, vm0, $0xb8;
	[tilespmem:$0x18100] =	vst v63  }
.LBB2_2:
0x7a: {  	s20 =	sshll.u32 s13, $0x2;
	s21 =	sand.u32 $0x7, s18  }
0x7b: {  	s20 =	sand.u32 $0xFFFF8000, s20;
	s21 =	sshll.u32 s21, $0x9  }
0x7c: {  	s20 =	sor.u32 s21, s20  }
0x7d: {  	s21 =	sshrl.u32 s20, $0x2  }
0x7e: {  	s20 =	sadd.s32 $0x570, s21  }
0x7f: {  	s22 =	sadd.s32 $0x4570, s21;
	v3 =	vmov s20  }
0x80: {  	v4 =	vmov s22;
	_ =	sdelay $0x2  }
0x81: {  	s20 =	simm.s32 $0x0  }
0x82: {  	v6 =	vld.idx.msk [tilespmem:v3+s20+$0xFFFFFB90 ss:$0x1], $0xffff  }
0x83: {  	v7 =	vld.idx.msk [tilespmem:v4+s20+$0xFFFFFB90 ss:$0x1], $0xffff  }
0x84: {  	s21 =	sadd.s32 $0x10570, s21  }
0x85: {  	v5 =	vmov s21;
	_ =	sdelay $0x2  }
0x86: {  	v6 =	vadd.f32 v7, v6;
	_ =	sdelay $0x1  }
0x87: {  	[tilespmem:v5+s20+$0xFFFFFB90 ss:$0x1] =	vst.idx.msk $0xffff, v6  }
0x88: {  	v6 =	vld.idx.msk [tilespmem:v3+s20+$0xFFFFFBA0 ss:$0x1], $0xffff  }
0x89: {  	v7 =	vld.idx.msk [tilespmem:v4+s20+$0xFFFFFBA0 ss:$0x1], $0xffff;
	_ =	sdelay $0x4  }
0x8a: {  	v6 =	vadd.f32 v7, v6;
	_ =	sdelay $0x1  }
0x8b: {  	[tilespmem:v5+s20+$0xFFFFFBA0 ss:$0x1] =	vst.idx.msk $0xffff, v6  }
0x8c: {  	v6 =	vld.idx.msk [tilespmem:v3+s20+$0xFFFFFBB0 ss:$0x1], $0xffff  }
0x8d: {  	v7 =	vld.idx.msk [tilespmem:v4+s20+$0xFFFFFBB0 ss:$0x1], $0xffff;
	_ =	sdelay $0x4  }
0x8e: {  	v6 =	vadd.f32 v7, v6;
	_ =	sdelay $0x1  }
0x8f: {  	[tilespmem:v5+s20+$0xFFFFFBB0 ss:$0x1] =	vst.idx.msk $0xffff, v6  }
0x90: {  	v6 =	vld.idx.msk [tilespmem:v3+s20+$0xFFFFFBC0 ss:$0x1], $0xffff  }
0x91: {  	v7 =	vld.idx.msk [tilespmem:v4+s20+$0xFFFFFBC0 ss:$0x1], $0xffff;
	_ =	sdelay $0x4  }
0x92: {  	v6 =	vadd.f32 v7, v6;
	_ =	sdelay $0x1  }
0x93: {  	[tilespmem:v5+s20+$0xFFFFFBC0 ss:$0x1] =	vst.idx.msk $0xffff, v6  }
0x94: {  	v6 =	vld.idx.msk [tilespmem:v3+s20+$0xFFFFFBD0 ss:$0x1], $0xffff  }
0x95: {  	v7 =	vld.idx.msk [tilespmem:v4+s20+$0xFFFFFBD0 ss:$0x1], $0xffff;
	_ =	sdelay $0x4  }
0x96: {  	v6 =	vadd.f32 v7, v6;
	_ =	sdelay $0x1  }
0x97: {  	[tilespmem:v5+s20+$0xFFFFFBD0 ss:$0x1] =	vst.idx.msk $0xffff, v6  }
0x98: {  	v6 =	vld.idx.msk [tilespmem:v3+s20+$0xFFFFFBE0 ss:$0x1], $0xffff  }
0x99: {  	v7 =	vld.idx.msk [tilespmem:v4+s20+$0xFFFFFBE0 ss:$0x1], $0xffff;
	_ =	sdelay $0x4  }
0x9a: {  	v6 =	vadd.f32 v7, v6;
	_ =	sdelay $0x1  }
0x9b: {  	[tilespmem:v5+s20+$0xFFFFFBE0 ss:$0x1] =	vst.idx.msk $0xffff, v6  }
0x9c: {  	v6 =	vld.idx.msk [tilespmem:v3+s20+$0xFFFFFBF0 ss:$0x1], $0xffff  }
0x9d: {  	v7 =	vld.idx.msk [tilespmem:v4+s20+$0xFFFFFBF0 ss:$0x1], $0xffff;
	_ =	sdelay $0x4  }
0x9e: {  	v6 =	vadd.f32 v7, v6;
	_ =	sdelay $0x1  }
0x9f: {  	[tilespmem:v5+s20+$0xFFFFFBF0 ss:$0x1] =	vst.idx.msk $0xffff, v6  }
0xa0: {  	v6 =	vld.idx.msk [tilespmem:v3+s20+$0xFFFFFC00 ss:$0x1], $0xffff  }
0xa1: {  	v7 =	vld.idx.msk [tilespmem:v4+s20+$0xFFFFFC00 ss:$0x1], $0xffff;
	_ =	sdelay $0x4  }
0xa2: {  	v6 =	vadd.f32 v7, v6;
	_ =	sdelay $0x1  }
0xa3: {  	[tilespmem:v5+s20+$0xFFFFFC00 ss:$0x1] =	vst.idx.msk $0xffff, v6  }
0xa4: {  	v6 =	vld.idx.msk [tilespmem:v3+s20+$0xFFFFFF90 ss:$0x1], $0xffff  }
0xa5: {  	v7 =	vld.idx.msk [tilespmem:v4+s20+$0xFFFFFF90 ss:$0x1], $0xffff;
	_ =	sdelay $0x4  }
0xa6: {  	v6 =	vadd.f32 v7, v6;
	_ =	sdelay $0x1  }
0xa7: {  	[tilespmem:v5+s20+$0xFFFFFF90 ss:$0x1] =	vst.idx.msk $0xffff, v6  }
0xa8: {  	v6 =	vld.idx.msk [tilespmem:v3+s20+$0xFFFFFFA0 ss:$0x1], $0xffff  }
0xa9: {  	v7 =	vld.idx.msk [tilespmem:v4+s20+$0xFFFFFFA0 ss:$0x1], $0xffff;
	_ =	sdelay $0x4  }
0xaa: {  	v6 =	vadd.f32 v7, v6;
	_ =	sdelay $0x1  }
0xab: {  	[tilespmem:v5+s20+$0xFFFFFFA0 ss:$0x1] =	vst.idx.msk $0xffff, v6  }
0xac: {  	v6 =	vld.idx.msk [tilespmem:v3+s20+$0xFFFFFFB0 ss:$0x1], $0xffff  }
0xad: {  	v7 =	vld.idx.msk [tilespmem:v4+s20+$0xFFFFFFB0 ss:$0x1], $0xffff;
	_ =	sdelay $0x4  }
0xae: {  	v6 =	vadd.f32 v7, v6;
	_ =	sdelay $0x1  }
0xaf: {  	[tilespmem:v5+s20+$0xFFFFFFB0 ss:$0x1] =	vst.idx.msk $0xffff, v6  }
0xb0: {  	v6 =	vld.idx.msk [tilespmem:v3+s20+$0xFFFFFFC0 ss:$0x1], $0xffff  }
0xb1: {  	v7 =	vld.idx.msk [tilespmem:v4+s20+$0xFFFFFFC0 ss:$0x1], $0xffff;
	_ =	sdelay $0x4  }
0xb2: {  	v6 =	vadd.f32 v7, v6;
	_ =	sdelay $0x1  }
0xb3: {  	[tilespmem:v5+s20+$0xFFFFFFC0 ss:$0x1] =	vst.idx.msk $0xffff, v6  }
0xb4: {  	v6 =	vld.idx.msk [tilespmem:v3+s20+$0xFFFFFFD0 ss:$0x1], $0xffff  }
0xb5: {  	v7 =	vld.idx.msk [tilespmem:v4+s20+$0xFFFFFFD0 ss:$0x1], $0xffff;
	_ =	sdelay $0x4  }
0xb6: {  	v6 =	vadd.f32 v7, v6;
	_ =	sdelay $0x1  }
0xb7: {  	[tilespmem:v5+s20+$0xFFFFFFD0 ss:$0x1] =	vst.idx.msk $0xffff, v6  }
0xb8: {  	v6 =	vld.idx.msk [tilespmem:v3+s20+$0xFFFFFFE0 ss:$0x1], $0xffff  }
0xb9: {  	v7 =	vld.idx.msk [tilespmem:v4+s20+$0xFFFFFFE0 ss:$0x1], $0xffff;
	_ =	sdelay $0x4  }
0xba: {  	v6 =	vadd.f32 v7, v6;
	_ =	sdelay $0x1  }
0xbb: {  	[tilespmem:v5+s20+$0xFFFFFFE0 ss:$0x1] =	vst.idx.msk $0xffff, v6  }
0xbc: {  	v6 =	vld.idx.msk [tilespmem:v3+s20+$0xFFFFFFF0 ss:$0x1], $0xffff  }
0xbd: {  	s21 =	simm.s32 $0x2000;
	v7 =	vld.idx.msk [tilespmem:v4+s20+$0xFFFFFFF0 ss:$0x1], $0xffff  }
.LBB2_3:
0xbe: {  	p0 =	sne.s32 s21, $0x6000;
	s22 =	smov.u32 s21;
	s21 =	sadd.s32 $0x2000, s21  }
0xbf: {  	_ =	sdelay $0x2  }
0xc0: {  	v6 =	vadd.f32 v7, v6;
	_ =	sdelay $0x1  }
0xc1: {  	[tilespmem:v5+s20+$0xFFFFFFF0 ss:$0x1] =	vst.idx.msk $0xffff, v6  }
0xc2: {  	v6 =	vld.idx.msk [tilespmem:v3+s20+$0x0 ss:$0x1], $0xffff  }
0xc3: {  	v7 =	vld.idx.msk [tilespmem:v4+s20+$0x0 ss:$0x1], $0xffff;
	_ =	sdelay $0x5  }
0xc4: {  	v6 =	vadd.f32 v7, v6;
	_ =	sdelay $0x1  }
0xc5: {  	[tilespmem:v5+s20+$0x0 ss:$0x1] =	vst.idx.msk $0xffff, v6;
	s20 =	sshra.s32 s22, $0x2  }
0xc6: {  	v6 =	vld.idx.msk [tilespmem:v3+s20+$0xFFFFFB90 ss:$0x1], $0xffff  }
0xc7: {  	v7 =	vld.idx.msk [tilespmem:v4+s20+$0xFFFFFB90 ss:$0x1], $0xffff;
	_ =	sdelay $0x5  }
0xc8: {  	v6 =	vadd.f32 v7, v6;
	_ =	sdelay $0x1  }
0xc9: {  	[tilespmem:v5+s20+$0xFFFFFB90 ss:$0x1] =	vst.idx.msk $0xffff, v6  }
0xca: {  	v6 =	vld.idx.msk [tilespmem:v3+s20+$0xFFFFFBA0 ss:$0x1], $0xffff  }
0xcb: {  	v7 =	vld.idx.msk [tilespmem:v4+s20+$0xFFFFFBA0 ss:$0x1], $0xffff;
	_ =	sdelay $0x5  }
0xcc: {  	v6 =	vadd.f32 v7, v6;
	_ =	sdelay $0x1  }
0xcd: {  	[tilespmem:v5+s20+$0xFFFFFBA0 ss:$0x1] =	vst.idx.msk $0xffff, v6  }
0xce: {  	v6 =	vld.idx.msk [tilespmem:v3+s20+$0xFFFFFBB0 ss:$0x1], $0xffff  }
0xcf: {  	v7 =	vld.idx.msk [tilespmem:v4+s20+$0xFFFFFBB0 ss:$0x1], $0xffff;
	_ =	sdelay $0x5  }
0xd0: {  	v6 =	vadd.f32 v7, v6;
	_ =	sdelay $0x1  }
0xd1: {  	[tilespmem:v5+s20+$0xFFFFFBB0 ss:$0x1] =	vst.idx.msk $0xffff, v6  }
0xd2: {  	v6 =	vld.idx.msk [tilespmem:v3+s20+$0xFFFFFBC0 ss:$0x1], $0xffff  }
0xd3: {  	v7 =	vld.idx.msk [tilespmem:v4+s20+$0xFFFFFBC0 ss:$0x1], $0xffff;
	_ =	sdelay $0x5  }
0xd4: {  	v6 =	vadd.f32 v7, v6;
	_ =	sdelay $0x1  }
0xd5: {  	[tilespmem:v5+s20+$0xFFFFFBC0 ss:$0x1] =	vst.idx.msk $0xffff, v6  }
0xd6: {  	v6 =	vld.idx.msk [tilespmem:v3+s20+$0xFFFFFBD0 ss:$0x1], $0xffff  }
0xd7: {  	v7 =	vld.idx.msk [tilespmem:v4+s20+$0xFFFFFBD0 ss:$0x1], $0xffff;
	_ =	sdelay $0x5  }
0xd8: {  	v6 =	vadd.f32 v7, v6;
	_ =	sdelay $0x1  }
0xd9: {  	[tilespmem:v5+s20+$0xFFFFFBD0 ss:$0x1] =	vst.idx.msk $0xffff, v6  }
0xda: {  	v6 =	vld.idx.msk [tilespmem:v3+s20+$0xFFFFFBE0 ss:$0x1], $0xffff  }
0xdb: {  	v7 =	vld.idx.msk [tilespmem:v4+s20+$0xFFFFFBE0 ss:$0x1], $0xffff;
	_ =	sdelay $0x5  }
0xdc: {  	v6 =	vadd.f32 v7, v6;
	_ =	sdelay $0x1  }
0xdd: {  	[tilespmem:v5+s20+$0xFFFFFBE0 ss:$0x1] =	vst.idx.msk $0xffff, v6  }
0xde: {  	v6 =	vld.idx.msk [tilespmem:v3+s20+$0xFFFFFBF0 ss:$0x1], $0xffff  }
0xdf: {  	v7 =	vld.idx.msk [tilespmem:v4+s20+$0xFFFFFBF0 ss:$0x1], $0xffff;
	_ =	sdelay $0x5  }
0xe0: {  	v6 =	vadd.f32 v7, v6;
	_ =	sdelay $0x1  }
0xe1: {  	[tilespmem:v5+s20+$0xFFFFFBF0 ss:$0x1] =	vst.idx.msk $0xffff, v6  }
0xe2: {  	v6 =	vld.idx.msk [tilespmem:v3+s20+$0xFFFFFC00 ss:$0x1], $0xffff  }
0xe3: {  	v7 =	vld.idx.msk [tilespmem:v4+s20+$0xFFFFFC00 ss:$0x1], $0xffff;
	_ =	sdelay $0x5  }
0xe4: {  	v6 =	vadd.f32 v7, v6;
	_ =	sdelay $0x1  }
0xe5: {  	[tilespmem:v5+s20+$0xFFFFFC00 ss:$0x1] =	vst.idx.msk $0xffff, v6  }
0xe6: {  	v6 =	vld.idx.msk [tilespmem:v3+s20+$0xFFFFFF90 ss:$0x1], $0xffff  }
0xe7: {  	v7 =	vld.idx.msk [tilespmem:v4+s20+$0xFFFFFF90 ss:$0x1], $0xffff;
	_ =	sdelay $0x5  }
0xe8: {  	v6 =	vadd.f32 v7, v6;
	_ =	sdelay $0x1  }
0xe9: {  	[tilespmem:v5+s20+$0xFFFFFF90 ss:$0x1] =	vst.idx.msk $0xffff, v6  }
0xea: {  	v6 =	vld.idx.msk [tilespmem:v3+s20+$0xFFFFFFA0 ss:$0x1], $0xffff  }
0xeb: {  	v7 =	vld.idx.msk [tilespmem:v4+s20+$0xFFFFFFA0 ss:$0x1], $0xffff;
	_ =	sdelay $0x5  }
0xec: {  	v6 =	vadd.f32 v7, v6;
	_ =	sdelay $0x1  }
0xed: {  	[tilespmem:v5+s20+$0xFFFFFFA0 ss:$0x1] =	vst.idx.msk $0xffff, v6  }
0xee: {  	v6 =	vld.idx.msk [tilespmem:v3+s20+$0xFFFFFFB0 ss:$0x1], $0xffff  }
0xef: {  	v7 =	vld.idx.msk [tilespmem:v4+s20+$0xFFFFFFB0 ss:$0x1], $0xffff;
	_ =	sdelay $0x5  }
0xf0: {  	v6 =	vadd.f32 v7, v6;
	_ =	sdelay $0x1  }
0xf1: {  	[tilespmem:v5+s20+$0xFFFFFFB0 ss:$0x1] =	vst.idx.msk $0xffff, v6  }
0xf2: {  	v6 =	vld.idx.msk [tilespmem:v3+s20+$0xFFFFFFC0 ss:$0x1], $0xffff  }
0xf3: {  	v7 =	vld.idx.msk [tilespmem:v4+s20+$0xFFFFFFC0 ss:$0x1], $0xffff;
	_ =	sdelay $0x5  }
0xf4: {  	v6 =	vadd.f32 v7, v6;
	_ =	sdelay $0x1  }
0xf5: {  	[tilespmem:v5+s20+$0xFFFFFFC0 ss:$0x1] =	vst.idx.msk $0xffff, v6  }
0xf6: {  	v6 =	vld.idx.msk [tilespmem:v3+s20+$0xFFFFFFD0 ss:$0x1], $0xffff  }
0xf7: {  	v7 =	vld.idx.msk [tilespmem:v4+s20+$0xFFFFFFD0 ss:$0x1], $0xffff;
	_ =	sdelay $0x5  }
0xf8: {  	v6 =	vadd.f32 v7, v6;
	_ =	sdelay $0x1  }
0xf9: {  	[tilespmem:v5+s20+$0xFFFFFFD0 ss:$0x1] =	vst.idx.msk $0xffff, v6  }
0xfa: {  	v6 =	vld.idx.msk [tilespmem:v3+s20+$0xFFFFFFE0 ss:$0x1], $0xffff  }
0xfb: {  	v7 =	vld.idx.msk [tilespmem:v4+s20+$0xFFFFFFE0 ss:$0x1], $0xffff;
	_ =	sdelay $0x5  }
.Ltmp0:
0xfc: {  	v6 =	vadd.f32 v7, v6;
	(pc) =	sbr.rel @p0 .LBB2_3-.Ltmp0, $4  }
0xfd: {  	_ = 	snop  }
0xfe: {  	[tilespmem:v5+s20+$0xFFFFFFE0 ss:$0x1] =	vst.idx.msk $0xffff, v6  }
0xff: {  	v6 =	vld.idx.msk [tilespmem:v3+s20+$0xFFFFFFF0 ss:$0x1], $0xffff  }
0x100: {  	v7 =	vld.idx.msk [tilespmem:v4+s20+$0xFFFFFFF0 ss:$0x1], $0xffff  }
0x101: {  	_ =	sdelay $0x3  }
0x102: {  	v6 =	vadd.f32 v7, v6;
	_ =	sdelay $0x1  }
0x103: {  	[tilespmem:v5+s20+$0xFFFFFFF0 ss:$0x1] =	vst.idx.msk $0xffff, v6  }
0x104: {  	v3 =	vld.idx.msk [tilespmem:v3+s20+$0x0 ss:$0x1], $0xffff  }
0x105: {  	v4 =	vld.idx.msk [tilespmem:v4+s20+$0x0 ss:$0x1], $0xffff  }
0x106: {  	s19 =	sadd.s32 $0x1, s19  }
0x107: {  	p0 =	sne.s32 s19, $0x10  }
.Ltmp1:
0x108: {  	_ = 	snop;
	(pc) =	sbr.rel @p0 .LBB2_2-.Ltmp1, $3  }
0x109: {  	_ = 	snop  }
0x10a: {  	v3 =	vadd.f32 v4, v3;
	_ =	sdelay $0x1  }
0x10b: {  	s13 =	sadd.s32 $0x400, s13;
	s18 =	sadd.s32 $0x1, s18;
	[tilespmem:v5+s20+$0x0 ss:$0x1] =	vst.idx.msk $0xffff, v3  }
0x10c: {  	s18 =	simm.s32 $0x0  }
0x10d: {  	[hbm4b:s8+s18] =	stream.linear.scatter [tilespmem:s31], [sflag:$0x5], $0x4000, $0x38;
	[tilespmem:$0x18100] =	vst v63  }
0x10e: {  	_ =	swait.ge [sflag:s0], $0x4000  }
0x10f: {  	[sflag:s0] =	ssyncset.done $0x0  }
0x110: {  	[sflag:s0] =	ssyncadd.s32 $0xFFFFC000  }
0x111: {  	_ =	swait.ge [sflag:s10], $0x4000  }
0x112: {  	[sflag:s10] =	ssyncset.done $0x0  }
0x113: {  	[sflag:s10] =	ssyncadd.s32 $0xFFFFC000  }
0x114: {  	v3 =	vld [tilespmem:$0x20];
	_ =	sdelay $0x4  }
0x115: {  	v4 =	vshll.u32 v3, $0x3  }
0x116: {  	v3 =	vand.u32 $0x7, v3;
	v4 =	vand.u32 $0xFFFFFFC0, v4  }
0x117: {  	v3 =	vor.u32 v3, v4  }
0x118: {  	v4 =	vperm.xlane v3, v0;
	_ =	sdelay $0x1  }
0x119: {  	v4 =	vadd.s32 v1, v4;
	_ =	sdelay $0x3  }
0x11a: {  	s13 =	simm.s32 $0x100  }
0x11b: {  	[tilespmem:s13], [sflag:$0x1] =	stream.indirect_vreg.gather [hbm4b:s3+s18], $0x80, v4, vm0, $0xb8;
	[tilespmem:$0x18100] =	vst v63  }
0x11c: {  	s20 =	simm.s32 $0x900;
	v3 =	vperm.xlane v3, v2  }
0x11d: {  	[tilespmem:s20], [sflag:$0x1] =	stream.indirect_vreg.gather [hbm4b:s6+s18], $0x80, v4, vm0, $0xb8;
	[tilespmem:$0x18100] =	vst v63  }
0x11e: {  	s21 =	simm.s32 $0x1100;
	v3 =	vadd.s32 v1, v3  }
0x11f: {  	[tilespmem:s21], [sflag:$0x1] =	stream.indirect_vreg.gather [hbm4b:s7+s18], $0x80, v4, vm0, $0xb8;
	[tilespmem:$0x18100] =	vst v63  }
0x120: {  	s22 =	simm.s32 $0x1900  }
0x121: {  	[tilespmem:s22], [sflag:$0x1] =	stream.indirect_vreg.gather [hbm4b:s9+s18], $0x80, v4, vm0, $0xb8;
	[tilespmem:$0x18100] =	vst v63  }
0x122: {  	s19 =	simm.s32 $0x2100  }
0x123: {  	[tilespmem:s19], [sflag:$0x1] =	stream.indirect_vreg.gather [hbm4b:s3+s18], $0x80, v3, vm0, $0xb8;
	[tilespmem:$0x18100] =	vst v63  }
0x124: {  	s20 =	simm.s32 $0x2900  }
0x125: {  	[tilespmem:s20], [sflag:$0x1] =	stream.indirect_vreg.gather [hbm4b:s6+s18], $0x80, v3, vm0, $0xb8;
	[tilespmem:$0x18100] =	vst v63  }
0x126: {  	s21 =	simm.s32 $0x3100  }
0x127: {  	[tilespmem:s21], [sflag:$0x1] =	stream.indirect_vreg.gather [hbm4b:s7+s18], $0x80, v3, vm0, $0xb8;
	[tilespmem:$0x18100] =	vst v63  }
0x128: {  	s22 =	simm.s32 $0x3900  }
0x129: {  	[tilespmem:s22], [sflag:$0x1] =	stream.indirect_vreg.gather [hbm4b:s9+s18], $0x80, v3, vm0, $0xb8;
	[tilespmem:$0x18100] =	vst v63  }
0x12a: {  	v3 =	vld [tilespmem:$0xA0];
	_ =	sdelay $0x4  }
0x12b: {  	v63 =	vshll.u32 v3, $0x3  }
0x12c: {  	v3 =	vand.u32 $0x7, v3;
	v4 =	vand.u32 $0xFFFFFFC0, v63  }
0x12d: {  	v3 =	vor.u32 v3, v4  }
0x12e: {  	v4 =	vperm.xlane v3, v0;
	_ =	sdelay $0x1  }
0x12f: {  	v4 =	vadd.s32 v1, v4;
	_ =	sdelay $0x3  }
0x130: {  	s19 =	simm.s32 $0x4100  }
0x131: {  	[tilespmem:s19], [sflag:$0x2] =	stream.indirect_vreg.gather [hbm4b:s3+s18], $0x80, v4, vm0, $0xb8;
	[tilespmem:$0x18100] =	vst v63  }
0x132: {  	s20 =	simm.s32 $0x4900;
	v3 =	vperm.xlane v3, v2  }
0x133: {  	[tilespmem:s20], [sflag:$0x2] =	stream.indirect_vreg.gather [hbm4b:s6+s18], $0x80, v4, vm0, $0xb8;
	[tilespmem:$0x18100] =	vst v63  }
0x134: {  	s21 =	simm.s32 $0x5100;
	v3 =	vadd.s32 v1, v3  }
0x135: {  	[tilespmem:s21], [sflag:$0x2] =	stream.indirect_vreg.gather [hbm4b:s7+s18], $0x80, v4, vm0, $0xb8;
	[tilespmem:$0x18100] =	vst v63  }
0x136: {  	s22 =	simm.s32 $0x5900  }
0x137: {  	[tilespmem:s22], [sflag:$0x2] =	stream.indirect_vreg.gather [hbm4b:s9+s18], $0x80, v4, vm0, $0xb8;
	[tilespmem:$0x18100] =	vst v63  }
0x138: {  	s19 =	simm.s32 $0x6100  }
0x139: {  	[tilespmem:s19], [sflag:$0x2] =	stream.indirect_vreg.gather [hbm4b:s3+s18], $0x80, v3, vm0, $0xb8;
	[tilespmem:$0x18100] =	vst v63  }
0x13a: {  	s20 =	simm.s32 $0x6900  }
0x13b: {  	[tilespmem:s20], [sflag:$0x2] =	stream.indirect_vreg.gather [hbm4b:s6+s18], $0x80, v3, vm0, $0xb8;
	[tilespmem:$0x18100] =	vst v63  }
0x13c: {  	s21 =	simm.s32 $0x7100  }
0x13d: {  	[tilespmem:s21], [sflag:$0x2] =	stream.indirect_vreg.gather [hbm4b:s7+s18], $0x80, v3, vm0, $0xb8;
	[tilespmem:$0x18100] =	vst v63  }
0x13e: {  	s13 =	simm.s32 $0x0;
	s22 =	simm.s32 $0x7900;
	s19 =	simm.s32 $0x0  }
0x13f: {  	[tilespmem:s22], [sflag:$0x2] =	stream.indirect_vreg.gather [hbm4b:s9+s18], $0x80, v3, vm0, $0xb8;
	[tilespmem:$0x18100] =	vst v63  }
.LBB2_6:
0x140: {  	s20 =	sshll.u32 s13, $0x2;
	s21 =	sand.u32 $0x7, s18  }
0x141: {  	s20 =	sand.u32 $0xFFFF8000, s20;
	s21 =	sshll.u32 s21, $0x9  }
0x142: {  	s20 =	sor.u32 s21, s20  }
0x143: {  	s21 =	sshrl.u32 s20, $0x2  }
0x144: {  	s20 =	sadd.s32 $0x8570, s21  }
0x145: {  	s22 =	sadd.s32 $0xC570, s21;
	v3 =	vmov s20  }
0x146: {  	v4 =	vmov s22;
	_ =	sdelay $0x2  }
0x147: {  	s20 =	simm.s32 $0x0  }
0x148: {  	v6 =	vld.idx.msk [tilespmem:v3+s20+$0xFFFFFB90 ss:$0x1], $0xffff  }
0x149: {  	v7 =	vld.idx.msk [tilespmem:v4+s20+$0xFFFFFB90 ss:$0x1], $0xffff  }
0x14a: {  	s21 =	sadd.s32 $0x14570, s21  }
0x14b: {  	v5 =	vmov s21;
	_ =	sdelay $0x2  }
0x14c: {  	v6 =	vadd.f32 v7, v6;
	_ =	sdelay $0x1  }
0x14d: {  	[tilespmem:v5+s20+$0xFFFFFB90 ss:$0x1] =	vst.idx.msk $0xffff, v6  }
0x14e: {  	v6 =	vld.idx.msk [tilespmem:v3+s20+$0xFFFFFBA0 ss:$0x1], $0xffff  }
0x14f: {  	v7 =	vld.idx.msk [tilespmem:v4+s20+$0xFFFFFBA0 ss:$0x1], $0xffff;
	_ =	sdelay $0x4  }
0x150: {  	v6 =	vadd.f32 v7, v6;
	_ =	sdelay $0x1  }
0x151: {  	[tilespmem:v5+s20+$0xFFFFFBA0 ss:$0x1] =	vst.idx.msk $0xffff, v6  }
0x152: {  	v6 =	vld.idx.msk [tilespmem:v3+s20+$0xFFFFFBB0 ss:$0x1], $0xffff  }
0x153: {  	v7 =	vld.idx.msk [tilespmem:v4+s20+$0xFFFFFBB0 ss:$0x1], $0xffff;
	_ =	sdelay $0x4  }
0x154: {  	v6 =	vadd.f32 v7, v6;
	_ =	sdelay $0x1  }
0x155: {  	[tilespmem:v5+s20+$0xFFFFFBB0 ss:$0x1] =	vst.idx.msk $0xffff, v6  }
0x156: {  	v6 =	vld.idx.msk [tilespmem:v3+s20+$0xFFFFFBC0 ss:$0x1], $0xffff  }
0x157: {  	v7 =	vld.idx.msk [tilespmem:v4+s20+$0xFFFFFBC0 ss:$0x1], $0xffff;
	_ =	sdelay $0x4  }
0x158: {  	v6 =	vadd.f32 v7, v6;
	_ =	sdelay $0x1  }
0x159: {  	[tilespmem:v5+s20+$0xFFFFFBC0 ss:$0x1] =	vst.idx.msk $0xffff, v6  }
0x15a: {  	v6 =	vld.idx.msk [tilespmem:v3+s20+$0xFFFFFBD0 ss:$0x1], $0xffff  }
0x15b: {  	v7 =	vld.idx.msk [tilespmem:v4+s20+$0xFFFFFBD0 ss:$0x1], $0xffff;
	_ =	sdelay $0x4  }
0x15c: {  	v6 =	vadd.f32 v7, v6;
	_ =	sdelay $0x1  }
0x15d: {  	[tilespmem:v5+s20+$0xFFFFFBD0 ss:$0x1] =	vst.idx.msk $0xffff, v6  }
0x15e: {  	v6 =	vld.idx.msk [tilespmem:v3+s20+$0xFFFFFBE0 ss:$0x1], $0xffff  }
0x15f: {  	v7 =	vld.idx.msk [tilespmem:v4+s20+$0xFFFFFBE0 ss:$0x1], $0xffff;
	_ =	sdelay $0x4  }
0x160: {  	v6 =	vadd.f32 v7, v6;
	_ =	sdelay $0x1  }
0x161: {  	[tilespmem:v5+s20+$0xFFFFFBE0 ss:$0x1] =	vst.idx.msk $0xffff, v6  }
0x162: {  	v6 =	vld.idx.msk [tilespmem:v3+s20+$0xFFFFFBF0 ss:$0x1], $0xffff  }
0x163: {  	v7 =	vld.idx.msk [tilespmem:v4+s20+$0xFFFFFBF0 ss:$0x1], $0xffff;
	_ =	sdelay $0x4  }
0x164: {  	v6 =	vadd.f32 v7, v6;
	_ =	sdelay $0x1  }
0x165: {  	[tilespmem:v5+s20+$0xFFFFFBF0 ss:$0x1] =	vst.idx.msk $0xffff, v6  }
0x166: {  	v6 =	vld.idx.msk [tilespmem:v3+s20+$0xFFFFFC00 ss:$0x1], $0xffff  }
0x167: {  	v7 =	vld.idx.msk [tilespmem:v4+s20+$0xFFFFFC00 ss:$0x1], $0xffff;
	_ =	sdelay $0x4  }
0x168: {  	v6 =	vadd.f32 v7, v6;
	_ =	sdelay $0x1  }
0x169: {  	[tilespmem:v5+s20+$0xFFFFFC00 ss:$0x1] =	vst.idx.msk $0xffff, v6  }
0x16a: {  	v6 =	vld.idx.msk [tilespmem:v3+s20+$0xFFFFFF90 ss:$0x1], $0xffff  }
0x16b: {  	v7 =	vld.idx.msk [tilespmem:v4+s20+$0xFFFFFF90 ss:$0x1], $0xffff;
	_ =	sdelay $0x4  }
0x16c: {  	v6 =	vadd.f32 v7, v6;
	_ =	sdelay $0x1  }
0x16d: {  	[tilespmem:v5+s20+$0xFFFFFF90 ss:$0x1] =	vst.idx.msk $0xffff, v6  }
0x16e: {  	v6 =	vld.idx.msk [tilespmem:v3+s20+$0xFFFFFFA0 ss:$0x1], $0xffff  }
0x16f: {  	v7 =	vld.idx.msk [tilespmem:v4+s20+$0xFFFFFFA0 ss:$0x1], $0xffff;
	_ =	sdelay $0x4  }
0x170: {  	v6 =	vadd.f32 v7, v6;
	_ =	sdelay $0x1  }
0x171: {  	[tilespmem:v5+s20+$0xFFFFFFA0 ss:$0x1] =	vst.idx.msk $0xffff, v6  }
0x172: {  	v6 =	vld.idx.msk [tilespmem:v3+s20+$0xFFFFFFB0 ss:$0x1], $0xffff  }
0x173: {  	v7 =	vld.idx.msk [tilespmem:v4+s20+$0xFFFFFFB0 ss:$0x1], $0xffff;
	_ =	sdelay $0x4  }
0x174: {  	v6 =	vadd.f32 v7, v6;
	_ =	sdelay $0x1  }
0x175: {  	[tilespmem:v5+s20+$0xFFFFFFB0 ss:$0x1] =	vst.idx.msk $0xffff, v6  }
0x176: {  	v6 =	vld.idx.msk [tilespmem:v3+s20+$0xFFFFFFC0 ss:$0x1], $0xffff  }
0x177: {  	v7 =	vld.idx.msk [tilespmem:v4+s20+$0xFFFFFFC0 ss:$0x1], $0xffff;
	_ =	sdelay $0x4  }
0x178: {  	v6 =	vadd.f32 v7, v6;
	_ =	sdelay $0x1  }
0x179: {  	[tilespmem:v5+s20+$0xFFFFFFC0 ss:$0x1] =	vst.idx.msk $0xffff, v6  }
0x17a: {  	v6 =	vld.idx.msk [tilespmem:v3+s20+$0xFFFFFFD0 ss:$0x1], $0xffff  }
0x17b: {  	v7 =	vld.idx.msk [tilespmem:v4+s20+$0xFFFFFFD0 ss:$0x1], $0xffff;
	_ =	sdelay $0x4  }
0x17c: {  	v6 =	vadd.f32 v7, v6;
	_ =	sdelay $0x1  }
0x17d: {  	[tilespmem:v5+s20+$0xFFFFFFD0 ss:$0x1] =	vst.idx.msk $0xffff, v6  }
0x17e: {  	v6 =	vld.idx.msk [tilespmem:v3+s20+$0xFFFFFFE0 ss:$0x1], $0xffff  }
0x17f: {  	v7 =	vld.idx.msk [tilespmem:v4+s20+$0xFFFFFFE0 ss:$0x1], $0xffff;
	_ =	sdelay $0x4  }
0x180: {  	v6 =	vadd.f32 v7, v6;
	_ =	sdelay $0x1  }
0x181: {  	[tilespmem:v5+s20+$0xFFFFFFE0 ss:$0x1] =	vst.idx.msk $0xffff, v6  }
0x182: {  	v6 =	vld.idx.msk [tilespmem:v3+s20+$0xFFFFFFF0 ss:$0x1], $0xffff  }
0x183: {  	s21 =	simm.s32 $0x2000;
	v7 =	vld.idx.msk [tilespmem:v4+s20+$0xFFFFFFF0 ss:$0x1], $0xffff  }
.LBB2_7:
0x184: {  	p0 =	sne.s32 s21, $0x6000;
	s22 =	smov.u32 s21;
	s21 =	sadd.s32 $0x2000, s21  }
0x185: {  	_ =	sdelay $0x2  }
0x186: {  	v6 =	vadd.f32 v7, v6;
	_ =	sdelay $0x1  }
0x187: {  	[tilespmem:v5+s20+$0xFFFFFFF0 ss:$0x1] =	vst.idx.msk $0xffff, v6  }
0x188: {  	v6 =	vld.idx.msk [tilespmem:v3+s20+$0x0 ss:$0x1], $0xffff  }
0x189: {  	v7 =	vld.idx.msk [tilespmem:v4+s20+$0x0 ss:$0x1], $0xffff;
	_ =	sdelay $0x5  }
0x18a: {  	v6 =	vadd.f32 v7, v6;
	_ =	sdelay $0x1  }
0x18b: {  	[tilespmem:v5+s20+$0x0 ss:$0x1] =	vst.idx.msk $0xffff, v6;
	s20 =	sshra.s32 s22, $0x2  }
0x18c: {  	v6 =	vld.idx.msk [tilespmem:v3+s20+$0xFFFFFB90 ss:$0x1], $0xffff  }
0x18d: {  	v7 =	vld.idx.msk [tilespmem:v4+s20+$0xFFFFFB90 ss:$0x1], $0xffff;
	_ =	sdelay $0x5  }
0x18e: {  	v6 =	vadd.f32 v7, v6;
	_ =	sdelay $0x1  }
0x18f: {  	[tilespmem:v5+s20+$0xFFFFFB90 ss:$0x1] =	vst.idx.msk $0xffff, v6  }
0x190: {  	v6 =	vld.idx.msk [tilespmem:v3+s20+$0xFFFFFBA0 ss:$0x1], $0xffff  }
0x191: {  	v7 =	vld.idx.msk [tilespmem:v4+s20+$0xFFFFFBA0 ss:$0x1], $0xffff;
	_ =	sdelay $0x5  }
0x192: {  	v6 =	vadd.f32 v7, v6;
	_ =	sdelay $0x1  }
0x193: {  	[tilespmem:v5+s20+$0xFFFFFBA0 ss:$0x1] =	vst.idx.msk $0xffff, v6  }
0x194: {  	v6 =	vld.idx.msk [tilespmem:v3+s20+$0xFFFFFBB0 ss:$0x1], $0xffff  }
0x195: {  	v7 =	vld.idx.msk [tilespmem:v4+s20+$0xFFFFFBB0 ss:$0x1], $0xffff;
	_ =	sdelay $0x5  }
0x196: {  	v6 =	vadd.f32 v7, v6;
	_ =	sdelay $0x1  }
0x197: {  	[tilespmem:v5+s20+$0xFFFFFBB0 ss:$0x1] =	vst.idx.msk $0xffff, v6  }
0x198: {  	v6 =	vld.idx.msk [tilespmem:v3+s20+$0xFFFFFBC0 ss:$0x1], $0xffff  }
0x199: {  	v7 =	vld.idx.msk [tilespmem:v4+s20+$0xFFFFFBC0 ss:$0x1], $0xffff;
	_ =	sdelay $0x5  }
0x19a: {  	v6 =	vadd.f32 v7, v6;
	_ =	sdelay $0x1  }
0x19b: {  	[tilespmem:v5+s20+$0xFFFFFBC0 ss:$0x1] =	vst.idx.msk $0xffff, v6  }
0x19c: {  	v6 =	vld.idx.msk [tilespmem:v3+s20+$0xFFFFFBD0 ss:$0x1], $0xffff  }
0x19d: {  	v7 =	vld.idx.msk [tilespmem:v4+s20+$0xFFFFFBD0 ss:$0x1], $0xffff;
	_ =	sdelay $0x5  }
0x19e: {  	v6 =	vadd.f32 v7, v6;
	_ =	sdelay $0x1  }
0x19f: {  	[tilespmem:v5+s20+$0xFFFFFBD0 ss:$0x1] =	vst.idx.msk $0xffff, v6  }
0x1a0: {  	v6 =	vld.idx.msk [tilespmem:v3+s20+$0xFFFFFBE0 ss:$0x1], $0xffff  }
0x1a1: {  	v7 =	vld.idx.msk [tilespmem:v4+s20+$0xFFFFFBE0 ss:$0x1], $0xffff;
	_ =	sdelay $0x5  }
0x1a2: {  	v6 =	vadd.f32 v7, v6;
	_ =	sdelay $0x1  }
0x1a3: {  	[tilespmem:v5+s20+$0xFFFFFBE0 ss:$0x1] =	vst.idx.msk $0xffff, v6  }
0x1a4: {  	v6 =	vld.idx.msk [tilespmem:v3+s20+$0xFFFFFBF0 ss:$0x1], $0xffff  }
0x1a5: {  	v7 =	vld.idx.msk [tilespmem:v4+s20+$0xFFFFFBF0 ss:$0x1], $0xffff;
	_ =	sdelay $0x5  }
0x1a6: {  	v6 =	vadd.f32 v7, v6;
	_ =	sdelay $0x1  }
0x1a7: {  	[tilespmem:v5+s20+$0xFFFFFBF0 ss:$0x1] =	vst.idx.msk $0xffff, v6  }
0x1a8: {  	v6 =	vld.idx.msk [tilespmem:v3+s20+$0xFFFFFC00 ss:$0x1], $0xffff  }
0x1a9: {  	v7 =	vld.idx.msk [tilespmem:v4+s20+$0xFFFFFC00 ss:$0x1], $0xffff;
	_ =	sdelay $0x5  }
0x1aa: {  	v6 =	vadd.f32 v7, v6;
	_ =	sdelay $0x1  }
0x1ab: {  	[tilespmem:v5+s20+$0xFFFFFC00 ss:$0x1] =	vst.idx.msk $0xffff, v6  }
0x1ac: {  	v6 =	vld.idx.msk [tilespmem:v3+s20+$0xFFFFFF90 ss:$0x1], $0xffff  }
0x1ad: {  	v7 =	vld.idx.msk [tilespmem:v4+s20+$0xFFFFFF90 ss:$0x1], $0xffff;
	_ =	sdelay $0x5  }
0x1ae: {  	v6 =	vadd.f32 v7, v6;
	_ =	sdelay $0x1  }
0x1af: {  	[tilespmem:v5+s20+$0xFFFFFF90 ss:$0x1] =	vst.idx.msk $0xffff, v6  }
0x1b0: {  	v6 =	vld.idx.msk [tilespmem:v3+s20+$0xFFFFFFA0 ss:$0x1], $0xffff  }
0x1b1: {  	v7 =	vld.idx.msk [tilespmem:v4+s20+$0xFFFFFFA0 ss:$0x1], $0xffff;
	_ =	sdelay $0x5  }
0x1b2: {  	v6 =	vadd.f32 v7, v6;
	_ =	sdelay $0x1  }
0x1b3: {  	[tilespmem:v5+s20+$0xFFFFFFA0 ss:$0x1] =	vst.idx.msk $0xffff, v6  }
0x1b4: {  	v6 =	vld.idx.msk [tilespmem:v3+s20+$0xFFFFFFB0 ss:$0x1], $0xffff  }
0x1b5: {  	v7 =	vld.idx.msk [tilespmem:v4+s20+$0xFFFFFFB0 ss:$0x1], $0xffff;
	_ =	sdelay $0x5  }
0x1b6: {  	v6 =	vadd.f32 v7, v6;
	_ =	sdelay $0x1  }
0x1b7: {  	[tilespmem:v5+s20+$0xFFFFFFB0 ss:$0x1] =	vst.idx.msk $0xffff, v6  }
0x1b8: {  	v6 =	vld.idx.msk [tilespmem:v3+s20+$0xFFFFFFC0 ss:$0x1], $0xffff  }
0x1b9: {  	v7 =	vld.idx.msk [tilespmem:v4+s20+$0xFFFFFFC0 ss:$0x1], $0xffff;
	_ =	sdelay $0x5  }
0x1ba: {  	v6 =	vadd.f32 v7, v6;
	_ =	sdelay $0x1  }
0x1bb: {  	[tilespmem:v5+s20+$0xFFFFFFC0 ss:$0x1] =	vst.idx.msk $0xffff, v6  }
0x1bc: {  	v6 =	vld.idx.msk [tilespmem:v3+s20+$0xFFFFFFD0 ss:$0x1], $0xffff  }
0x1bd: {  	v7 =	vld.idx.msk [tilespmem:v4+s20+$0xFFFFFFD0 ss:$0x1], $0xffff;
	_ =	sdelay $0x5  }
0x1be: {  	v6 =	vadd.f32 v7, v6;
	_ =	sdelay $0x1  }
0x1bf: {  	[tilespmem:v5+s20+$0xFFFFFFD0 ss:$0x1] =	vst.idx.msk $0xffff, v6  }
0x1c0: {  	v6 =	vld.idx.msk [tilespmem:v3+s20+$0xFFFFFFE0 ss:$0x1], $0xffff  }
0x1c1: {  	v7 =	vld.idx.msk [tilespmem:v4+s20+$0xFFFFFFE0 ss:$0x1], $0xffff;
	_ =	sdelay $0x5  }
.Ltmp2:
0x1c2: {  	v6 =	vadd.f32 v7, v6;
	(pc) =	sbr.rel @p0 .LBB2_7-.Ltmp2, $4  }
0x1c3: {  	_ = 	snop  }
0x1c4: {  	[tilespmem:v5+s20+$0xFFFFFFE0 ss:$0x1] =	vst.idx.msk $0xffff, v6  }
0x1c5: {  	v6 =	vld.idx.msk [tilespmem:v3+s20+$0xFFFFFFF0 ss:$0x1], $0xffff  }
0x1c6: {  	v7 =	vld.idx.msk [tilespmem:v4+s20+$0xFFFFFFF0 ss:$0x1], $0xffff  }
0x1c7: {  	_ =	sdelay $0x3  }
0x1c8: {  	v6 =	vadd.f32 v7, v6;
	_ =	sdelay $0x1  }
0x1c9: {  	[tilespmem:v5+s20+$0xFFFFFFF0 ss:$0x1] =	vst.idx.msk $0xffff, v6  }
0x1ca: {  	v3 =	vld.idx.msk [tilespmem:v3+s20+$0x0 ss:$0x1], $0xffff  }
0x1cb: {  	v4 =	vld.idx.msk [tilespmem:v4+s20+$0x0 ss:$0x1], $0xffff  }
0x1cc: {  	s19 =	sadd.s32 $0x1, s19  }
0x1cd: {  	p0 =	sne.s32 s19, $0x10  }
.Ltmp3:
0x1ce: {  	_ = 	snop;
	(pc) =	sbr.rel @p0 .LBB2_6-.Ltmp3, $3  }
0x1cf: {  	_ = 	snop  }
0x1d0: {  	v3 =	vadd.f32 v4, v3;
	_ =	sdelay $0x1  }
0x1d1: {  	s13 =	sadd.s32 $0x400, s13;
	s18 =	sadd.s32 $0x1, s18;
	[tilespmem:v5+s20+$0x0 ss:$0x1] =	vst.idx.msk $0xffff, v3  }
0x1d2: {  	s18 =	simm.s32 $0x0;
	s13 =	rddreg [dreg:$0x5]  }
0x1d3: {  	[hbm4b:s13+s18] =	stream.linear.scatter [tilespmem:s16], [sflag:$0x6], $0x4000, $0x38;
	[tilespmem:$0x18100] =	vst v63  }
0x1d4: {  	_ =	swait.ge [sflag:s1], $0x4000  }
0x1d5: {  	[sflag:s1] =	ssyncset.done $0x0  }
0x1d6: {  	[sflag:s1] =	ssyncadd.s32 $0xFFFFC000  }
0x1d7: {  	_ =	swait.ge [sflag:s15], $0x4000  }
0x1d8: {  	[sflag:s15] =	ssyncset.done $0x0  }
0x1d9: {  	[sflag:s15] =	ssyncadd.s32 $0xFFFFC000  }
0x1da: {  	_ =	swait.ge [sflag:s11], $0x4000  }
0x1db: {  	[sflag:s11] =	ssyncset.done $0x0  }
0x1dc: {  	[sflag:s11] =	ssyncadd.s32 $0xFFFFC000  }
0x1dd: {  	v3 =	vld [tilespmem:$0x30];
	_ =	sdelay $0x4  }
0x1de: {  	v4 =	vshll.u32 v3, $0x3  }
0x1df: {  	v3 =	vand.u32 $0x7, v3;
	v4 =	vand.u32 $0xFFFFFFC0, v4  }
0x1e0: {  	v3 =	vor.u32 v3, v4  }
0x1e1: {  	v4 =	vperm.xlane v3, v0;
	_ =	sdelay $0x1  }
0x1e2: {  	v4 =	vadd.s32 v1, v4;
	_ =	sdelay $0x3  }
0x1e3: {  	s20 =	simm.s32 $0x8100  }
0x1e4: {  	[tilespmem:s20], [sflag:$0x3] =	stream.indirect_vreg.gather [hbm4b:s3+s18], $0x80, v4, vm0, $0xb8;
	[tilespmem:$0x18100] =	vst v63  }
0x1e5: {  	s21 =	simm.s32 $0x8900;
	v3 =	vperm.xlane v3, v2  }
0x1e6: {  	[tilespmem:s21], [sflag:$0x3] =	stream.indirect_vreg.gather [hbm4b:s6+s18], $0x80, v4, vm0, $0xb8;
	[tilespmem:$0x18100] =	vst v63  }
0x1e7: {  	s22 =	simm.s32 $0x9100;
	v3 =	vadd.s32 v1, v3  }
0x1e8: {  	[tilespmem:s22], [sflag:$0x3] =	stream.indirect_vreg.gather [hbm4b:s7+s18], $0x80, v4, vm0, $0xb8;
	[tilespmem:$0x18100] =	vst v63  }
0x1e9: {  	s19 =	simm.s32 $0x9900  }
0x1ea: {  	[tilespmem:s19], [sflag:$0x3] =	stream.indirect_vreg.gather [hbm4b:s9+s18], $0x80, v4, vm0, $0xb8;
	[tilespmem:$0x18100] =	vst v63  }
0x1eb: {  	s20 =	simm.s32 $0xA100  }
0x1ec: {  	[tilespmem:s20], [sflag:$0x3] =	stream.indirect_vreg.gather [hbm4b:s3+s18], $0x80, v3, vm0, $0xb8;
	[tilespmem:$0x18100] =	vst v63  }
0x1ed: {  	s21 =	simm.s32 $0xA900  }
0x1ee: {  	[tilespmem:s21], [sflag:$0x3] =	stream.indirect_vreg.gather [hbm4b:s6+s18], $0x80, v3, vm0, $0xb8;
	[tilespmem:$0x18100] =	vst v63  }
0x1ef: {  	s22 =	simm.s32 $0xB100  }
0x1f0: {  	[tilespmem:s22], [sflag:$0x3] =	stream.indirect_vreg.gather [hbm4b:s7+s18], $0x80, v3, vm0, $0xb8;
	[tilespmem:$0x18100] =	vst v63  }
0x1f1: {  	_ = 	snop  }
0x1f2: {  	[tilespmem:s23], [sflag:$0x3] =	stream.indirect_vreg.gather [hbm4b:s9+s18], $0x80, v3, vm0, $0xb8;
	[tilespmem:$0x18100] =	vst v63  }
0x1f3: {  	v3 =	vld [tilespmem:$0xB0];
	_ =	sdelay $0x4  }
0x1f4: {  	v63 =	vshll.u32 v3, $0x3  }
0x1f5: {  	v3 =	vand.u32 $0x7, v3;
	v4 =	vand.u32 $0xFFFFFFC0, v63  }
0x1f6: {  	v3 =	vor.u32 v3, v4  }
0x1f7: {  	v4 =	vperm.xlane v3, v0;
	_ =	sdelay $0x1  }
0x1f8: {  	v4 =	vadd.s32 v1, v4;
	_ =	sdelay $0x4  }
0x1f9: {  	[tilespmem:s24], [sflag:$0x4] =	stream.indirect_vreg.gather [hbm4b:s3+s18], $0x80, v4, vm0, $0xb8;
	[tilespmem:$0x18100] =	vst v63  }
0x1fa: {  	v3 =	vperm.xlane v3, v2  }
0x1fb: {  	[tilespmem:s25], [sflag:$0x4] =	stream.indirect_vreg.gather [hbm4b:s6+s18], $0x80, v4, vm0, $0xb8;
	[tilespmem:$0x18100] =	vst v63  }
0x1fc: {  	v3 =	vadd.s32 v1, v3  }
0x1fd: {  	[tilespmem:s26], [sflag:$0x4] =	stream.indirect_vreg.gather [hbm4b:s7+s18], $0x80, v4, vm0, $0xb8;
	[tilespmem:$0x18100] =	vst v63  }
0x1fe: {  	_ = 	snop  }
0x1ff: {  	[tilespmem:s4], [sflag:$0x4] =	stream.indirect_vreg.gather [hbm4b:s9+s18], $0x80, v4, vm0, $0xb8;
	[tilespmem:$0x18100] =	vst v63  }
0x200: {  	_ = 	snop  }
0x201: {  	[tilespmem:s28], [sflag:$0x4] =	stream.indirect_vreg.gather [hbm4b:s3+s18], $0x80, v3, vm0, $0xb8;
	[tilespmem:$0x18100] =	vst v63  }
0x202: {  	_ = 	snop  }
0x203: {  	[tilespmem:s5], [sflag:$0x4] =	stream.indirect_vreg.gather [hbm4b:s6+s18], $0x80, v3, vm0, $0xb8;
	[tilespmem:$0x18100] =	vst v63  }
0x204: {  	_ = 	snop  }
0x205: {  	[tilespmem:s29], [sflag:$0x4] =	stream.indirect_vreg.gather [hbm4b:s7+s18], $0x80, v3, vm0, $0xb8;
	[tilespmem:$0x18100] =	vst v63  }
0x206: {  	s13 =	simm.s32 $0x0;
	s19 =	simm.s32 $0x0  }
0x207: {  	[tilespmem:s30], [sflag:$0x4] =	stream.indirect_vreg.gather [hbm4b:s9+s18], $0x80, v3, vm0, $0xb8;
	[tilespmem:$0x18100] =	vst v63  }
.LBB2_10:
0x208: {  	s20 =	sshll.u32 s13, $0x2;
	s21 =	sand.u32 $0x7, s18  }
0x209: {  	s20 =	sand.u32 $0xFFFF8000, s20;
	s21 =	sshll.u32 s21, $0x9  }
0x20a: {  	s20 =	sor.u32 s21, s20  }
0x20b: {  	s21 =	sshrl.u32 s20, $0x2  }
0x20c: {  	s20 =	sadd.s32 $0x570, s21  }
0x20d: {  	s22 =	sadd.s32 $0x4570, s21;
	v3 =	vmov s20  }
0x20e: {  	v4 =	vmov s22;
	_ =	sdelay $0x2  }
0x20f: {  	s20 =	simm.s32 $0x0  }
0x210: {  	v6 =	vld.idx.msk [tilespmem:v3+s20+$0xFFFFFB90 ss:$0x1], $0xffff  }
0x211: {  	v7 =	vld.idx.msk [tilespmem:v4+s20+$0xFFFFFB90 ss:$0x1], $0xffff  }
0x212: {  	s21 =	sadd.s32 $0x10570, s21  }
0x213: {  	v5 =	vmov s21;
	_ =	sdelay $0x2  }
0x214: {  	v6 =	vadd.f32 v7, v6;
	_ =	sdelay $0x1  }
0x215: {  	[tilespmem:v5+s20+$0xFFFFFB90 ss:$0x1] =	vst.idx.msk $0xffff, v6  }
0x216: {  	v6 =	vld.idx.msk [tilespmem:v3+s20+$0xFFFFFBA0 ss:$0x1], $0xffff  }
0x217: {  	v7 =	vld.idx.msk [tilespmem:v4+s20+$0xFFFFFBA0 ss:$0x1], $0xffff;
	_ =	sdelay $0x4  }
0x218: {  	v6 =	vadd.f32 v7, v6;
	_ =	sdelay $0x1  }
0x219: {  	[tilespmem:v5+s20+$0xFFFFFBA0 ss:$0x1] =	vst.idx.msk $0xffff, v6  }
0x21a: {  	v6 =	vld.idx.msk [tilespmem:v3+s20+$0xFFFFFBB0 ss:$0x1], $0xffff  }
0x21b: {  	v7 =	vld.idx.msk [tilespmem:v4+s20+$0xFFFFFBB0 ss:$0x1], $0xffff;
	_ =	sdelay $0x4  }
0x21c: {  	v6 =	vadd.f32 v7, v6;
	_ =	sdelay $0x1  }
0x21d: {  	[tilespmem:v5+s20+$0xFFFFFBB0 ss:$0x1] =	vst.idx.msk $0xffff, v6  }
0x21e: {  	v6 =	vld.idx.msk [tilespmem:v3+s20+$0xFFFFFBC0 ss:$0x1], $0xffff  }
0x21f: {  	v7 =	vld.idx.msk [tilespmem:v4+s20+$0xFFFFFBC0 ss:$0x1], $0xffff;
	_ =	sdelay $0x4  }
0x220: {  	v6 =	vadd.f32 v7, v6;
	_ =	sdelay $0x1  }
0x221: {  	[tilespmem:v5+s20+$0xFFFFFBC0 ss:$0x1] =	vst.idx.msk $0xffff, v6  }
0x222: {  	v6 =	vld.idx.msk [tilespmem:v3+s20+$0xFFFFFBD0 ss:$0x1], $0xffff  }
0x223: {  	v7 =	vld.idx.msk [tilespmem:v4+s20+$0xFFFFFBD0 ss:$0x1], $0xffff;
	_ =	sdelay $0x4  }
0x224: {  	v6 =	vadd.f32 v7, v6;
	_ =	sdelay $0x1  }
0x225: {  	[tilespmem:v5+s20+$0xFFFFFBD0 ss:$0x1] =	vst.idx.msk $0xffff, v6  }
0x226: {  	v6 =	vld.idx.msk [tilespmem:v3+s20+$0xFFFFFBE0 ss:$0x1], $0xffff  }
0x227: {  	v7 =	vld.idx.msk [tilespmem:v4+s20+$0xFFFFFBE0 ss:$0x1], $0xffff;
	_ =	sdelay $0x4  }
0x228: {  	v6 =	vadd.f32 v7, v6;
	_ =	sdelay $0x1  }
0x229: {  	[tilespmem:v5+s20+$0xFFFFFBE0 ss:$0x1] =	vst.idx.msk $0xffff, v6  }
0x22a: {  	v6 =	vld.idx.msk [tilespmem:v3+s20+$0xFFFFFBF0 ss:$0x1], $0xffff  }
0x22b: {  	v7 =	vld.idx.msk [tilespmem:v4+s20+$0xFFFFFBF0 ss:$0x1], $0xffff;
	_ =	sdelay $0x4  }
0x22c: {  	v6 =	vadd.f32 v7, v6;
	_ =	sdelay $0x1  }
0x22d: {  	[tilespmem:v5+s20+$0xFFFFFBF0 ss:$0x1] =	vst.idx.msk $0xffff, v6  }
0x22e: {  	v6 =	vld.idx.msk [tilespmem:v3+s20+$0xFFFFFC00 ss:$0x1], $0xffff  }
0x22f: {  	v7 =	vld.idx.msk [tilespmem:v4+s20+$0xFFFFFC00 ss:$0x1], $0xffff;
	_ =	sdelay $0x4  }
0x230: {  	v6 =	vadd.f32 v7, v6;
	_ =	sdelay $0x1  }
0x231: {  	[tilespmem:v5+s20+$0xFFFFFC00 ss:$0x1] =	vst.idx.msk $0xffff, v6  }
0x232: {  	v6 =	vld.idx.msk [tilespmem:v3+s20+$0xFFFFFF90 ss:$0x1], $0xffff  }
0x233: {  	v7 =	vld.idx.msk [tilespmem:v4+s20+$0xFFFFFF90 ss:$0x1], $0xffff;
	_ =	sdelay $0x4  }
0x234: {  	v6 =	vadd.f32 v7, v6;
	_ =	sdelay $0x1  }
0x235: {  	[tilespmem:v5+s20+$0xFFFFFF90 ss:$0x1] =	vst.idx.msk $0xffff, v6  }
0x236: {  	v6 =	vld.idx.msk [tilespmem:v3+s20+$0xFFFFFFA0 ss:$0x1], $0xffff  }
0x237: {  	v7 =	vld.idx.msk [tilespmem:v4+s20+$0xFFFFFFA0 ss:$0x1], $0xffff;
	_ =	sdelay $0x4  }
0x238: {  	v6 =	vadd.f32 v7, v6;
	_ =	sdelay $0x1  }
0x239: {  	[tilespmem:v5+s20+$0xFFFFFFA0 ss:$0x1] =	vst.idx.msk $0xffff, v6  }
0x23a: {  	v6 =	vld.idx.msk [tilespmem:v3+s20+$0xFFFFFFB0 ss:$0x1], $0xffff  }
0x23b: {  	v7 =	vld.idx.msk [tilespmem:v4+s20+$0xFFFFFFB0 ss:$0x1], $0xffff;
	_ =	sdelay $0x4  }
0x23c: {  	v6 =	vadd.f32 v7, v6;
	_ =	sdelay $0x1  }
0x23d: {  	[tilespmem:v5+s20+$0xFFFFFFB0 ss:$0x1] =	vst.idx.msk $0xffff, v6  }
0x23e: {  	v6 =	vld.idx.msk [tilespmem:v3+s20+$0xFFFFFFC0 ss:$0x1], $0xffff  }
0x23f: {  	v7 =	vld.idx.msk [tilespmem:v4+s20+$0xFFFFFFC0 ss:$0x1], $0xffff;
	_ =	sdelay $0x4  }
0x240: {  	v6 =	vadd.f32 v7, v6;
	_ =	sdelay $0x1  }
0x241: {  	[tilespmem:v5+s20+$0xFFFFFFC0 ss:$0x1] =	vst.idx.msk $0xffff, v6  }
0x242: {  	v6 =	vld.idx.msk [tilespmem:v3+s20+$0xFFFFFFD0 ss:$0x1], $0xffff  }
0x243: {  	v7 =	vld.idx.msk [tilespmem:v4+s20+$0xFFFFFFD0 ss:$0x1], $0xffff;
	_ =	sdelay $0x4  }
0x244: {  	v6 =	vadd.f32 v7, v6;
	_ =	sdelay $0x1  }
0x245: {  	[tilespmem:v5+s20+$0xFFFFFFD0 ss:$0x1] =	vst.idx.msk $0xffff, v6  }
0x246: {  	v6 =	vld.idx.msk [tilespmem:v3+s20+$0xFFFFFFE0 ss:$0x1], $0xffff  }
0x247: {  	v7 =	vld.idx.msk [tilespmem:v4+s20+$0xFFFFFFE0 ss:$0x1], $0xffff;
	_ =	sdelay $0x4  }
0x248: {  	v6 =	vadd.f32 v7, v6;
	_ =	sdelay $0x1  }
0x249: {  	[tilespmem:v5+s20+$0xFFFFFFE0 ss:$0x1] =	vst.idx.msk $0xffff, v6  }
0x24a: {  	v6 =	vld.idx.msk [tilespmem:v3+s20+$0xFFFFFFF0 ss:$0x1], $0xffff  }
0x24b: {  	s21 =	simm.s32 $0x2000;
	v7 =	vld.idx.msk [tilespmem:v4+s20+$0xFFFFFFF0 ss:$0x1], $0xffff  }
.LBB2_11:
0x24c: {  	p0 =	sne.s32 s21, $0x6000;
	s22 =	smov.u32 s21;
	s21 =	sadd.s32 $0x2000, s21  }
0x24d: {  	_ =	sdelay $0x2  }
0x24e: {  	v6 =	vadd.f32 v7, v6;
	_ =	sdelay $0x1  }
0x24f: {  	[tilespmem:v5+s20+$0xFFFFFFF0 ss:$0x1] =	vst.idx.msk $0xffff, v6  }
0x250: {  	v6 =	vld.idx.msk [tilespmem:v3+s20+$0x0 ss:$0x1], $0xffff  }
0x251: {  	v7 =	vld.idx.msk [tilespmem:v4+s20+$0x0 ss:$0x1], $0xffff;
	_ =	sdelay $0x5  }
0x252: {  	v6 =	vadd.f32 v7, v6;
	_ =	sdelay $0x1  }
0x253: {  	[tilespmem:v5+s20+$0x0 ss:$0x1] =	vst.idx.msk $0xffff, v6;
	s20 =	sshra.s32 s22, $0x2  }
0x254: {  	v6 =	vld.idx.msk [tilespmem:v3+s20+$0xFFFFFB90 ss:$0x1], $0xffff  }
0x255: {  	v7 =	vld.idx.msk [tilespmem:v4+s20+$0xFFFFFB90 ss:$0x1], $0xffff;
	_ =	sdelay $0x5  }
0x256: {  	v6 =	vadd.f32 v7, v6;
	_ =	sdelay $0x1  }
0x257: {  	[tilespmem:v5+s20+$0xFFFFFB90 ss:$0x1] =	vst.idx.msk $0xffff, v6  }
0x258: {  	v6 =	vld.idx.msk [tilespmem:v3+s20+$0xFFFFFBA0 ss:$0x1], $0xffff  }
0x259: {  	v7 =	vld.idx.msk [tilespmem:v4+s20+$0xFFFFFBA0 ss:$0x1], $0xffff;
	_ =	sdelay $0x5  }
0x25a: {  	v6 =	vadd.f32 v7, v6;
	_ =	sdelay $0x1  }
0x25b: {  	[tilespmem:v5+s20+$0xFFFFFBA0 ss:$0x1] =	vst.idx.msk $0xffff, v6  }
0x25c: {  	v6 =	vld.idx.msk [tilespmem:v3+s20+$0xFFFFFBB0 ss:$0x1], $0xffff  }
0x25d: {  	v7 =	vld.idx.msk [tilespmem:v4+s20+$0xFFFFFBB0 ss:$0x1], $0xffff;
	_ =	sdelay $0x5  }
0x25e: {  	v6 =	vadd.f32 v7, v6;
	_ =	sdelay $0x1  }
0x25f: {  	[tilespmem:v5+s20+$0xFFFFFBB0 ss:$0x1] =	vst.idx.msk $0xffff, v6  }
0x260: {  	v6 =	vld.idx.msk [tilespmem:v3+s20+$0xFFFFFBC0 ss:$0x1], $0xffff  }
0x261: {  	v7 =	vld.idx.msk [tilespmem:v4+s20+$0xFFFFFBC0 ss:$0x1], $0xffff;
	_ =	sdelay $0x5  }
0x262: {  	v6 =	vadd.f32 v7, v6;
	_ =	sdelay $0x1  }
0x263: {  	[tilespmem:v5+s20+$0xFFFFFBC0 ss:$0x1] =	vst.idx.msk $0xffff, v6  }
0x264: {  	v6 =	vld.idx.msk [tilespmem:v3+s20+$0xFFFFFBD0 ss:$0x1], $0xffff  }
0x265: {  	v7 =	vld.idx.msk [tilespmem:v4+s20+$0xFFFFFBD0 ss:$0x1], $0xffff;
	_ =	sdelay $0x5  }
0x266: {  	v6 =	vadd.f32 v7, v6;
	_ =	sdelay $0x1  }
0x267: {  	[tilespmem:v5+s20+$0xFFFFFBD0 ss:$0x1] =	vst.idx.msk $0xffff, v6  }
0x268: {  	v6 =	vld.idx.msk [tilespmem:v3+s20+$0xFFFFFBE0 ss:$0x1], $0xffff  }
0x269: {  	v7 =	vld.idx.msk [tilespmem:v4+s20+$0xFFFFFBE0 ss:$0x1], $0xffff;
	_ =	sdelay $0x5  }
0x26a: {  	v6 =	vadd.f32 v7, v6;
	_ =	sdelay $0x1  }
0x26b: {  	[tilespmem:v5+s20+$0xFFFFFBE0 ss:$0x1] =	vst.idx.msk $0xffff, v6  }
0x26c: {  	v6 =	vld.idx.msk [tilespmem:v3+s20+$0xFFFFFBF0 ss:$0x1], $0xffff  }
0x26d: {  	v7 =	vld.idx.msk [tilespmem:v4+s20+$0xFFFFFBF0 ss:$0x1], $0xffff;
	_ =	sdelay $0x5  }
0x26e: {  	v6 =	vadd.f32 v7, v6;
	_ =	sdelay $0x1  }
0x26f: {  	[tilespmem:v5+s20+$0xFFFFFBF0 ss:$0x1] =	vst.idx.msk $0xffff, v6  }
0x270: {  	v6 =	vld.idx.msk [tilespmem:v3+s20+$0xFFFFFC00 ss:$0x1], $0xffff  }
0x271: {  	v7 =	vld.idx.msk [tilespmem:v4+s20+$0xFFFFFC00 ss:$0x1], $0xffff;
	_ =	sdelay $0x5  }
0x272: {  	v6 =	vadd.f32 v7, v6;
	_ =	sdelay $0x1  }
0x273: {  	[tilespmem:v5+s20+$0xFFFFFC00 ss:$0x1] =	vst.idx.msk $0xffff, v6  }
0x274: {  	v6 =	vld.idx.msk [tilespmem:v3+s20+$0xFFFFFF90 ss:$0x1], $0xffff  }
0x275: {  	v7 =	vld.idx.msk [tilespmem:v4+s20+$0xFFFFFF90 ss:$0x1], $0xffff;
	_ =	sdelay $0x5  }
0x276: {  	v6 =	vadd.f32 v7, v6;
	_ =	sdelay $0x1  }
0x277: {  	[tilespmem:v5+s20+$0xFFFFFF90 ss:$0x1] =	vst.idx.msk $0xffff, v6  }
0x278: {  	v6 =	vld.idx.msk [tilespmem:v3+s20+$0xFFFFFFA0 ss:$0x1], $0xffff  }
0x279: {  	v7 =	vld.idx.msk [tilespmem:v4+s20+$0xFFFFFFA0 ss:$0x1], $0xffff;
	_ =	sdelay $0x5  }
0x27a: {  	v6 =	vadd.f32 v7, v6;
	_ =	sdelay $0x1  }
0x27b: {  	[tilespmem:v5+s20+$0xFFFFFFA0 ss:$0x1] =	vst.idx.msk $0xffff, v6  }
0x27c: {  	v6 =	vld.idx.msk [tilespmem:v3+s20+$0xFFFFFFB0 ss:$0x1], $0xffff  }
0x27d: {  	v7 =	vld.idx.msk [tilespmem:v4+s20+$0xFFFFFFB0 ss:$0x1], $0xffff;
	_ =	sdelay $0x5  }
0x27e: {  	v6 =	vadd.f32 v7, v6;
	_ =	sdelay $0x1  }
0x27f: {  	[tilespmem:v5+s20+$0xFFFFFFB0 ss:$0x1] =	vst.idx.msk $0xffff, v6  }
0x280: {  	v6 =	vld.idx.msk [tilespmem:v3+s20+$0xFFFFFFC0 ss:$0x1], $0xffff  }
0x281: {  	v7 =	vld.idx.msk [tilespmem:v4+s20+$0xFFFFFFC0 ss:$0x1], $0xffff;
	_ =	sdelay $0x5  }
0x282: {  	v6 =	vadd.f32 v7, v6;
	_ =	sdelay $0x1  }
0x283: {  	[tilespmem:v5+s20+$0xFFFFFFC0 ss:$0x1] =	vst.idx.msk $0xffff, v6  }
0x284: {  	v6 =	vld.idx.msk [tilespmem:v3+s20+$0xFFFFFFD0 ss:$0x1], $0xffff  }
0x285: {  	v7 =	vld.idx.msk [tilespmem:v4+s20+$0xFFFFFFD0 ss:$0x1], $0xffff;
	_ =	sdelay $0x5  }
0x286: {  	v6 =	vadd.f32 v7, v6;
	_ =	sdelay $0x1  }
0x287: {  	[tilespmem:v5+s20+$0xFFFFFFD0 ss:$0x1] =	vst.idx.msk $0xffff, v6  }
0x288: {  	v6 =	vld.idx.msk [tilespmem:v3+s20+$0xFFFFFFE0 ss:$0x1], $0xffff  }
0x289: {  	v7 =	vld.idx.msk [tilespmem:v4+s20+$0xFFFFFFE0 ss:$0x1], $0xffff;
	_ =	sdelay $0x5  }
.Ltmp4:
0x28a: {  	v6 =	vadd.f32 v7, v6;
	(pc) =	sbr.rel @p0 .LBB2_11-.Ltmp4, $4  }
0x28b: {  	_ = 	snop  }
0x28c: {  	[tilespmem:v5+s20+$0xFFFFFFE0 ss:$0x1] =	vst.idx.msk $0xffff, v6  }
0x28d: {  	v6 =	vld.idx.msk [tilespmem:v3+s20+$0xFFFFFFF0 ss:$0x1], $0xffff  }
0x28e: {  	v7 =	vld.idx.msk [tilespmem:v4+s20+$0xFFFFFFF0 ss:$0x1], $0xffff  }
0x28f: {  	_ =	sdelay $0x3  }
0x290: {  	v6 =	vadd.f32 v7, v6;
	_ =	sdelay $0x1  }
0x291: {  	[tilespmem:v5+s20+$0xFFFFFFF0 ss:$0x1] =	vst.idx.msk $0xffff, v6  }
0x292: {  	v3 =	vld.idx.msk [tilespmem:v3+s20+$0x0 ss:$0x1], $0xffff  }
0x293: {  	v4 =	vld.idx.msk [tilespmem:v4+s20+$0x0 ss:$0x1], $0xffff  }
0x294: {  	s19 =	sadd.s32 $0x1, s19  }
0x295: {  	p0 =	sne.s32 s19, $0x10  }
.Ltmp5:
0x296: {  	_ = 	snop;
	(pc) =	sbr.rel @p0 .LBB2_10-.Ltmp5, $3  }
0x297: {  	_ = 	snop  }
0x298: {  	v3 =	vadd.f32 v4, v3;
	_ =	sdelay $0x1  }
0x299: {  	s13 =	sadd.s32 $0x400, s13;
	s18 =	sadd.s32 $0x1, s18;
	[tilespmem:v5+s20+$0x0 ss:$0x1] =	vst.idx.msk $0xffff, v3  }
0x29a: {  	s18 =	simm.s32 $0x0;
	s13 =	rddreg [dreg:$0x6]  }
0x29b: {  	[hbm4b:s13+s18] =	stream.linear.scatter [tilespmem:s31], [sflag:$0x5], $0x4000, $0x38;
	[tilespmem:$0x18100] =	vst v63  }
0x29c: {  	_ =	swait.ge [sflag:s0], $0x4000  }
0x29d: {  	[sflag:s0] =	ssyncset.done $0x0  }
0x29e: {  	[sflag:s0] =	ssyncadd.s32 $0xFFFFC000  }
0x29f: {  	_ =	swait.ge [sflag:s10], $0x4000  }
0x2a0: {  	[sflag:s10] =	ssyncset.done $0x0  }
0x2a1: {  	[sflag:s10] =	ssyncadd.s32 $0xFFFFC000  }
0x2a2: {  	_ =	swait.ge [sflag:s17], $0x4000  }
0x2a3: {  	[sflag:s17] =	ssyncset.done $0x0  }
0x2a4: {  	s19 =	simm.s32 $0x0;
	s13 =	simm.s32 $0x0;
	[sflag:s17] =	ssyncadd.s32 $0xFFFFC000  }
.LBB2_14:
0x2a5: {  	s20 =	sshll.u32 s13, $0x2;
	s21 =	sand.u32 $0x7, s18  }
0x2a6: {  	s20 =	sand.u32 $0xFFFF8000, s20;
	s21 =	sshll.u32 s21, $0x9  }
0x2a7: {  	s20 =	sor.u32 s21, s20  }
0x2a8: {  	s21 =	sshrl.u32 s20, $0x2  }
0x2a9: {  	s20 =	sadd.s32 $0x8570, s21  }
0x2aa: {  	s22 =	sadd.s32 $0xC570, s21;
	v3 =	vmov s20  }
0x2ab: {  	v4 =	vmov s22;
	_ =	sdelay $0x2  }
0x2ac: {  	s20 =	simm.s32 $0x0  }
0x2ad: {  	v6 =	vld.idx.msk [tilespmem:v3+s20+$0xFFFFFB90 ss:$0x1], $0xffff  }
0x2ae: {  	v7 =	vld.idx.msk [tilespmem:v4+s20+$0xFFFFFB90 ss:$0x1], $0xffff  }
0x2af: {  	s21 =	sadd.s32 $0x14570, s21  }
0x2b0: {  	v5 =	vmov s21;
	_ =	sdelay $0x2  }
0x2b1: {  	v6 =	vadd.f32 v7, v6;
	_ =	sdelay $0x1  }
0x2b2: {  	[tilespmem:v5+s20+$0xFFFFFB90 ss:$0x1] =	vst.idx.msk $0xffff, v6  }
0x2b3: {  	v6 =	vld.idx.msk [tilespmem:v3+s20+$0xFFFFFBA0 ss:$0x1], $0xffff  }
0x2b4: {  	v7 =	vld.idx.msk [tilespmem:v4+s20+$0xFFFFFBA0 ss:$0x1], $0xffff;
	_ =	sdelay $0x4  }
0x2b5: {  	v6 =	vadd.f32 v7, v6;
	_ =	sdelay $0x1  }
0x2b6: {  	[tilespmem:v5+s20+$0xFFFFFBA0 ss:$0x1] =	vst.idx.msk $0xffff, v6  }
0x2b7: {  	v6 =	vld.idx.msk [tilespmem:v3+s20+$0xFFFFFBB0 ss:$0x1], $0xffff  }
0x2b8: {  	v7 =	vld.idx.msk [tilespmem:v4+s20+$0xFFFFFBB0 ss:$0x1], $0xffff;
	_ =	sdelay $0x4  }
0x2b9: {  	v6 =	vadd.f32 v7, v6;
	_ =	sdelay $0x1  }
0x2ba: {  	[tilespmem:v5+s20+$0xFFFFFBB0 ss:$0x1] =	vst.idx.msk $0xffff, v6  }
0x2bb: {  	v6 =	vld.idx.msk [tilespmem:v3+s20+$0xFFFFFBC0 ss:$0x1], $0xffff  }
0x2bc: {  	v7 =	vld.idx.msk [tilespmem:v4+s20+$0xFFFFFBC0 ss:$0x1], $0xffff;
	_ =	sdelay $0x4  }
0x2bd: {  	v6 =	vadd.f32 v7, v6;
	_ =	sdelay $0x1  }
0x2be: {  	[tilespmem:v5+s20+$0xFFFFFBC0 ss:$0x1] =	vst.idx.msk $0xffff, v6  }
0x2bf: {  	v6 =	vld.idx.msk [tilespmem:v3+s20+$0xFFFFFBD0 ss:$0x1], $0xffff  }
0x2c0: {  	v7 =	vld.idx.msk [tilespmem:v4+s20+$0xFFFFFBD0 ss:$0x1], $0xffff;
	_ =	sdelay $0x4  }
0x2c1: {  	v6 =	vadd.f32 v7, v6;
	_ =	sdelay $0x1  }
0x2c2: {  	[tilespmem:v5+s20+$0xFFFFFBD0 ss:$0x1] =	vst.idx.msk $0xffff, v6  }
0x2c3: {  	v6 =	vld.idx.msk [tilespmem:v3+s20+$0xFFFFFBE0 ss:$0x1], $0xffff  }
0x2c4: {  	v7 =	vld.idx.msk [tilespmem:v4+s20+$0xFFFFFBE0 ss:$0x1], $0xffff;
	_ =	sdelay $0x4  }
0x2c5: {  	v6 =	vadd.f32 v7, v6;
	_ =	sdelay $0x1  }
0x2c6: {  	[tilespmem:v5+s20+$0xFFFFFBE0 ss:$0x1] =	vst.idx.msk $0xffff, v6  }
0x2c7: {  	v6 =	vld.idx.msk [tilespmem:v3+s20+$0xFFFFFBF0 ss:$0x1], $0xffff  }
0x2c8: {  	v7 =	vld.idx.msk [tilespmem:v4+s20+$0xFFFFFBF0 ss:$0x1], $0xffff;
	_ =	sdelay $0x4  }
0x2c9: {  	v6 =	vadd.f32 v7, v6;
	_ =	sdelay $0x1  }
0x2ca: {  	[tilespmem:v5+s20+$0xFFFFFBF0 ss:$0x1] =	vst.idx.msk $0xffff, v6  }
0x2cb: {  	v6 =	vld.idx.msk [tilespmem:v3+s20+$0xFFFFFC00 ss:$0x1], $0xffff  }
0x2cc: {  	v7 =	vld.idx.msk [tilespmem:v4+s20+$0xFFFFFC00 ss:$0x1], $0xffff;
	_ =	sdelay $0x4  }
0x2cd: {  	v6 =	vadd.f32 v7, v6;
	_ =	sdelay $0x1  }
0x2ce: {  	[tilespmem:v5+s20+$0xFFFFFC00 ss:$0x1] =	vst.idx.msk $0xffff, v6  }
0x2cf: {  	v6 =	vld.idx.msk [tilespmem:v3+s20+$0xFFFFFF90 ss:$0x1], $0xffff  }
0x2d0: {  	v7 =	vld.idx.msk [tilespmem:v4+s20+$0xFFFFFF90 ss:$0x1], $0xffff;
	_ =	sdelay $0x4  }
0x2d1: {  	v6 =	vadd.f32 v7, v6;
	_ =	sdelay $0x1  }
0x2d2: {  	[tilespmem:v5+s20+$0xFFFFFF90 ss:$0x1] =	vst.idx.msk $0xffff, v6  }
0x2d3: {  	v6 =	vld.idx.msk [tilespmem:v3+s20+$0xFFFFFFA0 ss:$0x1], $0xffff  }
0x2d4: {  	v7 =	vld.idx.msk [tilespmem:v4+s20+$0xFFFFFFA0 ss:$0x1], $0xffff;
	_ =	sdelay $0x4  }
0x2d5: {  	v6 =	vadd.f32 v7, v6;
	_ =	sdelay $0x1  }
0x2d6: {  	[tilespmem:v5+s20+$0xFFFFFFA0 ss:$0x1] =	vst.idx.msk $0xffff, v6  }
0x2d7: {  	v6 =	vld.idx.msk [tilespmem:v3+s20+$0xFFFFFFB0 ss:$0x1], $0xffff  }
0x2d8: {  	v7 =	vld.idx.msk [tilespmem:v4+s20+$0xFFFFFFB0 ss:$0x1], $0xffff;
	_ =	sdelay $0x4  }
0x2d9: {  	v6 =	vadd.f32 v7, v6;
	_ =	sdelay $0x1  }
0x2da: {  	[tilespmem:v5+s20+$0xFFFFFFB0 ss:$0x1] =	vst.idx.msk $0xffff, v6  }
0x2db: {  	v6 =	vld.idx.msk [tilespmem:v3+s20+$0xFFFFFFC0 ss:$0x1], $0xffff  }
0x2dc: {  	v7 =	vld.idx.msk [tilespmem:v4+s20+$0xFFFFFFC0 ss:$0x1], $0xffff;
	_ =	sdelay $0x4  }
0x2dd: {  	v6 =	vadd.f32 v7, v6;
	_ =	sdelay $0x1  }
0x2de: {  	[tilespmem:v5+s20+$0xFFFFFFC0 ss:$0x1] =	vst.idx.msk $0xffff, v6  }
0x2df: {  	v6 =	vld.idx.msk [tilespmem:v3+s20+$0xFFFFFFD0 ss:$0x1], $0xffff  }
0x2e0: {  	v7 =	vld.idx.msk [tilespmem:v4+s20+$0xFFFFFFD0 ss:$0x1], $0xffff;
	_ =	sdelay $0x4  }
0x2e1: {  	v6 =	vadd.f32 v7, v6;
	_ =	sdelay $0x1  }
0x2e2: {  	[tilespmem:v5+s20+$0xFFFFFFD0 ss:$0x1] =	vst.idx.msk $0xffff, v6  }
0x2e3: {  	v6 =	vld.idx.msk [tilespmem:v3+s20+$0xFFFFFFE0 ss:$0x1], $0xffff  }
0x2e4: {  	v7 =	vld.idx.msk [tilespmem:v4+s20+$0xFFFFFFE0 ss:$0x1], $0xffff;
	_ =	sdelay $0x4  }
0x2e5: {  	v6 =	vadd.f32 v7, v6;
	_ =	sdelay $0x1  }
0x2e6: {  	[tilespmem:v5+s20+$0xFFFFFFE0 ss:$0x1] =	vst.idx.msk $0xffff, v6  }
0x2e7: {  	v6 =	vld.idx.msk [tilespmem:v3+s20+$0xFFFFFFF0 ss:$0x1], $0xffff  }
0x2e8: {  	s21 =	simm.s32 $0x2000;
	v7 =	vld.idx.msk [tilespmem:v4+s20+$0xFFFFFFF0 ss:$0x1], $0xffff  }
.LBB2_15:
0x2e9: {  	p0 =	sne.s32 s21, $0x6000;
	s22 =	smov.u32 s21;
	s21 =	sadd.s32 $0x2000, s21  }
0x2ea: {  	_ =	sdelay $0x2  }
0x2eb: {  	v6 =	vadd.f32 v7, v6;
	_ =	sdelay $0x1  }
0x2ec: {  	[tilespmem:v5+s20+$0xFFFFFFF0 ss:$0x1] =	vst.idx.msk $0xffff, v6  }
0x2ed: {  	v6 =	vld.idx.msk [tilespmem:v3+s20+$0x0 ss:$0x1], $0xffff  }
0x2ee: {  	v7 =	vld.idx.msk [tilespmem:v4+s20+$0x0 ss:$0x1], $0xffff;
	_ =	sdelay $0x5  }
0x2ef: {  	v6 =	vadd.f32 v7, v6;
	_ =	sdelay $0x1  }
0x2f0: {  	[tilespmem:v5+s20+$0x0 ss:$0x1] =	vst.idx.msk $0xffff, v6;
	s20 =	sshra.s32 s22, $0x2  }
0x2f1: {  	v6 =	vld.idx.msk [tilespmem:v3+s20+$0xFFFFFB90 ss:$0x1], $0xffff  }
0x2f2: {  	v7 =	vld.idx.msk [tilespmem:v4+s20+$0xFFFFFB90 ss:$0x1], $0xffff;
	_ =	sdelay $0x5  }
0x2f3: {  	v6 =	vadd.f32 v7, v6;
	_ =	sdelay $0x1  }
0x2f4: {  	[tilespmem:v5+s20+$0xFFFFFB90 ss:$0x1] =	vst.idx.msk $0xffff, v6  }
0x2f5: {  	v6 =	vld.idx.msk [tilespmem:v3+s20+$0xFFFFFBA0 ss:$0x1], $0xffff  }
0x2f6: {  	v7 =	vld.idx.msk [tilespmem:v4+s20+$0xFFFFFBA0 ss:$0x1], $0xffff;
	_ =	sdelay $0x5  }
0x2f7: {  	v6 =	vadd.f32 v7, v6;
	_ =	sdelay $0x1  }
0x2f8: {  	[tilespmem:v5+s20+$0xFFFFFBA0 ss:$0x1] =	vst.idx.msk $0xffff, v6  }
0x2f9: {  	v6 =	vld.idx.msk [tilespmem:v3+s20+$0xFFFFFBB0 ss:$0x1], $0xffff  }
0x2fa: {  	v7 =	vld.idx.msk [tilespmem:v4+s20+$0xFFFFFBB0 ss:$0x1], $0xffff;
	_ =	sdelay $0x5  }
0x2fb: {  	v6 =	vadd.f32 v7, v6;
	_ =	sdelay $0x1  }
0x2fc: {  	[tilespmem:v5+s20+$0xFFFFFBB0 ss:$0x1] =	vst.idx.msk $0xffff, v6  }
0x2fd: {  	v6 =	vld.idx.msk [tilespmem:v3+s20+$0xFFFFFBC0 ss:$0x1], $0xffff  }
0x2fe: {  	v7 =	vld.idx.msk [tilespmem:v4+s20+$0xFFFFFBC0 ss:$0x1], $0xffff;
	_ =	sdelay $0x5  }
0x2ff: {  	v6 =	vadd.f32 v7, v6;
	_ =	sdelay $0x1  }
0x300: {  	[tilespmem:v5+s20+$0xFFFFFBC0 ss:$0x1] =	vst.idx.msk $0xffff, v6  }
0x301: {  	v6 =	vld.idx.msk [tilespmem:v3+s20+$0xFFFFFBD0 ss:$0x1], $0xffff  }
0x302: {  	v7 =	vld.idx.msk [tilespmem:v4+s20+$0xFFFFFBD0 ss:$0x1], $0xffff;
	_ =	sdelay $0x5  }
0x303: {  	v6 =	vadd.f32 v7, v6;
	_ =	sdelay $0x1  }
0x304: {  	[tilespmem:v5+s20+$0xFFFFFBD0 ss:$0x1] =	vst.idx.msk $0xffff, v6  }
0x305: {  	v6 =	vld.idx.msk [tilespmem:v3+s20+$0xFFFFFBE0 ss:$0x1], $0xffff  }
0x306: {  	v7 =	vld.idx.msk [tilespmem:v4+s20+$0xFFFFFBE0 ss:$0x1], $0xffff;
	_ =	sdelay $0x5  }
0x307: {  	v6 =	vadd.f32 v7, v6;
	_ =	sdelay $0x1  }
0x308: {  	[tilespmem:v5+s20+$0xFFFFFBE0 ss:$0x1] =	vst.idx.msk $0xffff, v6  }
0x309: {  	v6 =	vld.idx.msk [tilespmem:v3+s20+$0xFFFFFBF0 ss:$0x1], $0xffff  }
0x30a: {  	v7 =	vld.idx.msk [tilespmem:v4+s20+$0xFFFFFBF0 ss:$0x1], $0xffff;
	_ =	sdelay $0x5  }
0x30b: {  	v6 =	vadd.f32 v7, v6;
	_ =	sdelay $0x1  }
0x30c: {  	[tilespmem:v5+s20+$0xFFFFFBF0 ss:$0x1] =	vst.idx.msk $0xffff, v6  }
0x30d: {  	v6 =	vld.idx.msk [tilespmem:v3+s20+$0xFFFFFC00 ss:$0x1], $0xffff  }
0x30e: {  	v7 =	vld.idx.msk [tilespmem:v4+s20+$0xFFFFFC00 ss:$0x1], $0xffff;
	_ =	sdelay $0x5  }
0x30f: {  	v6 =	vadd.f32 v7, v6;
	_ =	sdelay $0x1  }
0x310: {  	[tilespmem:v5+s20+$0xFFFFFC00 ss:$0x1] =	vst.idx.msk $0xffff, v6  }
0x311: {  	v6 =	vld.idx.msk [tilespmem:v3+s20+$0xFFFFFF90 ss:$0x1], $0xffff  }
0x312: {  	v7 =	vld.idx.msk [tilespmem:v4+s20+$0xFFFFFF90 ss:$0x1], $0xffff;
	_ =	sdelay $0x5  }
0x313: {  	v6 =	vadd.f32 v7, v6;
	_ =	sdelay $0x1  }
0x314: {  	[tilespmem:v5+s20+$0xFFFFFF90 ss:$0x1] =	vst.idx.msk $0xffff, v6  }
0x315: {  	v6 =	vld.idx.msk [tilespmem:v3+s20+$0xFFFFFFA0 ss:$0x1], $0xffff  }
0x316: {  	v7 =	vld.idx.msk [tilespmem:v4+s20+$0xFFFFFFA0 ss:$0x1], $0xffff;
	_ =	sdelay $0x5  }
0x317: {  	v6 =	vadd.f32 v7, v6;
	_ =	sdelay $0x1  }
0x318: {  	[tilespmem:v5+s20+$0xFFFFFFA0 ss:$0x1] =	vst.idx.msk $0xffff, v6  }
0x319: {  	v6 =	vld.idx.msk [tilespmem:v3+s20+$0xFFFFFFB0 ss:$0x1], $0xffff  }
0x31a: {  	v7 =	vld.idx.msk [tilespmem:v4+s20+$0xFFFFFFB0 ss:$0x1], $0xffff;
	_ =	sdelay $0x5  }
0x31b: {  	v6 =	vadd.f32 v7, v6;
	_ =	sdelay $0x1  }
0x31c: {  	[tilespmem:v5+s20+$0xFFFFFFB0 ss:$0x1] =	vst.idx.msk $0xffff, v6  }
0x31d: {  	v6 =	vld.idx.msk [tilespmem:v3+s20+$0xFFFFFFC0 ss:$0x1], $0xffff  }
0x31e: {  	v7 =	vld.idx.msk [tilespmem:v4+s20+$0xFFFFFFC0 ss:$0x1], $0xffff;
	_ =	sdelay $0x5  }
0x31f: {  	v6 =	vadd.f32 v7, v6;
	_ =	sdelay $0x1  }
0x320: {  	[tilespmem:v5+s20+$0xFFFFFFC0 ss:$0x1] =	vst.idx.msk $0xffff, v6  }
0x321: {  	v6 =	vld.idx.msk [tilespmem:v3+s20+$0xFFFFFFD0 ss:$0x1], $0xffff  }
0x322: {  	v7 =	vld.idx.msk [tilespmem:v4+s20+$0xFFFFFFD0 ss:$0x1], $0xffff;
	_ =	sdelay $0x5  }
0x323: {  	v6 =	vadd.f32 v7, v6;
	_ =	sdelay $0x1  }
0x324: {  	[tilespmem:v5+s20+$0xFFFFFFD0 ss:$0x1] =	vst.idx.msk $0xffff, v6  }
0x325: {  	v6 =	vld.idx.msk [tilespmem:v3+s20+$0xFFFFFFE0 ss:$0x1], $0xffff  }
0x326: {  	v7 =	vld.idx.msk [tilespmem:v4+s20+$0xFFFFFFE0 ss:$0x1], $0xffff;
	_ =	sdelay $0x5  }
.Ltmp6:
0x327: {  	v6 =	vadd.f32 v7, v6;
	(pc) =	sbr.rel @p0 .LBB2_15-.Ltmp6, $4  }
0x328: {  	_ = 	snop  }
0x329: {  	[tilespmem:v5+s20+$0xFFFFFFE0 ss:$0x1] =	vst.idx.msk $0xffff, v6  }
0x32a: {  	v6 =	vld.idx.msk [tilespmem:v3+s20+$0xFFFFFFF0 ss:$0x1], $0xffff  }
0x32b: {  	v7 =	vld.idx.msk [tilespmem:v4+s20+$0xFFFFFFF0 ss:$0x1], $0xffff  }
0x32c: {  	_ =	sdelay $0x3  }
0x32d: {  	v6 =	vadd.f32 v7, v6;
	_ =	sdelay $0x1  }
0x32e: {  	[tilespmem:v5+s20+$0xFFFFFFF0 ss:$0x1] =	vst.idx.msk $0xffff, v6  }
0x32f: {  	v3 =	vld.idx.msk [tilespmem:v3+s20+$0x0 ss:$0x1], $0xffff  }
0x330: {  	v4 =	vld.idx.msk [tilespmem:v4+s20+$0x0 ss:$0x1], $0xffff  }
0x331: {  	s19 =	sadd.s32 $0x1, s19  }
0x332: {  	p0 =	sne.s32 s19, $0x10  }
.Ltmp7:
0x333: {  	_ = 	snop;
	(pc) =	sbr.rel @p0 .LBB2_14-.Ltmp7, $3  }
0x334: {  	_ = 	snop  }
0x335: {  	v3 =	vadd.f32 v4, v3;
	_ =	sdelay $0x1  }
0x336: {  	s13 =	sadd.s32 $0x400, s13;
	s18 =	sadd.s32 $0x1, s18;
	[tilespmem:v5+s20+$0x0 ss:$0x1] =	vst.idx.msk $0xffff, v3  }
0x337: {  	s13 =	rddreg [dreg:$0x7]  }
0x338: {  	[hbm4b:s13+s2] =	stream.linear.scatter [tilespmem:s16], [sflag:$0x6], $0x4000, $0x38;
	[tilespmem:$0x18100] =	vst v63  }
0x339: {  	_ =	swait.ge [sflag:s11], $0x4000  }
0x33a: {  	[sflag:s11] =	ssyncset.done $0x0  }
0x33b: {  	[sflag:s11] =	ssyncadd.s32 $0xFFFFC000  }
0x33c: {  	_ =	swait.ge [sflag:s17], $0x4000  }
0x33d: {  	s12 =	sadd.s32 $0x1, s12;
	s22 =	rddreg [dreg:$0x8]  }
0x33e: {  	p0 =	sne.s32 s12, s22  }
.Ltmp8:
0x33f: {  	_ = 	snop;
	(pc) =	sbr.rel @p0 .LBB2_1-.Ltmp8, $3  }
0x340: {  	_ =	sdelay $0x1  }
0x341: {  	[sflag:s17] =	ssyncset.done $0x0  }
0x342: {  	[sflag:s17] =	ssyncadd.s32 $0xFFFFC000  }
0x343: {  	_ =	sfence.sel $0x180000  }
0x344: {  	[bflag:$0x0] =	sbarrier.arrive $0xFFFF  }
0x345: {  	_ =	strace $0x9000004D  }
0x346: {  	s0 =	stileid.u32;
	[bflag:$0x2] =	sbarrier.arrive $0xFFFF  }
0x347: {  	p0 =	sne.s32 s0, $0x0;
	s0 =	rddreg [dreg:$0x2]  }
0x348: {  	s0 =	sadd.s32 @!p0 $0x100000, s0  }
0x349: {  	[sflag:s0] =	ssyncadd.tile.s32 @!p0 $0x1;
	_ =	shalt  }
.Lfunc_end2:
_tile_overlayer_lowered:
.L_overlay_start_2:
0x34a: {  	(tag) =	ssettag $0x2  }
0x34b: {  	s0 =	rddreg [dreg:$0x0];
	s2 =	stileid.u32  }
0x34c: {  	s1 =	rddreg [dreg:$0x1];
	p0 =	sne.s32 s2, $0x0  }
0x34d: {  	s3 =	rddreg [dreg:$0x2];
	[bflag:$0x3] =	sbarrier.arrive $0xFFFF;
	s2 =	simm.s32 @!p0 $0x1C07  }
0x34e: {  	[timem:s3], [sflag:s2] =	dma.local @!p0 [hbm:s0], s1  }
0x34f: {  	s0 =	simm.s32 @!p0 $0x7  }
0x350: {  	_ =	swait.ge @!p0 [sflag:s0], s1  }
0x351: {  	s1 =	ssub.s32 @!p0 $0x0, s1;
	[sflag:s0] =	ssyncset.done @!p0 $0x0  }
0x352: {  	[sflag:s0] =	ssyncadd.s32 @!p0 s1  }
0x353: {  	[bflag:$0x3] =	sbarrier.arrive $0xFFFF  }
0x354: {  	_ =	shalt  }

</sc_bundles>
